<compile_context>
chip_gen: v7x
topology: tpu7x:2x2x1
jax: 0.10.2.dev20260603
libtpu: 0.0.44.dev20260713+nightly
codegen_flags: <defaults>
</compile_context>

<pallas_src>
import functools

import jax
import jax.numpy as jnp
from jax import lax
from jax.experimental import pallas as pl
from jax.experimental.pallas import tpu as pltpu
from jax.experimental.pallas import tpu_sc as plsc

_N = 10000
_E = 320000
_D = 128
_DQ = _D // 4
_NC = 2
_NS = 16
_B = 128
_NB = 160
_NP = 10240
_RPT = _NP // _NS
_DUMMY = _N
_EPAD = _NS * _NB * _B
_BLK = 1024
_G = _NP // _BLK
_NRING = 4

_mesh = plsc.VectorSubcoreMesh(core_axis_name="c", subcore_axis_name="s")
_SC_PARAMS = pltpu.CompilerParams(use_tc_tiling_on_sc=False)


def _zero_rows(ref, nrows, ncols16):
    z16 = jnp.zeros((16,), jnp.float32)

    def _row(i, carry):
        for j in range(ncols16):
            ref[i, pl.ds(j * 16, 16)] = z16
        return carry

    lax.fori_loop(0, nrows, _row, 0)


def _sc_phase(c, s, p, hq_hbm, acc_hbm, sidx, didx, bufs, tab_sh, acc_sh,
              gsems, ssems, degctx=None):
    base = s * _RPT
    q = c + 2 * p

    _zero_rows(bufs[0], _B, _DQ // 16)

    def _zacc(k, carry):
        pltpu.sync_copy(bufs[0], acc_sh.at[pl.ds(base + k * _B, _B)])
        return carry

    lax.fori_loop(0, _RPT // _B, _zacc, 0)

    pltpu.sync_copy(hq_hbm.at[q].at[pl.ds(base, _RPT)],
                    tab_sh.at[pl.ds(base, _RPT)])
    plsc.subcore_barrier()

    _NRING = len(bufs)
    for k in range(_NRING):
        pltpu.async_copy(tab_sh.at[sidx.at[k]], bufs[k], gsems[k])

    ndeg = _NB // _NC
    nper = ndeg // (_NB // _NRING)

    def _main(g, carry):
        b0 = _NRING * g
        if degctx is not None:
            ones, deg_sh, dsems = degctx
            d0 = c * ndeg + nper * g

            @pl.when(g > 0)
            def _():
                for j in range(nper):
                    pltpu.make_async_copy(
                        ones, deg_sh.at[didx.at[d0 - nper + j]],
                        dsems[j]).wait()

            for j in range(nper):
                pltpu.async_copy(ones, deg_sh.at[didx.at[d0 + j]], dsems[j],
                                 add=True)
        for k in range(_NRING):
            pltpu.make_async_copy(
                tab_sh.at[sidx.at[b0 + k]], bufs[k], gsems[k]).wait()
            pltpu.async_copy(bufs[k], acc_sh.at[didx.at[b0 + k]], ssems[k],
                             add=True)

        @pl.when(g < _NB // _NRING - 1)
        def _():
            for k in range(_NRING):
                pltpu.make_async_copy(
                    bufs[k], acc_sh.at[didx.at[b0 + k]], ssems[k]).wait()
                pltpu.async_copy(
                    tab_sh.at[sidx.at[b0 + _NRING + k]], bufs[k], gsems[k])

        return carry

    lax.fori_loop(0, _NB // _NRING, _main, 0)
    if degctx is not None:
        ones, deg_sh, dsems = degctx
        for j in range(nper):
            pltpu.make_async_copy(
                ones, deg_sh.at[didx.at[c * ndeg + ndeg - nper + j]],
                dsems[j]).wait()
    for k in range(_NRING):
        pltpu.make_async_copy(
            bufs[k], acc_sh.at[didx.at[_NB - _NRING + k]], ssems[k]).wait()
    plsc.subcore_barrier()

    pltpu.sync_copy(acc_sh.at[pl.ds(base, _RPT)],
                    acc_hbm.at[q].at[pl.ds(base, _RPT)])


def _sc_body(c, s, hq_hbm, srci_hbm, dsti_hbm, acc_hbm,
             sidx, didx, bufs, tab_sh, acc_sh, gsems, ssems, degctx=None):
    pltpu.sync_copy(srci_hbm.at[s], sidx)
    pltpu.sync_copy(dsti_hbm.at[s], didx)
    for p in range(2):
        _sc_phase(c, s, p, hq_hbm, acc_hbm, sidx, didx, bufs, tab_sh,
                  acc_sh, gsems, ssems, degctx=degctx if p == 0 else None)


_SC_SCRATCH = [
    pltpu.VMEM((_NB, _B), jnp.int32),
    pltpu.VMEM((_NB, _B), jnp.int32),
    pltpu.VMEM((_B, _DQ), jnp.float32),
    pltpu.VMEM((_B, _DQ), jnp.float32),
    pltpu.VMEM((_B, _DQ), jnp.float32),
    pltpu.VMEM((_B, _DQ), jnp.float32),
    pltpu.VMEM_SHARED((_NP, _DQ), jnp.float32),
    pltpu.VMEM_SHARED((_NP, _DQ), jnp.float32),
    pltpu.SemaphoreType.DMA,
    pltpu.SemaphoreType.DMA,
    pltpu.SemaphoreType.DMA,
    pltpu.SemaphoreType.DMA,
    pltpu.SemaphoreType.DMA,
    pltpu.SemaphoreType.DMA,
    pltpu.SemaphoreType.DMA,
    pltpu.SemaphoreType.DMA,
]


@functools.partial(
    pl.kernel,
    out_type=(
        jax.ShapeDtypeStruct((4, _NP, _DQ), jnp.float32),
        jax.ShapeDtypeStruct((_NC, _NP, 16), jnp.float32),
    ),
    mesh=_mesh,
    scratch_types=_SC_SCRATCH + [
        pltpu.VMEM((_B, 16), jnp.float32),
        pltpu.VMEM((_RPT, 16), jnp.float32),
        pltpu.VMEM_SHARED((_NP, 16), jnp.float32),
        pltpu.SemaphoreType.DMA,
        pltpu.SemaphoreType.DMA,
    ],
    compiler_params=_SC_PARAMS,
)
def _sc_agg_deg(hq_hbm, srci_hbm, dsti_hbm, acc_hbm, deg_hbm,
                sidx, didx, b0, b1, b2, b3, tab_sh, acc_sh,
                g0, g1, g2, g3, s0, s1, s2, s3, ones, zd, deg_sh, d0, d1):
    c = lax.axis_index("c")
    s = lax.axis_index("s")

    _zero_rows(zd, _RPT, 1)
    o16 = jnp.ones((16,), jnp.float32)

    def _orow(i, carry):
        ones[i, :] = o16
        return carry

    lax.fori_loop(0, _B, _orow, 0)
    pltpu.sync_copy(zd, deg_sh.at[pl.ds(s * _RPT, _RPT)])

    _sc_body(c, s, hq_hbm, srci_hbm, dsti_hbm, acc_hbm,
             sidx, didx, [b0, b1, b2, b3], tab_sh, acc_sh,
             (g0, g1, g2, g3), (s0, s1, s2, s3),
             degctx=(ones, deg_sh, (d0, d1)))

    pltpu.sync_copy(deg_sh.at[pl.ds(s * _RPT, _RPT)],
                    deg_hbm.at[c].at[pl.ds(s * _RPT, _RPT)])


@functools.partial(
    pl.kernel,
    out_type=jax.ShapeDtypeStruct((4, _NP, _DQ), jnp.float32),
    mesh=_mesh,
    scratch_types=_SC_SCRATCH + [pltpu.VMEM((_B, _DQ), jnp.float32)] * 4
    + [pltpu.SemaphoreType.DMA] * 8,
    compiler_params=_SC_PARAMS,
)
def _sc_agg(hq_hbm, srci_hbm, dsti_hbm, acc_hbm,
            sidx, didx, b0, b1, b2, b3, tab_sh, acc_sh,
            g0, g1, g2, g3, s0, s1, s2, s3,
            b4, b5, b6, b7, g4, g5, g6, g7, s4, s5, s6, s7):
    c = lax.axis_index("c")
    s = lax.axis_index("s")
    _sc_body(c, s, hq_hbm, srci_hbm, dsti_hbm, acc_hbm,
             sidx, didx, [b0, b1, b2, b3, b4, b5, b6, b7], tab_sh, acc_sh,
             (g0, g1, g2, g3, g4, g5, g6, g7),
             (s0, s1, s2, s3, s4, s5, s6, s7))


def _compute_out(self_ref, acc_ref, rd, wn_ref):
    a = jnp.concatenate([acc_ref[0], acc_ref[1], acc_ref[2], acc_ref[3]],
                        axis=-1)
    mean = a * rd
    return (self_ref[...]
            + jnp.dot(mean, wn_ref[...], preferred_element_type=jnp.float32))


def _tc_self_body(h_ref, ws_ref, b_ref, out_ref):
    out_ref[...] = (
        jnp.dot(h_ref[...], ws_ref[...], preferred_element_type=jnp.float32)
        + b_ref[...])


def _write_hq(hq_ref, out):
    for k in range(4):
        hq_ref[k] = out[:, k * _DQ:(k + 1) * _DQ]


def _tc1_body(self_ref, acc_ref, deg_ref, wn_ref, out_ref, hq_ref, rd_ref):
    rd = 1.0 / jnp.maximum(deg_ref[0, :, 0:1] + deg_ref[1, :, 0:1], 1.0)
    out = jnp.maximum(_compute_out(self_ref, acc_ref, rd, wn_ref), 0.0)
    out_ref[...] = out
    _write_hq(hq_ref, out)
    rd_ref[...] = jnp.broadcast_to(rd, (_BLK, 16))


def _tc2_body(self_ref, acc_ref, rd_ref, wn_ref, out_ref, hq_ref):
    out = jnp.maximum(
        _compute_out(self_ref, acc_ref, rd_ref[:, 0:1], wn_ref), 0.0)
    out_ref[...] = out
    _write_hq(hq_ref, out)


def _tc3_body(self_ref, acc_ref, rd_ref, wn_ref, out_ref):
    out_ref[...] = _compute_out(self_ref, acc_ref, rd_ref[:, 0:1], wn_ref)


_W_SPEC = pl.BlockSpec((_D, _D), lambda i: (0, 0))
_B_SPEC = pl.BlockSpec((1, _D), lambda i: (0, 0))
_H_SPEC = pl.BlockSpec((_BLK, _D), lambda i: (i, 0))
_Q_SPEC = pl.BlockSpec((4, _BLK, _DQ), lambda i: (0, i, 0))
_RD_SPEC = pl.BlockSpec((_BLK, 16), lambda i: (i, 0))

_DEG_SPEC = pl.BlockSpec((_NC, _BLK, 16), lambda i: (0, i, 0))

_tc_self = pl.pallas_call(
    _tc_self_body,
    grid=(_G,),
    in_specs=[_H_SPEC, _W_SPEC, _B_SPEC],
    out_specs=_H_SPEC,
    out_shape=jax.ShapeDtypeStruct((_NP, _D), jnp.float32),
)

_tc_layer1 = pl.pallas_call(
    _tc1_body,
    grid=(_G,),
    in_specs=[_H_SPEC, _Q_SPEC, _DEG_SPEC, _W_SPEC],
    out_specs=[_H_SPEC, _Q_SPEC, _RD_SPEC],
    out_shape=[jax.ShapeDtypeStruct((_NP, _D), jnp.float32),
               jax.ShapeDtypeStruct((4, _NP, _DQ), jnp.float32),
               jax.ShapeDtypeStruct((_NP, 16), jnp.float32)],
)

_tc_layer2 = pl.pallas_call(
    _tc2_body,
    grid=(_G,),
    in_specs=[_H_SPEC, _Q_SPEC, _RD_SPEC, _W_SPEC],
    out_specs=[_H_SPEC, _Q_SPEC],
    out_shape=[jax.ShapeDtypeStruct((_NP, _D), jnp.float32),
               jax.ShapeDtypeStruct((4, _NP, _DQ), jnp.float32)],
)

_tc_layer3 = pl.pallas_call(
    _tc3_body,
    grid=(_G,),
    in_specs=[_H_SPEC, _Q_SPEC, _RD_SPEC, _W_SPEC],
    out_specs=_H_SPEC,
    out_shape=jax.ShapeDtypeStruct((_NP, _D), jnp.float32),
)


def kernel(x, edge_index, edge_attr,
           Wself1, Wneigh1, b1, Wself2, Wneigh2, b2, Wself3, Wneigh3, b3,
           Wa, ba, W2a, b2a, Wb, bb, W2b, b2b):
    src = edge_index[0]
    dst = edge_index[1]
    pad = _EPAD - _E
    srcp = jnp.concatenate(
        [src, jnp.zeros((pad,), jnp.int32)]).reshape(_NS, _NB, _B)
    dstp = jnp.concatenate(
        [dst, jnp.full((pad,), _DUMMY, jnp.int32)]).reshape(_NS, _NB, _B)
    xp = jnp.pad(x, ((0, _NP - _N), (0, 0)))
    xq = xp.reshape(_NP, 4, _DQ).transpose(1, 0, 2)

    acc1, deg = _sc_agg_deg(xq, srcp, dstp)
    self1 = _tc_self(xp, Wself1, b1.reshape(1, _D))
    h1, hq1, rdeg = _tc_layer1(self1, acc1, deg, Wneigh1)
    self2 = _tc_self(h1, Wself2, b2.reshape(1, _D))
    acc2 = _sc_agg(hq1, srcp, dstp)
    h2, hq2 = _tc_layer2(self2, acc2, rdeg, Wneigh2)
    self3 = _tc_self(h2, Wself3, b3.reshape(1, _D))
    acc3 = _sc_agg(hq2, srcp, dstp)
    h3 = _tc_layer3(self3, acc3, rdeg, Wneigh3)
    return h3[:_N]

# --- scband reference (transcript-rebuilt; emitter-appended) ---
"""Pipeline reference for scband-sage-29678224016205 (READ-ONLY COPY).

The authoritative reference and input builder live on the scoring server;
editing this copy changes nothing except your own understanding.
"""

import jax, jax.numpy as jnp
import numpy as np

N = 10000
E = 320000
D = 128
H = 128
O = 128
EHID = 32
EOUT = 4

def setup_inputs(seed: int = 0) -> dict:
    key = jax.random.key(seed)
    ks = jax.random.split(key, 24)
    x = jax.random.normal(ks[0], (N, D), dtype=jnp.float32)
    edge_index = jax.random.randint(ks[1], (2, E), 0, N, dtype=jnp.int32)
    edge_attr = jax.random.normal(ks[2], (E, 4), dtype=jnp.float32)
    s = 0.05
    Wself1 = s * jax.random.normal(ks[3], (D, H), dtype=jnp.float32)
    Wneigh1 = s * jax.random.normal(ks[4], (D, H), dtype=jnp.float32)
    b1 = jnp.zeros((H,), dtype=jnp.float32)
    Wself2 = s * jax.random.normal(ks[5], (H, H), dtype=jnp.float32)
    Wneigh2 = s * jax.random.normal(ks[6], (H, H), dtype=jnp.float32)
    b2 = jnp.zeros((H,), dtype=jnp.float32)
    Wself3 = s * jax.random.normal(ks[7], (H, O), dtype=jnp.float32)
    Wneigh3 = s * jax.random.normal(ks[8], (H, O), dtype=jnp.float32)
    b3 = jnp.zeros((O,), dtype=jnp.float32)
    # EdgeUpdate1: in = 2*H + 4
    Wa = s * jax.random.normal(ks[9], (2 * H + 4, EHID), dtype=jnp.float32)
    ba = jnp.zeros((EHID,), dtype=jnp.float32)
    W2a = s * jax.random.normal(ks[10], (EHID, EOUT), dtype=jnp.float32)
    b2a = jnp.zeros((EOUT,), dtype=jnp.float32)
    # EdgeUpdate2: in = 2*H + 8
    Wb = s * jax.random.normal(ks[11], (2 * H + 8, EHID), dtype=jnp.float32)
    bb = jnp.zeros((EHID,), dtype=jnp.float32)
    W2b = s * jax.random.normal(ks[12], (EHID, EOUT), dtype=jnp.float32)
    b2b = jnp.zeros((EOUT,), dtype=jnp.float32)
    return {"x": x, "edge_index": edge_index, "edge_attr": edge_attr,
            "Wself1": Wself1, "Wneigh1": Wneigh1, "b1": b1,
            "Wself2": Wself2, "Wneigh2": Wneigh2, "b2": b2,
            "Wself3": Wself3, "Wneigh3": Wneigh3, "b3": b3,
            "Wa": Wa, "ba": ba, "W2a": W2a, "b2a": b2a,
            "Wb": Wb, "bb": bb, "W2b": W2b, "b2b": b2b}

def _sage_conv(h, src, dst, Wself, Wneigh, b):
    # DGL SAGEConv with aggregator_type='mean':
    # rst = fc_self(h_dst) + fc_neigh(mean_{u in N(v)} h_u)
    msg = h[src]
    summed = jax.ops.segment_sum(msg, dst, num_segments=N)
    deg = jax.ops.segment_sum(jnp.ones((src.shape[0], 1), h.dtype), dst, num_segments=N)
    mean_neigh = summed / jnp.clip(deg, 1.0, None)
    return h @ Wself + mean_neigh @ Wneigh + b

def _edge_update(h, src, dst, efeat, W, bW, W2, b2):
    cat = jnp.concatenate([h[src], h[dst], efeat], axis=1)
    e = jax.nn.relu(cat @ W + bW)
    return e @ W2 + b2

def reference(x, edge_index, edge_attr,
              Wself1, Wneigh1, b1, Wself2, Wneigh2, b2, Wself3, Wneigh3, b3,
              Wa, ba, W2a, b2a, Wb, bb, W2b, b2b):
    src = edge_index[0]
    dst = edge_index[1]
    h = jax.nn.relu(_sage_conv(x, src, dst, Wself1, Wneigh1, b1))
    e1 = _edge_update(h, src, dst, edge_attr, Wa, ba, W2a, b2a)
    efeat = jnp.concatenate([edge_attr, e1], axis=1)  # [E, 8]
    h = jax.nn.relu(_sage_conv(h, src, dst, Wself2, Wneigh2, b2))
    e2 = _edge_update(h, src, dst, efeat, Wb, bb, W2b, b2b)
    efeat2 = jnp.concatenate([efeat, e2], axis=1)  # [E, 12] stored in edata (side effect, not returned)
    h = _sage_conv(h, src, dst, Wself3, Wneigh3, b3)
    return h

if __name__ == "__main__":
    import jax
    _d = setup_inputs()
    print(jax.jit(kernel)(*tuple(_d.values())))

</pallas_src>

<mosaic_0001>
#map = affine_map<(d0, d1) -> (0, 0, 0)>
module attributes {stable_mosaic.version = 14 : i64} {
  func.func @_sc_agg(%arg0: i32, %arg1: i32, %arg2: memref<4x10240x32xf32, #tpu.memory_space<hbm>>, %arg3: memref<16x160x128xi32, #tpu.memory_space<hbm>>, %arg4: memref<16x160x128xi32, #tpu.memory_space<hbm>>, %arg5: memref<4x10240x32xf32, #tpu.memory_space<hbm>>, %arg6: memref<160x128xi32, #tpu.memory_space<vmem>>, %arg7: memref<160x128xi32, #tpu.memory_space<vmem>>, %arg8: memref<128x32xf32, #tpu.memory_space<vmem>>, %arg9: memref<128x32xf32, #tpu.memory_space<vmem>>, %arg10: memref<128x32xf32, #tpu.memory_space<vmem>>, %arg11: memref<128x32xf32, #tpu.memory_space<vmem>>, %arg12: memref<10240x32xf32, #tpu.memory_space<vmem_shared>>, %arg13: memref<10240x32xf32, #tpu.memory_space<vmem_shared>>, %arg14: memref<!tpu.dma_semaphore, #tpu.memory_space<semaphore_mem>>, %arg15: memref<!tpu.dma_semaphore, #tpu.memory_space<semaphore_mem>>, %arg16: memref<!tpu.dma_semaphore, #tpu.memory_space<semaphore_mem>>, %arg17: memref<!tpu.dma_semaphore, #tpu.memory_space<semaphore_mem>>, %arg18: memref<!tpu.dma_semaphore, #tpu.memory_space<semaphore_mem>>, %arg19: memref<!tpu.dma_semaphore, #tpu.memory_space<semaphore_mem>>, %arg20: memref<!tpu.dma_semaphore, #tpu.memory_space<semaphore_mem>>, %arg21: memref<!tpu.dma_semaphore, #tpu.memory_space<semaphore_mem>>, %arg22: memref<128x32xf32, #tpu.memory_space<vmem>>, %arg23: memref<128x32xf32, #tpu.memory_space<vmem>>, %arg24: memref<128x32xf32, #tpu.memory_space<vmem>>, %arg25: memref<128x32xf32, #tpu.memory_space<vmem>>, %arg26: memref<!tpu.dma_semaphore, #tpu.memory_space<semaphore_mem>>, %arg27: memref<!tpu.dma_semaphore, #tpu.memory_space<semaphore_mem>>, %arg28: memref<!tpu.dma_semaphore, #tpu.memory_space<semaphore_mem>>, %arg29: memref<!tpu.dma_semaphore, #tpu.memory_space<semaphore_mem>>, %arg30: memref<!tpu.dma_semaphore, #tpu.memory_space<semaphore_mem>>, %arg31: memref<!tpu.dma_semaphore, #tpu.memory_space<semaphore_mem>>, %arg32: memref<!tpu.dma_semaphore, #tpu.memory_space<semaphore_mem>>, %arg33: memref<!tpu.dma_semaphore, #tpu.memory_space<semaphore_mem>>) attributes {dimension_semantics = [#tpu.dimension_semantics<core_parallel>, #tpu.dimension_semantics<subcore_parallel>], iteration_bounds = array<i64: 2, 16>, scalar_prefetch = 0 : i64, scratch_operands = 28 : i64, tpu.core_type = #tpu.core_type<sc_vector_subcore>, window_params = [{transform_indices = #map}, {transform_indices = #map}, {transform_indices = #map}, {transform_indices = #map}]} {
    "tpu.region"() ({
      %run_scoped3A = tpu.sem_alloc : memref<!tpu.dma_semaphore, #tpu.memory_space<semaphore_mem>>
      %dma_start3A_269 = arith.constant 0 : i32
      %dma_start3A_270 = arith.constant 0 : i32
      %dma_start3A_271 = tpu.memref_slice %arg3[%arg1, %dma_start3A_269, %dma_start3A_270] : memref<16x160x128xi32, #tpu.memory_space<hbm>> -> memref<1x160x128xi32, #tpu.memory_space<hbm>>
      %dma_start3A_272 = tpu.memref_squeeze %dma_start3A_271 : memref<1x160x128xi32, #tpu.memory_space<hbm>> -> memref<160x128xi32, #tpu.memory_space<hbm>>
      %dma_start3A_273 = arith.constant 0 : i32
      %dma_start3A_274 = arith.constant 0 : i32
      %dma_start3A_275 = tpu.memref_slice %arg3[%arg1, %dma_start3A_273, %dma_start3A_274] : memref<16x160x128xi32, #tpu.memory_space<hbm>> -> memref<1x160x128xi32, #tpu.memory_space<hbm>>
      %dma_start3A_276 = tpu.memref_squeeze %dma_start3A_275 : memref<1x160x128xi32, #tpu.memory_space<hbm>> -> memref<160x128xi32, #tpu.memory_space<hbm>>
      tpu.enqueue_dma source(%dma_start3A_276 : memref<160x128xi32, #tpu.memory_space<hbm>>) target(%arg6 : memref<160x128xi32, #tpu.memory_space<vmem>>) target_semaphore(%run_scoped3A : memref<!tpu.dma_semaphore, #tpu.memory_space<semaphore_mem>>)
      %dma_wait3A_277 = arith.constant 0 : i32
      %dma_wait3A_278 = arith.constant 0 : i32
      %dma_wait3A_279 = tpu.memref_slice %arg3[%arg1, %dma_wait3A_277, %dma_wait3A_278] : memref<16x160x128xi32, #tpu.memory_space<hbm>> -> memref<1x160x128xi32, #tpu.memory_space<hbm>>
      %dma_wait3A_280 = tpu.memref_squeeze %dma_wait3A_279 : memref<1x160x128xi32, #tpu.memory_space<hbm>> -> memref<160x128xi32, #tpu.memory_space<hbm>>
      %dma_wait3A_281 = arith.constant 0 : i32
      %dma_wait3A_282 = arith.constant 0 : i32
      %dma_wait3A_283 = tpu.memref_slice %arg3[%arg1, %dma_wait3A_281, %dma_wait3A_282] : memref<16x160x128xi32, #tpu.memory_space<hbm>> -> memref<1x160x128xi32, #tpu.memory_space<hbm>>
      %dma_wait3A_284 = tpu.memref_squeeze %dma_wait3A_283 : memref<1x160x128xi32, #tpu.memory_space<hbm>> -> memref<160x128xi32, #tpu.memory_space<hbm>>
      tpu.wait_dma2 semaphore(%run_scoped3A : memref<!tpu.dma_semaphore, #tpu.memory_space<semaphore_mem>>) src(%dma_wait3A_284 : memref<160x128xi32, #tpu.memory_space<hbm>>) dst(%arg6 : memref<160x128xi32, #tpu.memory_space<vmem>>)
      tpu.yield
    }) : () -> ()
    "tpu.region"() ({
      %run_scoped3A = tpu.sem_alloc : memref<!tpu.dma_semaphore, #tpu.memory_space<semaphore_mem>>
      %dma_start3A_269 = arith.constant 0 : i32
      %dma_start3A_270 = arith.constant 0 : i32
      %dma_start3A_271 = tpu.memref_slice %arg4[%arg1, %dma_start3A_269, %dma_start3A_270] : memref<16x160x128xi32, #tpu.memory_space<hbm>> -> memref<1x160x128xi32, #tpu.memory_space<hbm>>
      %dma_start3A_272 = tpu.memref_squeeze %dma_start3A_271 : memref<1x160x128xi32, #tpu.memory_space<hbm>> -> memref<160x128xi32, #tpu.memory_space<hbm>>
      %dma_start3A_273 = arith.constant 0 : i32
      %dma_start3A_274 = arith.constant 0 : i32
      %dma_start3A_275 = tpu.memref_slice %arg4[%arg1, %dma_start3A_273, %dma_start3A_274] : memref<16x160x128xi32, #tpu.memory_space<hbm>> -> memref<1x160x128xi32, #tpu.memory_space<hbm>>
      %dma_start3A_276 = tpu.memref_squeeze %dma_start3A_275 : memref<1x160x128xi32, #tpu.memory_space<hbm>> -> memref<160x128xi32, #tpu.memory_space<hbm>>
      tpu.enqueue_dma source(%dma_start3A_276 : memref<160x128xi32, #tpu.memory_space<hbm>>) target(%arg7 : memref<160x128xi32, #tpu.memory_space<vmem>>) target_semaphore(%run_scoped3A : memref<!tpu.dma_semaphore, #tpu.memory_space<semaphore_mem>>)
      %dma_wait3A_277 = arith.constant 0 : i32
      %dma_wait3A_278 = arith.constant 0 : i32
      %dma_wait3A_279 = tpu.memref_slice %arg4[%arg1, %dma_wait3A_277, %dma_wait3A_278] : memref<16x160x128xi32, #tpu.memory_space<hbm>> -> memref<1x160x128xi32, #tpu.memory_space<hbm>>
      %dma_wait3A_280 = tpu.memref_squeeze %dma_wait3A_279 : memref<1x160x128xi32, #tpu.memory_space<hbm>> -> memref<160x128xi32, #tpu.memory_space<hbm>>
      %dma_wait3A_281 = arith.constant 0 : i32
      %dma_wait3A_282 = arith.constant 0 : i32
      %dma_wait3A_283 = tpu.memref_slice %arg4[%arg1, %dma_wait3A_281, %dma_wait3A_282] : memref<16x160x128xi32, #tpu.memory_space<hbm>> -> memref<1x160x128xi32, #tpu.memory_space<hbm>>
      %dma_wait3A_284 = tpu.memref_squeeze %dma_wait3A_283 : memref<1x160x128xi32, #tpu.memory_space<hbm>> -> memref<160x128xi32, #tpu.memory_space<hbm>>
      tpu.wait_dma2 semaphore(%run_scoped3A : memref<!tpu.dma_semaphore, #tpu.memory_space<semaphore_mem>>) src(%dma_wait3A_284 : memref<160x128xi32, #tpu.memory_space<hbm>>) dst(%arg7 : memref<160x128xi32, #tpu.memory_space<vmem>>)
      tpu.yield
    }) : () -> ()
    %mul3A = arith.constant 640 : i32
    %mul3A_0 = arith.muli %arg1, %mul3A : i32
    %add3A = arith.constant 0 : i32
    %add3A_1 = arith.addi %arg0, %add3A : i32
    %broadcast_in_dim3A = arith.constant 0.000000e+00 : f32
    %broadcast_in_dim3A_2 = vector.broadcast %broadcast_in_dim3A : f32 to vector<16xf32>
    %scan3A = arith.constant 0 : i32
    %scan3A_3 = arith.constant 0 : i32
    %scan3A_4 = arith.constant 128 : i32
    %scan3A_5 = arith.addi %scan3A_3, %scan3A_4 : i32
    %scan3A_6 = arith.constant 1 : i32
    scf.for %scan3A_269 = %scan3A_3 to %scan3A_5 step %scan3A_6  : i32 {
      %swap3A = arith.index_cast %scan3A_269 : i32 to index
      %swap3A_270 = arith.constant 0 : index
      %swap3A_271 = tpu.vector_load %arg8[%swap3A, %swap3A_270] {strides = array<i32>} : memref<128x32xf32, #tpu.memory_space<vmem>>, vector<1x16xf32>,
      %swap3A_272 = vector.shape_cast %swap3A_271 : vector<1x16xf32> to vector<16xf32>
      %swap3A_273 = vector.shape_cast %broadcast_in_dim3A_2 : vector<16xf32> to vector<1x16xf32>
      tpu.vector_store %arg8[%swap3A, %swap3A_270], %swap3A_273 {strides = array<i32>} : memref<128x32xf32, #tpu.memory_space<vmem>>, vector<1x16xf32>,
      %swap3A_274 = arith.index_cast %scan3A_269 : i32 to index
      %swap3A_275 = arith.constant 16 : index
      %swap3A_276 = tpu.vector_load %arg8[%swap3A_274, %swap3A_275] {strides = array<i32>} : memref<128x32xf32, #tpu.memory_space<vmem>>, vector<1x16xf32>,
      %swap3A_277 = vector.shape_cast %swap3A_276 : vector<1x16xf32> to vector<16xf32>
      %swap3A_278 = vector.shape_cast %broadcast_in_dim3A_2 : vector<16xf32> to vector<1x16xf32>
      tpu.vector_store %arg8[%swap3A_274, %swap3A_275], %swap3A_278 {strides = array<i32>} : memref<128x32xf32, #tpu.memory_space<vmem>>, vector<1x16xf32>,
    }
    %scan3A_7 = arith.constant 128 : i32
    %scan3A_8 = arith.constant 0 : i32
    %scan3A_9 = arith.constant 0 : i32
    %scan3A_10 = arith.constant 5 : i32
    %scan3A_11 = arith.addi %scan3A_9, %scan3A_10 : i32
    %scan3A_12 = arith.constant 1 : i32
    scf.for %scan3A_269 = %scan3A_9 to %scan3A_11 step %scan3A_12  : i32 {
      %mul3A_270 = arith.constant 128 : i32
      %mul3A_271 = arith.muli %scan3A_269, %mul3A_270 : i32
      %add3A_272 = arith.addi %mul3A_0, %mul3A_271 : i32
      "tpu.region"() ({
        %run_scoped3A = tpu.sem_alloc : memref<!tpu.dma_semaphore, #tpu.memory_space<semaphore_mem>>
        %dma_start3A_273 = arith.constant 0 : i32
        %dma_start3A_274 = tpu.memref_slice %arg13[%add3A_272, %dma_start3A_273] : memref<10240x32xf32, #tpu.memory_space<vmem_shared>> -> memref<128x32xf32, #tpu.memory_space<vmem_shared>>
        %dma_start3A_275 = arith.constant 0 : i32
        %dma_start3A_276 = tpu.memref_slice %arg13[%add3A_272, %dma_start3A_275] : memref<10240x32xf32, #tpu.memory_space<vmem_shared>> -> memref<128x32xf32, #tpu.memory_space<vmem_shared>>
        tpu.enqueue_dma source(%arg8 : memref<128x32xf32, #tpu.memory_space<vmem>>) target(%dma_start3A_276 : memref<128x32xf32, #tpu.memory_space<vmem_shared>>) target_semaphore(%run_scoped3A : memref<!tpu.dma_semaphore, #tpu.memory_space<semaphore_mem>>)
        %dma_wait3A_277 = arith.constant 0 : i32
        %dma_wait3A_278 = tpu.memref_slice %arg13[%add3A_272, %dma_wait3A_277] : memref<10240x32xf32, #tpu.memory_space<vmem_shared>> -> memref<128x32xf32, #tpu.memory_space<vmem_shared>>
        %dma_wait3A_279 = arith.constant 0 : i32
        %dma_wait3A_280 = tpu.memref_slice %arg13[%add3A_272, %dma_wait3A_279] : memref<10240x32xf32, #tpu.memory_space<vmem_shared>> -> memref<128x32xf32, #tpu.memory_space<vmem_shared>>
        tpu.wait_dma2 semaphore(%run_scoped3A : memref<!tpu.dma_semaphore, #tpu.memory_space<semaphore_mem>>) src(%arg8 : memref<128x32xf32, #tpu.memory_space<vmem>>) dst(%dma_wait3A_280 : memref<128x32xf32, #tpu.memory_space<vmem_shared>>)
        tpu.yield
      }) : () -> ()
    }
    %scan3A_13 = arith.constant 5 : i32
    "tpu.region"() ({
      %run_scoped3A = tpu.sem_alloc : memref<!tpu.dma_semaphore, #tpu.memory_space<semaphore_mem>>
      %dma_start3A_269 = arith.constant 0 : i32
      %dma_start3A_270 = tpu.memref_slice %arg12[%mul3A_0, %dma_start3A_269] : memref<10240x32xf32, #tpu.memory_space<vmem_shared>> -> memref<640x32xf32, #tpu.memory_space<vmem_shared>>
      %dma_start3A_271 = arith.constant 0 : i32
      %dma_start3A_272 = arith.constant 0 : i32
      %dma_start3A_273 = tpu.memref_slice %arg2[%add3A_1, %dma_start3A_271, %dma_start3A_272] : memref<4x10240x32xf32, #tpu.memory_space<hbm>> -> memref<1x10240x32xf32, #tpu.memory_space<hbm>>
      %dma_start3A_274 = tpu.memref_squeeze %dma_start3A_273 : memref<1x10240x32xf32, #tpu.memory_space<hbm>> -> memref<10240x32xf32, #tpu.memory_space<hbm>>
      %dma_start3A_275 = arith.constant 0 : i32
      %dma_start3A_276 = tpu.memref_slice %dma_start3A_274[%mul3A_0, %dma_start3A_275] : memref<10240x32xf32, #tpu.memory_space<hbm>> -> memref<640x32xf32, #tpu.memory_space<hbm>>
      tpu.enqueue_dma source(%dma_start3A_276 : memref<640x32xf32, #tpu.memory_space<hbm>>) target(%dma_start3A_270 : memref<640x32xf32, #tpu.memory_space<vmem_shared>>) target_semaphore(%run_scoped3A : memref<!tpu.dma_semaphore, #tpu.memory_space<semaphore_mem>>)
      %dma_wait3A_277 = arith.constant 0 : i32
      %dma_wait3A_278 = tpu.memref_slice %arg12[%mul3A_0, %dma_wait3A_277] : memref<10240x32xf32, #tpu.memory_space<vmem_shared>> -> memref<640x32xf32, #tpu.memory_space<vmem_shared>>
      %dma_wait3A_279 = arith.constant 0 : i32
      %dma_wait3A_280 = arith.constant 0 : i32
      %dma_wait3A_281 = tpu.memref_slice %arg2[%add3A_1, %dma_wait3A_279, %dma_wait3A_280] : memref<4x10240x32xf32, #tpu.memory_space<hbm>> -> memref<1x10240x32xf32, #tpu.memory_space<hbm>>
      %dma_wait3A_282 = tpu.memref_squeeze %dma_wait3A_281 : memref<1x10240x32xf32, #tpu.memory_space<hbm>> -> memref<10240x32xf32, #tpu.memory_space<hbm>>
      %dma_wait3A_283 = arith.constant 0 : i32
      %dma_wait3A_284 = tpu.memref_slice %dma_wait3A_282[%mul3A_0, %dma_wait3A_283] : memref<10240x32xf32, #tpu.memory_space<hbm>> -> memref<640x32xf32, #tpu.memory_space<hbm>>
      tpu.wait_dma2 semaphore(%run_scoped3A : memref<!tpu.dma_semaphore, #tpu.memory_space<semaphore_mem>>) src(%dma_wait3A_284 : memref<640x32xf32, #tpu.memory_space<hbm>>) dst(%dma_wait3A_278 : memref<640x32xf32, #tpu.memory_space<vmem_shared>>)
      tpu.yield
    }) : () -> ()
    %barrier3A = arith.constant 0 : index
    tpu.barrier barrier_id(%barrier3A)
    %dma_start3A = arith.constant 0 : i32
    %dma_start3A_14 = arith.constant 0 : i32
    %dma_start3A_15 = tpu.memref_slice %arg6[%dma_start3A, %dma_start3A_14] : memref<160x128xi32, #tpu.memory_space<vmem>> -> memref<1x128xi32, #tpu.memory_space<vmem>>
    %dma_start3A_16 = tpu.memref_squeeze %dma_start3A_15 : memref<1x128xi32, #tpu.memory_space<vmem>> -> memref<128xi32, #tpu.memory_space<vmem>>
    %dma_start3A_17 = arith.constant 0 : i32
    %dma_start3A_18 = arith.constant 0 : i32
    %dma_start3A_19 = tpu.memref_slice %arg12[%dma_start3A_17, %dma_start3A_18] : memref<10240x32xf32, #tpu.memory_space<vmem_shared>> -> memref<10240x32xf32, #tpu.memory_space<vmem_shared>>
    tpu.enqueue_indirect_dma source(%dma_start3A_19 : memref<10240x32xf32, #tpu.memory_space<vmem_shared>>) target(%arg8 : memref<128x32xf32, #tpu.memory_space<vmem>>) offsets(%dma_start3A_16 : memref<128xi32, #tpu.memory_space<vmem>>) semaphore(%arg14 : memref<!tpu.dma_semaphore, #tpu.memory_space<semaphore_mem>>)
    %dma_start3A_20 = arith.constant 1 : i32
    %dma_start3A_21 = arith.constant 0 : i32
    %dma_start3A_22 = tpu.memref_slice %arg6[%dma_start3A_20, %dma_start3A_21] : memref<160x128xi32, #tpu.memory_space<vmem>> -> memref<1x128xi32, #tpu.memory_space<vmem>>
    %dma_start3A_23 = tpu.memref_squeeze %dma_start3A_22 : memref<1x128xi32, #tpu.memory_space<vmem>> -> memref<128xi32, #tpu.memory_space<vmem>>
    %dma_start3A_24 = arith.constant 0 : i32
    %dma_start3A_25 = arith.constant 0 : i32
    %dma_start3A_26 = tpu.memref_slice %arg12[%dma_start3A_24, %dma_start3A_25] : memref<10240x32xf32, #tpu.memory_space<vmem_shared>> -> memref<10240x32xf32, #tpu.memory_space<vmem_shared>>
    tpu.enqueue_indirect_dma source(%dma_start3A_26 : memref<10240x32xf32, #tpu.memory_space<vmem_shared>>) target(%arg9 : memref<128x32xf32, #tpu.memory_space<vmem>>) offsets(%dma_start3A_23 : memref<128xi32, #tpu.memory_space<vmem>>) semaphore(%arg15 : memref<!tpu.dma_semaphore, #tpu.memory_space<semaphore_mem>>)
    %dma_start3A_27 = arith.constant 2 : i32
    %dma_start3A_28 = arith.constant 0 : i32
    %dma_start3A_29 = tpu.memref_slice %arg6[%dma_start3A_27, %dma_start3A_28] : memref<160x128xi32, #tpu.memory_space<vmem>> -> memref<1x128xi32, #tpu.memory_space<vmem>>
    %dma_start3A_30 = tpu.memref_squeeze %dma_start3A_29 : memref<1x128xi32, #tpu.memory_space<vmem>> -> memref<128xi32, #tpu.memory_space<vmem>>
    %dma_start3A_31 = arith.constant 0 : i32
    %dma_start3A_32 = arith.constant 0 : i32
    %dma_start3A_33 = tpu.memref_slice %arg12[%dma_start3A_31, %dma_start3A_32] : memref<10240x32xf32, #tpu.memory_space<vmem_shared>> -> memref<10240x32xf32, #tpu.memory_space<vmem_shared>>
    tpu.enqueue_indirect_dma source(%dma_start3A_33 : memref<10240x32xf32, #tpu.memory_space<vmem_shared>>) target(%arg10 : memref<128x32xf32, #tpu.memory_space<vmem>>) offsets(%dma_start3A_30 : memref<128xi32, #tpu.memory_space<vmem>>) semaphore(%arg16 : memref<!tpu.dma_semaphore, #tpu.memory_space<semaphore_mem>>)
    %dma_start3A_34 = arith.constant 3 : i32
    %dma_start3A_35 = arith.constant 0 : i32
    %dma_start3A_36 = tpu.memref_slice %arg6[%dma_start3A_34, %dma_start3A_35] : memref<160x128xi32, #tpu.memory_space<vmem>> -> memref<1x128xi32, #tpu.memory_space<vmem>>
    %dma_start3A_37 = tpu.memref_squeeze %dma_start3A_36 : memref<1x128xi32, #tpu.memory_space<vmem>> -> memref<128xi32, #tpu.memory_space<vmem>>
    %dma_start3A_38 = arith.constant 0 : i32
    %dma_start3A_39 = arith.constant 0 : i32
    %dma_start3A_40 = tpu.memref_slice %arg12[%dma_start3A_38, %dma_start3A_39] : memref<10240x32xf32, #tpu.memory_space<vmem_shared>> -> memref<10240x32xf32, #tpu.memory_space<vmem_shared>>
    tpu.enqueue_indirect_dma source(%dma_start3A_40 : memref<10240x32xf32, #tpu.memory_space<vmem_shared>>) target(%arg11 : memref<128x32xf32, #tpu.memory_space<vmem>>) offsets(%dma_start3A_37 : memref<128xi32, #tpu.memory_space<vmem>>) semaphore(%arg17 : memref<!tpu.dma_semaphore, #tpu.memory_space<semaphore_mem>>)
    %dma_start3A_41 = arith.constant 4 : i32
    %dma_start3A_42 = arith.constant 0 : i32
    %dma_start3A_43 = tpu.memref_slice %arg6[%dma_start3A_41, %dma_start3A_42] : memref<160x128xi32, #tpu.memory_space<vmem>> -> memref<1x128xi32, #tpu.memory_space<vmem>>
    %dma_start3A_44 = tpu.memref_squeeze %dma_start3A_43 : memref<1x128xi32, #tpu.memory_space<vmem>> -> memref<128xi32, #tpu.memory_space<vmem>>
    %dma_start3A_45 = arith.constant 0 : i32
    %dma_start3A_46 = arith.constant 0 : i32
    %dma_start3A_47 = tpu.memref_slice %arg12[%dma_start3A_45, %dma_start3A_46] : memref<10240x32xf32, #tpu.memory_space<vmem_shared>> -> memref<10240x32xf32, #tpu.memory_space<vmem_shared>>
    tpu.enqueue_indirect_dma source(%dma_start3A_47 : memref<10240x32xf32, #tpu.memory_space<vmem_shared>>) target(%arg22 : memref<128x32xf32, #tpu.memory_space<vmem>>) offsets(%dma_start3A_44 : memref<128xi32, #tpu.memory_space<vmem>>) semaphore(%arg26 : memref<!tpu.dma_semaphore, #tpu.memory_space<semaphore_mem>>)
    %dma_start3A_48 = arith.constant 5 : i32
    %dma_start3A_49 = arith.constant 0 : i32
    %dma_start3A_50 = tpu.memref_slice %arg6[%dma_start3A_48, %dma_start3A_49] : memref<160x128xi32, #tpu.memory_space<vmem>> -> memref<1x128xi32, #tpu.memory_space<vmem>>
    %dma_start3A_51 = tpu.memref_squeeze %dma_start3A_50 : memref<1x128xi32, #tpu.memory_space<vmem>> -> memref<128xi32, #tpu.memory_space<vmem>>
    %dma_start3A_52 = arith.constant 0 : i32
    %dma_start3A_53 = arith.constant 0 : i32
    %dma_start3A_54 = tpu.memref_slice %arg12[%dma_start3A_52, %dma_start3A_53] : memref<10240x32xf32, #tpu.memory_space<vmem_shared>> -> memref<10240x32xf32, #tpu.memory_space<vmem_shared>>
    tpu.enqueue_indirect_dma source(%dma_start3A_54 : memref<10240x32xf32, #tpu.memory_space<vmem_shared>>) target(%arg23 : memref<128x32xf32, #tpu.memory_space<vmem>>) offsets(%dma_start3A_51 : memref<128xi32, #tpu.memory_space<vmem>>) semaphore(%arg27 : memref<!tpu.dma_semaphore, #tpu.memory_space<semaphore_mem>>)
    %dma_start3A_55 = arith.constant 6 : i32
    %dma_start3A_56 = arith.constant 0 : i32
    %dma_start3A_57 = tpu.memref_slice %arg6[%dma_start3A_55, %dma_start3A_56] : memref<160x128xi32, #tpu.memory_space<vmem>> -> memref<1x128xi32, #tpu.memory_space<vmem>>
    %dma_start3A_58 = tpu.memref_squeeze %dma_start3A_57 : memref<1x128xi32, #tpu.memory_space<vmem>> -> memref<128xi32, #tpu.memory_space<vmem>>
    %dma_start3A_59 = arith.constant 0 : i32
    %dma_start3A_60 = arith.constant 0 : i32
    %dma_start3A_61 = tpu.memref_slice %arg12[%dma_start3A_59, %dma_start3A_60] : memref<10240x32xf32, #tpu.memory_space<vmem_shared>> -> memref<10240x32xf32, #tpu.memory_space<vmem_shared>>
    tpu.enqueue_indirect_dma source(%dma_start3A_61 : memref<10240x32xf32, #tpu.memory_space<vmem_shared>>) target(%arg24 : memref<128x32xf32, #tpu.memory_space<vmem>>) offsets(%dma_start3A_58 : memref<128xi32, #tpu.memory_space<vmem>>) semaphore(%arg28 : memref<!tpu.dma_semaphore, #tpu.memory_space<semaphore_mem>>)
    %dma_start3A_62 = arith.constant 7 : i32
    %dma_start3A_63 = arith.constant 0 : i32
    %dma_start3A_64 = tpu.memref_slice %arg6[%dma_start3A_62, %dma_start3A_63] : memref<160x128xi32, #tpu.memory_space<vmem>> -> memref<1x128xi32, #tpu.memory_space<vmem>>
    %dma_start3A_65 = tpu.memref_squeeze %dma_start3A_64 : memref<1x128xi32, #tpu.memory_space<vmem>> -> memref<128xi32, #tpu.memory_space<vmem>>
    %dma_start3A_66 = arith.constant 0 : i32
    %dma_start3A_67 = arith.constant 0 : i32
    %dma_start3A_68 = tpu.memref_slice %arg12[%dma_start3A_66, %dma_start3A_67] : memref<10240x32xf32, #tpu.memory_space<vmem_shared>> -> memref<10240x32xf32, #tpu.memory_space<vmem_shared>>
    tpu.enqueue_indirect_dma source(%dma_start3A_68 : memref<10240x32xf32, #tpu.memory_space<vmem_shared>>) target(%arg25 : memref<128x32xf32, #tpu.memory_space<vmem>>) offsets(%dma_start3A_65 : memref<128xi32, #tpu.memory_space<vmem>>) semaphore(%arg29 : memref<!tpu.dma_semaphore, #tpu.memory_space<semaphore_mem>>)
    %scan3A_69 = arith.constant 0 : i32
    %scan3A_70 = arith.constant 0 : i32
    %scan3A_71 = arith.constant 20 : i32
    %scan3A_72 = arith.addi %scan3A_70, %scan3A_71 : i32
    %scan3A_73 = arith.constant 1 : i32
    scf.for %scan3A_269 = %scan3A_70 to %scan3A_72 step %scan3A_73  : i32 {
      %mul3A_270 = arith.constant 8 : i32
      %mul3A_271 = arith.muli %mul3A_270, %scan3A_269 : i32
      %add3A_272 = arith.constant 0 : i32
      %add3A_273 = arith.addi %mul3A_271, %add3A_272 : i32
      %dma_wait3A_274 = arith.constant 0 : i32
      %dma_wait3A_275 = tpu.memref_slice %arg6[%add3A_273, %dma_wait3A_274] : memref<160x128xi32, #tpu.memory_space<vmem>> -> memref<1x128xi32, #tpu.memory_space<vmem>>
      %dma_wait3A_276 = tpu.memref_squeeze %dma_wait3A_275 : memref<1x128xi32, #tpu.memory_space<vmem>> -> memref<128xi32, #tpu.memory_space<vmem>>
      %dma_wait3A_277 = arith.constant 0 : i32
      %dma_wait3A_278 = arith.constant 0 : i32
      %dma_wait3A_279 = tpu.memref_slice %arg12[%dma_wait3A_277, %dma_wait3A_278] : memref<10240x32xf32, #tpu.memory_space<vmem_shared>> -> memref<10240x32xf32, #tpu.memory_space<vmem_shared>>
      tpu.wait_indirect_dma semaphore(%arg14 : memref<!tpu.dma_semaphore, #tpu.memory_space<semaphore_mem>>) src(%dma_wait3A_279 : memref<10240x32xf32, #tpu.memory_space<vmem_shared>>) dst(%arg8 : memref<128x32xf32, #tpu.memory_space<vmem>>)
      %add3A_280 = arith.constant 0 : i32
      %add3A_281 = arith.addi %mul3A_271, %add3A_280 : i32
      %dma_start3A_282 = arith.constant 0 : i32
      %dma_start3A_283 = tpu.memref_slice %arg7[%add3A_281, %dma_start3A_282] : memref<160x128xi32, #tpu.memory_space<vmem>> -> memref<1x128xi32, #tpu.memory_space<vmem>>
      %dma_start3A_284 = tpu.memref_squeeze %dma_start3A_283 : memref<1x128xi32, #tpu.memory_space<vmem>> -> memref<128xi32, #tpu.memory_space<vmem>>
      %dma_start3A_285 = arith.constant 0 : i32
      %dma_start3A_286 = arith.constant 0 : i32
      %dma_start3A_287 = tpu.memref_slice %arg13[%dma_start3A_285, %dma_start3A_286] : memref<10240x32xf32, #tpu.memory_space<vmem_shared>> -> memref<10240x32xf32, #tpu.memory_space<vmem_shared>>
      tpu.enqueue_indirect_dma source(%arg8 : memref<128x32xf32, #tpu.memory_space<vmem>>) target(%dma_start3A_287 : memref<10240x32xf32, #tpu.memory_space<vmem_shared>>) offsets(%dma_start3A_284 : memref<128xi32, #tpu.memory_space<vmem>>) semaphore(%arg18 : memref<!tpu.dma_semaphore, #tpu.memory_space<semaphore_mem>>) {add = true}
      %add3A_288 = arith.constant 1 : i32
      %add3A_289 = arith.addi %mul3A_271, %add3A_288 : i32
      %dma_wait3A_290 = arith.constant 0 : i32
      %dma_wait3A_291 = tpu.memref_slice %arg6[%add3A_289, %dma_wait3A_290] : memref<160x128xi32, #tpu.memory_space<vmem>> -> memref<1x128xi32, #tpu.memory_space<vmem>>
      %dma_wait3A_292 = tpu.memref_squeeze %dma_wait3A_291 : memref<1x128xi32, #tpu.memory_space<vmem>> -> memref<128xi32, #tpu.memory_space<vmem>>
      %dma_wait3A_293 = arith.constant 0 : i32
      %dma_wait3A_294 = arith.constant 0 : i32
      %dma_wait3A_295 = tpu.memref_slice %arg12[%dma_wait3A_293, %dma_wait3A_294] : memref<10240x32xf32, #tpu.memory_space<vmem_shared>> -> memref<10240x32xf32, #tpu.memory_space<vmem_shared>>
      tpu.wait_indirect_dma semaphore(%arg15 : memref<!tpu.dma_semaphore, #tpu.memory_space<semaphore_mem>>) src(%dma_wait3A_295 : memref<10240x32xf32, #tpu.memory_space<vmem_shared>>) dst(%arg9 : memref<128x32xf32, #tpu.memory_space<vmem>>)
      %add3A_296 = arith.constant 1 : i32
      %add3A_297 = arith.addi %mul3A_271, %add3A_296 : i32
      %dma_start3A_298 = arith.constant 0 : i32
      %dma_start3A_299 = tpu.memref_slice %arg7[%add3A_297, %dma_start3A_298] : memref<160x128xi32, #tpu.memory_space<vmem>> -> memref<1x128xi32, #tpu.memory_space<vmem>>
      %dma_start3A_300 = tpu.memref_squeeze %dma_start3A_299 : memref<1x128xi32, #tpu.memory_space<vmem>> -> memref<128xi32, #tpu.memory_space<vmem>>
      %dma_start3A_301 = arith.constant 0 : i32
      %dma_start3A_302 = arith.constant 0 : i32
      %dma_start3A_303 = tpu.memref_slice %arg13[%dma_start3A_301, %dma_start3A_302] : memref<10240x32xf32, #tpu.memory_space<vmem_shared>> -> memref<10240x32xf32, #tpu.memory_space<vmem_shared>>
      tpu.enqueue_indirect_dma source(%arg9 : memref<128x32xf32, #tpu.memory_space<vmem>>) target(%dma_start3A_303 : memref<10240x32xf32, #tpu.memory_space<vmem_shared>>) offsets(%dma_start3A_300 : memref<128xi32, #tpu.memory_space<vmem>>) semaphore(%arg19 : memref<!tpu.dma_semaphore, #tpu.memory_space<semaphore_mem>>) {add = true}
      %add3A_304 = arith.constant 2 : i32
      %add3A_305 = arith.addi %mul3A_271, %add3A_304 : i32
      %dma_wait3A_306 = arith.constant 0 : i32
      %dma_wait3A_307 = tpu.memref_slice %arg6[%add3A_305, %dma_wait3A_306] : memref<160x128xi32, #tpu.memory_space<vmem>> -> memref<1x128xi32, #tpu.memory_space<vmem>>
      %dma_wait3A_308 = tpu.memref_squeeze %dma_wait3A_307 : memref<1x128xi32, #tpu.memory_space<vmem>> -> memref<128xi32, #tpu.memory_space<vmem>>
      %dma_wait3A_309 = arith.constant 0 : i32
      %dma_wait3A_310 = arith.constant 0 : i32
      %dma_wait3A_311 = tpu.memref_slice %arg12[%dma_wait3A_309, %dma_wait3A_310] : memref<10240x32xf32, #tpu.memory_space<vmem_shared>> -> memref<10240x32xf32, #tpu.memory_space<vmem_shared>>
      tpu.wait_indirect_dma semaphore(%arg16 : memref<!tpu.dma_semaphore, #tpu.memory_space<semaphore_mem>>) src(%dma_wait3A_311 : memref<10240x32xf32, #tpu.memory_space<vmem_shared>>) dst(%arg10 : memref<128x32xf32, #tpu.memory_space<vmem>>)
      %add3A_312 = arith.constant 2 : i32
      %add3A_313 = arith.addi %mul3A_271, %add3A_312 : i32
      %dma_start3A_314 = arith.constant 0 : i32
      %dma_start3A_315 = tpu.memref_slice %arg7[%add3A_313, %dma_start3A_314] : memref<160x128xi32, #tpu.memory_space<vmem>> -> memref<1x128xi32, #tpu.memory_space<vmem>>
      %dma_start3A_316 = tpu.memref_squeeze %dma_start3A_315 : memref<1x128xi32, #tpu.memory_space<vmem>> -> memref<128xi32, #tpu.memory_space<vmem>>
      %dma_start3A_317 = arith.constant 0 : i32
      %dma_start3A_318 = arith.constant 0 : i32
      %dma_start3A_319 = tpu.memref_slice %arg13[%dma_start3A_317, %dma_start3A_318] : memref<10240x32xf32, #tpu.memory_space<vmem_shared>> -> memref<10240x32xf32, #tpu.memory_space<vmem_shared>>
      tpu.enqueue_indirect_dma source(%arg10 : memref<128x32xf32, #tpu.memory_space<vmem>>) target(%dma_start3A_319 : memref<10240x32xf32, #tpu.memory_space<vmem_shared>>) offsets(%dma_start3A_316 : memref<128xi32, #tpu.memory_space<vmem>>) semaphore(%arg20 : memref<!tpu.dma_semaphore, #tpu.memory_space<semaphore_mem>>) {add = true}
      %add3A_320 = arith.constant 3 : i32
      %add3A_321 = arith.addi %mul3A_271, %add3A_320 : i32
      %dma_wait3A_322 = arith.constant 0 : i32
      %dma_wait3A_323 = tpu.memref_slice %arg6[%add3A_321, %dma_wait3A_322] : memref<160x128xi32, #tpu.memory_space<vmem>> -> memref<1x128xi32, #tpu.memory_space<vmem>>
      %dma_wait3A_324 = tpu.memref_squeeze %dma_wait3A_323 : memref<1x128xi32, #tpu.memory_space<vmem>> -> memref<128xi32, #tpu.memory_space<vmem>>
      %dma_wait3A_325 = arith.constant 0 : i32
      %dma_wait3A_326 = arith.constant 0 : i32
      %dma_wait3A_327 = tpu.memref_slice %arg12[%dma_wait3A_325, %dma_wait3A_326] : memref<10240x32xf32, #tpu.memory_space<vmem_shared>> -> memref<10240x32xf32, #tpu.memory_space<vmem_shared>>
      tpu.wait_indirect_dma semaphore(%arg17 : memref<!tpu.dma_semaphore, #tpu.memory_space<semaphore_mem>>) src(%dma_wait3A_327 : memref<10240x32xf32, #tpu.memory_space<vmem_shared>>) dst(%arg11 : memref<128x32xf32, #tpu.memory_space<vmem>>)
      %add3A_328 = arith.constant 3 : i32
      %add3A_329 = arith.addi %mul3A_271, %add3A_328 : i32
      %dma_start3A_330 = arith.constant 0 : i32
      %dma_start3A_331 = tpu.memref_slice %arg7[%add3A_329, %dma_start3A_330] : memref<160x128xi32, #tpu.memory_space<vmem>> -> memref<1x128xi32, #tpu.memory_space<vmem>>
      %dma_start3A_332 = tpu.memref_squeeze %dma_start3A_331 : memref<1x128xi32, #tpu.memory_space<vmem>> -> memref<128xi32, #tpu.memory_space<vmem>>
      %dma_start3A_333 = arith.constant 0 : i32
      %dma_start3A_334 = arith.constant 0 : i32
      %dma_start3A_335 = tpu.memref_slice %arg13[%dma_start3A_333, %dma_start3A_334] : memref<10240x32xf32, #tpu.memory_space<vmem_shared>> -> memref<10240x32xf32, #tpu.memory_space<vmem_shared>>
      tpu.enqueue_indirect_dma source(%arg11 : memref<128x32xf32, #tpu.memory_space<vmem>>) target(%dma_start3A_335 : memref<10240x32xf32, #tpu.memory_space<vmem_shared>>) offsets(%dma_start3A_332 : memref<128xi32, #tpu.memory_space<vmem>>) semaphore(%arg21 : memref<!tpu.dma_semaphore, #tpu.memory_space<semaphore_mem>>) {add = true}
      %add3A_336 = arith.constant 4 : i32
      %add3A_337 = arith.addi %mul3A_271, %add3A_336 : i32
      %dma_wait3A_338 = arith.constant 0 : i32
      %dma_wait3A_339 = tpu.memref_slice %arg6[%add3A_337, %dma_wait3A_338] : memref<160x128xi32, #tpu.memory_space<vmem>> -> memref<1x128xi32, #tpu.memory_space<vmem>>
      %dma_wait3A_340 = tpu.memref_squeeze %dma_wait3A_339 : memref<1x128xi32, #tpu.memory_space<vmem>> -> memref<128xi32, #tpu.memory_space<vmem>>
      %dma_wait3A_341 = arith.constant 0 : i32
      %dma_wait3A_342 = arith.constant 0 : i32
      %dma_wait3A_343 = tpu.memref_slice %arg12[%dma_wait3A_341, %dma_wait3A_342] : memref<10240x32xf32, #tpu.memory_space<vmem_shared>> -> memref<10240x32xf32, #tpu.memory_space<vmem_shared>>
      tpu.wait_indirect_dma semaphore(%arg26 : memref<!tpu.dma_semaphore, #tpu.memory_space<semaphore_mem>>) src(%dma_wait3A_343 : memref<10240x32xf32, #tpu.memory_space<vmem_shared>>) dst(%arg22 : memref<128x32xf32, #tpu.memory_space<vmem>>)
      %add3A_344 = arith.constant 4 : i32
      %add3A_345 = arith.addi %mul3A_271, %add3A_344 : i32
      %dma_start3A_346 = arith.constant 0 : i32
      %dma_start3A_347 = tpu.memref_slice %arg7[%add3A_345, %dma_start3A_346] : memref<160x128xi32, #tpu.memory_space<vmem>> -> memref<1x128xi32, #tpu.memory_space<vmem>>
      %dma_start3A_348 = tpu.memref_squeeze %dma_start3A_347 : memref<1x128xi32, #tpu.memory_space<vmem>> -> memref<128xi32, #tpu.memory_space<vmem>>
      %dma_start3A_349 = arith.constant 0 : i32
      %dma_start3A_350 = arith.constant 0 : i32
      %dma_start3A_351 = tpu.memref_slice %arg13[%dma_start3A_349, %dma_start3A_350] : memref<10240x32xf32, #tpu.memory_space<vmem_shared>> -> memref<10240x32xf32, #tpu.memory_space<vmem_shared>>
      tpu.enqueue_indirect_dma source(%arg22 : memref<128x32xf32, #tpu.memory_space<vmem>>) target(%dma_start3A_351 : memref<10240x32xf32, #tpu.memory_space<vmem_shared>>) offsets(%dma_start3A_348 : memref<128xi32, #tpu.memory_space<vmem>>) semaphore(%arg30 : memref<!tpu.dma_semaphore, #tpu.memory_space<semaphore_mem>>) {add = true}
      %add3A_352 = arith.constant 5 : i32
      %add3A_353 = arith.addi %mul3A_271, %add3A_352 : i32
      %dma_wait3A_354 = arith.constant 0 : i32
      %dma_wait3A_355 = tpu.memref_slice %arg6[%add3A_353, %dma_wait3A_354] : memref<160x128xi32, #tpu.memory_space<vmem>> -> memref<1x128xi32, #tpu.memory_space<vmem>>
      %dma_wait3A_356 = tpu.memref_squeeze %dma_wait3A_355 : memref<1x128xi32, #tpu.memory_space<vmem>> -> memref<128xi32, #tpu.memory_space<vmem>>
      %dma_wait3A_357 = arith.constant 0 : i32
      %dma_wait3A_358 = arith.constant 0 : i32
      %dma_wait3A_359 = tpu.memref_slice %arg12[%dma_wait3A_357, %dma_wait3A_358] : memref<10240x32xf32, #tpu.memory_space<vmem_shared>> -> memref<10240x32xf32, #tpu.memory_space<vmem_shared>>
      tpu.wait_indirect_dma semaphore(%arg27 : memref<!tpu.dma_semaphore, #tpu.memory_space<semaphore_mem>>) src(%dma_wait3A_359 : memref<10240x32xf32, #tpu.memory_space<vmem_shared>>) dst(%arg23 : memref<128x32xf32, #tpu.memory_space<vmem>>)
      %add3A_360 = arith.constant 5 : i32
      %add3A_361 = arith.addi %mul3A_271, %add3A_360 : i32
      %dma_start3A_362 = arith.constant 0 : i32
      %dma_start3A_363 = tpu.memref_slice %arg7[%add3A_361, %dma_start3A_362] : memref<160x128xi32, #tpu.memory_space<vmem>> -> memref<1x128xi32, #tpu.memory_space<vmem>>
      %dma_start3A_364 = tpu.memref_squeeze %dma_start3A_363 : memref<1x128xi32, #tpu.memory_space<vmem>> -> memref<128xi32, #tpu.memory_space<vmem>>
      %dma_start3A_365 = arith.constant 0 : i32
      %dma_start3A_366 = arith.constant 0 : i32
      %dma_start3A_367 = tpu.memref_slice %arg13[%dma_start3A_365, %dma_start3A_366] : memref<10240x32xf32, #tpu.memory_space<vmem_shared>> -> memref<10240x32xf32, #tpu.memory_space<vmem_shared>>
      tpu.enqueue_indirect_dma source(%arg23 : memref<128x32xf32, #tpu.memory_space<vmem>>) target(%dma_start3A_367 : memref<10240x32xf32, #tpu.memory_space<vmem_shared>>) offsets(%dma_start3A_364 : memref<128xi32, #tpu.memory_space<vmem>>) semaphore(%arg31 : memref<!tpu.dma_semaphore, #tpu.memory_space<semaphore_mem>>) {add = true}
      %add3A_368 = arith.constant 6 : i32
      %add3A_369 = arith.addi %mul3A_271, %add3A_368 : i32
      %dma_wait3A_370 = arith.constant 0 : i32
      %dma_wait3A_371 = tpu.memref_slice %arg6[%add3A_369, %dma_wait3A_370] : memref<160x128xi32, #tpu.memory_space<vmem>> -> memref<1x128xi32, #tpu.memory_space<vmem>>
      %dma_wait3A_372 = tpu.memref_squeeze %dma_wait3A_371 : memref<1x128xi32, #tpu.memory_space<vmem>> -> memref<128xi32, #tpu.memory_space<vmem>>
      %dma_wait3A_373 = arith.constant 0 : i32
      %dma_wait3A_374 = arith.constant 0 : i32
      %dma_wait3A_375 = tpu.memref_slice %arg12[%dma_wait3A_373, %dma_wait3A_374] : memref<10240x32xf32, #tpu.memory_space<vmem_shared>> -> memref<10240x32xf32, #tpu.memory_space<vmem_shared>>
      tpu.wait_indirect_dma semaphore(%arg28 : memref<!tpu.dma_semaphore, #tpu.memory_space<semaphore_mem>>) src(%dma_wait3A_375 : memref<10240x32xf32, #tpu.memory_space<vmem_shared>>) dst(%arg24 : memref<128x32xf32, #tpu.memory_space<vmem>>)
      %add3A_376 = arith.constant 6 : i32
      %add3A_377 = arith.addi %mul3A_271, %add3A_376 : i32
      %dma_start3A_378 = arith.constant 0 : i32
      %dma_start3A_379 = tpu.memref_slice %arg7[%add3A_377, %dma_start3A_378] : memref<160x128xi32, #tpu.memory_space<vmem>> -> memref<1x128xi32, #tpu.memory_space<vmem>>
      %dma_start3A_380 = tpu.memref_squeeze %dma_start3A_379 : memref<1x128xi32, #tpu.memory_space<vmem>> -> memref<128xi32, #tpu.memory_space<vmem>>
      %dma_start3A_381 = arith.constant 0 : i32
      %dma_start3A_382 = arith.constant 0 : i32
      %dma_start3A_383 = tpu.memref_slice %arg13[%dma_start3A_381, %dma_start3A_382] : memref<10240x32xf32, #tpu.memory_space<vmem_shared>> -> memref<10240x32xf32, #tpu.memory_space<vmem_shared>>
      tpu.enqueue_indirect_dma source(%arg24 : memref<128x32xf32, #tpu.memory_space<vmem>>) target(%dma_start3A_383 : memref<10240x32xf32, #tpu.memory_space<vmem_shared>>) offsets(%dma_start3A_380 : memref<128xi32, #tpu.memory_space<vmem>>) semaphore(%arg32 : memref<!tpu.dma_semaphore, #tpu.memory_space<semaphore_mem>>) {add = true}
      %add3A_384 = arith.constant 7 : i32
      %add3A_385 = arith.addi %mul3A_271, %add3A_384 : i32
      %dma_wait3A_386 = arith.constant 0 : i32
      %dma_wait3A_387 = tpu.memref_slice %arg6[%add3A_385, %dma_wait3A_386] : memref<160x128xi32, #tpu.memory_space<vmem>> -> memref<1x128xi32, #tpu.memory_space<vmem>>
      %dma_wait3A_388 = tpu.memref_squeeze %dma_wait3A_387 : memref<1x128xi32, #tpu.memory_space<vmem>> -> memref<128xi32, #tpu.memory_space<vmem>>
      %dma_wait3A_389 = arith.constant 0 : i32
      %dma_wait3A_390 = arith.constant 0 : i32
      %dma_wait3A_391 = tpu.memref_slice %arg12[%dma_wait3A_389, %dma_wait3A_390] : memref<10240x32xf32, #tpu.memory_space<vmem_shared>> -> memref<10240x32xf32, #tpu.memory_space<vmem_shared>>
      tpu.wait_indirect_dma semaphore(%arg29 : memref<!tpu.dma_semaphore, #tpu.memory_space<semaphore_mem>>) src(%dma_wait3A_391 : memref<10240x32xf32, #tpu.memory_space<vmem_shared>>) dst(%arg25 : memref<128x32xf32, #tpu.memory_space<vmem>>)
      %add3A_392 = arith.constant 7 : i32
      %add3A_393 = arith.addi %mul3A_271, %add3A_392 : i32
      %dma_start3A_394 = arith.constant 0 : i32
      %dma_start3A_395 = tpu.memref_slice %arg7[%add3A_393, %dma_start3A_394] : memref<160x128xi32, #tpu.memory_space<vmem>> -> memref<1x128xi32, #tpu.memory_space<vmem>>
      %dma_start3A_396 = tpu.memref_squeeze %dma_start3A_395 : memref<1x128xi32, #tpu.memory_space<vmem>> -> memref<128xi32, #tpu.memory_space<vmem>>
      %dma_start3A_397 = arith.constant 0 : i32
      %dma_start3A_398 = arith.constant 0 : i32
      %dma_start3A_399 = tpu.memref_slice %arg13[%dma_start3A_397, %dma_start3A_398] : memref<10240x32xf32, #tpu.memory_space<vmem_shared>> -> memref<10240x32xf32, #tpu.memory_space<vmem_shared>>
      tpu.enqueue_indirect_dma source(%arg25 : memref<128x32xf32, #tpu.memory_space<vmem>>) target(%dma_start3A_399 : memref<10240x32xf32, #tpu.memory_space<vmem_shared>>) offsets(%dma_start3A_396 : memref<128xi32, #tpu.memory_space<vmem>>) semaphore(%arg33 : memref<!tpu.dma_semaphore, #tpu.memory_space<semaphore_mem>>) {add = true}
      %lt3A = arith.constant 19 : i32
      %lt3A_400 = arith.cmpi slt, %scan3A_269, %lt3A : i32
      %convert_element_type3A = arith.extui %lt3A_400 : i1 to i32
      %cond3A = arith.constant 0 : i32
      %cond3A_401 = arith.cmpi ne, %convert_element_type3A, %cond3A : i32
      scf.if %cond3A_401 {
        %add3A_402 = arith.constant 0 : i32
        %add3A_403 = arith.addi %mul3A_271, %add3A_402 : i32
        %dma_wait3A_404 = arith.constant 0 : i32
        %dma_wait3A_405 = tpu.memref_slice %arg7[%add3A_403, %dma_wait3A_404] : memref<160x128xi32, #tpu.memory_space<vmem>> -> memref<1x128xi32, #tpu.memory_space<vmem>>
        %dma_wait3A_406 = tpu.memref_squeeze %dma_wait3A_405 : memref<1x128xi32, #tpu.memory_space<vmem>> -> memref<128xi32, #tpu.memory_space<vmem>>
        %dma_wait3A_407 = arith.constant 0 : i32
        %dma_wait3A_408 = arith.constant 0 : i32
        %dma_wait3A_409 = tpu.memref_slice %arg13[%dma_wait3A_407, %dma_wait3A_408] : memref<10240x32xf32, #tpu.memory_space<vmem_shared>> -> memref<10240x32xf32, #tpu.memory_space<vmem_shared>>
        tpu.wait_indirect_dma semaphore(%arg18 : memref<!tpu.dma_semaphore, #tpu.memory_space<semaphore_mem>>) src(%arg8 : memref<128x32xf32, #tpu.memory_space<vmem>>) dst(%dma_wait3A_409 : memref<10240x32xf32, #tpu.memory_space<vmem_shared>>)
        %add3A_410 = arith.constant 8 : i32
        %add3A_411 = arith.addi %mul3A_271, %add3A_410 : i32
        %add3A_412 = arith.constant 0 : i32
        %add3A_413 = arith.addi %add3A_411, %add3A_412 : i32
        %dma_start3A_414 = arith.constant 0 : i32
        %dma_start3A_415 = tpu.memref_slice %arg6[%add3A_413, %dma_start3A_414] : memref<160x128xi32, #tpu.memory_space<vmem>> -> memref<1x128xi32, #tpu.memory_space<vmem>>
        %dma_start3A_416 = tpu.memref_squeeze %dma_start3A_415 : memref<1x128xi32, #tpu.memory_space<vmem>> -> memref<128xi32, #tpu.memory_space<vmem>>
        %dma_start3A_417 = arith.constant 0 : i32
        %dma_start3A_418 = arith.constant 0 : i32
        %dma_start3A_419 = tpu.memref_slice %arg12[%dma_start3A_417, %dma_start3A_418] : memref<10240x32xf32, #tpu.memory_space<vmem_shared>> -> memref<10240x32xf32, #tpu.memory_space<vmem_shared>>
        tpu.enqueue_indirect_dma source(%dma_start3A_419 : memref<10240x32xf32, #tpu.memory_space<vmem_shared>>) target(%arg8 : memref<128x32xf32, #tpu.memory_space<vmem>>) offsets(%dma_start3A_416 : memref<128xi32, #tpu.memory_space<vmem>>) semaphore(%arg14 : memref<!tpu.dma_semaphore, #tpu.memory_space<semaphore_mem>>)
        %add3A_420 = arith.constant 1 : i32
        %add3A_421 = arith.addi %mul3A_271, %add3A_420 : i32
        %dma_wait3A_422 = arith.constant 0 : i32
        %dma_wait3A_423 = tpu.memref_slice %arg7[%add3A_421, %dma_wait3A_422] : memref<160x128xi32, #tpu.memory_space<vmem>> -> memref<1x128xi32, #tpu.memory_space<vmem>>
        %dma_wait3A_424 = tpu.memref_squeeze %dma_wait3A_423 : memref<1x128xi32, #tpu.memory_space<vmem>> -> memref<128xi32, #tpu.memory_space<vmem>>
        %dma_wait3A_425 = arith.constant 0 : i32
        %dma_wait3A_426 = arith.constant 0 : i32
        %dma_wait3A_427 = tpu.memref_slice %arg13[%dma_wait3A_425, %dma_wait3A_426] : memref<10240x32xf32, #tpu.memory_space<vmem_shared>> -> memref<10240x32xf32, #tpu.memory_space<vmem_shared>>
        tpu.wait_indirect_dma semaphore(%arg19 : memref<!tpu.dma_semaphore, #tpu.memory_space<semaphore_mem>>) src(%arg9 : memref<128x32xf32, #tpu.memory_space<vmem>>) dst(%dma_wait3A_427 : memref<10240x32xf32, #tpu.memory_space<vmem_shared>>)
        %add3A_428 = arith.constant 8 : i32
        %add3A_429 = arith.addi %mul3A_271, %add3A_428 : i32
        %add3A_430 = arith.constant 1 : i32
        %add3A_431 = arith.addi %add3A_429, %add3A_430 : i32
        %dma_start3A_432 = arith.constant 0 : i32
        %dma_start3A_433 = tpu.memref_slice %arg6[%add3A_431, %dma_start3A_432] : memref<160x128xi32, #tpu.memory_space<vmem>> -> memref<1x128xi32, #tpu.memory_space<vmem>>
        %dma_start3A_434 = tpu.memref_squeeze %dma_start3A_433 : memref<1x128xi32, #tpu.memory_space<vmem>> -> memref<128xi32, #tpu.memory_space<vmem>>
        %dma_start3A_435 = arith.constant 0 : i32
        %dma_start3A_436 = arith.constant 0 : i32
        %dma_start3A_437 = tpu.memref_slice %arg12[%dma_start3A_435, %dma_start3A_436] : memref<10240x32xf32, #tpu.memory_space<vmem_shared>> -> memref<10240x32xf32, #tpu.memory_space<vmem_shared>>
        tpu.enqueue_indirect_dma source(%dma_start3A_437 : memref<10240x32xf32, #tpu.memory_space<vmem_shared>>) target(%arg9 : memref<128x32xf32, #tpu.memory_space<vmem>>) offsets(%dma_start3A_434 : memref<128xi32, #tpu.memory_space<vmem>>) semaphore(%arg15 : memref<!tpu.dma_semaphore, #tpu.memory_space<semaphore_mem>>)
        %add3A_438 = arith.constant 2 : i32
        %add3A_439 = arith.addi %mul3A_271, %add3A_438 : i32
        %dma_wait3A_440 = arith.constant 0 : i32
        %dma_wait3A_441 = tpu.memref_slice %arg7[%add3A_439, %dma_wait3A_440] : memref<160x128xi32, #tpu.memory_space<vmem>> -> memref<1x128xi32, #tpu.memory_space<vmem>>
        %dma_wait3A_442 = tpu.memref_squeeze %dma_wait3A_441 : memref<1x128xi32, #tpu.memory_space<vmem>> -> memref<128xi32, #tpu.memory_space<vmem>>
        %dma_wait3A_443 = arith.constant 0 : i32
        %dma_wait3A_444 = arith.constant 0 : i32
        %dma_wait3A_445 = tpu.memref_slice %arg13[%dma_wait3A_443, %dma_wait3A_444] : memref<10240x32xf32, #tpu.memory_space<vmem_shared>> -> memref<10240x32xf32, #tpu.memory_space<vmem_shared>>
        tpu.wait_indirect_dma semaphore(%arg20 : memref<!tpu.dma_semaphore, #tpu.memory_space<semaphore_mem>>) src(%arg10 : memref<128x32xf32, #tpu.memory_space<vmem>>) dst(%dma_wait3A_445 : memref<10240x32xf32, #tpu.memory_space<vmem_shared>>)
        %add3A_446 = arith.constant 8 : i32
        %add3A_447 = arith.addi %mul3A_271, %add3A_446 : i32
        %add3A_448 = arith.constant 2 : i32
        %add3A_449 = arith.addi %add3A_447, %add3A_448 : i32
        %dma_start3A_450 = arith.constant 0 : i32
        %dma_start3A_451 = tpu.memref_slice %arg6[%add3A_449, %dma_start3A_450] : memref<160x128xi32, #tpu.memory_space<vmem>> -> memref<1x128xi32, #tpu.memory_space<vmem>>
        %dma_start3A_452 = tpu.memref_squeeze %dma_start3A_451 : memref<1x128xi32, #tpu.memory_space<vmem>> -> memref<128xi32, #tpu.memory_space<vmem>>
        %dma_start3A_453 = arith.constant 0 : i32
        %dma_start3A_454 = arith.constant 0 : i32
        %dma_start3A_455 = tpu.memref_slice %arg12[%dma_start3A_453, %dma_start3A_454] : memref<10240x32xf32, #tpu.memory_space<vmem_shared>> -> memref<10240x32xf32, #tpu.memory_space<vmem_shared>>
        tpu.enqueue_indirect_dma source(%dma_start3A_455 : memref<10240x32xf32, #tpu.memory_space<vmem_shared>>) target(%arg10 : memref<128x32xf32, #tpu.memory_space<vmem>>) offsets(%dma_start3A_452 : memref<128xi32, #tpu.memory_space<vmem>>) semaphore(%arg16 : memref<!tpu.dma_semaphore, #tpu.memory_space<semaphore_mem>>)
        %add3A_456 = arith.constant 3 : i32
        %add3A_457 = arith.addi %mul3A_271, %add3A_456 : i32
        %dma_wait3A_458 = arith.constant 0 : i32
        %dma_wait3A_459 = tpu.memref_slice %arg7[%add3A_457, %dma_wait3A_458] : memref<160x128xi32, #tpu.memory_space<vmem>> -> memref<1x128xi32, #tpu.memory_space<vmem>>
        %dma_wait3A_460 = tpu.memref_squeeze %dma_wait3A_459 : memref<1x128xi32, #tpu.memory_space<vmem>> -> memref<128xi32, #tpu.memory_space<vmem>>
        %dma_wait3A_461 = arith.constant 0 : i32
        %dma_wait3A_462 = arith.constant 0 : i32
        %dma_wait3A_463 = tpu.memref_slice %arg13[%dma_wait3A_461, %dma_wait3A_462] : memref<10240x32xf32, #tpu.memory_space<vmem_shared>> -> memref<10240x32xf32, #tpu.memory_space<vmem_shared>>
        tpu.wait_indirect_dma semaphore(%arg21 : memref<!tpu.dma_semaphore, #tpu.memory_space<semaphore_mem>>) src(%arg11 : memref<128x32xf32, #tpu.memory_space<vmem>>) dst(%dma_wait3A_463 : memref<10240x32xf32, #tpu.memory_space<vmem_shared>>)
        %add3A_464 = arith.constant 8 : i32
        %add3A_465 = arith.addi %mul3A_271, %add3A_464 : i32
        %add3A_466 = arith.constant 3 : i32
        %add3A_467 = arith.addi %add3A_465, %add3A_466 : i32
        %dma_start3A_468 = arith.constant 0 : i32
        %dma_start3A_469 = tpu.memref_slice %arg6[%add3A_467, %dma_start3A_468] : memref<160x128xi32, #tpu.memory_space<vmem>> -> memref<1x128xi32, #tpu.memory_space<vmem>>
        %dma_start3A_470 = tpu.memref_squeeze %dma_start3A_469 : memref<1x128xi32, #tpu.memory_space<vmem>> -> memref<128xi32, #tpu.memory_space<vmem>>
        %dma_start3A_471 = arith.constant 0 : i32
        %dma_start3A_472 = arith.constant 0 : i32
        %dma_start3A_473 = tpu.memref_slice %arg12[%dma_start3A_471, %dma_start3A_472] : memref<10240x32xf32, #tpu.memory_space<vmem_shared>> -> memref<10240x32xf32, #tpu.memory_space<vmem_shared>>
        tpu.enqueue_indirect_dma source(%dma_start3A_473 : memref<10240x32xf32, #tpu.memory_space<vmem_shared>>) target(%arg11 : memref<128x32xf32, #tpu.memory_space<vmem>>) offsets(%dma_start3A_470 : memref<128xi32, #tpu.memory_space<vmem>>) semaphore(%arg17 : memref<!tpu.dma_semaphore, #tpu.memory_space<semaphore_mem>>)
        %add3A_474 = arith.constant 4 : i32
        %add3A_475 = arith.addi %mul3A_271, %add3A_474 : i32
        %dma_wait3A_476 = arith.constant 0 : i32
        %dma_wait3A_477 = tpu.memref_slice %arg7[%add3A_475, %dma_wait3A_476] : memref<160x128xi32, #tpu.memory_space<vmem>> -> memref<1x128xi32, #tpu.memory_space<vmem>>
        %dma_wait3A_478 = tpu.memref_squeeze %dma_wait3A_477 : memref<1x128xi32, #tpu.memory_space<vmem>> -> memref<128xi32, #tpu.memory_space<vmem>>
        %dma_wait3A_479 = arith.constant 0 : i32
        %dma_wait3A_480 = arith.constant 0 : i32
        %dma_wait3A_481 = tpu.memref_slice %arg13[%dma_wait3A_479, %dma_wait3A_480] : memref<10240x32xf32, #tpu.memory_space<vmem_shared>> -> memref<10240x32xf32, #tpu.memory_space<vmem_shared>>
        tpu.wait_indirect_dma semaphore(%arg30 : memref<!tpu.dma_semaphore, #tpu.memory_space<semaphore_mem>>) src(%arg22 : memref<128x32xf32, #tpu.memory_space<vmem>>) dst(%dma_wait3A_481 : memref<10240x32xf32, #tpu.memory_space<vmem_shared>>)
        %add3A_482 = arith.constant 8 : i32
        %add3A_483 = arith.addi %mul3A_271, %add3A_482 : i32
        %add3A_484 = arith.constant 4 : i32
        %add3A_485 = arith.addi %add3A_483, %add3A_484 : i32
        %dma_start3A_486 = arith.constant 0 : i32
        %dma_start3A_487 = tpu.memref_slice %arg6[%add3A_485, %dma_start3A_486] : memref<160x128xi32, #tpu.memory_space<vmem>> -> memref<1x128xi32, #tpu.memory_space<vmem>>
        %dma_start3A_488 = tpu.memref_squeeze %dma_start3A_487 : memref<1x128xi32, #tpu.memory_space<vmem>> -> memref<128xi32, #tpu.memory_space<vmem>>
        %dma_start3A_489 = arith.constant 0 : i32
        %dma_start3A_490 = arith.constant 0 : i32
        %dma_start3A_491 = tpu.memref_slice %arg12[%dma_start3A_489, %dma_start3A_490] : memref<10240x32xf32, #tpu.memory_space<vmem_shared>> -> memref<10240x32xf32, #tpu.memory_space<vmem_shared>>
        tpu.enqueue_indirect_dma source(%dma_start3A_491 : memref<10240x32xf32, #tpu.memory_space<vmem_shared>>) target(%arg22 : memref<128x32xf32, #tpu.memory_space<vmem>>) offsets(%dma_start3A_488 : memref<128xi32, #tpu.memory_space<vmem>>) semaphore(%arg26 : memref<!tpu.dma_semaphore, #tpu.memory_space<semaphore_mem>>)
        %add3A_492 = arith.constant 5 : i32
        %add3A_493 = arith.addi %mul3A_271, %add3A_492 : i32
        %dma_wait3A_494 = arith.constant 0 : i32
        %dma_wait3A_495 = tpu.memref_slice %arg7[%add3A_493, %dma_wait3A_494] : memref<160x128xi32, #tpu.memory_space<vmem>> -> memref<1x128xi32, #tpu.memory_space<vmem>>
        %dma_wait3A_496 = tpu.memref_squeeze %dma_wait3A_495 : memref<1x128xi32, #tpu.memory_space<vmem>> -> memref<128xi32, #tpu.memory_space<vmem>>
        %dma_wait3A_497 = arith.constant 0 : i32
        %dma_wait3A_498 = arith.constant 0 : i32
        %dma_wait3A_499 = tpu.memref_slice %arg13[%dma_wait3A_497, %dma_wait3A_498] : memref<10240x32xf32, #tpu.memory_space<vmem_shared>> -> memref<10240x32xf32, #tpu.memory_space<vmem_shared>>
        tpu.wait_indirect_dma semaphore(%arg31 : memref<!tpu.dma_semaphore, #tpu.memory_space<semaphore_mem>>) src(%arg23 : memref<128x32xf32, #tpu.memory_space<vmem>>) dst(%dma_wait3A_499 : memref<10240x32xf32, #tpu.memory_space<vmem_shared>>)
        %add3A_500 = arith.constant 8 : i32
        %add3A_501 = arith.addi %mul3A_271, %add3A_500 : i32
        %add3A_502 = arith.constant 5 : i32
        %add3A_503 = arith.addi %add3A_501, %add3A_502 : i32
        %dma_start3A_504 = arith.constant 0 : i32
        %dma_start3A_505 = tpu.memref_slice %arg6[%add3A_503, %dma_start3A_504] : memref<160x128xi32, #tpu.memory_space<vmem>> -> memref<1x128xi32, #tpu.memory_space<vmem>>
        %dma_start3A_506 = tpu.memref_squeeze %dma_start3A_505 : memref<1x128xi32, #tpu.memory_space<vmem>> -> memref<128xi32, #tpu.memory_space<vmem>>
        %dma_start3A_507 = arith.constant 0 : i32
        %dma_start3A_508 = arith.constant 0 : i32
        %dma_start3A_509 = tpu.memref_slice %arg12[%dma_start3A_507, %dma_start3A_508] : memref<10240x32xf32, #tpu.memory_space<vmem_shared>> -> memref<10240x32xf32, #tpu.memory_space<vmem_shared>>
        tpu.enqueue_indirect_dma source(%dma_start3A_509 : memref<10240x32xf32, #tpu.memory_space<vmem_shared>>) target(%arg23 : memref<128x32xf32, #tpu.memory_space<vmem>>) offsets(%dma_start3A_506 : memref<128xi32, #tpu.memory_space<vmem>>) semaphore(%arg27 : memref<!tpu.dma_semaphore, #tpu.memory_space<semaphore_mem>>)
        %add3A_510 = arith.constant 6 : i32
        %add3A_511 = arith.addi %mul3A_271, %add3A_510 : i32
        %dma_wait3A_512 = arith.constant 0 : i32
        %dma_wait3A_513 = tpu.memref_slice %arg7[%add3A_511, %dma_wait3A_512] : memref<160x128xi32, #tpu.memory_space<vmem>> -> memref<1x128xi32, #tpu.memory_space<vmem>>
        %dma_wait3A_514 = tpu.memref_squeeze %dma_wait3A_513 : memref<1x128xi32, #tpu.memory_space<vmem>> -> memref<128xi32, #tpu.memory_space<vmem>>
        %dma_wait3A_515 = arith.constant 0 : i32
        %dma_wait3A_516 = arith.constant 0 : i32
        %dma_wait3A_517 = tpu.memref_slice %arg13[%dma_wait3A_515, %dma_wait3A_516] : memref<10240x32xf32, #tpu.memory_space<vmem_shared>> -> memref<10240x32xf32, #tpu.memory_space<vmem_shared>>
        tpu.wait_indirect_dma semaphore(%arg32 : memref<!tpu.dma_semaphore, #tpu.memory_space<semaphore_mem>>) src(%arg24 : memref<128x32xf32, #tpu.memory_space<vmem>>) dst(%dma_wait3A_517 : memref<10240x32xf32, #tpu.memory_space<vmem_shared>>)
        %add3A_518 = arith.constant 8 : i32
        %add3A_519 = arith.addi %mul3A_271, %add3A_518 : i32
        %add3A_520 = arith.constant 6 : i32
        %add3A_521 = arith.addi %add3A_519, %add3A_520 : i32
        %dma_start3A_522 = arith.constant 0 : i32
        %dma_start3A_523 = tpu.memref_slice %arg6[%add3A_521, %dma_start3A_522] : memref<160x128xi32, #tpu.memory_space<vmem>> -> memref<1x128xi32, #tpu.memory_space<vmem>>
        %dma_start3A_524 = tpu.memref_squeeze %dma_start3A_523 : memref<1x128xi32, #tpu.memory_space<vmem>> -> memref<128xi32, #tpu.memory_space<vmem>>
        %dma_start3A_525 = arith.constant 0 : i32
        %dma_start3A_526 = arith.constant 0 : i32
        %dma_start3A_527 = tpu.memref_slice %arg12[%dma_start3A_525, %dma_start3A_526] : memref<10240x32xf32, #tpu.memory_space<vmem_shared>> -> memref<10240x32xf32, #tpu.memory_space<vmem_shared>>
        tpu.enqueue_indirect_dma source(%dma_start3A_527 : memref<10240x32xf32, #tpu.memory_space<vmem_shared>>) target(%arg24 : memref<128x32xf32, #tpu.memory_space<vmem>>) offsets(%dma_start3A_524 : memref<128xi32, #tpu.memory_space<vmem>>) semaphore(%arg28 : memref<!tpu.dma_semaphore, #tpu.memory_space<semaphore_mem>>)
        %add3A_528 = arith.constant 7 : i32
        %add3A_529 = arith.addi %mul3A_271, %add3A_528 : i32
        %dma_wait3A_530 = arith.constant 0 : i32
        %dma_wait3A_531 = tpu.memref_slice %arg7[%add3A_529, %dma_wait3A_530] : memref<160x128xi32, #tpu.memory_space<vmem>> -> memref<1x128xi32, #tpu.memory_space<vmem>>
        %dma_wait3A_532 = tpu.memref_squeeze %dma_wait3A_531 : memref<1x128xi32, #tpu.memory_space<vmem>> -> memref<128xi32, #tpu.memory_space<vmem>>
        %dma_wait3A_533 = arith.constant 0 : i32
        %dma_wait3A_534 = arith.constant 0 : i32
        %dma_wait3A_535 = tpu.memref_slice %arg13[%dma_wait3A_533, %dma_wait3A_534] : memref<10240x32xf32, #tpu.memory_space<vmem_shared>> -> memref<10240x32xf32, #tpu.memory_space<vmem_shared>>
        tpu.wait_indirect_dma semaphore(%arg33 : memref<!tpu.dma_semaphore, #tpu.memory_space<semaphore_mem>>) src(%arg25 : memref<128x32xf32, #tpu.memory_space<vmem>>) dst(%dma_wait3A_535 : memref<10240x32xf32, #tpu.memory_space<vmem_shared>>)
        %add3A_536 = arith.constant 8 : i32
        %add3A_537 = arith.addi %mul3A_271, %add3A_536 : i32
        %add3A_538 = arith.constant 7 : i32
        %add3A_539 = arith.addi %add3A_537, %add3A_538 : i32
        %dma_start3A_540 = arith.constant 0 : i32
        %dma_start3A_541 = tpu.memref_slice %arg6[%add3A_539, %dma_start3A_540] : memref<160x128xi32, #tpu.memory_space<vmem>> -> memref<1x128xi32, #tpu.memory_space<vmem>>
        %dma_start3A_542 = tpu.memref_squeeze %dma_start3A_541 : memref<1x128xi32, #tpu.memory_space<vmem>> -> memref<128xi32, #tpu.memory_space<vmem>>
        %dma_start3A_543 = arith.constant 0 : i32
        %dma_start3A_544 = arith.constant 0 : i32
        %dma_start3A_545 = tpu.memref_slice %arg12[%dma_start3A_543, %dma_start3A_544] : memref<10240x32xf32, #tpu.memory_space<vmem_shared>> -> memref<10240x32xf32, #tpu.memory_space<vmem_shared>>
        tpu.enqueue_indirect_dma source(%dma_start3A_545 : memref<10240x32xf32, #tpu.memory_space<vmem_shared>>) target(%arg25 : memref<128x32xf32, #tpu.memory_space<vmem>>) offsets(%dma_start3A_542 : memref<128xi32, #tpu.memory_space<vmem>>) semaphore(%arg29 : memref<!tpu.dma_semaphore, #tpu.memory_space<semaphore_mem>>)
      } else {
      }
    }
    %scan3A_74 = arith.constant 20 : i32
    %dma_wait3A = arith.constant 152 : i32
    %dma_wait3A_75 = arith.constant 0 : i32
    %dma_wait3A_76 = tpu.memref_slice %arg7[%dma_wait3A, %dma_wait3A_75] : memref<160x128xi32, #tpu.memory_space<vmem>> -> memref<1x128xi32, #tpu.memory_space<vmem>>
    %dma_wait3A_77 = tpu.memref_squeeze %dma_wait3A_76 : memref<1x128xi32, #tpu.memory_space<vmem>> -> memref<128xi32, #tpu.memory_space<vmem>>
    %dma_wait3A_78 = arith.constant 0 : i32
    %dma_wait3A_79 = arith.constant 0 : i32
    %dma_wait3A_80 = tpu.memref_slice %arg13[%dma_wait3A_78, %dma_wait3A_79] : memref<10240x32xf32, #tpu.memory_space<vmem_shared>> -> memref<10240x32xf32, #tpu.memory_space<vmem_shared>>
    tpu.wait_indirect_dma semaphore(%arg18 : memref<!tpu.dma_semaphore, #tpu.memory_space<semaphore_mem>>) src(%arg8 : memref<128x32xf32, #tpu.memory_space<vmem>>) dst(%dma_wait3A_80 : memref<10240x32xf32, #tpu.memory_space<vmem_shared>>)
    %dma_wait3A_81 = arith.constant 153 : i32
    %dma_wait3A_82 = arith.constant 0 : i32
    %dma_wait3A_83 = tpu.memref_slice %arg7[%dma_wait3A_81, %dma_wait3A_82] : memref<160x128xi32, #tpu.memory_space<vmem>> -> memref<1x128xi32, #tpu.memory_space<vmem>>
    %dma_wait3A_84 = tpu.memref_squeeze %dma_wait3A_83 : memref<1x128xi32, #tpu.memory_space<vmem>> -> memref<128xi32, #tpu.memory_space<vmem>>
    %dma_wait3A_85 = arith.constant 0 : i32
    %dma_wait3A_86 = arith.constant 0 : i32
    %dma_wait3A_87 = tpu.memref_slice %arg13[%dma_wait3A_85, %dma_wait3A_86] : memref<10240x32xf32, #tpu.memory_space<vmem_shared>> -> memref<10240x32xf32, #tpu.memory_space<vmem_shared>>
    tpu.wait_indirect_dma semaphore(%arg19 : memref<!tpu.dma_semaphore, #tpu.memory_space<semaphore_mem>>) src(%arg9 : memref<128x32xf32, #tpu.memory_space<vmem>>) dst(%dma_wait3A_87 : memref<10240x32xf32, #tpu.memory_space<vmem_shared>>)
    %dma_wait3A_88 = arith.constant 154 : i32
    %dma_wait3A_89 = arith.constant 0 : i32
    %dma_wait3A_90 = tpu.memref_slice %arg7[%dma_wait3A_88, %dma_wait3A_89] : memref<160x128xi32, #tpu.memory_space<vmem>> -> memref<1x128xi32, #tpu.memory_space<vmem>>
    %dma_wait3A_91 = tpu.memref_squeeze %dma_wait3A_90 : memref<1x128xi32, #tpu.memory_space<vmem>> -> memref<128xi32, #tpu.memory_space<vmem>>
    %dma_wait3A_92 = arith.constant 0 : i32
    %dma_wait3A_93 = arith.constant 0 : i32
    %dma_wait3A_94 = tpu.memref_slice %arg13[%dma_wait3A_92, %dma_wait3A_93] : memref<10240x32xf32, #tpu.memory_space<vmem_shared>> -> memref<10240x32xf32, #tpu.memory_space<vmem_shared>>
    tpu.wait_indirect_dma semaphore(%arg20 : memref<!tpu.dma_semaphore, #tpu.memory_space<semaphore_mem>>) src(%arg10 : memref<128x32xf32, #tpu.memory_space<vmem>>) dst(%dma_wait3A_94 : memref<10240x32xf32, #tpu.memory_space<vmem_shared>>)
    %dma_wait3A_95 = arith.constant 155 : i32
    %dma_wait3A_96 = arith.constant 0 : i32
    %dma_wait3A_97 = tpu.memref_slice %arg7[%dma_wait3A_95, %dma_wait3A_96] : memref<160x128xi32, #tpu.memory_space<vmem>> -> memref<1x128xi32, #tpu.memory_space<vmem>>
    %dma_wait3A_98 = tpu.memref_squeeze %dma_wait3A_97 : memref<1x128xi32, #tpu.memory_space<vmem>> -> memref<128xi32, #tpu.memory_space<vmem>>
    %dma_wait3A_99 = arith.constant 0 : i32
    %dma_wait3A_100 = arith.constant 0 : i32
    %dma_wait3A_101 = tpu.memref_slice %arg13[%dma_wait3A_99, %dma_wait3A_100] : memref<10240x32xf32, #tpu.memory_space<vmem_shared>> -> memref<10240x32xf32, #tpu.memory_space<vmem_shared>>
    tpu.wait_indirect_dma semaphore(%arg21 : memref<!tpu.dma_semaphore, #tpu.memory_space<semaphore_mem>>) src(%arg11 : memref<128x32xf32, #tpu.memory_space<vmem>>) dst(%dma_wait3A_101 : memref<10240x32xf32, #tpu.memory_space<vmem_shared>>)
    %dma_wait3A_102 = arith.constant 156 : i32
    %dma_wait3A_103 = arith.constant 0 : i32
    %dma_wait3A_104 = tpu.memref_slice %arg7[%dma_wait3A_102, %dma_wait3A_103] : memref<160x128xi32, #tpu.memory_space<vmem>> -> memref<1x128xi32, #tpu.memory_space<vmem>>
    %dma_wait3A_105 = tpu.memref_squeeze %dma_wait3A_104 : memref<1x128xi32, #tpu.memory_space<vmem>> -> memref<128xi32, #tpu.memory_space<vmem>>
    %dma_wait3A_106 = arith.constant 0 : i32
    %dma_wait3A_107 = arith.constant 0 : i32
    %dma_wait3A_108 = tpu.memref_slice %arg13[%dma_wait3A_106, %dma_wait3A_107] : memref<10240x32xf32, #tpu.memory_space<vmem_shared>> -> memref<10240x32xf32, #tpu.memory_space<vmem_shared>>
    tpu.wait_indirect_dma semaphore(%arg30 : memref<!tpu.dma_semaphore, #tpu.memory_space<semaphore_mem>>) src(%arg22 : memref<128x32xf32, #tpu.memory_space<vmem>>) dst(%dma_wait3A_108 : memref<10240x32xf32, #tpu.memory_space<vmem_shared>>)
    %dma_wait3A_109 = arith.constant 157 : i32
    %dma_wait3A_110 = arith.constant 0 : i32
    %dma_wait3A_111 = tpu.memref_slice %arg7[%dma_wait3A_109, %dma_wait3A_110] : memref<160x128xi32, #tpu.memory_space<vmem>> -> memref<1x128xi32, #tpu.memory_space<vmem>>
    %dma_wait3A_112 = tpu.memref_squeeze %dma_wait3A_111 : memref<1x128xi32, #tpu.memory_space<vmem>> -> memref<128xi32, #tpu.memory_space<vmem>>
    %dma_wait3A_113 = arith.constant 0 : i32
    %dma_wait3A_114 = arith.constant 0 : i32
    %dma_wait3A_115 = tpu.memref_slice %arg13[%dma_wait3A_113, %dma_wait3A_114] : memref<10240x32xf32, #tpu.memory_space<vmem_shared>> -> memref<10240x32xf32, #tpu.memory_space<vmem_shared>>
    tpu.wait_indirect_dma semaphore(%arg31 : memref<!tpu.dma_semaphore, #tpu.memory_space<semaphore_mem>>) src(%arg23 : memref<128x32xf32, #tpu.memory_space<vmem>>) dst(%dma_wait3A_115 : memref<10240x32xf32, #tpu.memory_space<vmem_shared>>)
    %dma_wait3A_116 = arith.constant 158 : i32
    %dma_wait3A_117 = arith.constant 0 : i32
    %dma_wait3A_118 = tpu.memref_slice %arg7[%dma_wait3A_116, %dma_wait3A_117] : memref<160x128xi32, #tpu.memory_space<vmem>> -> memref<1x128xi32, #tpu.memory_space<vmem>>
    %dma_wait3A_119 = tpu.memref_squeeze %dma_wait3A_118 : memref<1x128xi32, #tpu.memory_space<vmem>> -> memref<128xi32, #tpu.memory_space<vmem>>
    %dma_wait3A_120 = arith.constant 0 : i32
    %dma_wait3A_121 = arith.constant 0 : i32
    %dma_wait3A_122 = tpu.memref_slice %arg13[%dma_wait3A_120, %dma_wait3A_121] : memref<10240x32xf32, #tpu.memory_space<vmem_shared>> -> memref<10240x32xf32, #tpu.memory_space<vmem_shared>>
    tpu.wait_indirect_dma semaphore(%arg32 : memref<!tpu.dma_semaphore, #tpu.memory_space<semaphore_mem>>) src(%arg24 : memref<128x32xf32, #tpu.memory_space<vmem>>) dst(%dma_wait3A_122 : memref<10240x32xf32, #tpu.memory_space<vmem_shared>>)
    %dma_wait3A_123 = arith.constant 159 : i32
    %dma_wait3A_124 = arith.constant 0 : i32
    %dma_wait3A_125 = tpu.memref_slice %arg7[%dma_wait3A_123, %dma_wait3A_124] : memref<160x128xi32, #tpu.memory_space<vmem>> -> memref<1x128xi32, #tpu.memory_space<vmem>>
    %dma_wait3A_126 = tpu.memref_squeeze %dma_wait3A_125 : memref<1x128xi32, #tpu.memory_space<vmem>> -> memref<128xi32, #tpu.memory_space<vmem>>
    %dma_wait3A_127 = arith.constant 0 : i32
    %dma_wait3A_128 = arith.constant 0 : i32
    %dma_wait3A_129 = tpu.memref_slice %arg13[%dma_wait3A_127, %dma_wait3A_128] : memref<10240x32xf32, #tpu.memory_space<vmem_shared>> -> memref<10240x32xf32, #tpu.memory_space<vmem_shared>>
    tpu.wait_indirect_dma semaphore(%arg33 : memref<!tpu.dma_semaphore, #tpu.memory_space<semaphore_mem>>) src(%arg25 : memref<128x32xf32, #tpu.memory_space<vmem>>) dst(%dma_wait3A_129 : memref<10240x32xf32, #tpu.memory_space<vmem_shared>>)
    %barrier3A_130 = arith.constant 0 : index
    tpu.barrier barrier_id(%barrier3A_130)
    "tpu.region"() ({
      %run_scoped3A = tpu.sem_alloc : memref<!tpu.dma_semaphore, #tpu.memory_space<semaphore_mem>>
      %dma_start3A_269 = arith.constant 0 : i32
      %dma_start3A_270 = arith.constant 0 : i32
      %dma_start3A_271 = tpu.memref_slice %arg5[%add3A_1, %dma_start3A_269, %dma_start3A_270] : memref<4x10240x32xf32, #tpu.memory_space<hbm>> -> memref<1x10240x32xf32, #tpu.memory_space<hbm>>
      %dma_start3A_272 = tpu.memref_squeeze %dma_start3A_271 : memref<1x10240x32xf32, #tpu.memory_space<hbm>> -> memref<10240x32xf32, #tpu.memory_space<hbm>>
      %dma_start3A_273 = arith.constant 0 : i32
      %dma_start3A_274 = tpu.memref_slice %dma_start3A_272[%mul3A_0, %dma_start3A_273] : memref<10240x32xf32, #tpu.memory_space<hbm>> -> memref<640x32xf32, #tpu.memory_space<hbm>>
      %dma_start3A_275 = arith.constant 0 : i32
      %dma_start3A_276 = tpu.memref_slice %arg13[%mul3A_0, %dma_start3A_275] : memref<10240x32xf32, #tpu.memory_space<vmem_shared>> -> memref<640x32xf32, #tpu.memory_space<vmem_shared>>
      tpu.enqueue_dma source(%dma_start3A_276 : memref<640x32xf32, #tpu.memory_space<vmem_shared>>) target(%dma_start3A_274 : memref<640x32xf32, #tpu.memory_space<hbm>>) target_semaphore(%run_scoped3A : memref<!tpu.dma_semaphore, #tpu.memory_space<semaphore_mem>>)
      %dma_wait3A_277 = arith.constant 0 : i32
      %dma_wait3A_278 = arith.constant 0 : i32
      %dma_wait3A_279 = tpu.memref_slice %arg5[%add3A_1, %dma_wait3A_277, %dma_wait3A_278] : memref<4x10240x32xf32, #tpu.memory_space<hbm>> -> memref<1x10240x32xf32, #tpu.memory_space<hbm>>
      %dma_wait3A_280 = tpu.memref_squeeze %dma_wait3A_279 : memref<1x10240x32xf32, #tpu.memory_space<hbm>> -> memref<10240x32xf32, #tpu.memory_space<hbm>>
      %dma_wait3A_281 = arith.constant 0 : i32
      %dma_wait3A_282 = tpu.memref_slice %dma_wait3A_280[%mul3A_0, %dma_wait3A_281] : memref<10240x32xf32, #tpu.memory_space<hbm>> -> memref<640x32xf32, #tpu.memory_space<hbm>>
      %dma_wait3A_283 = arith.constant 0 : i32
      %dma_wait3A_284 = tpu.memref_slice %arg13[%mul3A_0, %dma_wait3A_283] : memref<10240x32xf32, #tpu.memory_space<vmem_shared>> -> memref<640x32xf32, #tpu.memory_space<vmem_shared>>
      tpu.wait_dma2 semaphore(%run_scoped3A : memref<!tpu.dma_semaphore, #tpu.memory_space<semaphore_mem>>) src(%dma_wait3A_284 : memref<640x32xf32, #tpu.memory_space<vmem_shared>>) dst(%dma_wait3A_282 : memref<640x32xf32, #tpu.memory_space<hbm>>)
      tpu.yield
    }) : () -> ()
    %mul3A_131 = arith.constant 640 : i32
    %mul3A_132 = arith.muli %arg1, %mul3A_131 : i32
    %add3A_133 = arith.constant 2 : i32
    %add3A_134 = arith.addi %arg0, %add3A_133 : i32
    %broadcast_in_dim3A_135 = arith.constant 0.000000e+00 : f32
    %broadcast_in_dim3A_136 = vector.broadcast %broadcast_in_dim3A_135 : f32 to vector<16xf32>
    %scan3A_137 = arith.constant 0 : i32
    %scan3A_138 = arith.constant 0 : i32
    %scan3A_139 = arith.constant 128 : i32
    %scan3A_140 = arith.addi %scan3A_138, %scan3A_139 : i32
    %scan3A_141 = arith.constant 1 : i32
    scf.for %scan3A_269 = %scan3A_138 to %scan3A_140 step %scan3A_141  : i32 {
      %swap3A = arith.index_cast %scan3A_269 : i32 to index
      %swap3A_270 = arith.constant 0 : index
      %swap3A_271 = tpu.vector_load %arg8[%swap3A, %swap3A_270] {strides = array<i32>} : memref<128x32xf32, #tpu.memory_space<vmem>>, vector<1x16xf32>,
      %swap3A_272 = vector.shape_cast %swap3A_271 : vector<1x16xf32> to vector<16xf32>
      %swap3A_273 = vector.shape_cast %broadcast_in_dim3A_136 : vector<16xf32> to vector<1x16xf32>
      tpu.vector_store %arg8[%swap3A, %swap3A_270], %swap3A_273 {strides = array<i32>} : memref<128x32xf32, #tpu.memory_space<vmem>>, vector<1x16xf32>,
      %swap3A_274 = arith.index_cast %scan3A_269 : i32 to index
      %swap3A_275 = arith.constant 16 : index
      %swap3A_276 = tpu.vector_load %arg8[%swap3A_274, %swap3A_275] {strides = array<i32>} : memref<128x32xf32, #tpu.memory_space<vmem>>, vector<1x16xf32>,
      %swap3A_277 = vector.shape_cast %swap3A_276 : vector<1x16xf32> to vector<16xf32>
      %swap3A_278 = vector.shape_cast %broadcast_in_dim3A_136 : vector<16xf32> to vector<1x16xf32>
      tpu.vector_store %arg8[%swap3A_274, %swap3A_275], %swap3A_278 {strides = array<i32>} : memref<128x32xf32, #tpu.memory_space<vmem>>, vector<1x16xf32>,
    }
    %scan3A_142 = arith.constant 128 : i32
    %scan3A_143 = arith.constant 0 : i32
    %scan3A_144 = arith.constant 0 : i32
    %scan3A_145 = arith.constant 5 : i32
    %scan3A_146 = arith.addi %scan3A_144, %scan3A_145 : i32
    %scan3A_147 = arith.constant 1 : i32
    scf.for %scan3A_269 = %scan3A_144 to %scan3A_146 step %scan3A_147  : i32 {
      %mul3A_270 = arith.constant 128 : i32
      %mul3A_271 = arith.muli %scan3A_269, %mul3A_270 : i32
      %add3A_272 = arith.addi %mul3A_132, %mul3A_271 : i32
      "tpu.region"() ({
        %run_scoped3A = tpu.sem_alloc : memref<!tpu.dma_semaphore, #tpu.memory_space<semaphore_mem>>
        %dma_start3A_273 = arith.constant 0 : i32
        %dma_start3A_274 = tpu.memref_slice %arg13[%add3A_272, %dma_start3A_273] : memref<10240x32xf32, #tpu.memory_space<vmem_shared>> -> memref<128x32xf32, #tpu.memory_space<vmem_shared>>
        %dma_start3A_275 = arith.constant 0 : i32
        %dma_start3A_276 = tpu.memref_slice %arg13[%add3A_272, %dma_start3A_275] : memref<10240x32xf32, #tpu.memory_space<vmem_shared>> -> memref<128x32xf32, #tpu.memory_space<vmem_shared>>
        tpu.enqueue_dma source(%arg8 : memref<128x32xf32, #tpu.memory_space<vmem>>) target(%dma_start3A_276 : memref<128x32xf32, #tpu.memory_space<vmem_shared>>) target_semaphore(%run_scoped3A : memref<!tpu.dma_semaphore, #tpu.memory_space<semaphore_mem>>)
        %dma_wait3A_277 = arith.constant 0 : i32
        %dma_wait3A_278 = tpu.memref_slice %arg13[%add3A_272, %dma_wait3A_277] : memref<10240x32xf32, #tpu.memory_space<vmem_shared>> -> memref<128x32xf32, #tpu.memory_space<vmem_shared>>
        %dma_wait3A_279 = arith.constant 0 : i32
        %dma_wait3A_280 = tpu.memref_slice %arg13[%add3A_272, %dma_wait3A_279] : memref<10240x32xf32, #tpu.memory_space<vmem_shared>> -> memref<128x32xf32, #tpu.memory_space<vmem_shared>>
        tpu.wait_dma2 semaphore(%run_scoped3A : memref<!tpu.dma_semaphore, #tpu.memory_space<semaphore_mem>>) src(%arg8 : memref<128x32xf32, #tpu.memory_space<vmem>>) dst(%dma_wait3A_280 : memref<128x32xf32, #tpu.memory_space<vmem_shared>>)
        tpu.yield
      }) : () -> ()
    }
    %scan3A_148 = arith.constant 5 : i32
    "tpu.region"() ({
      %run_scoped3A = tpu.sem_alloc : memref<!tpu.dma_semaphore, #tpu.memory_space<semaphore_mem>>
      %dma_start3A_269 = arith.constant 0 : i32
      %dma_start3A_270 = tpu.memref_slice %arg12[%mul3A_132, %dma_start3A_269] : memref<10240x32xf32, #tpu.memory_space<vmem_shared>> -> memref<640x32xf32, #tpu.memory_space<vmem_shared>>
      %dma_start3A_271 = arith.constant 0 : i32
      %dma_start3A_272 = arith.constant 0 : i32
      %dma_start3A_273 = tpu.memref_slice %arg2[%add3A_134, %dma_start3A_271, %dma_start3A_272] : memref<4x10240x32xf32, #tpu.memory_space<hbm>> -> memref<1x10240x32xf32, #tpu.memory_space<hbm>>
      %dma_start3A_274 = tpu.memref_squeeze %dma_start3A_273 : memref<1x10240x32xf32, #tpu.memory_space<hbm>> -> memref<10240x32xf32, #tpu.memory_space<hbm>>
      %dma_start3A_275 = arith.constant 0 : i32
      %dma_start3A_276 = tpu.memref_slice %dma_start3A_274[%mul3A_132, %dma_start3A_275] : memref<10240x32xf32, #tpu.memory_space<hbm>> -> memref<640x32xf32, #tpu.memory_space<hbm>>
      tpu.enqueue_dma source(%dma_start3A_276 : memref<640x32xf32, #tpu.memory_space<hbm>>) target(%dma_start3A_270 : memref<640x32xf32, #tpu.memory_space<vmem_shared>>) target_semaphore(%run_scoped3A : memref<!tpu.dma_semaphore, #tpu.memory_space<semaphore_mem>>)
      %dma_wait3A_277 = arith.constant 0 : i32
      %dma_wait3A_278 = tpu.memref_slice %arg12[%mul3A_132, %dma_wait3A_277] : memref<10240x32xf32, #tpu.memory_space<vmem_shared>> -> memref<640x32xf32, #tpu.memory_space<vmem_shared>>
      %dma_wait3A_279 = arith.constant 0 : i32
      %dma_wait3A_280 = arith.constant 0 : i32
      %dma_wait3A_281 = tpu.memref_slice %arg2[%add3A_134, %dma_wait3A_279, %dma_wait3A_280] : memref<4x10240x32xf32, #tpu.memory_space<hbm>> -> memref<1x10240x32xf32, #tpu.memory_space<hbm>>
      %dma_wait3A_282 = tpu.memref_squeeze %dma_wait3A_281 : memref<1x10240x32xf32, #tpu.memory_space<hbm>> -> memref<10240x32xf32, #tpu.memory_space<hbm>>
      %dma_wait3A_283 = arith.constant 0 : i32
      %dma_wait3A_284 = tpu.memref_slice %dma_wait3A_282[%mul3A_132, %dma_wait3A_283] : memref<10240x32xf32, #tpu.memory_space<hbm>> -> memref<640x32xf32, #tpu.memory_space<hbm>>
      tpu.wait_dma2 semaphore(%run_scoped3A : memref<!tpu.dma_semaphore, #tpu.memory_space<semaphore_mem>>) src(%dma_wait3A_284 : memref<640x32xf32, #tpu.memory_space<hbm>>) dst(%dma_wait3A_278 : memref<640x32xf32, #tpu.memory_space<vmem_shared>>)
      tpu.yield
    }) : () -> ()
    %barrier3A_149 = arith.constant 0 : index
    tpu.barrier barrier_id(%barrier3A_149)
    %dma_start3A_150 = arith.constant 0 : i32
    %dma_start3A_151 = arith.constant 0 : i32
    %dma_start3A_152 = tpu.memref_slice %arg6[%dma_start3A_150, %dma_start3A_151] : memref<160x128xi32, #tpu.memory_space<vmem>> -> memref<1x128xi32, #tpu.memory_space<vmem>>
    %dma_start3A_153 = tpu.memref_squeeze %dma_start3A_152 : memref<1x128xi32, #tpu.memory_space<vmem>> -> memref<128xi32, #tpu.memory_space<vmem>>
    %dma_start3A_154 = arith.constant 0 : i32
    %dma_start3A_155 = arith.constant 0 : i32
    %dma_start3A_156 = tpu.memref_slice %arg12[%dma_start3A_154, %dma_start3A_155] : memref<10240x32xf32, #tpu.memory_space<vmem_shared>> -> memref<10240x32xf32, #tpu.memory_space<vmem_shared>>
    tpu.enqueue_indirect_dma source(%dma_start3A_156 : memref<10240x32xf32, #tpu.memory_space<vmem_shared>>) target(%arg8 : memref<128x32xf32, #tpu.memory_space<vmem>>) offsets(%dma_start3A_153 : memref<128xi32, #tpu.memory_space<vmem>>) semaphore(%arg14 : memref<!tpu.dma_semaphore, #tpu.memory_space<semaphore_mem>>)
    %dma_start3A_157 = arith.constant 1 : i32
    %dma_start3A_158 = arith.constant 0 : i32
    %dma_start3A_159 = tpu.memref_slice %arg6[%dma_start3A_157, %dma_start3A_158] : memref<160x128xi32, #tpu.memory_space<vmem>> -> memref<1x128xi32, #tpu.memory_space<vmem>>
    %dma_start3A_160 = tpu.memref_squeeze %dma_start3A_159 : memref<1x128xi32, #tpu.memory_space<vmem>> -> memref<128xi32, #tpu.memory_space<vmem>>
    %dma_start3A_161 = arith.constant 0 : i32
    %dma_start3A_162 = arith.constant 0 : i32
    %dma_start3A_163 = tpu.memref_slice %arg12[%dma_start3A_161, %dma_start3A_162] : memref<10240x32xf32, #tpu.memory_space<vmem_shared>> -> memref<10240x32xf32, #tpu.memory_space<vmem_shared>>
    tpu.enqueue_indirect_dma source(%dma_start3A_163 : memref<10240x32xf32, #tpu.memory_space<vmem_shared>>) target(%arg9 : memref<128x32xf32, #tpu.memory_space<vmem>>) offsets(%dma_start3A_160 : memref<128xi32, #tpu.memory_space<vmem>>) semaphore(%arg15 : memref<!tpu.dma_semaphore, #tpu.memory_space<semaphore_mem>>)
    %dma_start3A_164 = arith.constant 2 : i32
    %dma_start3A_165 = arith.constant 0 : i32
    %dma_start3A_166 = tpu.memref_slice %arg6[%dma_start3A_164, %dma_start3A_165] : memref<160x128xi32, #tpu.memory_space<vmem>> -> memref<1x128xi32, #tpu.memory_space<vmem>>
    %dma_start3A_167 = tpu.memref_squeeze %dma_start3A_166 : memref<1x128xi32, #tpu.memory_space<vmem>> -> memref<128xi32, #tpu.memory_space<vmem>>
    %dma_start3A_168 = arith.constant 0 : i32
    %dma_start3A_169 = arith.constant 0 : i32
    %dma_start3A_170 = tpu.memref_slice %arg12[%dma_start3A_168, %dma_start3A_169] : memref<10240x32xf32, #tpu.memory_space<vmem_shared>> -> memref<10240x32xf32, #tpu.memory_space<vmem_shared>>
    tpu.enqueue_indirect_dma source(%dma_start3A_170 : memref<10240x32xf32, #tpu.memory_space<vmem_shared>>) target(%arg10 : memref<128x32xf32, #tpu.memory_space<vmem>>) offsets(%dma_start3A_167 : memref<128xi32, #tpu.memory_space<vmem>>) semaphore(%arg16 : memref<!tpu.dma_semaphore, #tpu.memory_space<semaphore_mem>>)
    %dma_start3A_171 = arith.constant 3 : i32
    %dma_start3A_172 = arith.constant 0 : i32
    %dma_start3A_173 = tpu.memref_slice %arg6[%dma_start3A_171, %dma_start3A_172] : memref<160x128xi32, #tpu.memory_space<vmem>> -> memref<1x128xi32, #tpu.memory_space<vmem>>
    %dma_start3A_174 = tpu.memref_squeeze %dma_start3A_173 : memref<1x128xi32, #tpu.memory_space<vmem>> -> memref<128xi32, #tpu.memory_space<vmem>>
    %dma_start3A_175 = arith.constant 0 : i32
    %dma_start3A_176 = arith.constant 0 : i32
    %dma_start3A_177 = tpu.memref_slice %arg12[%dma_start3A_175, %dma_start3A_176] : memref<10240x32xf32, #tpu.memory_space<vmem_shared>> -> memref<10240x32xf32, #tpu.memory_space<vmem_shared>>
    tpu.enqueue_indirect_dma source(%dma_start3A_177 : memref<10240x32xf32, #tpu.memory_space<vmem_shared>>) target(%arg11 : memref<128x32xf32, #tpu.memory_space<vmem>>) offsets(%dma_start3A_174 : memref<128xi32, #tpu.memory_space<vmem>>) semaphore(%arg17 : memref<!tpu.dma_semaphore, #tpu.memory_space<semaphore_mem>>)
    %dma_start3A_178 = arith.constant 4 : i32
    %dma_start3A_179 = arith.constant 0 : i32
    %dma_start3A_180 = tpu.memref_slice %arg6[%dma_start3A_178, %dma_start3A_179] : memref<160x128xi32, #tpu.memory_space<vmem>> -> memref<1x128xi32, #tpu.memory_space<vmem>>
    %dma_start3A_181 = tpu.memref_squeeze %dma_start3A_180 : memref<1x128xi32, #tpu.memory_space<vmem>> -> memref<128xi32, #tpu.memory_space<vmem>>
    %dma_start3A_182 = arith.constant 0 : i32
    %dma_start3A_183 = arith.constant 0 : i32
    %dma_start3A_184 = tpu.memref_slice %arg12[%dma_start3A_182, %dma_start3A_183] : memref<10240x32xf32, #tpu.memory_space<vmem_shared>> -> memref<10240x32xf32, #tpu.memory_space<vmem_shared>>
    tpu.enqueue_indirect_dma source(%dma_start3A_184 : memref<10240x32xf32, #tpu.memory_space<vmem_shared>>) target(%arg22 : memref<128x32xf32, #tpu.memory_space<vmem>>) offsets(%dma_start3A_181 : memref<128xi32, #tpu.memory_space<vmem>>) semaphore(%arg26 : memref<!tpu.dma_semaphore, #tpu.memory_space<semaphore_mem>>)
    %dma_start3A_185 = arith.constant 5 : i32
    %dma_start3A_186 = arith.constant 0 : i32
    %dma_start3A_187 = tpu.memref_slice %arg6[%dma_start3A_185, %dma_start3A_186] : memref<160x128xi32, #tpu.memory_space<vmem>> -> memref<1x128xi32, #tpu.memory_space<vmem>>
    %dma_start3A_188 = tpu.memref_squeeze %dma_start3A_187 : memref<1x128xi32, #tpu.memory_space<vmem>> -> memref<128xi32, #tpu.memory_space<vmem>>
    %dma_start3A_189 = arith.constant 0 : i32
    %dma_start3A_190 = arith.constant 0 : i32
    %dma_start3A_191 = tpu.memref_slice %arg12[%dma_start3A_189, %dma_start3A_190] : memref<10240x32xf32, #tpu.memory_space<vmem_shared>> -> memref<10240x32xf32, #tpu.memory_space<vmem_shared>>
    tpu.enqueue_indirect_dma source(%dma_start3A_191 : memref<10240x32xf32, #tpu.memory_space<vmem_shared>>) target(%arg23 : memref<128x32xf32, #tpu.memory_space<vmem>>) offsets(%dma_start3A_188 : memref<128xi32, #tpu.memory_space<vmem>>) semaphore(%arg27 : memref<!tpu.dma_semaphore, #tpu.memory_space<semaphore_mem>>)
    %dma_start3A_192 = arith.constant 6 : i32
    %dma_start3A_193 = arith.constant 0 : i32
    %dma_start3A_194 = tpu.memref_slice %arg6[%dma_start3A_192, %dma_start3A_193] : memref<160x128xi32, #tpu.memory_space<vmem>> -> memref<1x128xi32, #tpu.memory_space<vmem>>
    %dma_start3A_195 = tpu.memref_squeeze %dma_start3A_194 : memref<1x128xi32, #tpu.memory_space<vmem>> -> memref<128xi32, #tpu.memory_space<vmem>>
    %dma_start3A_196 = arith.constant 0 : i32
    %dma_start3A_197 = arith.constant 0 : i32
    %dma_start3A_198 = tpu.memref_slice %arg12[%dma_start3A_196, %dma_start3A_197] : memref<10240x32xf32, #tpu.memory_space<vmem_shared>> -> memref<10240x32xf32, #tpu.memory_space<vmem_shared>>
    tpu.enqueue_indirect_dma source(%dma_start3A_198 : memref<10240x32xf32, #tpu.memory_space<vmem_shared>>) target(%arg24 : memref<128x32xf32, #tpu.memory_space<vmem>>) offsets(%dma_start3A_195 : memref<128xi32, #tpu.memory_space<vmem>>) semaphore(%arg28 : memref<!tpu.dma_semaphore, #tpu.memory_space<semaphore_mem>>)
    %dma_start3A_199 = arith.constant 7 : i32
    %dma_start3A_200 = arith.constant 0 : i32
    %dma_start3A_201 = tpu.memref_slice %arg6[%dma_start3A_199, %dma_start3A_200] : memref<160x128xi32, #tpu.memory_space<vmem>> -> memref<1x128xi32, #tpu.memory_space<vmem>>
    %dma_start3A_202 = tpu.memref_squeeze %dma_start3A_201 : memref<1x128xi32, #tpu.memory_space<vmem>> -> memref<128xi32, #tpu.memory_space<vmem>>
    %dma_start3A_203 = arith.constant 0 : i32
    %dma_start3A_204 = arith.constant 0 : i32
    %dma_start3A_205 = tpu.memref_slice %arg12[%dma_start3A_203, %dma_start3A_204] : memref<10240x32xf32, #tpu.memory_space<vmem_shared>> -> memref<10240x32xf32, #tpu.memory_space<vmem_shared>>
    tpu.enqueue_indirect_dma source(%dma_start3A_205 : memref<10240x32xf32, #tpu.memory_space<vmem_shared>>) target(%arg25 : memref<128x32xf32, #tpu.memory_space<vmem>>) offsets(%dma_start3A_202 : memref<128xi32, #tpu.memory_space<vmem>>) semaphore(%arg29 : memref<!tpu.dma_semaphore, #tpu.memory_space<semaphore_mem>>)
    %scan3A_206 = arith.constant 0 : i32
    %scan3A_207 = arith.constant 0 : i32
    %scan3A_208 = arith.constant 20 : i32
    %scan3A_209 = arith.addi %scan3A_207, %scan3A_208 : i32
    %scan3A_210 = arith.constant 1 : i32
    scf.for %scan3A_269 = %scan3A_207 to %scan3A_209 step %scan3A_210  : i32 {
      %mul3A_270 = arith.constant 8 : i32
      %mul3A_271 = arith.muli %mul3A_270, %scan3A_269 : i32
      %add3A_272 = arith.constant 0 : i32
      %add3A_273 = arith.addi %mul3A_271, %add3A_272 : i32
      %dma_wait3A_274 = arith.constant 0 : i32
      %dma_wait3A_275 = tpu.memref_slice %arg6[%add3A_273, %dma_wait3A_274] : memref<160x128xi32, #tpu.memory_space<vmem>> -> memref<1x128xi32, #tpu.memory_space<vmem>>
      %dma_wait3A_276 = tpu.memref_squeeze %dma_wait3A_275 : memref<1x128xi32, #tpu.memory_space<vmem>> -> memref<128xi32, #tpu.memory_space<vmem>>
      %dma_wait3A_277 = arith.constant 0 : i32
      %dma_wait3A_278 = arith.constant 0 : i32
      %dma_wait3A_279 = tpu.memref_slice %arg12[%dma_wait3A_277, %dma_wait3A_278] : memref<10240x32xf32, #tpu.memory_space<vmem_shared>> -> memref<10240x32xf32, #tpu.memory_space<vmem_shared>>
      tpu.wait_indirect_dma semaphore(%arg14 : memref<!tpu.dma_semaphore, #tpu.memory_space<semaphore_mem>>) src(%dma_wait3A_279 : memref<10240x32xf32, #tpu.memory_space<vmem_shared>>) dst(%arg8 : memref<128x32xf32, #tpu.memory_space<vmem>>)
      %add3A_280 = arith.constant 0 : i32
      %add3A_281 = arith.addi %mul3A_271, %add3A_280 : i32
      %dma_start3A_282 = arith.constant 0 : i32
      %dma_start3A_283 = tpu.memref_slice %arg7[%add3A_281, %dma_start3A_282] : memref<160x128xi32, #tpu.memory_space<vmem>> -> memref<1x128xi32, #tpu.memory_space<vmem>>
      %dma_start3A_284 = tpu.memref_squeeze %dma_start3A_283 : memref<1x128xi32, #tpu.memory_space<vmem>> -> memref<128xi32, #tpu.memory_space<vmem>>
      %dma_start3A_285 = arith.constant 0 : i32
      %dma_start3A_286 = arith.constant 0 : i32
      %dma_start3A_287 = tpu.memref_slice %arg13[%dma_start3A_285, %dma_start3A_286] : memref<10240x32xf32, #tpu.memory_space<vmem_shared>> -> memref<10240x32xf32, #tpu.memory_space<vmem_shared>>
      tpu.enqueue_indirect_dma source(%arg8 : memref<128x32xf32, #tpu.memory_space<vmem>>) target(%dma_start3A_287 : memref<10240x32xf32, #tpu.memory_space<vmem_shared>>) offsets(%dma_start3A_284 : memref<128xi32, #tpu.memory_space<vmem>>) semaphore(%arg18 : memref<!tpu.dma_semaphore, #tpu.memory_space<semaphore_mem>>) {add = true}
      %add3A_288 = arith.constant 1 : i32
      %add3A_289 = arith.addi %mul3A_271, %add3A_288 : i32
      %dma_wait3A_290 = arith.constant 0 : i32
      %dma_wait3A_291 = tpu.memref_slice %arg6[%add3A_289, %dma_wait3A_290] : memref<160x128xi32, #tpu.memory_space<vmem>> -> memref<1x128xi32, #tpu.memory_space<vmem>>
      %dma_wait3A_292 = tpu.memref_squeeze %dma_wait3A_291 : memref<1x128xi32, #tpu.memory_space<vmem>> -> memref<128xi32, #tpu.memory_space<vmem>>
      %dma_wait3A_293 = arith.constant 0 : i32
      %dma_wait3A_294 = arith.constant 0 : i32
      %dma_wait3A_295 = tpu.memref_slice %arg12[%dma_wait3A_293, %dma_wait3A_294] : memref<10240x32xf32, #tpu.memory_space<vmem_shared>> -> memref<10240x32xf32, #tpu.memory_space<vmem_shared>>
      tpu.wait_indirect_dma semaphore(%arg15 : memref<!tpu.dma_semaphore, #tpu.memory_space<semaphore_mem>>) src(%dma_wait3A_295 : memref<10240x32xf32, #tpu.memory_space<vmem_shared>>) dst(%arg9 : memref<128x32xf32, #tpu.memory_space<vmem>>)
      %add3A_296 = arith.constant 1 : i32
      %add3A_297 = arith.addi %mul3A_271, %add3A_296 : i32
      %dma_start3A_298 = arith.constant 0 : i32
      %dma_start3A_299 = tpu.memref_slice %arg7[%add3A_297, %dma_start3A_298] : memref<160x128xi32, #tpu.memory_space<vmem>> -> memref<1x128xi32, #tpu.memory_space<vmem>>
      %dma_start3A_300 = tpu.memref_squeeze %dma_start3A_299 : memref<1x128xi32, #tpu.memory_space<vmem>> -> memref<128xi32, #tpu.memory_space<vmem>>
      %dma_start3A_301 = arith.constant 0 : i32
      %dma_start3A_302 = arith.constant 0 : i32
      %dma_start3A_303 = tpu.memref_slice %arg13[%dma_start3A_301, %dma_start3A_302] : memref<10240x32xf32, #tpu.memory_space<vmem_shared>> -> memref<10240x32xf32, #tpu.memory_space<vmem_shared>>
      tpu.enqueue_indirect_dma source(%arg9 : memref<128x32xf32, #tpu.memory_space<vmem>>) target(%dma_start3A_303 : memref<10240x32xf32, #tpu.memory_space<vmem_shared>>) offsets(%dma_start3A_300 : memref<128xi32, #tpu.memory_space<vmem>>) semaphore(%arg19 : memref<!tpu.dma_semaphore, #tpu.memory_space<semaphore_mem>>) {add = true}
      %add3A_304 = arith.constant 2 : i32
      %add3A_305 = arith.addi %mul3A_271, %add3A_304 : i32
      %dma_wait3A_306 = arith.constant 0 : i32
      %dma_wait3A_307 = tpu.memref_slice %arg6[%add3A_305, %dma_wait3A_306] : memref<160x128xi32, #tpu.memory_space<vmem>> -> memref<1x128xi32, #tpu.memory_space<vmem>>
      %dma_wait3A_308 = tpu.memref_squeeze %dma_wait3A_307 : memref<1x128xi32, #tpu.memory_space<vmem>> -> memref<128xi32, #tpu.memory_space<vmem>>
      %dma_wait3A_309 = arith.constant 0 : i32
      %dma_wait3A_310 = arith.constant 0 : i32
      %dma_wait3A_311 = tpu.memref_slice %arg12[%dma_wait3A_309, %dma_wait3A_310] : memref<10240x32xf32, #tpu.memory_space<vmem_shared>> -> memref<10240x32xf32, #tpu.memory_space<vmem_shared>>
      tpu.wait_indirect_dma semaphore(%arg16 : memref<!tpu.dma_semaphore, #tpu.memory_space<semaphore_mem>>) src(%dma_wait3A_311 : memref<10240x32xf32, #tpu.memory_space<vmem_shared>>) dst(%arg10 : memref<128x32xf32, #tpu.memory_space<vmem>>)
      %add3A_312 = arith.constant 2 : i32
      %add3A_313 = arith.addi %mul3A_271, %add3A_312 : i32
      %dma_start3A_314 = arith.constant 0 : i32
      %dma_start3A_315 = tpu.memref_slice %arg7[%add3A_313, %dma_start3A_314] : memref<160x128xi32, #tpu.memory_space<vmem>> -> memref<1x128xi32, #tpu.memory_space<vmem>>
      %dma_start3A_316 = tpu.memref_squeeze %dma_start3A_315 : memref<1x128xi32, #tpu.memory_space<vmem>> -> memref<128xi32, #tpu.memory_space<vmem>>
      %dma_start3A_317 = arith.constant 0 : i32
      %dma_start3A_318 = arith.constant 0 : i32
      %dma_start3A_319 = tpu.memref_slice %arg13[%dma_start3A_317, %dma_start3A_318] : memref<10240x32xf32, #tpu.memory_space<vmem_shared>> -> memref<10240x32xf32, #tpu.memory_space<vmem_shared>>
      tpu.enqueue_indirect_dma source(%arg10 : memref<128x32xf32, #tpu.memory_space<vmem>>) target(%dma_start3A_319 : memref<10240x32xf32, #tpu.memory_space<vmem_shared>>) offsets(%dma_start3A_316 : memref<128xi32, #tpu.memory_space<vmem>>) semaphore(%arg20 : memref<!tpu.dma_semaphore, #tpu.memory_space<semaphore_mem>>) {add = true}
      %add3A_320 = arith.constant 3 : i32
      %add3A_321 = arith.addi %mul3A_271, %add3A_320 : i32
      %dma_wait3A_322 = arith.constant 0 : i32
      %dma_wait3A_323 = tpu.memref_slice %arg6[%add3A_321, %dma_wait3A_322] : memref<160x128xi32, #tpu.memory_space<vmem>> -> memref<1x128xi32, #tpu.memory_space<vmem>>
      %dma_wait3A_324 = tpu.memref_squeeze %dma_wait3A_323 : memref<1x128xi32, #tpu.memory_space<vmem>> -> memref<128xi32, #tpu.memory_space<vmem>>
      %dma_wait3A_325 = arith.constant 0 : i32
      %dma_wait3A_326 = arith.constant 0 : i32
      %dma_wait3A_327 = tpu.memref_slice %arg12[%dma_wait3A_325, %dma_wait3A_326] : memref<10240x32xf32, #tpu.memory_space<vmem_shared>> -> memref<10240x32xf32, #tpu.memory_space<vmem_shared>>
      tpu.wait_indirect_dma semaphore(%arg17 : memref<!tpu.dma_semaphore, #tpu.memory_space<semaphore_mem>>) src(%dma_wait3A_327 : memref<10240x32xf32, #tpu.memory_space<vmem_shared>>) dst(%arg11 : memref<128x32xf32, #tpu.memory_space<vmem>>)
      %add3A_328 = arith.constant 3 : i32
      %add3A_329 = arith.addi %mul3A_271, %add3A_328 : i32
      %dma_start3A_330 = arith.constant 0 : i32
      %dma_start3A_331 = tpu.memref_slice %arg7[%add3A_329, %dma_start3A_330] : memref<160x128xi32, #tpu.memory_space<vmem>> -> memref<1x128xi32, #tpu.memory_space<vmem>>
      %dma_start3A_332 = tpu.memref_squeeze %dma_start3A_331 : memref<1x128xi32, #tpu.memory_space<vmem>> -> memref<128xi32, #tpu.memory_space<vmem>>
      %dma_start3A_333 = arith.constant 0 : i32
      %dma_start3A_334 = arith.constant 0 : i32
      %dma_start3A_335 = tpu.memref_slice %arg13[%dma_start3A_333, %dma_start3A_334] : memref<10240x32xf32, #tpu.memory_space<vmem_shared>> -> memref<10240x32xf32, #tpu.memory_space<vmem_shared>>
      tpu.enqueue_indirect_dma source(%arg11 : memref<128x32xf32, #tpu.memory_space<vmem>>) target(%dma_start3A_335 : memref<10240x32xf32, #tpu.memory_space<vmem_shared>>) offsets(%dma_start3A_332 : memref<128xi32, #tpu.memory_space<vmem>>) semaphore(%arg21 : memref<!tpu.dma_semaphore, #tpu.memory_space<semaphore_mem>>) {add = true}
      %add3A_336 = arith.constant 4 : i32
      %add3A_337 = arith.addi %mul3A_271, %add3A_336 : i32
      %dma_wait3A_338 = arith.constant 0 : i32
      %dma_wait3A_339 = tpu.memref_slice %arg6[%add3A_337, %dma_wait3A_338] : memref<160x128xi32, #tpu.memory_space<vmem>> -> memref<1x128xi32, #tpu.memory_space<vmem>>
      %dma_wait3A_340 = tpu.memref_squeeze %dma_wait3A_339 : memref<1x128xi32, #tpu.memory_space<vmem>> -> memref<128xi32, #tpu.memory_space<vmem>>
      %dma_wait3A_341 = arith.constant 0 : i32
      %dma_wait3A_342 = arith.constant 0 : i32
      %dma_wait3A_343 = tpu.memref_slice %arg12[%dma_wait3A_341, %dma_wait3A_342] : memref<10240x32xf32, #tpu.memory_space<vmem_shared>> -> memref<10240x32xf32, #tpu.memory_space<vmem_shared>>
      tpu.wait_indirect_dma semaphore(%arg26 : memref<!tpu.dma_semaphore, #tpu.memory_space<semaphore_mem>>) src(%dma_wait3A_343 : memref<10240x32xf32, #tpu.memory_space<vmem_shared>>) dst(%arg22 : memref<128x32xf32, #tpu.memory_space<vmem>>)
      %add3A_344 = arith.constant 4 : i32
      %add3A_345 = arith.addi %mul3A_271, %add3A_344 : i32
      %dma_start3A_346 = arith.constant 0 : i32
      %dma_start3A_347 = tpu.memref_slice %arg7[%add3A_345, %dma_start3A_346] : memref<160x128xi32, #tpu.memory_space<vmem>> -> memref<1x128xi32, #tpu.memory_space<vmem>>
      %dma_start3A_348 = tpu.memref_squeeze %dma_start3A_347 : memref<1x128xi32, #tpu.memory_space<vmem>> -> memref<128xi32, #tpu.memory_space<vmem>>
      %dma_start3A_349 = arith.constant 0 : i32
      %dma_start3A_350 = arith.constant 0 : i32
      %dma_start3A_351 = tpu.memref_slice %arg13[%dma_start3A_349, %dma_start3A_350] : memref<10240x32xf32, #tpu.memory_space<vmem_shared>> -> memref<10240x32xf32, #tpu.memory_space<vmem_shared>>
      tpu.enqueue_indirect_dma source(%arg22 : memref<128x32xf32, #tpu.memory_space<vmem>>) target(%dma_start3A_351 : memref<10240x32xf32, #tpu.memory_space<vmem_shared>>) offsets(%dma_start3A_348 : memref<128xi32, #tpu.memory_space<vmem>>) semaphore(%arg30 : memref<!tpu.dma_semaphore, #tpu.memory_space<semaphore_mem>>) {add = true}
      %add3A_352 = arith.constant 5 : i32
      %add3A_353 = arith.addi %mul3A_271, %add3A_352 : i32
      %dma_wait3A_354 = arith.constant 0 : i32
      %dma_wait3A_355 = tpu.memref_slice %arg6[%add3A_353, %dma_wait3A_354] : memref<160x128xi32, #tpu.memory_space<vmem>> -> memref<1x128xi32, #tpu.memory_space<vmem>>
      %dma_wait3A_356 = tpu.memref_squeeze %dma_wait3A_355 : memref<1x128xi32, #tpu.memory_space<vmem>> -> memref<128xi32, #tpu.memory_space<vmem>>
      %dma_wait3A_357 = arith.constant 0 : i32
      %dma_wait3A_358 = arith.constant 0 : i32
      %dma_wait3A_359 = tpu.memref_slice %arg12[%dma_wait3A_357, %dma_wait3A_358] : memref<10240x32xf32, #tpu.memory_space<vmem_shared>> -> memref<10240x32xf32, #tpu.memory_space<vmem_shared>>
      tpu.wait_indirect_dma semaphore(%arg27 : memref<!tpu.dma_semaphore, #tpu.memory_space<semaphore_mem>>) src(%dma_wait3A_359 : memref<10240x32xf32, #tpu.memory_space<vmem_shared>>) dst(%arg23 : memref<128x32xf32, #tpu.memory_space<vmem>>)
      %add3A_360 = arith.constant 5 : i32
      %add3A_361 = arith.addi %mul3A_271, %add3A_360 : i32
      %dma_start3A_362 = arith.constant 0 : i32
      %dma_start3A_363 = tpu.memref_slice %arg7[%add3A_361, %dma_start3A_362] : memref<160x128xi32, #tpu.memory_space<vmem>> -> memref<1x128xi32, #tpu.memory_space<vmem>>
      %dma_start3A_364 = tpu.memref_squeeze %dma_start3A_363 : memref<1x128xi32, #tpu.memory_space<vmem>> -> memref<128xi32, #tpu.memory_space<vmem>>
      %dma_start3A_365 = arith.constant 0 : i32
      %dma_start3A_366 = arith.constant 0 : i32
      %dma_start3A_367 = tpu.memref_slice %arg13[%dma_start3A_365, %dma_start3A_366] : memref<10240x32xf32, #tpu.memory_space<vmem_shared>> -> memref<10240x32xf32, #tpu.memory_space<vmem_shared>>
      tpu.enqueue_indirect_dma source(%arg23 : memref<128x32xf32, #tpu.memory_space<vmem>>) target(%dma_start3A_367 : memref<10240x32xf32, #tpu.memory_space<vmem_shared>>) offsets(%dma_start3A_364 : memref<128xi32, #tpu.memory_space<vmem>>) semaphore(%arg31 : memref<!tpu.dma_semaphore, #tpu.memory_space<semaphore_mem>>) {add = true}
      %add3A_368 = arith.constant 6 : i32
      %add3A_369 = arith.addi %mul3A_271, %add3A_368 : i32
      %dma_wait3A_370 = arith.constant 0 : i32
      %dma_wait3A_371 = tpu.memref_slice %arg6[%add3A_369, %dma_wait3A_370] : memref<160x128xi32, #tpu.memory_space<vmem>> -> memref<1x128xi32, #tpu.memory_space<vmem>>
      %dma_wait3A_372 = tpu.memref_squeeze %dma_wait3A_371 : memref<1x128xi32, #tpu.memory_space<vmem>> -> memref<128xi32, #tpu.memory_space<vmem>>
      %dma_wait3A_373 = arith.constant 0 : i32
      %dma_wait3A_374 = arith.constant 0 : i32
      %dma_wait3A_375 = tpu.memref_slice %arg12[%dma_wait3A_373, %dma_wait3A_374] : memref<10240x32xf32, #tpu.memory_space<vmem_shared>> -> memref<10240x32xf32, #tpu.memory_space<vmem_shared>>
      tpu.wait_indirect_dma semaphore(%arg28 : memref<!tpu.dma_semaphore, #tpu.memory_space<semaphore_mem>>) src(%dma_wait3A_375 : memref<10240x32xf32, #tpu.memory_space<vmem_shared>>) dst(%arg24 : memref<128x32xf32, #tpu.memory_space<vmem>>)
      %add3A_376 = arith.constant 6 : i32
      %add3A_377 = arith.addi %mul3A_271, %add3A_376 : i32
      %dma_start3A_378 = arith.constant 0 : i32
      %dma_start3A_379 = tpu.memref_slice %arg7[%add3A_377, %dma_start3A_378] : memref<160x128xi32, #tpu.memory_space<vmem>> -> memref<1x128xi32, #tpu.memory_space<vmem>>
      %dma_start3A_380 = tpu.memref_squeeze %dma_start3A_379 : memref<1x128xi32, #tpu.memory_space<vmem>> -> memref<128xi32, #tpu.memory_space<vmem>>
      %dma_start3A_381 = arith.constant 0 : i32
      %dma_start3A_382 = arith.constant 0 : i32
      %dma_start3A_383 = tpu.memref_slice %arg13[%dma_start3A_381, %dma_start3A_382] : memref<10240x32xf32, #tpu.memory_space<vmem_shared>> -> memref<10240x32xf32, #tpu.memory_space<vmem_shared>>
      tpu.enqueue_indirect_dma source(%arg24 : memref<128x32xf32, #tpu.memory_space<vmem>>) target(%dma_start3A_383 : memref<10240x32xf32, #tpu.memory_space<vmem_shared>>) offsets(%dma_start3A_380 : memref<128xi32, #tpu.memory_space<vmem>>) semaphore(%arg32 : memref<!tpu.dma_semaphore, #tpu.memory_space<semaphore_mem>>) {add = true}
      %add3A_384 = arith.constant 7 : i32
      %add3A_385 = arith.addi %mul3A_271, %add3A_384 : i32
      %dma_wait3A_386 = arith.constant 0 : i32
      %dma_wait3A_387 = tpu.memref_slice %arg6[%add3A_385, %dma_wait3A_386] : memref<160x128xi32, #tpu.memory_space<vmem>> -> memref<1x128xi32, #tpu.memory_space<vmem>>
      %dma_wait3A_388 = tpu.memref_squeeze %dma_wait3A_387 : memref<1x128xi32, #tpu.memory_space<vmem>> -> memref<128xi32, #tpu.memory_space<vmem>>
      %dma_wait3A_389 = arith.constant 0 : i32
      %dma_wait3A_390 = arith.constant 0 : i32
      %dma_wait3A_391 = tpu.memref_slice %arg12[%dma_wait3A_389, %dma_wait3A_390] : memref<10240x32xf32, #tpu.memory_space<vmem_shared>> -> memref<10240x32xf32, #tpu.memory_space<vmem_shared>>
      tpu.wait_indirect_dma semaphore(%arg29 : memref<!tpu.dma_semaphore, #tpu.memory_space<semaphore_mem>>) src(%dma_wait3A_391 : memref<10240x32xf32, #tpu.memory_space<vmem_shared>>) dst(%arg25 : memref<128x32xf32, #tpu.memory_space<vmem>>)
      %add3A_392 = arith.constant 7 : i32
      %add3A_393 = arith.addi %mul3A_271, %add3A_392 : i32
      %dma_start3A_394 = arith.constant 0 : i32
      %dma_start3A_395 = tpu.memref_slice %arg7[%add3A_393, %dma_start3A_394] : memref<160x128xi32, #tpu.memory_space<vmem>> -> memref<1x128xi32, #tpu.memory_space<vmem>>
      %dma_start3A_396 = tpu.memref_squeeze %dma_start3A_395 : memref<1x128xi32, #tpu.memory_space<vmem>> -> memref<128xi32, #tpu.memory_space<vmem>>
      %dma_start3A_397 = arith.constant 0 : i32
      %dma_start3A_398 = arith.constant 0 : i32
      %dma_start3A_399 = tpu.memref_slice %arg13[%dma_start3A_397, %dma_start3A_398] : memref<10240x32xf32, #tpu.memory_space<vmem_shared>> -> memref<10240x32xf32, #tpu.memory_space<vmem_shared>>
      tpu.enqueue_indirect_dma source(%arg25 : memref<128x32xf32, #tpu.memory_space<vmem>>) target(%dma_start3A_399 : memref<10240x32xf32, #tpu.memory_space<vmem_shared>>) offsets(%dma_start3A_396 : memref<128xi32, #tpu.memory_space<vmem>>) semaphore(%arg33 : memref<!tpu.dma_semaphore, #tpu.memory_space<semaphore_mem>>) {add = true}
      %lt3A = arith.constant 19 : i32
      %lt3A_400 = arith.cmpi slt, %scan3A_269, %lt3A : i32
      %convert_element_type3A = arith.extui %lt3A_400 : i1 to i32
      %cond3A = arith.constant 0 : i32
      %cond3A_401 = arith.cmpi ne, %convert_element_type3A, %cond3A : i32
      scf.if %cond3A_401 {
        %add3A_402 = arith.constant 0 : i32
        %add3A_403 = arith.addi %mul3A_271, %add3A_402 : i32
        %dma_wait3A_404 = arith.constant 0 : i32
        %dma_wait3A_405 = tpu.memref_slice %arg7[%add3A_403, %dma_wait3A_404] : memref<160x128xi32, #tpu.memory_space<vmem>> -> memref<1x128xi32, #tpu.memory_space<vmem>>
        %dma_wait3A_406 = tpu.memref_squeeze %dma_wait3A_405 : memref<1x128xi32, #tpu.memory_space<vmem>> -> memref<128xi32, #tpu.memory_space<vmem>>
        %dma_wait3A_407 = arith.constant 0 : i32
        %dma_wait3A_408 = arith.constant 0 : i32
        %dma_wait3A_409 = tpu.memref_slice %arg13[%dma_wait3A_407, %dma_wait3A_408] : memref<10240x32xf32, #tpu.memory_space<vmem_shared>> -> memref<10240x32xf32, #tpu.memory_space<vmem_shared>>
        tpu.wait_indirect_dma semaphore(%arg18 : memref<!tpu.dma_semaphore, #tpu.memory_space<semaphore_mem>>) src(%arg8 : memref<128x32xf32, #tpu.memory_space<vmem>>) dst(%dma_wait3A_409 : memref<10240x32xf32, #tpu.memory_space<vmem_shared>>)
        %add3A_410 = arith.constant 8 : i32
        %add3A_411 = arith.addi %mul3A_271, %add3A_410 : i32
        %add3A_412 = arith.constant 0 : i32
        %add3A_413 = arith.addi %add3A_411, %add3A_412 : i32
        %dma_start3A_414 = arith.constant 0 : i32
        %dma_start3A_415 = tpu.memref_slice %arg6[%add3A_413, %dma_start3A_414] : memref<160x128xi32, #tpu.memory_space<vmem>> -> memref<1x128xi32, #tpu.memory_space<vmem>>
        %dma_start3A_416 = tpu.memref_squeeze %dma_start3A_415 : memref<1x128xi32, #tpu.memory_space<vmem>> -> memref<128xi32, #tpu.memory_space<vmem>>
        %dma_start3A_417 = arith.constant 0 : i32
        %dma_start3A_418 = arith.constant 0 : i32
        %dma_start3A_419 = tpu.memref_slice %arg12[%dma_start3A_417, %dma_start3A_418] : memref<10240x32xf32, #tpu.memory_space<vmem_shared>> -> memref<10240x32xf32, #tpu.memory_space<vmem_shared>>
        tpu.enqueue_indirect_dma source(%dma_start3A_419 : memref<10240x32xf32, #tpu.memory_space<vmem_shared>>) target(%arg8 : memref<128x32xf32, #tpu.memory_space<vmem>>) offsets(%dma_start3A_416 : memref<128xi32, #tpu.memory_space<vmem>>) semaphore(%arg14 : memref<!tpu.dma_semaphore, #tpu.memory_space<semaphore_mem>>)
        %add3A_420 = arith.constant 1 : i32
        %add3A_421 = arith.addi %mul3A_271, %add3A_420 : i32
        %dma_wait3A_422 = arith.constant 0 : i32
        %dma_wait3A_423 = tpu.memref_slice %arg7[%add3A_421, %dma_wait3A_422] : memref<160x128xi32, #tpu.memory_space<vmem>> -> memref<1x128xi32, #tpu.memory_space<vmem>>
        %dma_wait3A_424 = tpu.memref_squeeze %dma_wait3A_423 : memref<1x128xi32, #tpu.memory_space<vmem>> -> memref<128xi32, #tpu.memory_space<vmem>>
        %dma_wait3A_425 = arith.constant 0 : i32
        %dma_wait3A_426 = arith.constant 0 : i32
        %dma_wait3A_427 = tpu.memref_slice %arg13[%dma_wait3A_425, %dma_wait3A_426] : memref<10240x32xf32, #tpu.memory_space<vmem_shared>> -> memref<10240x32xf32, #tpu.memory_space<vmem_shared>>
        tpu.wait_indirect_dma semaphore(%arg19 : memref<!tpu.dma_semaphore, #tpu.memory_space<semaphore_mem>>) src(%arg9 : memref<128x32xf32, #tpu.memory_space<vmem>>) dst(%dma_wait3A_427 : memref<10240x32xf32, #tpu.memory_space<vmem_shared>>)
        %add3A_428 = arith.constant 8 : i32
        %add3A_429 = arith.addi %mul3A_271, %add3A_428 : i32
        %add3A_430 = arith.constant 1 : i32
        %add3A_431 = arith.addi %add3A_429, %add3A_430 : i32
        %dma_start3A_432 = arith.constant 0 : i32
        %dma_start3A_433 = tpu.memref_slice %arg6[%add3A_431, %dma_start3A_432] : memref<160x128xi32, #tpu.memory_space<vmem>> -> memref<1x128xi32, #tpu.memory_space<vmem>>
        %dma_start3A_434 = tpu.memref_squeeze %dma_start3A_433 : memref<1x128xi32, #tpu.memory_space<vmem>> -> memref<128xi32, #tpu.memory_space<vmem>>
        %dma_start3A_435 = arith.constant 0 : i32
        %dma_start3A_436 = arith.constant 0 : i32
        %dma_start3A_437 = tpu.memref_slice %arg12[%dma_start3A_435, %dma_start3A_436] : memref<10240x32xf32, #tpu.memory_space<vmem_shared>> -> memref<10240x32xf32, #tpu.memory_space<vmem_shared>>
        tpu.enqueue_indirect_dma source(%dma_start3A_437 : memref<10240x32xf32, #tpu.memory_space<vmem_shared>>) target(%arg9 : memref<128x32xf32, #tpu.memory_space<vmem>>) offsets(%dma_start3A_434 : memref<128xi32, #tpu.memory_space<vmem>>) semaphore(%arg15 : memref<!tpu.dma_semaphore, #tpu.memory_space<semaphore_mem>>)
        %add3A_438 = arith.constant 2 : i32
        %add3A_439 = arith.addi %mul3A_271, %add3A_438 : i32
        %dma_wait3A_440 = arith.constant 0 : i32
        %dma_wait3A_441 = tpu.memref_slice %arg7[%add3A_439, %dma_wait3A_440] : memref<160x128xi32, #tpu.memory_space<vmem>> -> memref<1x128xi32, #tpu.memory_space<vmem>>
        %dma_wait3A_442 = tpu.memref_squeeze %dma_wait3A_441 : memref<1x128xi32, #tpu.memory_space<vmem>> -> memref<128xi32, #tpu.memory_space<vmem>>
        %dma_wait3A_443 = arith.constant 0 : i32
        %dma_wait3A_444 = arith.constant 0 : i32
        %dma_wait3A_445 = tpu.memref_slice %arg13[%dma_wait3A_443, %dma_wait3A_444] : memref<10240x32xf32, #tpu.memory_space<vmem_shared>> -> memref<10240x32xf32, #tpu.memory_space<vmem_shared>>
        tpu.wait_indirect_dma semaphore(%arg20 : memref<!tpu.dma_semaphore, #tpu.memory_space<semaphore_mem>>) src(%arg10 : memref<128x32xf32, #tpu.memory_space<vmem>>) dst(%dma_wait3A_445 : memref<10240x32xf32, #tpu.memory_space<vmem_shared>>)
        %add3A_446 = arith.constant 8 : i32
        %add3A_447 = arith.addi %mul3A_271, %add3A_446 : i32
        %add3A_448 = arith.constant 2 : i32
        %add3A_449 = arith.addi %add3A_447, %add3A_448 : i32
        %dma_start3A_450 = arith.constant 0 : i32
        %dma_start3A_451 = tpu.memref_slice %arg6[%add3A_449, %dma_start3A_450] : memref<160x128xi32, #tpu.memory_space<vmem>> -> memref<1x128xi32, #tpu.memory_space<vmem>>
        %dma_start3A_452 = tpu.memref_squeeze %dma_start3A_451 : memref<1x128xi32, #tpu.memory_space<vmem>> -> memref<128xi32, #tpu.memory_space<vmem>>
        %dma_start3A_453 = arith.constant 0 : i32
        %dma_start3A_454 = arith.constant 0 : i32
        %dma_start3A_455 = tpu.memref_slice %arg12[%dma_start3A_453, %dma_start3A_454] : memref<10240x32xf32, #tpu.memory_space<vmem_shared>> -> memref<10240x32xf32, #tpu.memory_space<vmem_shared>>
        tpu.enqueue_indirect_dma source(%dma_start3A_455 : memref<10240x32xf32, #tpu.memory_space<vmem_shared>>) target(%arg10 : memref<128x32xf32, #tpu.memory_space<vmem>>) offsets(%dma_start3A_452 : memref<128xi32, #tpu.memory_space<vmem>>) semaphore(%arg16 : memref<!tpu.dma_semaphore, #tpu.memory_space<semaphore_mem>>)
        %add3A_456 = arith.constant 3 : i32
        %add3A_457 = arith.addi %mul3A_271, %add3A_456 : i32
        %dma_wait3A_458 = arith.constant 0 : i32
        %dma_wait3A_459 = tpu.memref_slice %arg7[%add3A_457, %dma_wait3A_458] : memref<160x128xi32, #tpu.memory_space<vmem>> -> memref<1x128xi32, #tpu.memory_space<vmem>>
        %dma_wait3A_460 = tpu.memref_squeeze %dma_wait3A_459 : memref<1x128xi32, #tpu.memory_space<vmem>> -> memref<128xi32, #tpu.memory_space<vmem>>
        %dma_wait3A_461 = arith.constant 0 : i32
        %dma_wait3A_462 = arith.constant 0 : i32
        %dma_wait3A_463 = tpu.memref_slice %arg13[%dma_wait3A_461, %dma_wait3A_462] : memref<10240x32xf32, #tpu.memory_space<vmem_shared>> -> memref<10240x32xf32, #tpu.memory_space<vmem_shared>>
        tpu.wait_indirect_dma semaphore(%arg21 : memref<!tpu.dma_semaphore, #tpu.memory_space<semaphore_mem>>) src(%arg11 : memref<128x32xf32, #tpu.memory_space<vmem>>) dst(%dma_wait3A_463 : memref<10240x32xf32, #tpu.memory_space<vmem_shared>>)
        %add3A_464 = arith.constant 8 : i32
        %add3A_465 = arith.addi %mul3A_271, %add3A_464 : i32
        %add3A_466 = arith.constant 3 : i32
        %add3A_467 = arith.addi %add3A_465, %add3A_466 : i32
        %dma_start3A_468 = arith.constant 0 : i32
        %dma_start3A_469 = tpu.memref_slice %arg6[%add3A_467, %dma_start3A_468] : memref<160x128xi32, #tpu.memory_space<vmem>> -> memref<1x128xi32, #tpu.memory_space<vmem>>
        %dma_start3A_470 = tpu.memref_squeeze %dma_start3A_469 : memref<1x128xi32, #tpu.memory_space<vmem>> -> memref<128xi32, #tpu.memory_space<vmem>>
        %dma_start3A_471 = arith.constant 0 : i32
        %dma_start3A_472 = arith.constant 0 : i32
        %dma_start3A_473 = tpu.memref_slice %arg12[%dma_start3A_471, %dma_start3A_472] : memref<10240x32xf32, #tpu.memory_space<vmem_shared>> -> memref<10240x32xf32, #tpu.memory_space<vmem_shared>>
        tpu.enqueue_indirect_dma source(%dma_start3A_473 : memref<10240x32xf32, #tpu.memory_space<vmem_shared>>) target(%arg11 : memref<128x32xf32, #tpu.memory_space<vmem>>) offsets(%dma_start3A_470 : memref<128xi32, #tpu.memory_space<vmem>>) semaphore(%arg17 : memref<!tpu.dma_semaphore, #tpu.memory_space<semaphore_mem>>)
        %add3A_474 = arith.constant 4 : i32
        %add3A_475 = arith.addi %mul3A_271, %add3A_474 : i32
        %dma_wait3A_476 = arith.constant 0 : i32
        %dma_wait3A_477 = tpu.memref_slice %arg7[%add3A_475, %dma_wait3A_476] : memref<160x128xi32, #tpu.memory_space<vmem>> -> memref<1x128xi32, #tpu.memory_space<vmem>>
        %dma_wait3A_478 = tpu.memref_squeeze %dma_wait3A_477 : memref<1x128xi32, #tpu.memory_space<vmem>> -> memref<128xi32, #tpu.memory_space<vmem>>
        %dma_wait3A_479 = arith.constant 0 : i32
        %dma_wait3A_480 = arith.constant 0 : i32
        %dma_wait3A_481 = tpu.memref_slice %arg13[%dma_wait3A_479, %dma_wait3A_480] : memref<10240x32xf32, #tpu.memory_space<vmem_shared>> -> memref<10240x32xf32, #tpu.memory_space<vmem_shared>>
        tpu.wait_indirect_dma semaphore(%arg30 : memref<!tpu.dma_semaphore, #tpu.memory_space<semaphore_mem>>) src(%arg22 : memref<128x32xf32, #tpu.memory_space<vmem>>) dst(%dma_wait3A_481 : memref<10240x32xf32, #tpu.memory_space<vmem_shared>>)
        %add3A_482 = arith.constant 8 : i32
        %add3A_483 = arith.addi %mul3A_271, %add3A_482 : i32
        %add3A_484 = arith.constant 4 : i32
        %add3A_485 = arith.addi %add3A_483, %add3A_484 : i32
        %dma_start3A_486 = arith.constant 0 : i32
        %dma_start3A_487 = tpu.memref_slice %arg6[%add3A_485, %dma_start3A_486] : memref<160x128xi32, #tpu.memory_space<vmem>> -> memref<1x128xi32, #tpu.memory_space<vmem>>
        %dma_start3A_488 = tpu.memref_squeeze %dma_start3A_487 : memref<1x128xi32, #tpu.memory_space<vmem>> -> memref<128xi32, #tpu.memory_space<vmem>>
        %dma_start3A_489 = arith.constant 0 : i32
        %dma_start3A_490 = arith.constant 0 : i32
        %dma_start3A_491 = tpu.memref_slice %arg12[%dma_start3A_489, %dma_start3A_490] : memref<10240x32xf32, #tpu.memory_space<vmem_shared>> -> memref<10240x32xf32, #tpu.memory_space<vmem_shared>>
        tpu.enqueue_indirect_dma source(%dma_start3A_491 : memref<10240x32xf32, #tpu.memory_space<vmem_shared>>) target(%arg22 : memref<128x32xf32, #tpu.memory_space<vmem>>) offsets(%dma_start3A_488 : memref<128xi32, #tpu.memory_space<vmem>>) semaphore(%arg26 : memref<!tpu.dma_semaphore, #tpu.memory_space<semaphore_mem>>)
        %add3A_492 = arith.constant 5 : i32
        %add3A_493 = arith.addi %mul3A_271, %add3A_492 : i32
        %dma_wait3A_494 = arith.constant 0 : i32
        %dma_wait3A_495 = tpu.memref_slice %arg7[%add3A_493, %dma_wait3A_494] : memref<160x128xi32, #tpu.memory_space<vmem>> -> memref<1x128xi32, #tpu.memory_space<vmem>>
        %dma_wait3A_496 = tpu.memref_squeeze %dma_wait3A_495 : memref<1x128xi32, #tpu.memory_space<vmem>> -> memref<128xi32, #tpu.memory_space<vmem>>
        %dma_wait3A_497 = arith.constant 0 : i32
        %dma_wait3A_498 = arith.constant 0 : i32
        %dma_wait3A_499 = tpu.memref_slice %arg13[%dma_wait3A_497, %dma_wait3A_498] : memref<10240x32xf32, #tpu.memory_space<vmem_shared>> -> memref<10240x32xf32, #tpu.memory_space<vmem_shared>>
        tpu.wait_indirect_dma semaphore(%arg31 : memref<!tpu.dma_semaphore, #tpu.memory_space<semaphore_mem>>) src(%arg23 : memref<128x32xf32, #tpu.memory_space<vmem>>) dst(%dma_wait3A_499 : memref<10240x32xf32, #tpu.memory_space<vmem_shared>>)
        %add3A_500 = arith.constant 8 : i32
        %add3A_501 = arith.addi %mul3A_271, %add3A_500 : i32
        %add3A_502 = arith.constant 5 : i32
        %add3A_503 = arith.addi %add3A_501, %add3A_502 : i32
        %dma_start3A_504 = arith.constant 0 : i32
        %dma_start3A_505 = tpu.memref_slice %arg6[%add3A_503, %dma_start3A_504] : memref<160x128xi32, #tpu.memory_space<vmem>> -> memref<1x128xi32, #tpu.memory_space<vmem>>
        %dma_start3A_506 = tpu.memref_squeeze %dma_start3A_505 : memref<1x128xi32, #tpu.memory_space<vmem>> -> memref<128xi32, #tpu.memory_space<vmem>>
        %dma_start3A_507 = arith.constant 0 : i32
        %dma_start3A_508 = arith.constant 0 : i32
        %dma_start3A_509 = tpu.memref_slice %arg12[%dma_start3A_507, %dma_start3A_508] : memref<10240x32xf32, #tpu.memory_space<vmem_shared>> -> memref<10240x32xf32, #tpu.memory_space<vmem_shared>>
        tpu.enqueue_indirect_dma source(%dma_start3A_509 : memref<10240x32xf32, #tpu.memory_space<vmem_shared>>) target(%arg23 : memref<128x32xf32, #tpu.memory_space<vmem>>) offsets(%dma_start3A_506 : memref<128xi32, #tpu.memory_space<vmem>>) semaphore(%arg27 : memref<!tpu.dma_semaphore, #tpu.memory_space<semaphore_mem>>)
        %add3A_510 = arith.constant 6 : i32
        %add3A_511 = arith.addi %mul3A_271, %add3A_510 : i32
        %dma_wait3A_512 = arith.constant 0 : i32
        %dma_wait3A_513 = tpu.memref_slice %arg7[%add3A_511, %dma_wait3A_512] : memref<160x128xi32, #tpu.memory_space<vmem>> -> memref<1x128xi32, #tpu.memory_space<vmem>>
        %dma_wait3A_514 = tpu.memref_squeeze %dma_wait3A_513 : memref<1x128xi32, #tpu.memory_space<vmem>> -> memref<128xi32, #tpu.memory_space<vmem>>
        %dma_wait3A_515 = arith.constant 0 : i32
        %dma_wait3A_516 = arith.constant 0 : i32
        %dma_wait3A_517 = tpu.memref_slice %arg13[%dma_wait3A_515, %dma_wait3A_516] : memref<10240x32xf32, #tpu.memory_space<vmem_shared>> -> memref<10240x32xf32, #tpu.memory_space<vmem_shared>>
        tpu.wait_indirect_dma semaphore(%arg32 : memref<!tpu.dma_semaphore, #tpu.memory_space<semaphore_mem>>) src(%arg24 : memref<128x32xf32, #tpu.memory_space<vmem>>) dst(%dma_wait3A_517 : memref<10240x32xf32, #tpu.memory_space<vmem_shared>>)
        %add3A_518 = arith.constant 8 : i32
        %add3A_519 = arith.addi %mul3A_271, %add3A_518 : i32
        %add3A_520 = arith.constant 6 : i32
        %add3A_521 = arith.addi %add3A_519, %add3A_520 : i32
        %dma_start3A_522 = arith.constant 0 : i32
        %dma_start3A_523 = tpu.memref_slice %arg6[%add3A_521, %dma_start3A_522] : memref<160x128xi32, #tpu.memory_space<vmem>> -> memref<1x128xi32, #tpu.memory_space<vmem>>
        %dma_start3A_524 = tpu.memref_squeeze %dma_start3A_523 : memref<1x128xi32, #tpu.memory_space<vmem>> -> memref<128xi32, #tpu.memory_space<vmem>>
        %dma_start3A_525 = arith.constant 0 : i32
        %dma_start3A_526 = arith.constant 0 : i32
        %dma_start3A_527 = tpu.memref_slice %arg12[%dma_start3A_525, %dma_start3A_526] : memref<10240x32xf32, #tpu.memory_space<vmem_shared>> -> memref<10240x32xf32, #tpu.memory_space<vmem_shared>>
        tpu.enqueue_indirect_dma source(%dma_start3A_527 : memref<10240x32xf32, #tpu.memory_space<vmem_shared>>) target(%arg24 : memref<128x32xf32, #tpu.memory_space<vmem>>) offsets(%dma_start3A_524 : memref<128xi32, #tpu.memory_space<vmem>>) semaphore(%arg28 : memref<!tpu.dma_semaphore, #tpu.memory_space<semaphore_mem>>)
        %add3A_528 = arith.constant 7 : i32
        %add3A_529 = arith.addi %mul3A_271, %add3A_528 : i32
        %dma_wait3A_530 = arith.constant 0 : i32
        %dma_wait3A_531 = tpu.memref_slice %arg7[%add3A_529, %dma_wait3A_530] : memref<160x128xi32, #tpu.memory_space<vmem>> -> memref<1x128xi32, #tpu.memory_space<vmem>>
        %dma_wait3A_532 = tpu.memref_squeeze %dma_wait3A_531 : memref<1x128xi32, #tpu.memory_space<vmem>> -> memref<128xi32, #tpu.memory_space<vmem>>
        %dma_wait3A_533 = arith.constant 0 : i32
        %dma_wait3A_534 = arith.constant 0 : i32
        %dma_wait3A_535 = tpu.memref_slice %arg13[%dma_wait3A_533, %dma_wait3A_534] : memref<10240x32xf32, #tpu.memory_space<vmem_shared>> -> memref<10240x32xf32, #tpu.memory_space<vmem_shared>>
        tpu.wait_indirect_dma semaphore(%arg33 : memref<!tpu.dma_semaphore, #tpu.memory_space<semaphore_mem>>) src(%arg25 : memref<128x32xf32, #tpu.memory_space<vmem>>) dst(%dma_wait3A_535 : memref<10240x32xf32, #tpu.memory_space<vmem_shared>>)
        %add3A_536 = arith.constant 8 : i32
        %add3A_537 = arith.addi %mul3A_271, %add3A_536 : i32
        %add3A_538 = arith.constant 7 : i32
        %add3A_539 = arith.addi %add3A_537, %add3A_538 : i32
        %dma_start3A_540 = arith.constant 0 : i32
        %dma_start3A_541 = tpu.memref_slice %arg6[%add3A_539, %dma_start3A_540] : memref<160x128xi32, #tpu.memory_space<vmem>> -> memref<1x128xi32, #tpu.memory_space<vmem>>
        %dma_start3A_542 = tpu.memref_squeeze %dma_start3A_541 : memref<1x128xi32, #tpu.memory_space<vmem>> -> memref<128xi32, #tpu.memory_space<vmem>>
        %dma_start3A_543 = arith.constant 0 : i32
        %dma_start3A_544 = arith.constant 0 : i32
        %dma_start3A_545 = tpu.memref_slice %arg12[%dma_start3A_543, %dma_start3A_544] : memref<10240x32xf32, #tpu.memory_space<vmem_shared>> -> memref<10240x32xf32, #tpu.memory_space<vmem_shared>>
        tpu.enqueue_indirect_dma source(%dma_start3A_545 : memref<10240x32xf32, #tpu.memory_space<vmem_shared>>) target(%arg25 : memref<128x32xf32, #tpu.memory_space<vmem>>) offsets(%dma_start3A_542 : memref<128xi32, #tpu.memory_space<vmem>>) semaphore(%arg29 : memref<!tpu.dma_semaphore, #tpu.memory_space<semaphore_mem>>)
      } else {
      }
    }
    %scan3A_211 = arith.constant 20 : i32
    %dma_wait3A_212 = arith.constant 152 : i32
    %dma_wait3A_213 = arith.constant 0 : i32
    %dma_wait3A_214 = tpu.memref_slice %arg7[%dma_wait3A_212, %dma_wait3A_213] : memref<160x128xi32, #tpu.memory_space<vmem>> -> memref<1x128xi32, #tpu.memory_space<vmem>>
    %dma_wait3A_215 = tpu.memref_squeeze %dma_wait3A_214 : memref<1x128xi32, #tpu.memory_space<vmem>> -> memref<128xi32, #tpu.memory_space<vmem>>
    %dma_wait3A_216 = arith.constant 0 : i32
    %dma_wait3A_217 = arith.constant 0 : i32
    %dma_wait3A_218 = tpu.memref_slice %arg13[%dma_wait3A_216, %dma_wait3A_217] : memref<10240x32xf32, #tpu.memory_space<vmem_shared>> -> memref<10240x32xf32, #tpu.memory_space<vmem_shared>>
    tpu.wait_indirect_dma semaphore(%arg18 : memref<!tpu.dma_semaphore, #tpu.memory_space<semaphore_mem>>) src(%arg8 : memref<128x32xf32, #tpu.memory_space<vmem>>) dst(%dma_wait3A_218 : memref<10240x32xf32, #tpu.memory_space<vmem_shared>>)
    %dma_wait3A_219 = arith.constant 153 : i32
    %dma_wait3A_220 = arith.constant 0 : i32
    %dma_wait3A_221 = tpu.memref_slice %arg7[%dma_wait3A_219, %dma_wait3A_220] : memref<160x128xi32, #tpu.memory_space<vmem>> -> memref<1x128xi32, #tpu.memory_space<vmem>>
    %dma_wait3A_222 = tpu.memref_squeeze %dma_wait3A_221 : memref<1x128xi32, #tpu.memory_space<vmem>> -> memref<128xi32, #tpu.memory_space<vmem>>
    %dma_wait3A_223 = arith.constant 0 : i32
    %dma_wait3A_224 = arith.constant 0 : i32
    %dma_wait3A_225 = tpu.memref_slice %arg13[%dma_wait3A_223, %dma_wait3A_224] : memref<10240x32xf32, #tpu.memory_space<vmem_shared>> -> memref<10240x32xf32, #tpu.memory_space<vmem_shared>>
    tpu.wait_indirect_dma semaphore(%arg19 : memref<!tpu.dma_semaphore, #tpu.memory_space<semaphore_mem>>) src(%arg9 : memref<128x32xf32, #tpu.memory_space<vmem>>) dst(%dma_wait3A_225 : memref<10240x32xf32, #tpu.memory_space<vmem_shared>>)
    %dma_wait3A_226 = arith.constant 154 : i32
    %dma_wait3A_227 = arith.constant 0 : i32
    %dma_wait3A_228 = tpu.memref_slice %arg7[%dma_wait3A_226, %dma_wait3A_227] : memref<160x128xi32, #tpu.memory_space<vmem>> -> memref<1x128xi32, #tpu.memory_space<vmem>>
    %dma_wait3A_229 = tpu.memref_squeeze %dma_wait3A_228 : memref<1x128xi32, #tpu.memory_space<vmem>> -> memref<128xi32, #tpu.memory_space<vmem>>
    %dma_wait3A_230 = arith.constant 0 : i32
    %dma_wait3A_231 = arith.constant 0 : i32
    %dma_wait3A_232 = tpu.memref_slice %arg13[%dma_wait3A_230, %dma_wait3A_231] : memref<10240x32xf32, #tpu.memory_space<vmem_shared>> -> memref<10240x32xf32, #tpu.memory_space<vmem_shared>>
    tpu.wait_indirect_dma semaphore(%arg20 : memref<!tpu.dma_semaphore, #tpu.memory_space<semaphore_mem>>) src(%arg10 : memref<128x32xf32, #tpu.memory_space<vmem>>) dst(%dma_wait3A_232 : memref<10240x32xf32, #tpu.memory_space<vmem_shared>>)
    %dma_wait3A_233 = arith.constant 155 : i32
    %dma_wait3A_234 = arith.constant 0 : i32
    %dma_wait3A_235 = tpu.memref_slice %arg7[%dma_wait3A_233, %dma_wait3A_234] : memref<160x128xi32, #tpu.memory_space<vmem>> -> memref<1x128xi32, #tpu.memory_space<vmem>>
    %dma_wait3A_236 = tpu.memref_squeeze %dma_wait3A_235 : memref<1x128xi32, #tpu.memory_space<vmem>> -> memref<128xi32, #tpu.memory_space<vmem>>
    %dma_wait3A_237 = arith.constant 0 : i32
    %dma_wait3A_238 = arith.constant 0 : i32
    %dma_wait3A_239 = tpu.memref_slice %arg13[%dma_wait3A_237, %dma_wait3A_238] : memref<10240x32xf32, #tpu.memory_space<vmem_shared>> -> memref<10240x32xf32, #tpu.memory_space<vmem_shared>>
    tpu.wait_indirect_dma semaphore(%arg21 : memref<!tpu.dma_semaphore, #tpu.memory_space<semaphore_mem>>) src(%arg11 : memref<128x32xf32, #tpu.memory_space<vmem>>) dst(%dma_wait3A_239 : memref<10240x32xf32, #tpu.memory_space<vmem_shared>>)
    %dma_wait3A_240 = arith.constant 156 : i32
    %dma_wait3A_241 = arith.constant 0 : i32
    %dma_wait3A_242 = tpu.memref_slice %arg7[%dma_wait3A_240, %dma_wait3A_241] : memref<160x128xi32, #tpu.memory_space<vmem>> -> memref<1x128xi32, #tpu.memory_space<vmem>>
    %dma_wait3A_243 = tpu.memref_squeeze %dma_wait3A_242 : memref<1x128xi32, #tpu.memory_space<vmem>> -> memref<128xi32, #tpu.memory_space<vmem>>
    %dma_wait3A_244 = arith.constant 0 : i32
    %dma_wait3A_245 = arith.constant 0 : i32
    %dma_wait3A_246 = tpu.memref_slice %arg13[%dma_wait3A_244, %dma_wait3A_245] : memref<10240x32xf32, #tpu.memory_space<vmem_shared>> -> memref<10240x32xf32, #tpu.memory_space<vmem_shared>>
    tpu.wait_indirect_dma semaphore(%arg30 : memref<!tpu.dma_semaphore, #tpu.memory_space<semaphore_mem>>) src(%arg22 : memref<128x32xf32, #tpu.memory_space<vmem>>) dst(%dma_wait3A_246 : memref<10240x32xf32, #tpu.memory_space<vmem_shared>>)
    %dma_wait3A_247 = arith.constant 157 : i32
    %dma_wait3A_248 = arith.constant 0 : i32
    %dma_wait3A_249 = tpu.memref_slice %arg7[%dma_wait3A_247, %dma_wait3A_248] : memref<160x128xi32, #tpu.memory_space<vmem>> -> memref<1x128xi32, #tpu.memory_space<vmem>>
    %dma_wait3A_250 = tpu.memref_squeeze %dma_wait3A_249 : memref<1x128xi32, #tpu.memory_space<vmem>> -> memref<128xi32, #tpu.memory_space<vmem>>
    %dma_wait3A_251 = arith.constant 0 : i32
    %dma_wait3A_252 = arith.constant 0 : i32
    %dma_wait3A_253 = tpu.memref_slice %arg13[%dma_wait3A_251, %dma_wait3A_252] : memref<10240x32xf32, #tpu.memory_space<vmem_shared>> -> memref<10240x32xf32, #tpu.memory_space<vmem_shared>>
    tpu.wait_indirect_dma semaphore(%arg31 : memref<!tpu.dma_semaphore, #tpu.memory_space<semaphore_mem>>) src(%arg23 : memref<128x32xf32, #tpu.memory_space<vmem>>) dst(%dma_wait3A_253 : memref<10240x32xf32, #tpu.memory_space<vmem_shared>>)
    %dma_wait3A_254 = arith.constant 158 : i32
    %dma_wait3A_255 = arith.constant 0 : i32
    %dma_wait3A_256 = tpu.memref_slice %arg7[%dma_wait3A_254, %dma_wait3A_255] : memref<160x128xi32, #tpu.memory_space<vmem>> -> memref<1x128xi32, #tpu.memory_space<vmem>>
    %dma_wait3A_257 = tpu.memref_squeeze %dma_wait3A_256 : memref<1x128xi32, #tpu.memory_space<vmem>> -> memref<128xi32, #tpu.memory_space<vmem>>
    %dma_wait3A_258 = arith.constant 0 : i32
    %dma_wait3A_259 = arith.constant 0 : i32
    %dma_wait3A_260 = tpu.memref_slice %arg13[%dma_wait3A_258, %dma_wait3A_259] : memref<10240x32xf32, #tpu.memory_space<vmem_shared>> -> memref<10240x32xf32, #tpu.memory_space<vmem_shared>>
    tpu.wait_indirect_dma semaphore(%arg32 : memref<!tpu.dma_semaphore, #tpu.memory_space<semaphore_mem>>) src(%arg24 : memref<128x32xf32, #tpu.memory_space<vmem>>) dst(%dma_wait3A_260 : memref<10240x32xf32, #tpu.memory_space<vmem_shared>>)
    %dma_wait3A_261 = arith.constant 159 : i32
    %dma_wait3A_262 = arith.constant 0 : i32
    %dma_wait3A_263 = tpu.memref_slice %arg7[%dma_wait3A_261, %dma_wait3A_262] : memref<160x128xi32, #tpu.memory_space<vmem>> -> memref<1x128xi32, #tpu.memory_space<vmem>>
    %dma_wait3A_264 = tpu.memref_squeeze %dma_wait3A_263 : memref<1x128xi32, #tpu.memory_space<vmem>> -> memref<128xi32, #tpu.memory_space<vmem>>
    %dma_wait3A_265 = arith.constant 0 : i32
    %dma_wait3A_266 = arith.constant 0 : i32
    %dma_wait3A_267 = tpu.memref_slice %arg13[%dma_wait3A_265, %dma_wait3A_266] : memref<10240x32xf32, #tpu.memory_space<vmem_shared>> -> memref<10240x32xf32, #tpu.memory_space<vmem_shared>>
    tpu.wait_indirect_dma semaphore(%arg33 : memref<!tpu.dma_semaphore, #tpu.memory_space<semaphore_mem>>) src(%arg25 : memref<128x32xf32, #tpu.memory_space<vmem>>) dst(%dma_wait3A_267 : memref<10240x32xf32, #tpu.memory_space<vmem_shared>>)
    %barrier3A_268 = arith.constant 0 : index
    tpu.barrier barrier_id(%barrier3A_268)
    "tpu.region"() ({
      %run_scoped3A = tpu.sem_alloc : memref<!tpu.dma_semaphore, #tpu.memory_space<semaphore_mem>>
      %dma_start3A_269 = arith.constant 0 : i32
      %dma_start3A_270 = arith.constant 0 : i32
      %dma_start3A_271 = tpu.memref_slice %arg5[%add3A_134, %dma_start3A_269, %dma_start3A_270] : memref<4x10240x32xf32, #tpu.memory_space<hbm>> -> memref<1x10240x32xf32, #tpu.memory_space<hbm>>
      %dma_start3A_272 = tpu.memref_squeeze %dma_start3A_271 : memref<1x10240x32xf32, #tpu.memory_space<hbm>> -> memref<10240x32xf32, #tpu.memory_space<hbm>>
      %dma_start3A_273 = arith.constant 0 : i32
      %dma_start3A_274 = tpu.memref_slice %dma_start3A_272[%mul3A_132, %dma_start3A_273] : memref<10240x32xf32, #tpu.memory_space<hbm>> -> memref<640x32xf32, #tpu.memory_space<hbm>>
      %dma_start3A_275 = arith.constant 0 : i32
      %dma_start3A_276 = tpu.memref_slice %arg13[%mul3A_132, %dma_start3A_275] : memref<10240x32xf32, #tpu.memory_space<vmem_shared>> -> memref<640x32xf32, #tpu.memory_space<vmem_shared>>
      tpu.enqueue_dma source(%dma_start3A_276 : memref<640x32xf32, #tpu.memory_space<vmem_shared>>) target(%dma_start3A_274 : memref<640x32xf32, #tpu.memory_space<hbm>>) target_semaphore(%run_scoped3A : memref<!tpu.dma_semaphore, #tpu.memory_space<semaphore_mem>>)
      %dma_wait3A_277 = arith.constant 0 : i32
      %dma_wait3A_278 = arith.constant 0 : i32
      %dma_wait3A_279 = tpu.memref_slice %arg5[%add3A_134, %dma_wait3A_277, %dma_wait3A_278] : memref<4x10240x32xf32, #tpu.memory_space<hbm>> -> memref<1x10240x32xf32, #tpu.memory_space<hbm>>
      %dma_wait3A_280 = tpu.memref_squeeze %dma_wait3A_279 : memref<1x10240x32xf32, #tpu.memory_space<hbm>> -> memref<10240x32xf32, #tpu.memory_space<hbm>>
      %dma_wait3A_281 = arith.constant 0 : i32
      %dma_wait3A_282 = tpu.memref_slice %dma_wait3A_280[%mul3A_132, %dma_wait3A_281] : memref<10240x32xf32, #tpu.memory_space<hbm>> -> memref<640x32xf32, #tpu.memory_space<hbm>>
      %dma_wait3A_283 = arith.constant 0 : i32
      %dma_wait3A_284 = tpu.memref_slice %arg13[%mul3A_132, %dma_wait3A_283] : memref<10240x32xf32, #tpu.memory_space<vmem_shared>> -> memref<640x32xf32, #tpu.memory_space<vmem_shared>>
      tpu.wait_dma2 semaphore(%run_scoped3A : memref<!tpu.dma_semaphore, #tpu.memory_space<semaphore_mem>>) src(%dma_wait3A_284 : memref<640x32xf32, #tpu.memory_space<vmem_shared>>) dst(%dma_wait3A_282 : memref<640x32xf32, #tpu.memory_space<hbm>>)
      tpu.yield
    }) : () -> ()
    return
  }
}

#map = affine_map<(d0, d1) -> (0, 0, 0)>
module attributes {stable_mosaic.version = 14 : i64} {
  func.func @_sc_agg_deg(%arg0: i32, %arg1: i32, %arg2: memref<4x10240x32xf32, #tpu.memory_space<hbm>>, %arg3: memref<16x160x128xi32, #tpu.memory_space<hbm>>, %arg4: memref<16x160x128xi32, #tpu.memory_space<hbm>>, %arg5: memref<4x10240x32xf32, #tpu.memory_space<hbm>>, %arg6: memref<2x10240x16xf32, #tpu.memory_space<hbm>>, %arg7: memref<160x128xi32, #tpu.memory_space<vmem>>, %arg8: memref<160x128xi32, #tpu.memory_space<vmem>>, %arg9: memref<128x32xf32, #tpu.memory_space<vmem>>, %arg10: memref<128x32xf32, #tpu.memory_space<vmem>>, %arg11: memref<128x32xf32, #tpu.memory_space<vmem>>, %arg12: memref<128x32xf32, #tpu.memory_space<vmem>>, %arg13: memref<10240x32xf32, #tpu.memory_space<vmem_shared>>, %arg14: memref<10240x32xf32, #tpu.memory_space<vmem_shared>>, %arg15: memref<!tpu.dma_semaphore, #tpu.memory_space<semaphore_mem>>, %arg16: memref<!tpu.dma_semaphore, #tpu.memory_space<semaphore_mem>>, %arg17: memref<!tpu.dma_semaphore, #tpu.memory_space<semaphore_mem>>, %arg18: memref<!tpu.dma_semaphore, #tpu.memory_space<semaphore_mem>>, %arg19: memref<!tpu.dma_semaphore, #tpu.memory_space<semaphore_mem>>, %arg20: memref<!tpu.dma_semaphore, #tpu.memory_space<semaphore_mem>>, %arg21: memref<!tpu.dma_semaphore, #tpu.memory_space<semaphore_mem>>, %arg22: memref<!tpu.dma_semaphore, #tpu.memory_space<semaphore_mem>>, %arg23: memref<128x16xf32, #tpu.memory_space<vmem>>, %arg24: memref<640x16xf32, #tpu.memory_space<vmem>>, %arg25: memref<10240x16xf32, #tpu.memory_space<vmem_shared>>, %arg26: memref<!tpu.dma_semaphore, #tpu.memory_space<semaphore_mem>>, %arg27: memref<!tpu.dma_semaphore, #tpu.memory_space<semaphore_mem>>) attributes {dimension_semantics = [#tpu.dimension_semantics<core_parallel>, #tpu.dimension_semantics<subcore_parallel>], iteration_bounds = array<i64: 2, 16>, scalar_prefetch = 0 : i64, scratch_operands = 21 : i64, tpu.core_type = #tpu.core_type<sc_vector_subcore>, window_params = [{transform_indices = #map}, {transform_indices = #map}, {transform_indices = #map}, {transform_indices = #map}, {transform_indices = #map}]} {
    %broadcast_in_dim3A = arith.constant 0.000000e+00 : f32
    %broadcast_in_dim3A_0 = vector.broadcast %broadcast_in_dim3A : f32 to vector<16xf32>
    %scan3A = arith.constant 0 : i32
    %scan3A_1 = arith.constant 0 : i32
    %scan3A_2 = arith.constant 640 : i32
    %scan3A_3 = arith.addi %scan3A_1, %scan3A_2 : i32
    %scan3A_4 = arith.constant 1 : i32
    scf.for %scan3A_206 = %scan3A_1 to %scan3A_3 step %scan3A_4  : i32 {
      %swap3A = arith.index_cast %scan3A_206 : i32 to index
      %swap3A_207 = arith.constant 0 : index
      %swap3A_208 = tpu.vector_load %arg24[%swap3A, %swap3A_207] {strides = array<i32>} : memref<640x16xf32, #tpu.memory_space<vmem>>, vector<1x16xf32>,
      %swap3A_209 = vector.shape_cast %swap3A_208 : vector<1x16xf32> to vector<16xf32>
      %swap3A_210 = vector.shape_cast %broadcast_in_dim3A_0 : vector<16xf32> to vector<1x16xf32>
      tpu.vector_store %arg24[%swap3A, %swap3A_207], %swap3A_210 {strides = array<i32>} : memref<640x16xf32, #tpu.memory_space<vmem>>, vector<1x16xf32>,
    }
    %scan3A_5 = arith.constant 640 : i32
    %broadcast_in_dim3A_6 = arith.constant 1.000000e+00 : f32
    %broadcast_in_dim3A_7 = vector.broadcast %broadcast_in_dim3A_6 : f32 to vector<16xf32>
    %scan3A_8 = arith.constant 0 : i32
    %scan3A_9 = arith.constant 0 : i32
    %scan3A_10 = arith.constant 128 : i32
    %scan3A_11 = arith.addi %scan3A_9, %scan3A_10 : i32
    %scan3A_12 = arith.constant 1 : i32
    scf.for %scan3A_206 = %scan3A_9 to %scan3A_11 step %scan3A_12  : i32 {
      %swap3A = arith.index_cast %scan3A_206 : i32 to index
      %swap3A_207 = arith.constant 0 : index
      %swap3A_208 = tpu.vector_load %arg23[%swap3A, %swap3A_207] {strides = array<i32>} : memref<128x16xf32, #tpu.memory_space<vmem>>, vector<1x16xf32>,
      %swap3A_209 = vector.shape_cast %swap3A_208 : vector<1x16xf32> to vector<16xf32>
      %swap3A_210 = vector.shape_cast %broadcast_in_dim3A_7 : vector<16xf32> to vector<1x16xf32>
      tpu.vector_store %arg23[%swap3A, %swap3A_207], %swap3A_210 {strides = array<i32>} : memref<128x16xf32, #tpu.memory_space<vmem>>, vector<1x16xf32>,
    }
    %scan3A_13 = arith.constant 128 : i32
    %mul3A = arith.constant 640 : i32
    %mul3A_14 = arith.muli %arg1, %mul3A : i32
    "tpu.region"() ({
      %run_scoped3A = tpu.sem_alloc : memref<!tpu.dma_semaphore, #tpu.memory_space<semaphore_mem>>
      %dma_start3A_206 = arith.constant 0 : i32
      %dma_start3A_207 = tpu.memref_slice %arg25[%mul3A_14, %dma_start3A_206] : memref<10240x16xf32, #tpu.memory_space<vmem_shared>> -> memref<640x16xf32, #tpu.memory_space<vmem_shared>>
      %dma_start3A_208 = arith.constant 0 : i32
      %dma_start3A_209 = tpu.memref_slice %arg25[%mul3A_14, %dma_start3A_208] : memref<10240x16xf32, #tpu.memory_space<vmem_shared>> -> memref<640x16xf32, #tpu.memory_space<vmem_shared>>
      tpu.enqueue_dma source(%arg24 : memref<640x16xf32, #tpu.memory_space<vmem>>) target(%dma_start3A_209 : memref<640x16xf32, #tpu.memory_space<vmem_shared>>) target_semaphore(%run_scoped3A : memref<!tpu.dma_semaphore, #tpu.memory_space<semaphore_mem>>)
      %dma_wait3A_210 = arith.constant 0 : i32
      %dma_wait3A_211 = tpu.memref_slice %arg25[%mul3A_14, %dma_wait3A_210] : memref<10240x16xf32, #tpu.memory_space<vmem_shared>> -> memref<640x16xf32, #tpu.memory_space<vmem_shared>>
      %dma_wait3A_212 = arith.constant 0 : i32
      %dma_wait3A_213 = tpu.memref_slice %arg25[%mul3A_14, %dma_wait3A_212] : memref<10240x16xf32, #tpu.memory_space<vmem_shared>> -> memref<640x16xf32, #tpu.memory_space<vmem_shared>>
      tpu.wait_dma2 semaphore(%run_scoped3A : memref<!tpu.dma_semaphore, #tpu.memory_space<semaphore_mem>>) src(%arg24 : memref<640x16xf32, #tpu.memory_space<vmem>>) dst(%dma_wait3A_213 : memref<640x16xf32, #tpu.memory_space<vmem_shared>>)
      tpu.yield
    }) : () -> ()
    "tpu.region"() ({
      %run_scoped3A = tpu.sem_alloc : memref<!tpu.dma_semaphore, #tpu.memory_space<semaphore_mem>>
      %dma_start3A_206 = arith.constant 0 : i32
      %dma_start3A_207 = arith.constant 0 : i32
      %dma_start3A_208 = tpu.memref_slice %arg3[%arg1, %dma_start3A_206, %dma_start3A_207] : memref<16x160x128xi32, #tpu.memory_space<hbm>> -> memref<1x160x128xi32, #tpu.memory_space<hbm>>
      %dma_start3A_209 = tpu.memref_squeeze %dma_start3A_208 : memref<1x160x128xi32, #tpu.memory_space<hbm>> -> memref<160x128xi32, #tpu.memory_space<hbm>>
      %dma_start3A_210 = arith.constant 0 : i32
      %dma_start3A_211 = arith.constant 0 : i32
      %dma_start3A_212 = tpu.memref_slice %arg3[%arg1, %dma_start3A_210, %dma_start3A_211] : memref<16x160x128xi32, #tpu.memory_space<hbm>> -> memref<1x160x128xi32, #tpu.memory_space<hbm>>
      %dma_start3A_213 = tpu.memref_squeeze %dma_start3A_212 : memref<1x160x128xi32, #tpu.memory_space<hbm>> -> memref<160x128xi32, #tpu.memory_space<hbm>>
      tpu.enqueue_dma source(%dma_start3A_213 : memref<160x128xi32, #tpu.memory_space<hbm>>) target(%arg7 : memref<160x128xi32, #tpu.memory_space<vmem>>) target_semaphore(%run_scoped3A : memref<!tpu.dma_semaphore, #tpu.memory_space<semaphore_mem>>)
      %dma_wait3A_214 = arith.constant 0 : i32
      %dma_wait3A_215 = arith.constant 0 : i32
      %dma_wait3A_216 = tpu.memref_slice %arg3[%arg1, %dma_wait3A_214, %dma_wait3A_215] : memref<16x160x128xi32, #tpu.memory_space<hbm>> -> memref<1x160x128xi32, #tpu.memory_space<hbm>>
      %dma_wait3A_217 = tpu.memref_squeeze %dma_wait3A_216 : memref<1x160x128xi32, #tpu.memory_space<hbm>> -> memref<160x128xi32, #tpu.memory_space<hbm>>
      %dma_wait3A_218 = arith.constant 0 : i32
      %dma_wait3A_219 = arith.constant 0 : i32
      %dma_wait3A_220 = tpu.memref_slice %arg3[%arg1, %dma_wait3A_218, %dma_wait3A_219] : memref<16x160x128xi32, #tpu.memory_space<hbm>> -> memref<1x160x128xi32, #tpu.memory_space<hbm>>
      %dma_wait3A_221 = tpu.memref_squeeze %dma_wait3A_220 : memref<1x160x128xi32, #tpu.memory_space<hbm>> -> memref<160x128xi32, #tpu.memory_space<hbm>>
      tpu.wait_dma2 semaphore(%run_scoped3A : memref<!tpu.dma_semaphore, #tpu.memory_space<semaphore_mem>>) src(%dma_wait3A_221 : memref<160x128xi32, #tpu.memory_space<hbm>>) dst(%arg7 : memref<160x128xi32, #tpu.memory_space<vmem>>)
      tpu.yield
    }) : () -> ()
    "tpu.region"() ({
      %run_scoped3A = tpu.sem_alloc : memref<!tpu.dma_semaphore, #tpu.memory_space<semaphore_mem>>
      %dma_start3A_206 = arith.constant 0 : i32
      %dma_start3A_207 = arith.constant 0 : i32
      %dma_start3A_208 = tpu.memref_slice %arg4[%arg1, %dma_start3A_206, %dma_start3A_207] : memref<16x160x128xi32, #tpu.memory_space<hbm>> -> memref<1x160x128xi32, #tpu.memory_space<hbm>>
      %dma_start3A_209 = tpu.memref_squeeze %dma_start3A_208 : memref<1x160x128xi32, #tpu.memory_space<hbm>> -> memref<160x128xi32, #tpu.memory_space<hbm>>
      %dma_start3A_210 = arith.constant 0 : i32
      %dma_start3A_211 = arith.constant 0 : i32
      %dma_start3A_212 = tpu.memref_slice %arg4[%arg1, %dma_start3A_210, %dma_start3A_211] : memref<16x160x128xi32, #tpu.memory_space<hbm>> -> memref<1x160x128xi32, #tpu.memory_space<hbm>>
      %dma_start3A_213 = tpu.memref_squeeze %dma_start3A_212 : memref<1x160x128xi32, #tpu.memory_space<hbm>> -> memref<160x128xi32, #tpu.memory_space<hbm>>
      tpu.enqueue_dma source(%dma_start3A_213 : memref<160x128xi32, #tpu.memory_space<hbm>>) target(%arg8 : memref<160x128xi32, #tpu.memory_space<vmem>>) target_semaphore(%run_scoped3A : memref<!tpu.dma_semaphore, #tpu.memory_space<semaphore_mem>>)
      %dma_wait3A_214 = arith.constant 0 : i32
      %dma_wait3A_215 = arith.constant 0 : i32
      %dma_wait3A_216 = tpu.memref_slice %arg4[%arg1, %dma_wait3A_214, %dma_wait3A_215] : memref<16x160x128xi32, #tpu.memory_space<hbm>> -> memref<1x160x128xi32, #tpu.memory_space<hbm>>
      %dma_wait3A_217 = tpu.memref_squeeze %dma_wait3A_216 : memref<1x160x128xi32, #tpu.memory_space<hbm>> -> memref<160x128xi32, #tpu.memory_space<hbm>>
      %dma_wait3A_218 = arith.constant 0 : i32
      %dma_wait3A_219 = arith.constant 0 : i32
      %dma_wait3A_220 = tpu.memref_slice %arg4[%arg1, %dma_wait3A_218, %dma_wait3A_219] : memref<16x160x128xi32, #tpu.memory_space<hbm>> -> memref<1x160x128xi32, #tpu.memory_space<hbm>>
      %dma_wait3A_221 = tpu.memref_squeeze %dma_wait3A_220 : memref<1x160x128xi32, #tpu.memory_space<hbm>> -> memref<160x128xi32, #tpu.memory_space<hbm>>
      tpu.wait_dma2 semaphore(%run_scoped3A : memref<!tpu.dma_semaphore, #tpu.memory_space<semaphore_mem>>) src(%dma_wait3A_221 : memref<160x128xi32, #tpu.memory_space<hbm>>) dst(%arg8 : memref<160x128xi32, #tpu.memory_space<vmem>>)
      tpu.yield
    }) : () -> ()
    %mul3A_15 = arith.constant 640 : i32
    %mul3A_16 = arith.muli %arg1, %mul3A_15 : i32
    %add3A = arith.constant 0 : i32
    %add3A_17 = arith.addi %arg0, %add3A : i32
    %broadcast_in_dim3A_18 = arith.constant 0.000000e+00 : f32
    %broadcast_in_dim3A_19 = vector.broadcast %broadcast_in_dim3A_18 : f32 to vector<16xf32>
    %scan3A_20 = arith.constant 0 : i32
    %scan3A_21 = arith.constant 0 : i32
    %scan3A_22 = arith.constant 128 : i32
    %scan3A_23 = arith.addi %scan3A_21, %scan3A_22 : i32
    %scan3A_24 = arith.constant 1 : i32
    scf.for %scan3A_206 = %scan3A_21 to %scan3A_23 step %scan3A_24  : i32 {
      %swap3A = arith.index_cast %scan3A_206 : i32 to index
      %swap3A_207 = arith.constant 0 : index
      %swap3A_208 = tpu.vector_load %arg9[%swap3A, %swap3A_207] {strides = array<i32>} : memref<128x32xf32, #tpu.memory_space<vmem>>, vector<1x16xf32>,
      %swap3A_209 = vector.shape_cast %swap3A_208 : vector<1x16xf32> to vector<16xf32>
      %swap3A_210 = vector.shape_cast %broadcast_in_dim3A_19 : vector<16xf32> to vector<1x16xf32>
      tpu.vector_store %arg9[%swap3A, %swap3A_207], %swap3A_210 {strides = array<i32>} : memref<128x32xf32, #tpu.memory_space<vmem>>, vector<1x16xf32>,
      %swap3A_211 = arith.index_cast %scan3A_206 : i32 to index
      %swap3A_212 = arith.constant 16 : index
      %swap3A_213 = tpu.vector_load %arg9[%swap3A_211, %swap3A_212] {strides = array<i32>} : memref<128x32xf32, #tpu.memory_space<vmem>>, vector<1x16xf32>,
      %swap3A_214 = vector.shape_cast %swap3A_213 : vector<1x16xf32> to vector<16xf32>
      %swap3A_215 = vector.shape_cast %broadcast_in_dim3A_19 : vector<16xf32> to vector<1x16xf32>
      tpu.vector_store %arg9[%swap3A_211, %swap3A_212], %swap3A_215 {strides = array<i32>} : memref<128x32xf32, #tpu.memory_space<vmem>>, vector<1x16xf32>,
    }
    %scan3A_25 = arith.constant 128 : i32
    %scan3A_26 = arith.constant 0 : i32
    %scan3A_27 = arith.constant 0 : i32
    %scan3A_28 = arith.constant 5 : i32
    %scan3A_29 = arith.addi %scan3A_27, %scan3A_28 : i32
    %scan3A_30 = arith.constant 1 : i32
    scf.for %scan3A_206 = %scan3A_27 to %scan3A_29 step %scan3A_30  : i32 {
      %mul3A_207 = arith.constant 128 : i32
      %mul3A_208 = arith.muli %scan3A_206, %mul3A_207 : i32
      %add3A_209 = arith.addi %mul3A_16, %mul3A_208 : i32
      "tpu.region"() ({
        %run_scoped3A = tpu.sem_alloc : memref<!tpu.dma_semaphore, #tpu.memory_space<semaphore_mem>>
        %dma_start3A_210 = arith.constant 0 : i32
        %dma_start3A_211 = tpu.memref_slice %arg14[%add3A_209, %dma_start3A_210] : memref<10240x32xf32, #tpu.memory_space<vmem_shared>> -> memref<128x32xf32, #tpu.memory_space<vmem_shared>>
        %dma_start3A_212 = arith.constant 0 : i32
        %dma_start3A_213 = tpu.memref_slice %arg14[%add3A_209, %dma_start3A_212] : memref<10240x32xf32, #tpu.memory_space<vmem_shared>> -> memref<128x32xf32, #tpu.memory_space<vmem_shared>>
        tpu.enqueue_dma source(%arg9 : memref<128x32xf32, #tpu.memory_space<vmem>>) target(%dma_start3A_213 : memref<128x32xf32, #tpu.memory_space<vmem_shared>>) target_semaphore(%run_scoped3A : memref<!tpu.dma_semaphore, #tpu.memory_space<semaphore_mem>>)
        %dma_wait3A_214 = arith.constant 0 : i32
        %dma_wait3A_215 = tpu.memref_slice %arg14[%add3A_209, %dma_wait3A_214] : memref<10240x32xf32, #tpu.memory_space<vmem_shared>> -> memref<128x32xf32, #tpu.memory_space<vmem_shared>>
        %dma_wait3A_216 = arith.constant 0 : i32
        %dma_wait3A_217 = tpu.memref_slice %arg14[%add3A_209, %dma_wait3A_216] : memref<10240x32xf32, #tpu.memory_space<vmem_shared>> -> memref<128x32xf32, #tpu.memory_space<vmem_shared>>
        tpu.wait_dma2 semaphore(%run_scoped3A : memref<!tpu.dma_semaphore, #tpu.memory_space<semaphore_mem>>) src(%arg9 : memref<128x32xf32, #tpu.memory_space<vmem>>) dst(%dma_wait3A_217 : memref<128x32xf32, #tpu.memory_space<vmem_shared>>)
        tpu.yield
      }) : () -> ()
    }
    %scan3A_31 = arith.constant 5 : i32
    "tpu.region"() ({
      %run_scoped3A = tpu.sem_alloc : memref<!tpu.dma_semaphore, #tpu.memory_space<semaphore_mem>>
      %dma_start3A_206 = arith.constant 0 : i32
      %dma_start3A_207 = tpu.memref_slice %arg13[%mul3A_16, %dma_start3A_206] : memref<10240x32xf32, #tpu.memory_space<vmem_shared>> -> memref<640x32xf32, #tpu.memory_space<vmem_shared>>
      %dma_start3A_208 = arith.constant 0 : i32
      %dma_start3A_209 = arith.constant 0 : i32
      %dma_start3A_210 = tpu.memref_slice %arg2[%add3A_17, %dma_start3A_208, %dma_start3A_209] : memref<4x10240x32xf32, #tpu.memory_space<hbm>> -> memref<1x10240x32xf32, #tpu.memory_space<hbm>>
      %dma_start3A_211 = tpu.memref_squeeze %dma_start3A_210 : memref<1x10240x32xf32, #tpu.memory_space<hbm>> -> memref<10240x32xf32, #tpu.memory_space<hbm>>
      %dma_start3A_212 = arith.constant 0 : i32
      %dma_start3A_213 = tpu.memref_slice %dma_start3A_211[%mul3A_16, %dma_start3A_212] : memref<10240x32xf32, #tpu.memory_space<hbm>> -> memref<640x32xf32, #tpu.memory_space<hbm>>
      tpu.enqueue_dma source(%dma_start3A_213 : memref<640x32xf32, #tpu.memory_space<hbm>>) target(%dma_start3A_207 : memref<640x32xf32, #tpu.memory_space<vmem_shared>>) target_semaphore(%run_scoped3A : memref<!tpu.dma_semaphore, #tpu.memory_space<semaphore_mem>>)
      %dma_wait3A_214 = arith.constant 0 : i32
      %dma_wait3A_215 = tpu.memref_slice %arg13[%mul3A_16, %dma_wait3A_214] : memref<10240x32xf32, #tpu.memory_space<vmem_shared>> -> memref<640x32xf32, #tpu.memory_space<vmem_shared>>
      %dma_wait3A_216 = arith.constant 0 : i32
      %dma_wait3A_217 = arith.constant 0 : i32
      %dma_wait3A_218 = tpu.memref_slice %arg2[%add3A_17, %dma_wait3A_216, %dma_wait3A_217] : memref<4x10240x32xf32, #tpu.memory_space<hbm>> -> memref<1x10240x32xf32, #tpu.memory_space<hbm>>
      %dma_wait3A_219 = tpu.memref_squeeze %dma_wait3A_218 : memref<1x10240x32xf32, #tpu.memory_space<hbm>> -> memref<10240x32xf32, #tpu.memory_space<hbm>>
      %dma_wait3A_220 = arith.constant 0 : i32
      %dma_wait3A_221 = tpu.memref_slice %dma_wait3A_219[%mul3A_16, %dma_wait3A_220] : memref<10240x32xf32, #tpu.memory_space<hbm>> -> memref<640x32xf32, #tpu.memory_space<hbm>>
      tpu.wait_dma2 semaphore(%run_scoped3A : memref<!tpu.dma_semaphore, #tpu.memory_space<semaphore_mem>>) src(%dma_wait3A_221 : memref<640x32xf32, #tpu.memory_space<hbm>>) dst(%dma_wait3A_215 : memref<640x32xf32, #tpu.memory_space<vmem_shared>>)
      tpu.yield
    }) : () -> ()
    %barrier3A = arith.constant 0 : index
    tpu.barrier barrier_id(%barrier3A)
    %dma_start3A = arith.constant 0 : i32
    %dma_start3A_32 = arith.constant 0 : i32
    %dma_start3A_33 = tpu.memref_slice %arg7[%dma_start3A, %dma_start3A_32] : memref<160x128xi32, #tpu.memory_space<vmem>> -> memref<1x128xi32, #tpu.memory_space<vmem>>
    %dma_start3A_34 = tpu.memref_squeeze %dma_start3A_33 : memref<1x128xi32, #tpu.memory_space<vmem>> -> memref<128xi32, #tpu.memory_space<vmem>>
    %dma_start3A_35 = arith.constant 0 : i32
    %dma_start3A_36 = arith.constant 0 : i32
    %dma_start3A_37 = tpu.memref_slice %arg13[%dma_start3A_35, %dma_start3A_36] : memref<10240x32xf32, #tpu.memory_space<vmem_shared>> -> memref<10240x32xf32, #tpu.memory_space<vmem_shared>>
    tpu.enqueue_indirect_dma source(%dma_start3A_37 : memref<10240x32xf32, #tpu.memory_space<vmem_shared>>) target(%arg9 : memref<128x32xf32, #tpu.memory_space<vmem>>) offsets(%dma_start3A_34 : memref<128xi32, #tpu.memory_space<vmem>>) semaphore(%arg15 : memref<!tpu.dma_semaphore, #tpu.memory_space<semaphore_mem>>)
    %dma_start3A_38 = arith.constant 1 : i32
    %dma_start3A_39 = arith.constant 0 : i32
    %dma_start3A_40 = tpu.memref_slice %arg7[%dma_start3A_38, %dma_start3A_39] : memref<160x128xi32, #tpu.memory_space<vmem>> -> memref<1x128xi32, #tpu.memory_space<vmem>>
    %dma_start3A_41 = tpu.memref_squeeze %dma_start3A_40 : memref<1x128xi32, #tpu.memory_space<vmem>> -> memref<128xi32, #tpu.memory_space<vmem>>
    %dma_start3A_42 = arith.constant 0 : i32
    %dma_start3A_43 = arith.constant 0 : i32
    %dma_start3A_44 = tpu.memref_slice %arg13[%dma_start3A_42, %dma_start3A_43] : memref<10240x32xf32, #tpu.memory_space<vmem_shared>> -> memref<10240x32xf32, #tpu.memory_space<vmem_shared>>
    tpu.enqueue_indirect_dma source(%dma_start3A_44 : memref<10240x32xf32, #tpu.memory_space<vmem_shared>>) target(%arg10 : memref<128x32xf32, #tpu.memory_space<vmem>>) offsets(%dma_start3A_41 : memref<128xi32, #tpu.memory_space<vmem>>) semaphore(%arg16 : memref<!tpu.dma_semaphore, #tpu.memory_space<semaphore_mem>>)
    %dma_start3A_45 = arith.constant 2 : i32
    %dma_start3A_46 = arith.constant 0 : i32
    %dma_start3A_47 = tpu.memref_slice %arg7[%dma_start3A_45, %dma_start3A_46] : memref<160x128xi32, #tpu.memory_space<vmem>> -> memref<1x128xi32, #tpu.memory_space<vmem>>
    %dma_start3A_48 = tpu.memref_squeeze %dma_start3A_47 : memref<1x128xi32, #tpu.memory_space<vmem>> -> memref<128xi32, #tpu.memory_space<vmem>>
    %dma_start3A_49 = arith.constant 0 : i32
    %dma_start3A_50 = arith.constant 0 : i32
    %dma_start3A_51 = tpu.memref_slice %arg13[%dma_start3A_49, %dma_start3A_50] : memref<10240x32xf32, #tpu.memory_space<vmem_shared>> -> memref<10240x32xf32, #tpu.memory_space<vmem_shared>>
    tpu.enqueue_indirect_dma source(%dma_start3A_51 : memref<10240x32xf32, #tpu.memory_space<vmem_shared>>) target(%arg11 : memref<128x32xf32, #tpu.memory_space<vmem>>) offsets(%dma_start3A_48 : memref<128xi32, #tpu.memory_space<vmem>>) semaphore(%arg17 : memref<!tpu.dma_semaphore, #tpu.memory_space<semaphore_mem>>)
    %dma_start3A_52 = arith.constant 3 : i32
    %dma_start3A_53 = arith.constant 0 : i32
    %dma_start3A_54 = tpu.memref_slice %arg7[%dma_start3A_52, %dma_start3A_53] : memref<160x128xi32, #tpu.memory_space<vmem>> -> memref<1x128xi32, #tpu.memory_space<vmem>>
    %dma_start3A_55 = tpu.memref_squeeze %dma_start3A_54 : memref<1x128xi32, #tpu.memory_space<vmem>> -> memref<128xi32, #tpu.memory_space<vmem>>
    %dma_start3A_56 = arith.constant 0 : i32
    %dma_start3A_57 = arith.constant 0 : i32
    %dma_start3A_58 = tpu.memref_slice %arg13[%dma_start3A_56, %dma_start3A_57] : memref<10240x32xf32, #tpu.memory_space<vmem_shared>> -> memref<10240x32xf32, #tpu.memory_space<vmem_shared>>
    tpu.enqueue_indirect_dma source(%dma_start3A_58 : memref<10240x32xf32, #tpu.memory_space<vmem_shared>>) target(%arg12 : memref<128x32xf32, #tpu.memory_space<vmem>>) offsets(%dma_start3A_55 : memref<128xi32, #tpu.memory_space<vmem>>) semaphore(%arg18 : memref<!tpu.dma_semaphore, #tpu.memory_space<semaphore_mem>>)
    %scan3A_59 = arith.constant 0 : i32
    %scan3A_60 = arith.constant 0 : i32
    %scan3A_61 = arith.constant 40 : i32
    %scan3A_62 = arith.addi %scan3A_60, %scan3A_61 : i32
    %scan3A_63 = arith.constant 1 : i32
    scf.for %scan3A_206 = %scan3A_60 to %scan3A_62 step %scan3A_63  : i32 {
      %mul3A_207 = arith.constant 4 : i32
      %mul3A_208 = arith.muli %mul3A_207, %scan3A_206 : i32
      %mul3A_209 = arith.constant 80 : i32
      %mul3A_210 = arith.muli %arg0, %mul3A_209 : i32
      %mul3A_211 = arith.constant 2 : i32
      %mul3A_212 = arith.muli %mul3A_211, %scan3A_206 : i32
      %add3A_213 = arith.addi %mul3A_210, %mul3A_212 : i32
      %gt3A = arith.constant 0 : i32
      %gt3A_214 = arith.cmpi sgt, %scan3A_206, %gt3A : i32
      %convert_element_type3A = arith.extui %gt3A_214 : i1 to i32
      %cond3A = arith.constant 0 : i32
      %cond3A_215 = arith.cmpi ne, %convert_element_type3A, %cond3A : i32
      scf.if %cond3A_215 {
        %sub3A_300 = arith.constant 2 : i32
        %sub3A_301 = arith.subi %add3A_213, %sub3A_300 : i32
        %add3A_302 = arith.constant 0 : i32
        %add3A_303 = arith.addi %sub3A_301, %add3A_302 : i32
        %dma_wait3A_304 = arith.constant 0 : i32
        %dma_wait3A_305 = tpu.memref_slice %arg8[%add3A_303, %dma_wait3A_304] : memref<160x128xi32, #tpu.memory_space<vmem>> -> memref<1x128xi32, #tpu.memory_space<vmem>>
        %dma_wait3A_306 = tpu.memref_squeeze %dma_wait3A_305 : memref<1x128xi32, #tpu.memory_space<vmem>> -> memref<128xi32, #tpu.memory_space<vmem>>
        %dma_wait3A_307 = arith.constant 0 : i32
        %dma_wait3A_308 = arith.constant 0 : i32
        %dma_wait3A_309 = tpu.memref_slice %arg25[%dma_wait3A_307, %dma_wait3A_308] : memref<10240x16xf32, #tpu.memory_space<vmem_shared>> -> memref<10240x16xf32, #tpu.memory_space<vmem_shared>>
        tpu.wait_indirect_dma semaphore(%arg26 : memref<!tpu.dma_semaphore, #tpu.memory_space<semaphore_mem>>) src(%arg23 : memref<128x16xf32, #tpu.memory_space<vmem>>) dst(%dma_wait3A_309 : memref<10240x16xf32, #tpu.memory_space<vmem_shared>>)
        %sub3A_310 = arith.constant 2 : i32
        %sub3A_311 = arith.subi %add3A_213, %sub3A_310 : i32
        %add3A_312 = arith.constant 1 : i32
        %add3A_313 = arith.addi %sub3A_311, %add3A_312 : i32
        %dma_wait3A_314 = arith.constant 0 : i32
        %dma_wait3A_315 = tpu.memref_slice %arg8[%add3A_313, %dma_wait3A_314] : memref<160x128xi32, #tpu.memory_space<vmem>> -> memref<1x128xi32, #tpu.memory_space<vmem>>
        %dma_wait3A_316 = tpu.memref_squeeze %dma_wait3A_315 : memref<1x128xi32, #tpu.memory_space<vmem>> -> memref<128xi32, #tpu.memory_space<vmem>>
        %dma_wait3A_317 = arith.constant 0 : i32
        %dma_wait3A_318 = arith.constant 0 : i32
        %dma_wait3A_319 = tpu.memref_slice %arg25[%dma_wait3A_317, %dma_wait3A_318] : memref<10240x16xf32, #tpu.memory_space<vmem_shared>> -> memref<10240x16xf32, #tpu.memory_space<vmem_shared>>
        tpu.wait_indirect_dma semaphore(%arg27 : memref<!tpu.dma_semaphore, #tpu.memory_space<semaphore_mem>>) src(%arg23 : memref<128x16xf32, #tpu.memory_space<vmem>>) dst(%dma_wait3A_319 : memref<10240x16xf32, #tpu.memory_space<vmem_shared>>)
      } else {
      }
      %add3A_216 = arith.constant 0 : i32
      %add3A_217 = arith.addi %add3A_213, %add3A_216 : i32
      %dma_start3A_218 = arith.constant 0 : i32
      %dma_start3A_219 = tpu.memref_slice %arg8[%add3A_217, %dma_start3A_218] : memref<160x128xi32, #tpu.memory_space<vmem>> -> memref<1x128xi32, #tpu.memory_space<vmem>>
      %dma_start3A_220 = tpu.memref_squeeze %dma_start3A_219 : memref<1x128xi32, #tpu.memory_space<vmem>> -> memref<128xi32, #tpu.memory_space<vmem>>
      %dma_start3A_221 = arith.constant 0 : i32
      %dma_start3A_222 = arith.constant 0 : i32
      %dma_start3A_223 = tpu.memref_slice %arg25[%dma_start3A_221, %dma_start3A_222] : memref<10240x16xf32, #tpu.memory_space<vmem_shared>> -> memref<10240x16xf32, #tpu.memory_space<vmem_shared>>
      tpu.enqueue_indirect_dma source(%arg23 : memref<128x16xf32, #tpu.memory_space<vmem>>) target(%dma_start3A_223 : memref<10240x16xf32, #tpu.memory_space<vmem_shared>>) offsets(%dma_start3A_220 : memref<128xi32, #tpu.memory_space<vmem>>) semaphore(%arg26 : memref<!tpu.dma_semaphore, #tpu.memory_space<semaphore_mem>>) {add = true}
      %add3A_224 = arith.constant 1 : i32
      %add3A_225 = arith.addi %add3A_213, %add3A_224 : i32
      %dma_start3A_226 = arith.constant 0 : i32
      %dma_start3A_227 = tpu.memref_slice %arg8[%add3A_225, %dma_start3A_226] : memref<160x128xi32, #tpu.memory_space<vmem>> -> memref<1x128xi32, #tpu.memory_space<vmem>>
      %dma_start3A_228 = tpu.memref_squeeze %dma_start3A_227 : memref<1x128xi32, #tpu.memory_space<vmem>> -> memref<128xi32, #tpu.memory_space<vmem>>
      %dma_start3A_229 = arith.constant 0 : i32
      %dma_start3A_230 = arith.constant 0 : i32
      %dma_start3A_231 = tpu.memref_slice %arg25[%dma_start3A_229, %dma_start3A_230] : memref<10240x16xf32, #tpu.memory_space<vmem_shared>> -> memref<10240x16xf32, #tpu.memory_space<vmem_shared>>
      tpu.enqueue_indirect_dma source(%arg23 : memref<128x16xf32, #tpu.memory_space<vmem>>) target(%dma_start3A_231 : memref<10240x16xf32, #tpu.memory_space<vmem_shared>>) offsets(%dma_start3A_228 : memref<128xi32, #tpu.memory_space<vmem>>) semaphore(%arg27 : memref<!tpu.dma_semaphore, #tpu.memory_space<semaphore_mem>>) {add = true}
      %add3A_232 = arith.constant 0 : i32
      %add3A_233 = arith.addi %mul3A_208, %add3A_232 : i32
      %dma_wait3A_234 = arith.constant 0 : i32
      %dma_wait3A_235 = tpu.memref_slice %arg7[%add3A_233, %dma_wait3A_234] : memref<160x128xi32, #tpu.memory_space<vmem>> -> memref<1x128xi32, #tpu.memory_space<vmem>>
      %dma_wait3A_236 = tpu.memref_squeeze %dma_wait3A_235 : memref<1x128xi32, #tpu.memory_space<vmem>> -> memref<128xi32, #tpu.memory_space<vmem>>
      %dma_wait3A_237 = arith.constant 0 : i32
      %dma_wait3A_238 = arith.constant 0 : i32
      %dma_wait3A_239 = tpu.memref_slice %arg13[%dma_wait3A_237, %dma_wait3A_238] : memref<10240x32xf32, #tpu.memory_space<vmem_shared>> -> memref<10240x32xf32, #tpu.memory_space<vmem_shared>>
      tpu.wait_indirect_dma semaphore(%arg15 : memref<!tpu.dma_semaphore, #tpu.memory_space<semaphore_mem>>) src(%dma_wait3A_239 : memref<10240x32xf32, #tpu.memory_space<vmem_shared>>) dst(%arg9 : memref<128x32xf32, #tpu.memory_space<vmem>>)
      %add3A_240 = arith.constant 0 : i32
      %add3A_241 = arith.addi %mul3A_208, %add3A_240 : i32
      %dma_start3A_242 = arith.constant 0 : i32
      %dma_start3A_243 = tpu.memref_slice %arg8[%add3A_241, %dma_start3A_242] : memref<160x128xi32, #tpu.memory_space<vmem>> -> memref<1x128xi32, #tpu.memory_space<vmem>>
      %dma_start3A_244 = tpu.memref_squeeze %dma_start3A_243 : memref<1x128xi32, #tpu.memory_space<vmem>> -> memref<128xi32, #tpu.memory_space<vmem>>
      %dma_start3A_245 = arith.constant 0 : i32
      %dma_start3A_246 = arith.constant 0 : i32
      %dma_start3A_247 = tpu.memref_slice %arg14[%dma_start3A_245, %dma_start3A_246] : memref<10240x32xf32, #tpu.memory_space<vmem_shared>> -> memref<10240x32xf32, #tpu.memory_space<vmem_shared>>
      tpu.enqueue_indirect_dma source(%arg9 : memref<128x32xf32, #tpu.memory_space<vmem>>) target(%dma_start3A_247 : memref<10240x32xf32, #tpu.memory_space<vmem_shared>>) offsets(%dma_start3A_244 : memref<128xi32, #tpu.memory_space<vmem>>) semaphore(%arg19 : memref<!tpu.dma_semaphore, #tpu.memory_space<semaphore_mem>>) {add = true}
      %add3A_248 = arith.constant 1 : i32
      %add3A_249 = arith.addi %mul3A_208, %add3A_248 : i32
      %dma_wait3A_250 = arith.constant 0 : i32
      %dma_wait3A_251 = tpu.memref_slice %arg7[%add3A_249, %dma_wait3A_250] : memref<160x128xi32, #tpu.memory_space<vmem>> -> memref<1x128xi32, #tpu.memory_space<vmem>>
      %dma_wait3A_252 = tpu.memref_squeeze %dma_wait3A_251 : memref<1x128xi32, #tpu.memory_space<vmem>> -> memref<128xi32, #tpu.memory_space<vmem>>
      %dma_wait3A_253 = arith.constant 0 : i32
      %dma_wait3A_254 = arith.constant 0 : i32
      %dma_wait3A_255 = tpu.memref_slice %arg13[%dma_wait3A_253, %dma_wait3A_254] : memref<10240x32xf32, #tpu.memory_space<vmem_shared>> -> memref<10240x32xf32, #tpu.memory_space<vmem_shared>>
      tpu.wait_indirect_dma semaphore(%arg16 : memref<!tpu.dma_semaphore, #tpu.memory_space<semaphore_mem>>) src(%dma_wait3A_255 : memref<10240x32xf32, #tpu.memory_space<vmem_shared>>) dst(%arg10 : memref<128x32xf32, #tpu.memory_space<vmem>>)
      %add3A_256 = arith.constant 1 : i32
      %add3A_257 = arith.addi %mul3A_208, %add3A_256 : i32
      %dma_start3A_258 = arith.constant 0 : i32
      %dma_start3A_259 = tpu.memref_slice %arg8[%add3A_257, %dma_start3A_258] : memref<160x128xi32, #tpu.memory_space<vmem>> -> memref<1x128xi32, #tpu.memory_space<vmem>>
      %dma_start3A_260 = tpu.memref_squeeze %dma_start3A_259 : memref<1x128xi32, #tpu.memory_space<vmem>> -> memref<128xi32, #tpu.memory_space<vmem>>
      %dma_start3A_261 = arith.constant 0 : i32
      %dma_start3A_262 = arith.constant 0 : i32
      %dma_start3A_263 = tpu.memref_slice %arg14[%dma_start3A_261, %dma_start3A_262] : memref<10240x32xf32, #tpu.memory_space<vmem_shared>> -> memref<10240x32xf32, #tpu.memory_space<vmem_shared>>
      tpu.enqueue_indirect_dma source(%arg10 : memref<128x32xf32, #tpu.memory_space<vmem>>) target(%dma_start3A_263 : memref<10240x32xf32, #tpu.memory_space<vmem_shared>>) offsets(%dma_start3A_260 : memref<128xi32, #tpu.memory_space<vmem>>) semaphore(%arg20 : memref<!tpu.dma_semaphore, #tpu.memory_space<semaphore_mem>>) {add = true}
      %add3A_264 = arith.constant 2 : i32
      %add3A_265 = arith.addi %mul3A_208, %add3A_264 : i32
      %dma_wait3A_266 = arith.constant 0 : i32
      %dma_wait3A_267 = tpu.memref_slice %arg7[%add3A_265, %dma_wait3A_266] : memref<160x128xi32, #tpu.memory_space<vmem>> -> memref<1x128xi32, #tpu.memory_space<vmem>>
      %dma_wait3A_268 = tpu.memref_squeeze %dma_wait3A_267 : memref<1x128xi32, #tpu.memory_space<vmem>> -> memref<128xi32, #tpu.memory_space<vmem>>
      %dma_wait3A_269 = arith.constant 0 : i32
      %dma_wait3A_270 = arith.constant 0 : i32
      %dma_wait3A_271 = tpu.memref_slice %arg13[%dma_wait3A_269, %dma_wait3A_270] : memref<10240x32xf32, #tpu.memory_space<vmem_shared>> -> memref<10240x32xf32, #tpu.memory_space<vmem_shared>>
      tpu.wait_indirect_dma semaphore(%arg17 : memref<!tpu.dma_semaphore, #tpu.memory_space<semaphore_mem>>) src(%dma_wait3A_271 : memref<10240x32xf32, #tpu.memory_space<vmem_shared>>) dst(%arg11 : memref<128x32xf32, #tpu.memory_space<vmem>>)
      %add3A_272 = arith.constant 2 : i32
      %add3A_273 = arith.addi %mul3A_208, %add3A_272 : i32
      %dma_start3A_274 = arith.constant 0 : i32
      %dma_start3A_275 = tpu.memref_slice %arg8[%add3A_273, %dma_start3A_274] : memref<160x128xi32, #tpu.memory_space<vmem>> -> memref<1x128xi32, #tpu.memory_space<vmem>>
      %dma_start3A_276 = tpu.memref_squeeze %dma_start3A_275 : memref<1x128xi32, #tpu.memory_space<vmem>> -> memref<128xi32, #tpu.memory_space<vmem>>
      %dma_start3A_277 = arith.constant 0 : i32
      %dma_start3A_278 = arith.constant 0 : i32
      %dma_start3A_279 = tpu.memref_slice %arg14[%dma_start3A_277, %dma_start3A_278] : memref<10240x32xf32, #tpu.memory_space<vmem_shared>> -> memref<10240x32xf32, #tpu.memory_space<vmem_shared>>
      tpu.enqueue_indirect_dma source(%arg11 : memref<128x32xf32, #tpu.memory_space<vmem>>) target(%dma_start3A_279 : memref<10240x32xf32, #tpu.memory_space<vmem_shared>>) offsets(%dma_start3A_276 : memref<128xi32, #tpu.memory_space<vmem>>) semaphore(%arg21 : memref<!tpu.dma_semaphore, #tpu.memory_space<semaphore_mem>>) {add = true}
      %add3A_280 = arith.constant 3 : i32
      %add3A_281 = arith.addi %mul3A_208, %add3A_280 : i32
      %dma_wait3A_282 = arith.constant 0 : i32
      %dma_wait3A_283 = tpu.memref_slice %arg7[%add3A_281, %dma_wait3A_282] : memref<160x128xi32, #tpu.memory_space<vmem>> -> memref<1x128xi32, #tpu.memory_space<vmem>>
      %dma_wait3A_284 = tpu.memref_squeeze %dma_wait3A_283 : memref<1x128xi32, #tpu.memory_space<vmem>> -> memref<128xi32, #tpu.memory_space<vmem>>
      %dma_wait3A_285 = arith.constant 0 : i32
      %dma_wait3A_286 = arith.constant 0 : i32
      %dma_wait3A_287 = tpu.memref_slice %arg13[%dma_wait3A_285, %dma_wait3A_286] : memref<10240x32xf32, #tpu.memory_space<vmem_shared>> -> memref<10240x32xf32, #tpu.memory_space<vmem_shared>>
      tpu.wait_indirect_dma semaphore(%arg18 : memref<!tpu.dma_semaphore, #tpu.memory_space<semaphore_mem>>) src(%dma_wait3A_287 : memref<10240x32xf32, #tpu.memory_space<vmem_shared>>) dst(%arg12 : memref<128x32xf32, #tpu.memory_space<vmem>>)
      %add3A_288 = arith.constant 3 : i32
      %add3A_289 = arith.addi %mul3A_208, %add3A_288 : i32
      %dma_start3A_290 = arith.constant 0 : i32
      %dma_start3A_291 = tpu.memref_slice %arg8[%add3A_289, %dma_start3A_290] : memref<160x128xi32, #tpu.memory_space<vmem>> -> memref<1x128xi32, #tpu.memory_space<vmem>>
      %dma_start3A_292 = tpu.memref_squeeze %dma_start3A_291 : memref<1x128xi32, #tpu.memory_space<vmem>> -> memref<128xi32, #tpu.memory_space<vmem>>
      %dma_start3A_293 = arith.constant 0 : i32
      %dma_start3A_294 = arith.constant 0 : i32
      %dma_start3A_295 = tpu.memref_slice %arg14[%dma_start3A_293, %dma_start3A_294] : memref<10240x32xf32, #tpu.memory_space<vmem_shared>> -> memref<10240x32xf32, #tpu.memory_space<vmem_shared>>
      tpu.enqueue_indirect_dma source(%arg12 : memref<128x32xf32, #tpu.memory_space<vmem>>) target(%dma_start3A_295 : memref<10240x32xf32, #tpu.memory_space<vmem_shared>>) offsets(%dma_start3A_292 : memref<128xi32, #tpu.memory_space<vmem>>) semaphore(%arg22 : memref<!tpu.dma_semaphore, #tpu.memory_space<semaphore_mem>>) {add = true}
      %lt3A = arith.constant 39 : i32
      %lt3A_296 = arith.cmpi slt, %scan3A_206, %lt3A : i32
      %convert_element_type3A_297 = arith.extui %lt3A_296 : i1 to i32
      %cond3A_298 = arith.constant 0 : i32
      %cond3A_299 = arith.cmpi ne, %convert_element_type3A_297, %cond3A_298 : i32
      scf.if %cond3A_299 {
        %add3A_300 = arith.constant 0 : i32
        %add3A_301 = arith.addi %mul3A_208, %add3A_300 : i32
        %dma_wait3A_302 = arith.constant 0 : i32
        %dma_wait3A_303 = tpu.memref_slice %arg8[%add3A_301, %dma_wait3A_302] : memref<160x128xi32, #tpu.memory_space<vmem>> -> memref<1x128xi32, #tpu.memory_space<vmem>>
        %dma_wait3A_304 = tpu.memref_squeeze %dma_wait3A_303 : memref<1x128xi32, #tpu.memory_space<vmem>> -> memref<128xi32, #tpu.memory_space<vmem>>
        %dma_wait3A_305 = arith.constant 0 : i32
        %dma_wait3A_306 = arith.constant 0 : i32
        %dma_wait3A_307 = tpu.memref_slice %arg14[%dma_wait3A_305, %dma_wait3A_306] : memref<10240x32xf32, #tpu.memory_space<vmem_shared>> -> memref<10240x32xf32, #tpu.memory_space<vmem_shared>>
        tpu.wait_indirect_dma semaphore(%arg19 : memref<!tpu.dma_semaphore, #tpu.memory_space<semaphore_mem>>) src(%arg9 : memref<128x32xf32, #tpu.memory_space<vmem>>) dst(%dma_wait3A_307 : memref<10240x32xf32, #tpu.memory_space<vmem_shared>>)
        %add3A_308 = arith.constant 4 : i32
        %add3A_309 = arith.addi %mul3A_208, %add3A_308 : i32
        %add3A_310 = arith.constant 0 : i32
        %add3A_311 = arith.addi %add3A_309, %add3A_310 : i32
        %dma_start3A_312 = arith.constant 0 : i32
        %dma_start3A_313 = tpu.memref_slice %arg7[%add3A_311, %dma_start3A_312] : memref<160x128xi32, #tpu.memory_space<vmem>> -> memref<1x128xi32, #tpu.memory_space<vmem>>
        %dma_start3A_314 = tpu.memref_squeeze %dma_start3A_313 : memref<1x128xi32, #tpu.memory_space<vmem>> -> memref<128xi32, #tpu.memory_space<vmem>>
        %dma_start3A_315 = arith.constant 0 : i32
        %dma_start3A_316 = arith.constant 0 : i32
        %dma_start3A_317 = tpu.memref_slice %arg13[%dma_start3A_315, %dma_start3A_316] : memref<10240x32xf32, #tpu.memory_space<vmem_shared>> -> memref<10240x32xf32, #tpu.memory_space<vmem_shared>>
        tpu.enqueue_indirect_dma source(%dma_start3A_317 : memref<10240x32xf32, #tpu.memory_space<vmem_shared>>) target(%arg9 : memref<128x32xf32, #tpu.memory_space<vmem>>) offsets(%dma_start3A_314 : memref<128xi32, #tpu.memory_space<vmem>>) semaphore(%arg15 : memref<!tpu.dma_semaphore, #tpu.memory_space<semaphore_mem>>)
        %add3A_318 = arith.constant 1 : i32
        %add3A_319 = arith.addi %mul3A_208, %add3A_318 : i32
        %dma_wait3A_320 = arith.constant 0 : i32
        %dma_wait3A_321 = tpu.memref_slice %arg8[%add3A_319, %dma_wait3A_320] : memref<160x128xi32, #tpu.memory_space<vmem>> -> memref<1x128xi32, #tpu.memory_space<vmem>>
        %dma_wait3A_322 = tpu.memref_squeeze %dma_wait3A_321 : memref<1x128xi32, #tpu.memory_space<vmem>> -> memref<128xi32, #tpu.memory_space<vmem>>
        %dma_wait3A_323 = arith.constant 0 : i32
        %dma_wait3A_324 = arith.constant 0 : i32
        %dma_wait3A_325 = tpu.memref_slice %arg14[%dma_wait3A_323, %dma_wait3A_324] : memref<10240x32xf32, #tpu.memory_space<vmem_shared>> -> memref<10240x32xf32, #tpu.memory_space<vmem_shared>>
        tpu.wait_indirect_dma semaphore(%arg20 : memref<!tpu.dma_semaphore, #tpu.memory_space<semaphore_mem>>) src(%arg10 : memref<128x32xf32, #tpu.memory_space<vmem>>) dst(%dma_wait3A_325 : memref<10240x32xf32, #tpu.memory_space<vmem_shared>>)
        %add3A_326 = arith.constant 4 : i32
        %add3A_327 = arith.addi %mul3A_208, %add3A_326 : i32
        %add3A_328 = arith.constant 1 : i32
        %add3A_329 = arith.addi %add3A_327, %add3A_328 : i32
        %dma_start3A_330 = arith.constant 0 : i32
        %dma_start3A_331 = tpu.memref_slice %arg7[%add3A_329, %dma_start3A_330] : memref<160x128xi32, #tpu.memory_space<vmem>> -> memref<1x128xi32, #tpu.memory_space<vmem>>
        %dma_start3A_332 = tpu.memref_squeeze %dma_start3A_331 : memref<1x128xi32, #tpu.memory_space<vmem>> -> memref<128xi32, #tpu.memory_space<vmem>>
        %dma_start3A_333 = arith.constant 0 : i32
        %dma_start3A_334 = arith.constant 0 : i32
        %dma_start3A_335 = tpu.memref_slice %arg13[%dma_start3A_333, %dma_start3A_334] : memref<10240x32xf32, #tpu.memory_space<vmem_shared>> -> memref<10240x32xf32, #tpu.memory_space<vmem_shared>>
        tpu.enqueue_indirect_dma source(%dma_start3A_335 : memref<10240x32xf32, #tpu.memory_space<vmem_shared>>) target(%arg10 : memref<128x32xf32, #tpu.memory_space<vmem>>) offsets(%dma_start3A_332 : memref<128xi32, #tpu.memory_space<vmem>>) semaphore(%arg16 : memref<!tpu.dma_semaphore, #tpu.memory_space<semaphore_mem>>)
        %add3A_336 = arith.constant 2 : i32
        %add3A_337 = arith.addi %mul3A_208, %add3A_336 : i32
        %dma_wait3A_338 = arith.constant 0 : i32
        %dma_wait3A_339 = tpu.memref_slice %arg8[%add3A_337, %dma_wait3A_338] : memref<160x128xi32, #tpu.memory_space<vmem>> -> memref<1x128xi32, #tpu.memory_space<vmem>>
        %dma_wait3A_340 = tpu.memref_squeeze %dma_wait3A_339 : memref<1x128xi32, #tpu.memory_space<vmem>> -> memref<128xi32, #tpu.memory_space<vmem>>
        %dma_wait3A_341 = arith.constant 0 : i32
        %dma_wait3A_342 = arith.constant 0 : i32
        %dma_wait3A_343 = tpu.memref_slice %arg14[%dma_wait3A_341, %dma_wait3A_342] : memref<10240x32xf32, #tpu.memory_space<vmem_shared>> -> memref<10240x32xf32, #tpu.memory_space<vmem_shared>>
        tpu.wait_indirect_dma semaphore(%arg21 : memref<!tpu.dma_semaphore, #tpu.memory_space<semaphore_mem>>) src(%arg11 : memref<128x32xf32, #tpu.memory_space<vmem>>) dst(%dma_wait3A_343 : memref<10240x32xf32, #tpu.memory_space<vmem_shared>>)
        %add3A_344 = arith.constant 4 : i32
        %add3A_345 = arith.addi %mul3A_208, %add3A_344 : i32
        %add3A_346 = arith.constant 2 : i32
        %add3A_347 = arith.addi %add3A_345, %add3A_346 : i32
        %dma_start3A_348 = arith.constant 0 : i32
        %dma_start3A_349 = tpu.memref_slice %arg7[%add3A_347, %dma_start3A_348] : memref<160x128xi32, #tpu.memory_space<vmem>> -> memref<1x128xi32, #tpu.memory_space<vmem>>
        %dma_start3A_350 = tpu.memref_squeeze %dma_start3A_349 : memref<1x128xi32, #tpu.memory_space<vmem>> -> memref<128xi32, #tpu.memory_space<vmem>>
        %dma_start3A_351 = arith.constant 0 : i32
        %dma_start3A_352 = arith.constant 0 : i32
        %dma_start3A_353 = tpu.memref_slice %arg13[%dma_start3A_351, %dma_start3A_352] : memref<10240x32xf32, #tpu.memory_space<vmem_shared>> -> memref<10240x32xf32, #tpu.memory_space<vmem_shared>>
        tpu.enqueue_indirect_dma source(%dma_start3A_353 : memref<10240x32xf32, #tpu.memory_space<vmem_shared>>) target(%arg11 : memref<128x32xf32, #tpu.memory_space<vmem>>) offsets(%dma_start3A_350 : memref<128xi32, #tpu.memory_space<vmem>>) semaphore(%arg17 : memref<!tpu.dma_semaphore, #tpu.memory_space<semaphore_mem>>)
        %add3A_354 = arith.constant 3 : i32
        %add3A_355 = arith.addi %mul3A_208, %add3A_354 : i32
        %dma_wait3A_356 = arith.constant 0 : i32
        %dma_wait3A_357 = tpu.memref_slice %arg8[%add3A_355, %dma_wait3A_356] : memref<160x128xi32, #tpu.memory_space<vmem>> -> memref<1x128xi32, #tpu.memory_space<vmem>>
        %dma_wait3A_358 = tpu.memref_squeeze %dma_wait3A_357 : memref<1x128xi32, #tpu.memory_space<vmem>> -> memref<128xi32, #tpu.memory_space<vmem>>
        %dma_wait3A_359 = arith.constant 0 : i32
        %dma_wait3A_360 = arith.constant 0 : i32
        %dma_wait3A_361 = tpu.memref_slice %arg14[%dma_wait3A_359, %dma_wait3A_360] : memref<10240x32xf32, #tpu.memory_space<vmem_shared>> -> memref<10240x32xf32, #tpu.memory_space<vmem_shared>>
        tpu.wait_indirect_dma semaphore(%arg22 : memref<!tpu.dma_semaphore, #tpu.memory_space<semaphore_mem>>) src(%arg12 : memref<128x32xf32, #tpu.memory_space<vmem>>) dst(%dma_wait3A_361 : memref<10240x32xf32, #tpu.memory_space<vmem_shared>>)
        %add3A_362 = arith.constant 4 : i32
        %add3A_363 = arith.addi %mul3A_208, %add3A_362 : i32
        %add3A_364 = arith.constant 3 : i32
        %add3A_365 = arith.addi %add3A_363, %add3A_364 : i32
        %dma_start3A_366 = arith.constant 0 : i32
        %dma_start3A_367 = tpu.memref_slice %arg7[%add3A_365, %dma_start3A_366] : memref<160x128xi32, #tpu.memory_space<vmem>> -> memref<1x128xi32, #tpu.memory_space<vmem>>
        %dma_start3A_368 = tpu.memref_squeeze %dma_start3A_367 : memref<1x128xi32, #tpu.memory_space<vmem>> -> memref<128xi32, #tpu.memory_space<vmem>>
        %dma_start3A_369 = arith.constant 0 : i32
        %dma_start3A_370 = arith.constant 0 : i32
        %dma_start3A_371 = tpu.memref_slice %arg13[%dma_start3A_369, %dma_start3A_370] : memref<10240x32xf32, #tpu.memory_space<vmem_shared>> -> memref<10240x32xf32, #tpu.memory_space<vmem_shared>>
        tpu.enqueue_indirect_dma source(%dma_start3A_371 : memref<10240x32xf32, #tpu.memory_space<vmem_shared>>) target(%arg12 : memref<128x32xf32, #tpu.memory_space<vmem>>) offsets(%dma_start3A_368 : memref<128xi32, #tpu.memory_space<vmem>>) semaphore(%arg18 : memref<!tpu.dma_semaphore, #tpu.memory_space<semaphore_mem>>)
      } else {
      }
    }
    %scan3A_64 = arith.constant 40 : i32
    %mul3A_65 = arith.constant 80 : i32
    %mul3A_66 = arith.muli %arg0, %mul3A_65 : i32
    %add3A_67 = arith.constant 80 : i32
    %add3A_68 = arith.addi %mul3A_66, %add3A_67 : i32
    %sub3A = arith.constant 2 : i32
    %sub3A_69 = arith.subi %add3A_68, %sub3A : i32
    %add3A_70 = arith.constant 0 : i32
    %add3A_71 = arith.addi %sub3A_69, %add3A_70 : i32
    %dma_wait3A = arith.constant 0 : i32
    %dma_wait3A_72 = tpu.memref_slice %arg8[%add3A_71, %dma_wait3A] : memref<160x128xi32, #tpu.memory_space<vmem>> -> memref<1x128xi32, #tpu.memory_space<vmem>>
    %dma_wait3A_73 = tpu.memref_squeeze %dma_wait3A_72 : memref<1x128xi32, #tpu.memory_space<vmem>> -> memref<128xi32, #tpu.memory_space<vmem>>
    %dma_wait3A_74 = arith.constant 0 : i32
    %dma_wait3A_75 = arith.constant 0 : i32
    %dma_wait3A_76 = tpu.memref_slice %arg25[%dma_wait3A_74, %dma_wait3A_75] : memref<10240x16xf32, #tpu.memory_space<vmem_shared>> -> memref<10240x16xf32, #tpu.memory_space<vmem_shared>>
    tpu.wait_indirect_dma semaphore(%arg26 : memref<!tpu.dma_semaphore, #tpu.memory_space<semaphore_mem>>) src(%arg23 : memref<128x16xf32, #tpu.memory_space<vmem>>) dst(%dma_wait3A_76 : memref<10240x16xf32, #tpu.memory_space<vmem_shared>>)
    %mul3A_77 = arith.constant 80 : i32
    %mul3A_78 = arith.muli %arg0, %mul3A_77 : i32
    %add3A_79 = arith.constant 80 : i32
    %add3A_80 = arith.addi %mul3A_78, %add3A_79 : i32
    %sub3A_81 = arith.constant 2 : i32
    %sub3A_82 = arith.subi %add3A_80, %sub3A_81 : i32
    %add3A_83 = arith.constant 1 : i32
    %add3A_84 = arith.addi %sub3A_82, %add3A_83 : i32
    %dma_wait3A_85 = arith.constant 0 : i32
    %dma_wait3A_86 = tpu.memref_slice %arg8[%add3A_84, %dma_wait3A_85] : memref<160x128xi32, #tpu.memory_space<vmem>> -> memref<1x128xi32, #tpu.memory_space<vmem>>
    %dma_wait3A_87 = tpu.memref_squeeze %dma_wait3A_86 : memref<1x128xi32, #tpu.memory_space<vmem>> -> memref<128xi32, #tpu.memory_space<vmem>>
    %dma_wait3A_88 = arith.constant 0 : i32
    %dma_wait3A_89 = arith.constant 0 : i32
    %dma_wait3A_90 = tpu.memref_slice %arg25[%dma_wait3A_88, %dma_wait3A_89] : memref<10240x16xf32, #tpu.memory_space<vmem_shared>> -> memref<10240x16xf32, #tpu.memory_space<vmem_shared>>
    tpu.wait_indirect_dma semaphore(%arg27 : memref<!tpu.dma_semaphore, #tpu.memory_space<semaphore_mem>>) src(%arg23 : memref<128x16xf32, #tpu.memory_space<vmem>>) dst(%dma_wait3A_90 : memref<10240x16xf32, #tpu.memory_space<vmem_shared>>)
    %dma_wait3A_91 = arith.constant 156 : i32
    %dma_wait3A_92 = arith.constant 0 : i32
    %dma_wait3A_93 = tpu.memref_slice %arg8[%dma_wait3A_91, %dma_wait3A_92] : memref<160x128xi32, #tpu.memory_space<vmem>> -> memref<1x128xi32, #tpu.memory_space<vmem>>
    %dma_wait3A_94 = tpu.memref_squeeze %dma_wait3A_93 : memref<1x128xi32, #tpu.memory_space<vmem>> -> memref<128xi32, #tpu.memory_space<vmem>>
    %dma_wait3A_95 = arith.constant 0 : i32
    %dma_wait3A_96 = arith.constant 0 : i32
    %dma_wait3A_97 = tpu.memref_slice %arg14[%dma_wait3A_95, %dma_wait3A_96] : memref<10240x32xf32, #tpu.memory_space<vmem_shared>> -> memref<10240x32xf32, #tpu.memory_space<vmem_shared>>
    tpu.wait_indirect_dma semaphore(%arg19 : memref<!tpu.dma_semaphore, #tpu.memory_space<semaphore_mem>>) src(%arg9 : memref<128x32xf32, #tpu.memory_space<vmem>>) dst(%dma_wait3A_97 : memref<10240x32xf32, #tpu.memory_space<vmem_shared>>)
    %dma_wait3A_98 = arith.constant 157 : i32
    %dma_wait3A_99 = arith.constant 0 : i32
    %dma_wait3A_100 = tpu.memref_slice %arg8[%dma_wait3A_98, %dma_wait3A_99] : memref<160x128xi32, #tpu.memory_space<vmem>> -> memref<1x128xi32, #tpu.memory_space<vmem>>
    %dma_wait3A_101 = tpu.memref_squeeze %dma_wait3A_100 : memref<1x128xi32, #tpu.memory_space<vmem>> -> memref<128xi32, #tpu.memory_space<vmem>>
    %dma_wait3A_102 = arith.constant 0 : i32
    %dma_wait3A_103 = arith.constant 0 : i32
    %dma_wait3A_104 = tpu.memref_slice %arg14[%dma_wait3A_102, %dma_wait3A_103] : memref<10240x32xf32, #tpu.memory_space<vmem_shared>> -> memref<10240x32xf32, #tpu.memory_space<vmem_shared>>
    tpu.wait_indirect_dma semaphore(%arg20 : memref<!tpu.dma_semaphore, #tpu.memory_space<semaphore_mem>>) src(%arg10 : memref<128x32xf32, #tpu.memory_space<vmem>>) dst(%dma_wait3A_104 : memref<10240x32xf32, #tpu.memory_space<vmem_shared>>)
    %dma_wait3A_105 = arith.constant 158 : i32
    %dma_wait3A_106 = arith.constant 0 : i32
    %dma_wait3A_107 = tpu.memref_slice %arg8[%dma_wait3A_105, %dma_wait3A_106] : memref<160x128xi32, #tpu.memory_space<vmem>> -> memref<1x128xi32, #tpu.memory_space<vmem>>
    %dma_wait3A_108 = tpu.memref_squeeze %dma_wait3A_107 : memref<1x128xi32, #tpu.memory_space<vmem>> -> memref<128xi32, #tpu.memory_space<vmem>>
    %dma_wait3A_109 = arith.constant 0 : i32
    %dma_wait3A_110 = arith.constant 0 : i32
    %dma_wait3A_111 = tpu.memref_slice %arg14[%dma_wait3A_109, %dma_wait3A_110] : memref<10240x32xf32, #tpu.memory_space<vmem_shared>> -> memref<10240x32xf32, #tpu.memory_space<vmem_shared>>
    tpu.wait_indirect_dma semaphore(%arg21 : memref<!tpu.dma_semaphore, #tpu.memory_space<semaphore_mem>>) src(%arg11 : memref<128x32xf32, #tpu.memory_space<vmem>>) dst(%dma_wait3A_111 : memref<10240x32xf32, #tpu.memory_space<vmem_shared>>)
    %dma_wait3A_112 = arith.constant 159 : i32
    %dma_wait3A_113 = arith.constant 0 : i32
    %dma_wait3A_114 = tpu.memref_slice %arg8[%dma_wait3A_112, %dma_wait3A_113] : memref<160x128xi32, #tpu.memory_space<vmem>> -> memref<1x128xi32, #tpu.memory_space<vmem>>
    %dma_wait3A_115 = tpu.memref_squeeze %dma_wait3A_114 : memref<1x128xi32, #tpu.memory_space<vmem>> -> memref<128xi32, #tpu.memory_space<vmem>>
    %dma_wait3A_116 = arith.constant 0 : i32
    %dma_wait3A_117 = arith.constant 0 : i32
    %dma_wait3A_118 = tpu.memref_slice %arg14[%dma_wait3A_116, %dma_wait3A_117] : memref<10240x32xf32, #tpu.memory_space<vmem_shared>> -> memref<10240x32xf32, #tpu.memory_space<vmem_shared>>
    tpu.wait_indirect_dma semaphore(%arg22 : memref<!tpu.dma_semaphore, #tpu.memory_space<semaphore_mem>>) src(%arg12 : memref<128x32xf32, #tpu.memory_space<vmem>>) dst(%dma_wait3A_118 : memref<10240x32xf32, #tpu.memory_space<vmem_shared>>)
    %barrier3A_119 = arith.constant 0 : index
    tpu.barrier barrier_id(%barrier3A_119)
    "tpu.region"() ({
      %run_scoped3A = tpu.sem_alloc : memref<!tpu.dma_semaphore, #tpu.memory_space<semaphore_mem>>
      %dma_start3A_206 = arith.constant 0 : i32
      %dma_start3A_207 = arith.constant 0 : i32
      %dma_start3A_208 = tpu.memref_slice %arg5[%add3A_17, %dma_start3A_206, %dma_start3A_207] : memref<4x10240x32xf32, #tpu.memory_space<hbm>> -> memref<1x10240x32xf32, #tpu.memory_space<hbm>>
      %dma_start3A_209 = tpu.memref_squeeze %dma_start3A_208 : memref<1x10240x32xf32, #tpu.memory_space<hbm>> -> memref<10240x32xf32, #tpu.memory_space<hbm>>
      %dma_start3A_210 = arith.constant 0 : i32
      %dma_start3A_211 = tpu.memref_slice %dma_start3A_209[%mul3A_16, %dma_start3A_210] : memref<10240x32xf32, #tpu.memory_space<hbm>> -> memref<640x32xf32, #tpu.memory_space<hbm>>
      %dma_start3A_212 = arith.constant 0 : i32
      %dma_start3A_213 = tpu.memref_slice %arg14[%mul3A_16, %dma_start3A_212] : memref<10240x32xf32, #tpu.memory_space<vmem_shared>> -> memref<640x32xf32, #tpu.memory_space<vmem_shared>>
      tpu.enqueue_dma source(%dma_start3A_213 : memref<640x32xf32, #tpu.memory_space<vmem_shared>>) target(%dma_start3A_211 : memref<640x32xf32, #tpu.memory_space<hbm>>) target_semaphore(%run_scoped3A : memref<!tpu.dma_semaphore, #tpu.memory_space<semaphore_mem>>)
      %dma_wait3A_214 = arith.constant 0 : i32
      %dma_wait3A_215 = arith.constant 0 : i32
      %dma_wait3A_216 = tpu.memref_slice %arg5[%add3A_17, %dma_wait3A_214, %dma_wait3A_215] : memref<4x10240x32xf32, #tpu.memory_space<hbm>> -> memref<1x10240x32xf32, #tpu.memory_space<hbm>>
      %dma_wait3A_217 = tpu.memref_squeeze %dma_wait3A_216 : memref<1x10240x32xf32, #tpu.memory_space<hbm>> -> memref<10240x32xf32, #tpu.memory_space<hbm>>
      %dma_wait3A_218 = arith.constant 0 : i32
      %dma_wait3A_219 = tpu.memref_slice %dma_wait3A_217[%mul3A_16, %dma_wait3A_218] : memref<10240x32xf32, #tpu.memory_space<hbm>> -> memref<640x32xf32, #tpu.memory_space<hbm>>
      %dma_wait3A_220 = arith.constant 0 : i32
      %dma_wait3A_221 = tpu.memref_slice %arg14[%mul3A_16, %dma_wait3A_220] : memref<10240x32xf32, #tpu.memory_space<vmem_shared>> -> memref<640x32xf32, #tpu.memory_space<vmem_shared>>
      tpu.wait_dma2 semaphore(%run_scoped3A : memref<!tpu.dma_semaphore, #tpu.memory_space<semaphore_mem>>) src(%dma_wait3A_221 : memref<640x32xf32, #tpu.memory_space<vmem_shared>>) dst(%dma_wait3A_219 : memref<640x32xf32, #tpu.memory_space<hbm>>)
      tpu.yield
    }) : () -> ()
    %mul3A_120 = arith.constant 640 : i32
    %mul3A_121 = arith.muli %arg1, %mul3A_120 : i32
    %add3A_122 = arith.constant 2 : i32
    %add3A_123 = arith.addi %arg0, %add3A_122 : i32
    %broadcast_in_dim3A_124 = arith.constant 0.000000e+00 : f32
    %broadcast_in_dim3A_125 = vector.broadcast %broadcast_in_dim3A_124 : f32 to vector<16xf32>
    %scan3A_126 = arith.constant 0 : i32
    %scan3A_127 = arith.constant 0 : i32
    %scan3A_128 = arith.constant 128 : i32
    %scan3A_129 = arith.addi %scan3A_127, %scan3A_128 : i32
    %scan3A_130 = arith.constant 1 : i32
    scf.for %scan3A_206 = %scan3A_127 to %scan3A_129 step %scan3A_130  : i32 {
      %swap3A = arith.index_cast %scan3A_206 : i32 to index
      %swap3A_207 = arith.constant 0 : index
      %swap3A_208 = tpu.vector_load %arg9[%swap3A, %swap3A_207] {strides = array<i32>} : memref<128x32xf32, #tpu.memory_space<vmem>>, vector<1x16xf32>,
      %swap3A_209 = vector.shape_cast %swap3A_208 : vector<1x16xf32> to vector<16xf32>
      %swap3A_210 = vector.shape_cast %broadcast_in_dim3A_125 : vector<16xf32> to vector<1x16xf32>
      tpu.vector_store %arg9[%swap3A, %swap3A_207], %swap3A_210 {strides = array<i32>} : memref<128x32xf32, #tpu.memory_space<vmem>>, vector<1x16xf32>,
      %swap3A_211 = arith.index_cast %scan3A_206 : i32 to index
      %swap3A_212 = arith.constant 16 : index
      %swap3A_213 = tpu.vector_load %arg9[%swap3A_211, %swap3A_212] {strides = array<i32>} : memref<128x32xf32, #tpu.memory_space<vmem>>, vector<1x16xf32>,
      %swap3A_214 = vector.shape_cast %swap3A_213 : vector<1x16xf32> to vector<16xf32>
      %swap3A_215 = vector.shape_cast %broadcast_in_dim3A_125 : vector<16xf32> to vector<1x16xf32>
      tpu.vector_store %arg9[%swap3A_211, %swap3A_212], %swap3A_215 {strides = array<i32>} : memref<128x32xf32, #tpu.memory_space<vmem>>, vector<1x16xf32>,
    }
    %scan3A_131 = arith.constant 128 : i32
    %scan3A_132 = arith.constant 0 : i32
    %scan3A_133 = arith.constant 0 : i32
    %scan3A_134 = arith.constant 5 : i32
    %scan3A_135 = arith.addi %scan3A_133, %scan3A_134 : i32
    %scan3A_136 = arith.constant 1 : i32
    scf.for %scan3A_206 = %scan3A_133 to %scan3A_135 step %scan3A_136  : i32 {
      %mul3A_207 = arith.constant 128 : i32
      %mul3A_208 = arith.muli %scan3A_206, %mul3A_207 : i32
      %add3A_209 = arith.addi %mul3A_121, %mul3A_208 : i32
      "tpu.region"() ({
        %run_scoped3A = tpu.sem_alloc : memref<!tpu.dma_semaphore, #tpu.memory_space<semaphore_mem>>
        %dma_start3A_210 = arith.constant 0 : i32
        %dma_start3A_211 = tpu.memref_slice %arg14[%add3A_209, %dma_start3A_210] : memref<10240x32xf32, #tpu.memory_space<vmem_shared>> -> memref<128x32xf32, #tpu.memory_space<vmem_shared>>
        %dma_start3A_212 = arith.constant 0 : i32
        %dma_start3A_213 = tpu.memref_slice %arg14[%add3A_209, %dma_start3A_212] : memref<10240x32xf32, #tpu.memory_space<vmem_shared>> -> memref<128x32xf32, #tpu.memory_space<vmem_shared>>
        tpu.enqueue_dma source(%arg9 : memref<128x32xf32, #tpu.memory_space<vmem>>) target(%dma_start3A_213 : memref<128x32xf32, #tpu.memory_space<vmem_shared>>) target_semaphore(%run_scoped3A : memref<!tpu.dma_semaphore, #tpu.memory_space<semaphore_mem>>)
        %dma_wait3A_214 = arith.constant 0 : i32
        %dma_wait3A_215 = tpu.memref_slice %arg14[%add3A_209, %dma_wait3A_214] : memref<10240x32xf32, #tpu.memory_space<vmem_shared>> -> memref<128x32xf32, #tpu.memory_space<vmem_shared>>
        %dma_wait3A_216 = arith.constant 0 : i32
        %dma_wait3A_217 = tpu.memref_slice %arg14[%add3A_209, %dma_wait3A_216] : memref<10240x32xf32, #tpu.memory_space<vmem_shared>> -> memref<128x32xf32, #tpu.memory_space<vmem_shared>>
        tpu.wait_dma2 semaphore(%run_scoped3A : memref<!tpu.dma_semaphore, #tpu.memory_space<semaphore_mem>>) src(%arg9 : memref<128x32xf32, #tpu.memory_space<vmem>>) dst(%dma_wait3A_217 : memref<128x32xf32, #tpu.memory_space<vmem_shared>>)
        tpu.yield
      }) : () -> ()
    }
    %scan3A_137 = arith.constant 5 : i32
    "tpu.region"() ({
      %run_scoped3A = tpu.sem_alloc : memref<!tpu.dma_semaphore, #tpu.memory_space<semaphore_mem>>
      %dma_start3A_206 = arith.constant 0 : i32
      %dma_start3A_207 = tpu.memref_slice %arg13[%mul3A_121, %dma_start3A_206] : memref<10240x32xf32, #tpu.memory_space<vmem_shared>> -> memref<640x32xf32, #tpu.memory_space<vmem_shared>>
      %dma_start3A_208 = arith.constant 0 : i32
      %dma_start3A_209 = arith.constant 0 : i32
      %dma_start3A_210 = tpu.memref_slice %arg2[%add3A_123, %dma_start3A_208, %dma_start3A_209] : memref<4x10240x32xf32, #tpu.memory_space<hbm>> -> memref<1x10240x32xf32, #tpu.memory_space<hbm>>
      %dma_start3A_211 = tpu.memref_squeeze %dma_start3A_210 : memref<1x10240x32xf32, #tpu.memory_space<hbm>> -> memref<10240x32xf32, #tpu.memory_space<hbm>>
      %dma_start3A_212 = arith.constant 0 : i32
      %dma_start3A_213 = tpu.memref_slice %dma_start3A_211[%mul3A_121, %dma_start3A_212] : memref<10240x32xf32, #tpu.memory_space<hbm>> -> memref<640x32xf32, #tpu.memory_space<hbm>>
      tpu.enqueue_dma source(%dma_start3A_213 : memref<640x32xf32, #tpu.memory_space<hbm>>) target(%dma_start3A_207 : memref<640x32xf32, #tpu.memory_space<vmem_shared>>) target_semaphore(%run_scoped3A : memref<!tpu.dma_semaphore, #tpu.memory_space<semaphore_mem>>)
      %dma_wait3A_214 = arith.constant 0 : i32
      %dma_wait3A_215 = tpu.memref_slice %arg13[%mul3A_121, %dma_wait3A_214] : memref<10240x32xf32, #tpu.memory_space<vmem_shared>> -> memref<640x32xf32, #tpu.memory_space<vmem_shared>>
      %dma_wait3A_216 = arith.constant 0 : i32
      %dma_wait3A_217 = arith.constant 0 : i32
      %dma_wait3A_218 = tpu.memref_slice %arg2[%add3A_123, %dma_wait3A_216, %dma_wait3A_217] : memref<4x10240x32xf32, #tpu.memory_space<hbm>> -> memref<1x10240x32xf32, #tpu.memory_space<hbm>>
      %dma_wait3A_219 = tpu.memref_squeeze %dma_wait3A_218 : memref<1x10240x32xf32, #tpu.memory_space<hbm>> -> memref<10240x32xf32, #tpu.memory_space<hbm>>
      %dma_wait3A_220 = arith.constant 0 : i32
      %dma_wait3A_221 = tpu.memref_slice %dma_wait3A_219[%mul3A_121, %dma_wait3A_220] : memref<10240x32xf32, #tpu.memory_space<hbm>> -> memref<640x32xf32, #tpu.memory_space<hbm>>
      tpu.wait_dma2 semaphore(%run_scoped3A : memref<!tpu.dma_semaphore, #tpu.memory_space<semaphore_mem>>) src(%dma_wait3A_221 : memref<640x32xf32, #tpu.memory_space<hbm>>) dst(%dma_wait3A_215 : memref<640x32xf32, #tpu.memory_space<vmem_shared>>)
      tpu.yield
    }) : () -> ()
    %barrier3A_138 = arith.constant 0 : index
    tpu.barrier barrier_id(%barrier3A_138)
    %dma_start3A_139 = arith.constant 0 : i32
    %dma_start3A_140 = arith.constant 0 : i32
    %dma_start3A_141 = tpu.memref_slice %arg7[%dma_start3A_139, %dma_start3A_140] : memref<160x128xi32, #tpu.memory_space<vmem>> -> memref<1x128xi32, #tpu.memory_space<vmem>>
    %dma_start3A_142 = tpu.memref_squeeze %dma_start3A_141 : memref<1x128xi32, #tpu.memory_space<vmem>> -> memref<128xi32, #tpu.memory_space<vmem>>
    %dma_start3A_143 = arith.constant 0 : i32
    %dma_start3A_144 = arith.constant 0 : i32
    %dma_start3A_145 = tpu.memref_slice %arg13[%dma_start3A_143, %dma_start3A_144] : memref<10240x32xf32, #tpu.memory_space<vmem_shared>> -> memref<10240x32xf32, #tpu.memory_space<vmem_shared>>
    tpu.enqueue_indirect_dma source(%dma_start3A_145 : memref<10240x32xf32, #tpu.memory_space<vmem_shared>>) target(%arg9 : memref<128x32xf32, #tpu.memory_space<vmem>>) offsets(%dma_start3A_142 : memref<128xi32, #tpu.memory_space<vmem>>) semaphore(%arg15 : memref<!tpu.dma_semaphore, #tpu.memory_space<semaphore_mem>>)
    %dma_start3A_146 = arith.constant 1 : i32
    %dma_start3A_147 = arith.constant 0 : i32
    %dma_start3A_148 = tpu.memref_slice %arg7[%dma_start3A_146, %dma_start3A_147] : memref<160x128xi32, #tpu.memory_space<vmem>> -> memref<1x128xi32, #tpu.memory_space<vmem>>
    %dma_start3A_149 = tpu.memref_squeeze %dma_start3A_148 : memref<1x128xi32, #tpu.memory_space<vmem>> -> memref<128xi32, #tpu.memory_space<vmem>>
    %dma_start3A_150 = arith.constant 0 : i32
    %dma_start3A_151 = arith.constant 0 : i32
    %dma_start3A_152 = tpu.memref_slice %arg13[%dma_start3A_150, %dma_start3A_151] : memref<10240x32xf32, #tpu.memory_space<vmem_shared>> -> memref<10240x32xf32, #tpu.memory_space<vmem_shared>>
    tpu.enqueue_indirect_dma source(%dma_start3A_152 : memref<10240x32xf32, #tpu.memory_space<vmem_shared>>) target(%arg10 : memref<128x32xf32, #tpu.memory_space<vmem>>) offsets(%dma_start3A_149 : memref<128xi32, #tpu.memory_space<vmem>>) semaphore(%arg16 : memref<!tpu.dma_semaphore, #tpu.memory_space<semaphore_mem>>)
    %dma_start3A_153 = arith.constant 2 : i32
    %dma_start3A_154 = arith.constant 0 : i32
    %dma_start3A_155 = tpu.memref_slice %arg7[%dma_start3A_153, %dma_start3A_154] : memref<160x128xi32, #tpu.memory_space<vmem>> -> memref<1x128xi32, #tpu.memory_space<vmem>>
    %dma_start3A_156 = tpu.memref_squeeze %dma_start3A_155 : memref<1x128xi32, #tpu.memory_space<vmem>> -> memref<128xi32, #tpu.memory_space<vmem>>
    %dma_start3A_157 = arith.constant 0 : i32
    %dma_start3A_158 = arith.constant 0 : i32
    %dma_start3A_159 = tpu.memref_slice %arg13[%dma_start3A_157, %dma_start3A_158] : memref<10240x32xf32, #tpu.memory_space<vmem_shared>> -> memref<10240x32xf32, #tpu.memory_space<vmem_shared>>
    tpu.enqueue_indirect_dma source(%dma_start3A_159 : memref<10240x32xf32, #tpu.memory_space<vmem_shared>>) target(%arg11 : memref<128x32xf32, #tpu.memory_space<vmem>>) offsets(%dma_start3A_156 : memref<128xi32, #tpu.memory_space<vmem>>) semaphore(%arg17 : memref<!tpu.dma_semaphore, #tpu.memory_space<semaphore_mem>>)
    %dma_start3A_160 = arith.constant 3 : i32
    %dma_start3A_161 = arith.constant 0 : i32
    %dma_start3A_162 = tpu.memref_slice %arg7[%dma_start3A_160, %dma_start3A_161] : memref<160x128xi32, #tpu.memory_space<vmem>> -> memref<1x128xi32, #tpu.memory_space<vmem>>
    %dma_start3A_163 = tpu.memref_squeeze %dma_start3A_162 : memref<1x128xi32, #tpu.memory_space<vmem>> -> memref<128xi32, #tpu.memory_space<vmem>>
    %dma_start3A_164 = arith.constant 0 : i32
    %dma_start3A_165 = arith.constant 0 : i32
    %dma_start3A_166 = tpu.memref_slice %arg13[%dma_start3A_164, %dma_start3A_165] : memref<10240x32xf32, #tpu.memory_space<vmem_shared>> -> memref<10240x32xf32, #tpu.memory_space<vmem_shared>>
    tpu.enqueue_indirect_dma source(%dma_start3A_166 : memref<10240x32xf32, #tpu.memory_space<vmem_shared>>) target(%arg12 : memref<128x32xf32, #tpu.memory_space<vmem>>) offsets(%dma_start3A_163 : memref<128xi32, #tpu.memory_space<vmem>>) semaphore(%arg18 : memref<!tpu.dma_semaphore, #tpu.memory_space<semaphore_mem>>)
    %scan3A_167 = arith.constant 0 : i32
    %scan3A_168 = arith.constant 0 : i32
    %scan3A_169 = arith.constant 40 : i32
    %scan3A_170 = arith.addi %scan3A_168, %scan3A_169 : i32
    %scan3A_171 = arith.constant 1 : i32
    scf.for %scan3A_206 = %scan3A_168 to %scan3A_170 step %scan3A_171  : i32 {
      %mul3A_207 = arith.constant 4 : i32
      %mul3A_208 = arith.muli %mul3A_207, %scan3A_206 : i32
      %add3A_209 = arith.constant 0 : i32
      %add3A_210 = arith.addi %mul3A_208, %add3A_209 : i32
      %dma_wait3A_211 = arith.constant 0 : i32
      %dma_wait3A_212 = tpu.memref_slice %arg7[%add3A_210, %dma_wait3A_211] : memref<160x128xi32, #tpu.memory_space<vmem>> -> memref<1x128xi32, #tpu.memory_space<vmem>>
      %dma_wait3A_213 = tpu.memref_squeeze %dma_wait3A_212 : memref<1x128xi32, #tpu.memory_space<vmem>> -> memref<128xi32, #tpu.memory_space<vmem>>
      %dma_wait3A_214 = arith.constant 0 : i32
      %dma_wait3A_215 = arith.constant 0 : i32
      %dma_wait3A_216 = tpu.memref_slice %arg13[%dma_wait3A_214, %dma_wait3A_215] : memref<10240x32xf32, #tpu.memory_space<vmem_shared>> -> memref<10240x32xf32, #tpu.memory_space<vmem_shared>>
      tpu.wait_indirect_dma semaphore(%arg15 : memref<!tpu.dma_semaphore, #tpu.memory_space<semaphore_mem>>) src(%dma_wait3A_216 : memref<10240x32xf32, #tpu.memory_space<vmem_shared>>) dst(%arg9 : memref<128x32xf32, #tpu.memory_space<vmem>>)
      %add3A_217 = arith.constant 0 : i32
      %add3A_218 = arith.addi %mul3A_208, %add3A_217 : i32
      %dma_start3A_219 = arith.constant 0 : i32
      %dma_start3A_220 = tpu.memref_slice %arg8[%add3A_218, %dma_start3A_219] : memref<160x128xi32, #tpu.memory_space<vmem>> -> memref<1x128xi32, #tpu.memory_space<vmem>>
      %dma_start3A_221 = tpu.memref_squeeze %dma_start3A_220 : memref<1x128xi32, #tpu.memory_space<vmem>> -> memref<128xi32, #tpu.memory_space<vmem>>
      %dma_start3A_222 = arith.constant 0 : i32
      %dma_start3A_223 = arith.constant 0 : i32
      %dma_start3A_224 = tpu.memref_slice %arg14[%dma_start3A_222, %dma_start3A_223] : memref<10240x32xf32, #tpu.memory_space<vmem_shared>> -> memref<10240x32xf32, #tpu.memory_space<vmem_shared>>
      tpu.enqueue_indirect_dma source(%arg9 : memref<128x32xf32, #tpu.memory_space<vmem>>) target(%dma_start3A_224 : memref<10240x32xf32, #tpu.memory_space<vmem_shared>>) offsets(%dma_start3A_221 : memref<128xi32, #tpu.memory_space<vmem>>) semaphore(%arg19 : memref<!tpu.dma_semaphore, #tpu.memory_space<semaphore_mem>>) {add = true}
      %add3A_225 = arith.constant 1 : i32
      %add3A_226 = arith.addi %mul3A_208, %add3A_225 : i32
      %dma_wait3A_227 = arith.constant 0 : i32
      %dma_wait3A_228 = tpu.memref_slice %arg7[%add3A_226, %dma_wait3A_227] : memref<160x128xi32, #tpu.memory_space<vmem>> -> memref<1x128xi32, #tpu.memory_space<vmem>>
      %dma_wait3A_229 = tpu.memref_squeeze %dma_wait3A_228 : memref<1x128xi32, #tpu.memory_space<vmem>> -> memref<128xi32, #tpu.memory_space<vmem>>
      %dma_wait3A_230 = arith.constant 0 : i32
      %dma_wait3A_231 = arith.constant 0 : i32
      %dma_wait3A_232 = tpu.memref_slice %arg13[%dma_wait3A_230, %dma_wait3A_231] : memref<10240x32xf32, #tpu.memory_space<vmem_shared>> -> memref<10240x32xf32, #tpu.memory_space<vmem_shared>>
      tpu.wait_indirect_dma semaphore(%arg16 : memref<!tpu.dma_semaphore, #tpu.memory_space<semaphore_mem>>) src(%dma_wait3A_232 : memref<10240x32xf32, #tpu.memory_space<vmem_shared>>) dst(%arg10 : memref<128x32xf32, #tpu.memory_space<vmem>>)
      %add3A_233 = arith.constant 1 : i32
      %add3A_234 = arith.addi %mul3A_208, %add3A_233 : i32
      %dma_start3A_235 = arith.constant 0 : i32
      %dma_start3A_236 = tpu.memref_slice %arg8[%add3A_234, %dma_start3A_235] : memref<160x128xi32, #tpu.memory_space<vmem>> -> memref<1x128xi32, #tpu.memory_space<vmem>>
      %dma_start3A_237 = tpu.memref_squeeze %dma_start3A_236 : memref<1x128xi32, #tpu.memory_space<vmem>> -> memref<128xi32, #tpu.memory_space<vmem>>
      %dma_start3A_238 = arith.constant 0 : i32
      %dma_start3A_239 = arith.constant 0 : i32
      %dma_start3A_240 = tpu.memref_slice %arg14[%dma_start3A_238, %dma_start3A_239] : memref<10240x32xf32, #tpu.memory_space<vmem_shared>> -> memref<10240x32xf32, #tpu.memory_space<vmem_shared>>
      tpu.enqueue_indirect_dma source(%arg10 : memref<128x32xf32, #tpu.memory_space<vmem>>) target(%dma_start3A_240 : memref<10240x32xf32, #tpu.memory_space<vmem_shared>>) offsets(%dma_start3A_237 : memref<128xi32, #tpu.memory_space<vmem>>) semaphore(%arg20 : memref<!tpu.dma_semaphore, #tpu.memory_space<semaphore_mem>>) {add = true}
      %add3A_241 = arith.constant 2 : i32
      %add3A_242 = arith.addi %mul3A_208, %add3A_241 : i32
      %dma_wait3A_243 = arith.constant 0 : i32
      %dma_wait3A_244 = tpu.memref_slice %arg7[%add3A_242, %dma_wait3A_243] : memref<160x128xi32, #tpu.memory_space<vmem>> -> memref<1x128xi32, #tpu.memory_space<vmem>>
      %dma_wait3A_245 = tpu.memref_squeeze %dma_wait3A_244 : memref<1x128xi32, #tpu.memory_space<vmem>> -> memref<128xi32, #tpu.memory_space<vmem>>
      %dma_wait3A_246 = arith.constant 0 : i32
      %dma_wait3A_247 = arith.constant 0 : i32
      %dma_wait3A_248 = tpu.memref_slice %arg13[%dma_wait3A_246, %dma_wait3A_247] : memref<10240x32xf32, #tpu.memory_space<vmem_shared>> -> memref<10240x32xf32, #tpu.memory_space<vmem_shared>>
      tpu.wait_indirect_dma semaphore(%arg17 : memref<!tpu.dma_semaphore, #tpu.memory_space<semaphore_mem>>) src(%dma_wait3A_248 : memref<10240x32xf32, #tpu.memory_space<vmem_shared>>) dst(%arg11 : memref<128x32xf32, #tpu.memory_space<vmem>>)
      %add3A_249 = arith.constant 2 : i32
      %add3A_250 = arith.addi %mul3A_208, %add3A_249 : i32
      %dma_start3A_251 = arith.constant 0 : i32
      %dma_start3A_252 = tpu.memref_slice %arg8[%add3A_250, %dma_start3A_251] : memref<160x128xi32, #tpu.memory_space<vmem>> -> memref<1x128xi32, #tpu.memory_space<vmem>>
      %dma_start3A_253 = tpu.memref_squeeze %dma_start3A_252 : memref<1x128xi32, #tpu.memory_space<vmem>> -> memref<128xi32, #tpu.memory_space<vmem>>
      %dma_start3A_254 = arith.constant 0 : i32
      %dma_start3A_255 = arith.constant 0 : i32
      %dma_start3A_256 = tpu.memref_slice %arg14[%dma_start3A_254, %dma_start3A_255] : memref<10240x32xf32, #tpu.memory_space<vmem_shared>> -> memref<10240x32xf32, #tpu.memory_space<vmem_shared>>
      tpu.enqueue_indirect_dma source(%arg11 : memref<128x32xf32, #tpu.memory_space<vmem>>) target(%dma_start3A_256 : memref<10240x32xf32, #tpu.memory_space<vmem_shared>>) offsets(%dma_start3A_253 : memref<128xi32, #tpu.memory_space<vmem>>) semaphore(%arg21 : memref<!tpu.dma_semaphore, #tpu.memory_space<semaphore_mem>>) {add = true}
      %add3A_257 = arith.constant 3 : i32
      %add3A_258 = arith.addi %mul3A_208, %add3A_257 : i32
      %dma_wait3A_259 = arith.constant 0 : i32
      %dma_wait3A_260 = tpu.memref_slice %arg7[%add3A_258, %dma_wait3A_259] : memref<160x128xi32, #tpu.memory_space<vmem>> -> memref<1x128xi32, #tpu.memory_space<vmem>>
      %dma_wait3A_261 = tpu.memref_squeeze %dma_wait3A_260 : memref<1x128xi32, #tpu.memory_space<vmem>> -> memref<128xi32, #tpu.memory_space<vmem>>
      %dma_wait3A_262 = arith.constant 0 : i32
      %dma_wait3A_263 = arith.constant 0 : i32
      %dma_wait3A_264 = tpu.memref_slice %arg13[%dma_wait3A_262, %dma_wait3A_263] : memref<10240x32xf32, #tpu.memory_space<vmem_shared>> -> memref<10240x32xf32, #tpu.memory_space<vmem_shared>>
      tpu.wait_indirect_dma semaphore(%arg18 : memref<!tpu.dma_semaphore, #tpu.memory_space<semaphore_mem>>) src(%dma_wait3A_264 : memref<10240x32xf32, #tpu.memory_space<vmem_shared>>) dst(%arg12 : memref<128x32xf32, #tpu.memory_space<vmem>>)
      %add3A_265 = arith.constant 3 : i32
      %add3A_266 = arith.addi %mul3A_208, %add3A_265 : i32
      %dma_start3A_267 = arith.constant 0 : i32
      %dma_start3A_268 = tpu.memref_slice %arg8[%add3A_266, %dma_start3A_267] : memref<160x128xi32, #tpu.memory_space<vmem>> -> memref<1x128xi32, #tpu.memory_space<vmem>>
      %dma_start3A_269 = tpu.memref_squeeze %dma_start3A_268 : memref<1x128xi32, #tpu.memory_space<vmem>> -> memref<128xi32, #tpu.memory_space<vmem>>
      %dma_start3A_270 = arith.constant 0 : i32
      %dma_start3A_271 = arith.constant 0 : i32
      %dma_start3A_272 = tpu.memref_slice %arg14[%dma_start3A_270, %dma_start3A_271] : memref<10240x32xf32, #tpu.memory_space<vmem_shared>> -> memref<10240x32xf32, #tpu.memory_space<vmem_shared>>
      tpu.enqueue_indirect_dma source(%arg12 : memref<128x32xf32, #tpu.memory_space<vmem>>) target(%dma_start3A_272 : memref<10240x32xf32, #tpu.memory_space<vmem_shared>>) offsets(%dma_start3A_269 : memref<128xi32, #tpu.memory_space<vmem>>) semaphore(%arg22 : memref<!tpu.dma_semaphore, #tpu.memory_space<semaphore_mem>>) {add = true}
      %lt3A = arith.constant 39 : i32
      %lt3A_273 = arith.cmpi slt, %scan3A_206, %lt3A : i32
      %convert_element_type3A = arith.extui %lt3A_273 : i1 to i32
      %cond3A = arith.constant 0 : i32
      %cond3A_274 = arith.cmpi ne, %convert_element_type3A, %cond3A : i32
      scf.if %cond3A_274 {
        %add3A_275 = arith.constant 0 : i32
        %add3A_276 = arith.addi %mul3A_208, %add3A_275 : i32
        %dma_wait3A_277 = arith.constant 0 : i32
        %dma_wait3A_278 = tpu.memref_slice %arg8[%add3A_276, %dma_wait3A_277] : memref<160x128xi32, #tpu.memory_space<vmem>> -> memref<1x128xi32, #tpu.memory_space<vmem>>
        %dma_wait3A_279 = tpu.memref_squeeze %dma_wait3A_278 : memref<1x128xi32, #tpu.memory_space<vmem>> -> memref<128xi32, #tpu.memory_space<vmem>>
        %dma_wait3A_280 = arith.constant 0 : i32
        %dma_wait3A_281 = arith.constant 0 : i32
        %dma_wait3A_282 = tpu.memref_slice %arg14[%dma_wait3A_280, %dma_wait3A_281] : memref<10240x32xf32, #tpu.memory_space<vmem_shared>> -> memref<10240x32xf32, #tpu.memory_space<vmem_shared>>
        tpu.wait_indirect_dma semaphore(%arg19 : memref<!tpu.dma_semaphore, #tpu.memory_space<semaphore_mem>>) src(%arg9 : memref<128x32xf32, #tpu.memory_space<vmem>>) dst(%dma_wait3A_282 : memref<10240x32xf32, #tpu.memory_space<vmem_shared>>)
        %add3A_283 = arith.constant 4 : i32
        %add3A_284 = arith.addi %mul3A_208, %add3A_283 : i32
        %add3A_285 = arith.constant 0 : i32
        %add3A_286 = arith.addi %add3A_284, %add3A_285 : i32
        %dma_start3A_287 = arith.constant 0 : i32
        %dma_start3A_288 = tpu.memref_slice %arg7[%add3A_286, %dma_start3A_287] : memref<160x128xi32, #tpu.memory_space<vmem>> -> memref<1x128xi32, #tpu.memory_space<vmem>>
        %dma_start3A_289 = tpu.memref_squeeze %dma_start3A_288 : memref<1x128xi32, #tpu.memory_space<vmem>> -> memref<128xi32, #tpu.memory_space<vmem>>
        %dma_start3A_290 = arith.constant 0 : i32
        %dma_start3A_291 = arith.constant 0 : i32
        %dma_start3A_292 = tpu.memref_slice %arg13[%dma_start3A_290, %dma_start3A_291] : memref<10240x32xf32, #tpu.memory_space<vmem_shared>> -> memref<10240x32xf32, #tpu.memory_space<vmem_shared>>
        tpu.enqueue_indirect_dma source(%dma_start3A_292 : memref<10240x32xf32, #tpu.memory_space<vmem_shared>>) target(%arg9 : memref<128x32xf32, #tpu.memory_space<vmem>>) offsets(%dma_start3A_289 : memref<128xi32, #tpu.memory_space<vmem>>) semaphore(%arg15 : memref<!tpu.dma_semaphore, #tpu.memory_space<semaphore_mem>>)
        %add3A_293 = arith.constant 1 : i32
        %add3A_294 = arith.addi %mul3A_208, %add3A_293 : i32
        %dma_wait3A_295 = arith.constant 0 : i32
        %dma_wait3A_296 = tpu.memref_slice %arg8[%add3A_294, %dma_wait3A_295] : memref<160x128xi32, #tpu.memory_space<vmem>> -> memref<1x128xi32, #tpu.memory_space<vmem>>
        %dma_wait3A_297 = tpu.memref_squeeze %dma_wait3A_296 : memref<1x128xi32, #tpu.memory_space<vmem>> -> memref<128xi32, #tpu.memory_space<vmem>>
        %dma_wait3A_298 = arith.constant 0 : i32
        %dma_wait3A_299 = arith.constant 0 : i32
        %dma_wait3A_300 = tpu.memref_slice %arg14[%dma_wait3A_298, %dma_wait3A_299] : memref<10240x32xf32, #tpu.memory_space<vmem_shared>> -> memref<10240x32xf32, #tpu.memory_space<vmem_shared>>
        tpu.wait_indirect_dma semaphore(%arg20 : memref<!tpu.dma_semaphore, #tpu.memory_space<semaphore_mem>>) src(%arg10 : memref<128x32xf32, #tpu.memory_space<vmem>>) dst(%dma_wait3A_300 : memref<10240x32xf32, #tpu.memory_space<vmem_shared>>)
        %add3A_301 = arith.constant 4 : i32
        %add3A_302 = arith.addi %mul3A_208, %add3A_301 : i32
        %add3A_303 = arith.constant 1 : i32
        %add3A_304 = arith.addi %add3A_302, %add3A_303 : i32
        %dma_start3A_305 = arith.constant 0 : i32
        %dma_start3A_306 = tpu.memref_slice %arg7[%add3A_304, %dma_start3A_305] : memref<160x128xi32, #tpu.memory_space<vmem>> -> memref<1x128xi32, #tpu.memory_space<vmem>>
        %dma_start3A_307 = tpu.memref_squeeze %dma_start3A_306 : memref<1x128xi32, #tpu.memory_space<vmem>> -> memref<128xi32, #tpu.memory_space<vmem>>
        %dma_start3A_308 = arith.constant 0 : i32
        %dma_start3A_309 = arith.constant 0 : i32
        %dma_start3A_310 = tpu.memref_slice %arg13[%dma_start3A_308, %dma_start3A_309] : memref<10240x32xf32, #tpu.memory_space<vmem_shared>> -> memref<10240x32xf32, #tpu.memory_space<vmem_shared>>
        tpu.enqueue_indirect_dma source(%dma_start3A_310 : memref<10240x32xf32, #tpu.memory_space<vmem_shared>>) target(%arg10 : memref<128x32xf32, #tpu.memory_space<vmem>>) offsets(%dma_start3A_307 : memref<128xi32, #tpu.memory_space<vmem>>) semaphore(%arg16 : memref<!tpu.dma_semaphore, #tpu.memory_space<semaphore_mem>>)
        %add3A_311 = arith.constant 2 : i32
        %add3A_312 = arith.addi %mul3A_208, %add3A_311 : i32
        %dma_wait3A_313 = arith.constant 0 : i32
        %dma_wait3A_314 = tpu.memref_slice %arg8[%add3A_312, %dma_wait3A_313] : memref<160x128xi32, #tpu.memory_space<vmem>> -> memref<1x128xi32, #tpu.memory_space<vmem>>
        %dma_wait3A_315 = tpu.memref_squeeze %dma_wait3A_314 : memref<1x128xi32, #tpu.memory_space<vmem>> -> memref<128xi32, #tpu.memory_space<vmem>>
        %dma_wait3A_316 = arith.constant 0 : i32
        %dma_wait3A_317 = arith.constant 0 : i32
        %dma_wait3A_318 = tpu.memref_slice %arg14[%dma_wait3A_316, %dma_wait3A_317] : memref<10240x32xf32, #tpu.memory_space<vmem_shared>> -> memref<10240x32xf32, #tpu.memory_space<vmem_shared>>
        tpu.wait_indirect_dma semaphore(%arg21 : memref<!tpu.dma_semaphore, #tpu.memory_space<semaphore_mem>>) src(%arg11 : memref<128x32xf32, #tpu.memory_space<vmem>>) dst(%dma_wait3A_318 : memref<10240x32xf32, #tpu.memory_space<vmem_shared>>)
        %add3A_319 = arith.constant 4 : i32
        %add3A_320 = arith.addi %mul3A_208, %add3A_319 : i32
        %add3A_321 = arith.constant 2 : i32
        %add3A_322 = arith.addi %add3A_320, %add3A_321 : i32
        %dma_start3A_323 = arith.constant 0 : i32
        %dma_start3A_324 = tpu.memref_slice %arg7[%add3A_322, %dma_start3A_323] : memref<160x128xi32, #tpu.memory_space<vmem>> -> memref<1x128xi32, #tpu.memory_space<vmem>>
        %dma_start3A_325 = tpu.memref_squeeze %dma_start3A_324 : memref<1x128xi32, #tpu.memory_space<vmem>> -> memref<128xi32, #tpu.memory_space<vmem>>
        %dma_start3A_326 = arith.constant 0 : i32
        %dma_start3A_327 = arith.constant 0 : i32
        %dma_start3A_328 = tpu.memref_slice %arg13[%dma_start3A_326, %dma_start3A_327] : memref<10240x32xf32, #tpu.memory_space<vmem_shared>> -> memref<10240x32xf32, #tpu.memory_space<vmem_shared>>
        tpu.enqueue_indirect_dma source(%dma_start3A_328 : memref<10240x32xf32, #tpu.memory_space<vmem_shared>>) target(%arg11 : memref<128x32xf32, #tpu.memory_space<vmem>>) offsets(%dma_start3A_325 : memref<128xi32, #tpu.memory_space<vmem>>) semaphore(%arg17 : memref<!tpu.dma_semaphore, #tpu.memory_space<semaphore_mem>>)
        %add3A_329 = arith.constant 3 : i32
        %add3A_330 = arith.addi %mul3A_208, %add3A_329 : i32
        %dma_wait3A_331 = arith.constant 0 : i32
        %dma_wait3A_332 = tpu.memref_slice %arg8[%add3A_330, %dma_wait3A_331] : memref<160x128xi32, #tpu.memory_space<vmem>> -> memref<1x128xi32, #tpu.memory_space<vmem>>
        %dma_wait3A_333 = tpu.memref_squeeze %dma_wait3A_332 : memref<1x128xi32, #tpu.memory_space<vmem>> -> memref<128xi32, #tpu.memory_space<vmem>>
        %dma_wait3A_334 = arith.constant 0 : i32
        %dma_wait3A_335 = arith.constant 0 : i32
        %dma_wait3A_336 = tpu.memref_slice %arg14[%dma_wait3A_334, %dma_wait3A_335] : memref<10240x32xf32, #tpu.memory_space<vmem_shared>> -> memref<10240x32xf32, #tpu.memory_space<vmem_shared>>
        tpu.wait_indirect_dma semaphore(%arg22 : memref<!tpu.dma_semaphore, #tpu.memory_space<semaphore_mem>>) src(%arg12 : memref<128x32xf32, #tpu.memory_space<vmem>>) dst(%dma_wait3A_336 : memref<10240x32xf32, #tpu.memory_space<vmem_shared>>)
        %add3A_337 = arith.constant 4 : i32
        %add3A_338 = arith.addi %mul3A_208, %add3A_337 : i32
        %add3A_339 = arith.constant 3 : i32
        %add3A_340 = arith.addi %add3A_338, %add3A_339 : i32
        %dma_start3A_341 = arith.constant 0 : i32
        %dma_start3A_342 = tpu.memref_slice %arg7[%add3A_340, %dma_start3A_341] : memref<160x128xi32, #tpu.memory_space<vmem>> -> memref<1x128xi32, #tpu.memory_space<vmem>>
        %dma_start3A_343 = tpu.memref_squeeze %dma_start3A_342 : memref<1x128xi32, #tpu.memory_space<vmem>> -> memref<128xi32, #tpu.memory_space<vmem>>
        %dma_start3A_344 = arith.constant 0 : i32
        %dma_start3A_345 = arith.constant 0 : i32
        %dma_start3A_346 = tpu.memref_slice %arg13[%dma_start3A_344, %dma_start3A_345] : memref<10240x32xf32, #tpu.memory_space<vmem_shared>> -> memref<10240x32xf32, #tpu.memory_space<vmem_shared>>
        tpu.enqueue_indirect_dma source(%dma_start3A_346 : memref<10240x32xf32, #tpu.memory_space<vmem_shared>>) target(%arg12 : memref<128x32xf32, #tpu.memory_space<vmem>>) offsets(%dma_start3A_343 : memref<128xi32, #tpu.memory_space<vmem>>) semaphore(%arg18 : memref<!tpu.dma_semaphore, #tpu.memory_space<semaphore_mem>>)
      } else {
      }
    }
    %scan3A_172 = arith.constant 40 : i32
    %dma_wait3A_173 = arith.constant 156 : i32
    %dma_wait3A_174 = arith.constant 0 : i32
    %dma_wait3A_175 = tpu.memref_slice %arg8[%dma_wait3A_173, %dma_wait3A_174] : memref<160x128xi32, #tpu.memory_space<vmem>> -> memref<1x128xi32, #tpu.memory_space<vmem>>
    %dma_wait3A_176 = tpu.memref_squeeze %dma_wait3A_175 : memref<1x128xi32, #tpu.memory_space<vmem>> -> memref<128xi32, #tpu.memory_space<vmem>>
    %dma_wait3A_177 = arith.constant 0 : i32
    %dma_wait3A_178 = arith.constant 0 : i32
    %dma_wait3A_179 = tpu.memref_slice %arg14[%dma_wait3A_177, %dma_wait3A_178] : memref<10240x32xf32, #tpu.memory_space<vmem_shared>> -> memref<10240x32xf32, #tpu.memory_space<vmem_shared>>
    tpu.wait_indirect_dma semaphore(%arg19 : memref<!tpu.dma_semaphore, #tpu.memory_space<semaphore_mem>>) src(%arg9 : memref<128x32xf32, #tpu.memory_space<vmem>>) dst(%dma_wait3A_179 : memref<10240x32xf32, #tpu.memory_space<vmem_shared>>)
    %dma_wait3A_180 = arith.constant 157 : i32
    %dma_wait3A_181 = arith.constant 0 : i32
    %dma_wait3A_182 = tpu.memref_slice %arg8[%dma_wait3A_180, %dma_wait3A_181] : memref<160x128xi32, #tpu.memory_space<vmem>> -> memref<1x128xi32, #tpu.memory_space<vmem>>
    %dma_wait3A_183 = tpu.memref_squeeze %dma_wait3A_182 : memref<1x128xi32, #tpu.memory_space<vmem>> -> memref<128xi32, #tpu.memory_space<vmem>>
    %dma_wait3A_184 = arith.constant 0 : i32
    %dma_wait3A_185 = arith.constant 0 : i32
    %dma_wait3A_186 = tpu.memref_slice %arg14[%dma_wait3A_184, %dma_wait3A_185] : memref<10240x32xf32, #tpu.memory_space<vmem_shared>> -> memref<10240x32xf32, #tpu.memory_space<vmem_shared>>
    tpu.wait_indirect_dma semaphore(%arg20 : memref<!tpu.dma_semaphore, #tpu.memory_space<semaphore_mem>>) src(%arg10 : memref<128x32xf32, #tpu.memory_space<vmem>>) dst(%dma_wait3A_186 : memref<10240x32xf32, #tpu.memory_space<vmem_shared>>)
    %dma_wait3A_187 = arith.constant 158 : i32
    %dma_wait3A_188 = arith.constant 0 : i32
    %dma_wait3A_189 = tpu.memref_slice %arg8[%dma_wait3A_187, %dma_wait3A_188] : memref<160x128xi32, #tpu.memory_space<vmem>> -> memref<1x128xi32, #tpu.memory_space<vmem>>
    %dma_wait3A_190 = tpu.memref_squeeze %dma_wait3A_189 : memref<1x128xi32, #tpu.memory_space<vmem>> -> memref<128xi32, #tpu.memory_space<vmem>>
    %dma_wait3A_191 = arith.constant 0 : i32
    %dma_wait3A_192 = arith.constant 0 : i32
    %dma_wait3A_193 = tpu.memref_slice %arg14[%dma_wait3A_191, %dma_wait3A_192] : memref<10240x32xf32, #tpu.memory_space<vmem_shared>> -> memref<10240x32xf32, #tpu.memory_space<vmem_shared>>
    tpu.wait_indirect_dma semaphore(%arg21 : memref<!tpu.dma_semaphore, #tpu.memory_space<semaphore_mem>>) src(%arg11 : memref<128x32xf32, #tpu.memory_space<vmem>>) dst(%dma_wait3A_193 : memref<10240x32xf32, #tpu.memory_space<vmem_shared>>)
    %dma_wait3A_194 = arith.constant 159 : i32
    %dma_wait3A_195 = arith.constant 0 : i32
    %dma_wait3A_196 = tpu.memref_slice %arg8[%dma_wait3A_194, %dma_wait3A_195] : memref<160x128xi32, #tpu.memory_space<vmem>> -> memref<1x128xi32, #tpu.memory_space<vmem>>
    %dma_wait3A_197 = tpu.memref_squeeze %dma_wait3A_196 : memref<1x128xi32, #tpu.memory_space<vmem>> -> memref<128xi32, #tpu.memory_space<vmem>>
    %dma_wait3A_198 = arith.constant 0 : i32
    %dma_wait3A_199 = arith.constant 0 : i32
    %dma_wait3A_200 = tpu.memref_slice %arg14[%dma_wait3A_198, %dma_wait3A_199] : memref<10240x32xf32, #tpu.memory_space<vmem_shared>> -> memref<10240x32xf32, #tpu.memory_space<vmem_shared>>
    tpu.wait_indirect_dma semaphore(%arg22 : memref<!tpu.dma_semaphore, #tpu.memory_space<semaphore_mem>>) src(%arg12 : memref<128x32xf32, #tpu.memory_space<vmem>>) dst(%dma_wait3A_200 : memref<10240x32xf32, #tpu.memory_space<vmem_shared>>)
    %barrier3A_201 = arith.constant 0 : index
    tpu.barrier barrier_id(%barrier3A_201)
    "tpu.region"() ({
      %run_scoped3A = tpu.sem_alloc : memref<!tpu.dma_semaphore, #tpu.memory_space<semaphore_mem>>
      %dma_start3A_206 = arith.constant 0 : i32
      %dma_start3A_207 = arith.constant 0 : i32
      %dma_start3A_208 = tpu.memref_slice %arg5[%add3A_123, %dma_start3A_206, %dma_start3A_207] : memref<4x10240x32xf32, #tpu.memory_space<hbm>> -> memref<1x10240x32xf32, #tpu.memory_space<hbm>>
      %dma_start3A_209 = tpu.memref_squeeze %dma_start3A_208 : memref<1x10240x32xf32, #tpu.memory_space<hbm>> -> memref<10240x32xf32, #tpu.memory_space<hbm>>
      %dma_start3A_210 = arith.constant 0 : i32
      %dma_start3A_211 = tpu.memref_slice %dma_start3A_209[%mul3A_121, %dma_start3A_210] : memref<10240x32xf32, #tpu.memory_space<hbm>> -> memref<640x32xf32, #tpu.memory_space<hbm>>
      %dma_start3A_212 = arith.constant 0 : i32
      %dma_start3A_213 = tpu.memref_slice %arg14[%mul3A_121, %dma_start3A_212] : memref<10240x32xf32, #tpu.memory_space<vmem_shared>> -> memref<640x32xf32, #tpu.memory_space<vmem_shared>>
      tpu.enqueue_dma source(%dma_start3A_213 : memref<640x32xf32, #tpu.memory_space<vmem_shared>>) target(%dma_start3A_211 : memref<640x32xf32, #tpu.memory_space<hbm>>) target_semaphore(%run_scoped3A : memref<!tpu.dma_semaphore, #tpu.memory_space<semaphore_mem>>)
      %dma_wait3A_214 = arith.constant 0 : i32
      %dma_wait3A_215 = arith.constant 0 : i32
      %dma_wait3A_216 = tpu.memref_slice %arg5[%add3A_123, %dma_wait3A_214, %dma_wait3A_215] : memref<4x10240x32xf32, #tpu.memory_space<hbm>> -> memref<1x10240x32xf32, #tpu.memory_space<hbm>>
      %dma_wait3A_217 = tpu.memref_squeeze %dma_wait3A_216 : memref<1x10240x32xf32, #tpu.memory_space<hbm>> -> memref<10240x32xf32, #tpu.memory_space<hbm>>
      %dma_wait3A_218 = arith.constant 0 : i32
      %dma_wait3A_219 = tpu.memref_slice %dma_wait3A_217[%mul3A_121, %dma_wait3A_218] : memref<10240x32xf32, #tpu.memory_space<hbm>> -> memref<640x32xf32, #tpu.memory_space<hbm>>
      %dma_wait3A_220 = arith.constant 0 : i32
      %dma_wait3A_221 = tpu.memref_slice %arg14[%mul3A_121, %dma_wait3A_220] : memref<10240x32xf32, #tpu.memory_space<vmem_shared>> -> memref<640x32xf32, #tpu.memory_space<vmem_shared>>
      tpu.wait_dma2 semaphore(%run_scoped3A : memref<!tpu.dma_semaphore, #tpu.memory_space<semaphore_mem>>) src(%dma_wait3A_221 : memref<640x32xf32, #tpu.memory_space<vmem_shared>>) dst(%dma_wait3A_219 : memref<640x32xf32, #tpu.memory_space<hbm>>)
      tpu.yield
    }) : () -> ()
    %mul3A_202 = arith.constant 640 : i32
    %mul3A_203 = arith.muli %arg1, %mul3A_202 : i32
    %mul3A_204 = arith.constant 640 : i32
    %mul3A_205 = arith.muli %arg1, %mul3A_204 : i32
    "tpu.region"() ({
      %run_scoped3A = tpu.sem_alloc : memref<!tpu.dma_semaphore, #tpu.memory_space<semaphore_mem>>
      %dma_start3A_206 = arith.constant 0 : i32
      %dma_start3A_207 = arith.constant 0 : i32
      %dma_start3A_208 = tpu.memref_slice %arg6[%arg0, %dma_start3A_206, %dma_start3A_207] : memref<2x10240x16xf32, #tpu.memory_space<hbm>> -> memref<1x10240x16xf32, #tpu.memory_space<hbm>>
      %dma_start3A_209 = tpu.memref_squeeze %dma_start3A_208 : memref<1x10240x16xf32, #tpu.memory_space<hbm>> -> memref<10240x16xf32, #tpu.memory_space<hbm>>
      %dma_start3A_210 = arith.constant 0 : i32
      %dma_start3A_211 = tpu.memref_slice %dma_start3A_209[%mul3A_205, %dma_start3A_210] : memref<10240x16xf32, #tpu.memory_space<hbm>> -> memref<640x16xf32, #tpu.memory_space<hbm>>
      %dma_start3A_212 = arith.constant 0 : i32
      %dma_start3A_213 = tpu.memref_slice %arg25[%mul3A_203, %dma_start3A_212] : memref<10240x16xf32, #tpu.memory_space<vmem_shared>> -> memref<640x16xf32, #tpu.memory_space<vmem_shared>>
      tpu.enqueue_dma source(%dma_start3A_213 : memref<640x16xf32, #tpu.memory_space<vmem_shared>>) target(%dma_start3A_211 : memref<640x16xf32, #tpu.memory_space<hbm>>) target_semaphore(%run_scoped3A : memref<!tpu.dma_semaphore, #tpu.memory_space<semaphore_mem>>)
      %dma_wait3A_214 = arith.constant 0 : i32
      %dma_wait3A_215 = arith.constant 0 : i32
      %dma_wait3A_216 = tpu.memref_slice %arg6[%arg0, %dma_wait3A_214, %dma_wait3A_215] : memref<2x10240x16xf32, #tpu.memory_space<hbm>> -> memref<1x10240x16xf32, #tpu.memory_space<hbm>>
      %dma_wait3A_217 = tpu.memref_squeeze %dma_wait3A_216 : memref<1x10240x16xf32, #tpu.memory_space<hbm>> -> memref<10240x16xf32, #tpu.memory_space<hbm>>
      %dma_wait3A_218 = arith.constant 0 : i32
      %dma_wait3A_219 = tpu.memref_slice %dma_wait3A_217[%mul3A_205, %dma_wait3A_218] : memref<10240x16xf32, #tpu.memory_space<hbm>> -> memref<640x16xf32, #tpu.memory_space<hbm>>
      %dma_wait3A_220 = arith.constant 0 : i32
      %dma_wait3A_221 = tpu.memref_slice %arg25[%mul3A_203, %dma_wait3A_220] : memref<10240x16xf32, #tpu.memory_space<vmem_shared>> -> memref<640x16xf32, #tpu.memory_space<vmem_shared>>
      tpu.wait_dma2 semaphore(%run_scoped3A : memref<!tpu.dma_semaphore, #tpu.memory_space<semaphore_mem>>) src(%dma_wait3A_221 : memref<640x16xf32, #tpu.memory_space<vmem_shared>>) dst(%dma_wait3A_219 : memref<640x16xf32, #tpu.memory_space<hbm>>)
      tpu.yield
    }) : () -> ()
    return
  }
}

#map = affine_map<(d0, d1) -> (0, 0, 0)>
module attributes {stable_mosaic.version = 14 : i64} {
  func.func @_sc_agg(%arg0: i32, %arg1: i32, %arg2: memref<4x10240x32xf32, #tpu.memory_space<hbm>>, %arg3: memref<16x160x128xi32, #tpu.memory_space<hbm>>, %arg4: memref<16x160x128xi32, #tpu.memory_space<hbm>>, %arg5: memref<4x10240x32xf32, #tpu.memory_space<hbm>>, %arg6: memref<160x128xi32, #tpu.memory_space<vmem>>, %arg7: memref<160x128xi32, #tpu.memory_space<vmem>>, %arg8: memref<128x32xf32, #tpu.memory_space<vmem>>, %arg9: memref<128x32xf32, #tpu.memory_space<vmem>>, %arg10: memref<128x32xf32, #tpu.memory_space<vmem>>, %arg11: memref<128x32xf32, #tpu.memory_space<vmem>>, %arg12: memref<10240x32xf32, #tpu.memory_space<vmem_shared>>, %arg13: memref<10240x32xf32, #tpu.memory_space<vmem_shared>>, %arg14: memref<!tpu.dma_semaphore, #tpu.memory_space<semaphore_mem>>, %arg15: memref<!tpu.dma_semaphore, #tpu.memory_space<semaphore_mem>>, %arg16: memref<!tpu.dma_semaphore, #tpu.memory_space<semaphore_mem>>, %arg17: memref<!tpu.dma_semaphore, #tpu.memory_space<semaphore_mem>>, %arg18: memref<!tpu.dma_semaphore, #tpu.memory_space<semaphore_mem>>, %arg19: memref<!tpu.dma_semaphore, #tpu.memory_space<semaphore_mem>>, %arg20: memref<!tpu.dma_semaphore, #tpu.memory_space<semaphore_mem>>, %arg21: memref<!tpu.dma_semaphore, #tpu.memory_space<semaphore_mem>>, %arg22: memref<128x32xf32, #tpu.memory_space<vmem>>, %arg23: memref<128x32xf32, #tpu.memory_space<vmem>>, %arg24: memref<128x32xf32, #tpu.memory_space<vmem>>, %arg25: memref<128x32xf32, #tpu.memory_space<vmem>>, %arg26: memref<!tpu.dma_semaphore, #tpu.memory_space<semaphore_mem>>, %arg27: memref<!tpu.dma_semaphore, #tpu.memory_space<semaphore_mem>>, %arg28: memref<!tpu.dma_semaphore, #tpu.memory_space<semaphore_mem>>, %arg29: memref<!tpu.dma_semaphore, #tpu.memory_space<semaphore_mem>>, %arg30: memref<!tpu.dma_semaphore, #tpu.memory_space<semaphore_mem>>, %arg31: memref<!tpu.dma_semaphore, #tpu.memory_space<semaphore_mem>>, %arg32: memref<!tpu.dma_semaphore, #tpu.memory_space<semaphore_mem>>, %arg33: memref<!tpu.dma_semaphore, #tpu.memory_space<semaphore_mem>>) attributes {dimension_semantics = [#tpu.dimension_semantics<core_parallel>, #tpu.dimension_semantics<subcore_parallel>], iteration_bounds = array<i64: 2, 16>, scalar_prefetch = 0 : i64, scratch_operands = 28 : i64, tpu.core_type = #tpu.core_type<sc_vector_subcore>, window_params = [{transform_indices = #map}, {transform_indices = #map}, {transform_indices = #map}, {transform_indices = #map}]} {
    "tpu.region"() ({
      %run_scoped3A = tpu.sem_alloc : memref<!tpu.dma_semaphore, #tpu.memory_space<semaphore_mem>>
      %dma_start3A_269 = arith.constant 0 : i32
      %dma_start3A_270 = arith.constant 0 : i32
      %dma_start3A_271 = tpu.memref_slice %arg3[%arg1, %dma_start3A_269, %dma_start3A_270] : memref<16x160x128xi32, #tpu.memory_space<hbm>> -> memref<1x160x128xi32, #tpu.memory_space<hbm>>
      %dma_start3A_272 = tpu.memref_squeeze %dma_start3A_271 : memref<1x160x128xi32, #tpu.memory_space<hbm>> -> memref<160x128xi32, #tpu.memory_space<hbm>>
      %dma_start3A_273 = arith.constant 0 : i32
      %dma_start3A_274 = arith.constant 0 : i32
      %dma_start3A_275 = tpu.memref_slice %arg3[%arg1, %dma_start3A_273, %dma_start3A_274] : memref<16x160x128xi32, #tpu.memory_space<hbm>> -> memref<1x160x128xi32, #tpu.memory_space<hbm>>
      %dma_start3A_276 = tpu.memref_squeeze %dma_start3A_275 : memref<1x160x128xi32, #tpu.memory_space<hbm>> -> memref<160x128xi32, #tpu.memory_space<hbm>>
      tpu.enqueue_dma source(%dma_start3A_276 : memref<160x128xi32, #tpu.memory_space<hbm>>) target(%arg6 : memref<160x128xi32, #tpu.memory_space<vmem>>) target_semaphore(%run_scoped3A : memref<!tpu.dma_semaphore, #tpu.memory_space<semaphore_mem>>)
      %dma_wait3A_277 = arith.constant 0 : i32
      %dma_wait3A_278 = arith.constant 0 : i32
      %dma_wait3A_279 = tpu.memref_slice %arg3[%arg1, %dma_wait3A_277, %dma_wait3A_278] : memref<16x160x128xi32, #tpu.memory_space<hbm>> -> memref<1x160x128xi32, #tpu.memory_space<hbm>>
      %dma_wait3A_280 = tpu.memref_squeeze %dma_wait3A_279 : memref<1x160x128xi32, #tpu.memory_space<hbm>> -> memref<160x128xi32, #tpu.memory_space<hbm>>
      %dma_wait3A_281 = arith.constant 0 : i32
      %dma_wait3A_282 = arith.constant 0 : i32
      %dma_wait3A_283 = tpu.memref_slice %arg3[%arg1, %dma_wait3A_281, %dma_wait3A_282] : memref<16x160x128xi32, #tpu.memory_space<hbm>> -> memref<1x160x128xi32, #tpu.memory_space<hbm>>
      %dma_wait3A_284 = tpu.memref_squeeze %dma_wait3A_283 : memref<1x160x128xi32, #tpu.memory_space<hbm>> -> memref<160x128xi32, #tpu.memory_space<hbm>>
      tpu.wait_dma2 semaphore(%run_scoped3A : memref<!tpu.dma_semaphore, #tpu.memory_space<semaphore_mem>>) src(%dma_wait3A_284 : memref<160x128xi32, #tpu.memory_space<hbm>>) dst(%arg6 : memref<160x128xi32, #tpu.memory_space<vmem>>)
      tpu.yield
    }) : () -> ()
    "tpu.region"() ({
      %run_scoped3A = tpu.sem_alloc : memref<!tpu.dma_semaphore, #tpu.memory_space<semaphore_mem>>
      %dma_start3A_269 = arith.constant 0 : i32
      %dma_start3A_270 = arith.constant 0 : i32
      %dma_start3A_271 = tpu.memref_slice %arg4[%arg1, %dma_start3A_269, %dma_start3A_270] : memref<16x160x128xi32, #tpu.memory_space<hbm>> -> memref<1x160x128xi32, #tpu.memory_space<hbm>>
      %dma_start3A_272 = tpu.memref_squeeze %dma_start3A_271 : memref<1x160x128xi32, #tpu.memory_space<hbm>> -> memref<160x128xi32, #tpu.memory_space<hbm>>
      %dma_start3A_273 = arith.constant 0 : i32
      %dma_start3A_274 = arith.constant 0 : i32
      %dma_start3A_275 = tpu.memref_slice %arg4[%arg1, %dma_start3A_273, %dma_start3A_274] : memref<16x160x128xi32, #tpu.memory_space<hbm>> -> memref<1x160x128xi32, #tpu.memory_space<hbm>>
      %dma_start3A_276 = tpu.memref_squeeze %dma_start3A_275 : memref<1x160x128xi32, #tpu.memory_space<hbm>> -> memref<160x128xi32, #tpu.memory_space<hbm>>
      tpu.enqueue_dma source(%dma_start3A_276 : memref<160x128xi32, #tpu.memory_space<hbm>>) target(%arg7 : memref<160x128xi32, #tpu.memory_space<vmem>>) target_semaphore(%run_scoped3A : memref<!tpu.dma_semaphore, #tpu.memory_space<semaphore_mem>>)
      %dma_wait3A_277 = arith.constant 0 : i32
      %dma_wait3A_278 = arith.constant 0 : i32
      %dma_wait3A_279 = tpu.memref_slice %arg4[%arg1, %dma_wait3A_277, %dma_wait3A_278] : memref<16x160x128xi32, #tpu.memory_space<hbm>> -> memref<1x160x128xi32, #tpu.memory_space<hbm>>
      %dma_wait3A_280 = tpu.memref_squeeze %dma_wait3A_279 : memref<1x160x128xi32, #tpu.memory_space<hbm>> -> memref<160x128xi32, #tpu.memory_space<hbm>>
      %dma_wait3A_281 = arith.constant 0 : i32
      %dma_wait3A_282 = arith.constant 0 : i32
      %dma_wait3A_283 = tpu.memref_slice %arg4[%arg1, %dma_wait3A_281, %dma_wait3A_282] : memref<16x160x128xi32, #tpu.memory_space<hbm>> -> memref<1x160x128xi32, #tpu.memory_space<hbm>>
      %dma_wait3A_284 = tpu.memref_squeeze %dma_wait3A_283 : memref<1x160x128xi32, #tpu.memory_space<hbm>> -> memref<160x128xi32, #tpu.memory_space<hbm>>
      tpu.wait_dma2 semaphore(%run_scoped3A : memref<!tpu.dma_semaphore, #tpu.memory_space<semaphore_mem>>) src(%dma_wait3A_284 : memref<160x128xi32, #tpu.memory_space<hbm>>) dst(%arg7 : memref<160x128xi32, #tpu.memory_space<vmem>>)
      tpu.yield
    }) : () -> ()
    %mul3A = arith.constant 640 : i32
    %mul3A_0 = arith.muli %arg1, %mul3A : i32
    %add3A = arith.constant 0 : i32
    %add3A_1 = arith.addi %arg0, %add3A : i32
    %broadcast_in_dim3A = arith.constant 0.000000e+00 : f32
    %broadcast_in_dim3A_2 = vector.broadcast %broadcast_in_dim3A : f32 to vector<16xf32>
    %scan3A = arith.constant 0 : i32
    %scan3A_3 = arith.constant 0 : i32
    %scan3A_4 = arith.constant 128 : i32
    %scan3A_5 = arith.addi %scan3A_3, %scan3A_4 : i32
    %scan3A_6 = arith.constant 1 : i32
    scf.for %scan3A_269 = %scan3A_3 to %scan3A_5 step %scan3A_6  : i32 {
      %swap3A = arith.index_cast %scan3A_269 : i32 to index
      %swap3A_270 = arith.constant 0 : index
      %swap3A_271 = tpu.vector_load %arg8[%swap3A, %swap3A_270] {strides = array<i32>} : memref<128x32xf32, #tpu.memory_space<vmem>>, vector<1x16xf32>,
      %swap3A_272 = vector.shape_cast %swap3A_271 : vector<1x16xf32> to vector<16xf32>
      %swap3A_273 = vector.shape_cast %broadcast_in_dim3A_2 : vector<16xf32> to vector<1x16xf32>
      tpu.vector_store %arg8[%swap3A, %swap3A_270], %swap3A_273 {strides = array<i32>} : memref<128x32xf32, #tpu.memory_space<vmem>>, vector<1x16xf32>,
      %swap3A_274 = arith.index_cast %scan3A_269 : i32 to index
      %swap3A_275 = arith.constant 16 : index
      %swap3A_276 = tpu.vector_load %arg8[%swap3A_274, %swap3A_275] {strides = array<i32>} : memref<128x32xf32, #tpu.memory_space<vmem>>, vector<1x16xf32>,
      %swap3A_277 = vector.shape_cast %swap3A_276 : vector<1x16xf32> to vector<16xf32>
      %swap3A_278 = vector.shape_cast %broadcast_in_dim3A_2 : vector<16xf32> to vector<1x16xf32>
      tpu.vector_store %arg8[%swap3A_274, %swap3A_275], %swap3A_278 {strides = array<i32>} : memref<128x32xf32, #tpu.memory_space<vmem>>, vector<1x16xf32>,
    }
    %scan3A_7 = arith.constant 128 : i32
    %scan3A_8 = arith.constant 0 : i32
    %scan3A_9 = arith.constant 0 : i32
    %scan3A_10 = arith.constant 5 : i32
    %scan3A_11 = arith.addi %scan3A_9, %scan3A_10 : i32
    %scan3A_12 = arith.constant 1 : i32
    scf.for %scan3A_269 = %scan3A_9 to %scan3A_11 step %scan3A_12  : i32 {
      %mul3A_270 = arith.constant 128 : i32
      %mul3A_271 = arith.muli %scan3A_269, %mul3A_270 : i32
      %add3A_272 = arith.addi %mul3A_0, %mul3A_271 : i32
      "tpu.region"() ({
        %run_scoped3A = tpu.sem_alloc : memref<!tpu.dma_semaphore, #tpu.memory_space<semaphore_mem>>
        %dma_start3A_273 = arith.constant 0 : i32
        %dma_start3A_274 = tpu.memref_slice %arg13[%add3A_272, %dma_start3A_273] : memref<10240x32xf32, #tpu.memory_space<vmem_shared>> -> memref<128x32xf32, #tpu.memory_space<vmem_shared>>
        %dma_start3A_275 = arith.constant 0 : i32
        %dma_start3A_276 = tpu.memref_slice %arg13[%add3A_272, %dma_start3A_275] : memref<10240x32xf32, #tpu.memory_space<vmem_shared>> -> memref<128x32xf32, #tpu.memory_space<vmem_shared>>
        tpu.enqueue_dma source(%arg8 : memref<128x32xf32, #tpu.memory_space<vmem>>) target(%dma_start3A_276 : memref<128x32xf32, #tpu.memory_space<vmem_shared>>) target_semaphore(%run_scoped3A : memref<!tpu.dma_semaphore, #tpu.memory_space<semaphore_mem>>)
        %dma_wait3A_277 = arith.constant 0 : i32
        %dma_wait3A_278 = tpu.memref_slice %arg13[%add3A_272, %dma_wait3A_277] : memref<10240x32xf32, #tpu.memory_space<vmem_shared>> -> memref<128x32xf32, #tpu.memory_space<vmem_shared>>
        %dma_wait3A_279 = arith.constant 0 : i32
        %dma_wait3A_280 = tpu.memref_slice %arg13[%add3A_272, %dma_wait3A_279] : memref<10240x32xf32, #tpu.memory_space<vmem_shared>> -> memref<128x32xf32, #tpu.memory_space<vmem_shared>>
        tpu.wait_dma2 semaphore(%run_scoped3A : memref<!tpu.dma_semaphore, #tpu.memory_space<semaphore_mem>>) src(%arg8 : memref<128x32xf32, #tpu.memory_space<vmem>>) dst(%dma_wait3A_280 : memref<128x32xf32, #tpu.memory_space<vmem_shared>>)
        tpu.yield
      }) : () -> ()
    }
    %scan3A_13 = arith.constant 5 : i32
    "tpu.region"() ({
      %run_scoped3A = tpu.sem_alloc : memref<!tpu.dma_semaphore, #tpu.memory_space<semaphore_mem>>
      %dma_start3A_269 = arith.constant 0 : i32
      %dma_start3A_270 = tpu.memref_slice %arg12[%mul3A_0, %dma_start3A_269] : memref<10240x32xf32, #tpu.memory_space<vmem_shared>> -> memref<640x32xf32, #tpu.memory_space<vmem_shared>>
      %dma_start3A_271 = arith.constant 0 : i32
      %dma_start3A_272 = arith.constant 0 : i32
      %dma_start3A_273 = tpu.memref_slice %arg2[%add3A_1, %dma_start3A_271, %dma_start3A_272] : memref<4x10240x32xf32, #tpu.memory_space<hbm>> -> memref<1x10240x32xf32, #tpu.memory_space<hbm>>
      %dma_start3A_274 = tpu.memref_squeeze %dma_start3A_273 : memref<1x10240x32xf32, #tpu.memory_space<hbm>> -> memref<10240x32xf32, #tpu.memory_space<hbm>>
      %dma_start3A_275 = arith.constant 0 : i32
      %dma_start3A_276 = tpu.memref_slice %dma_start3A_274[%mul3A_0, %dma_start3A_275] : memref<10240x32xf32, #tpu.memory_space<hbm>> -> memref<640x32xf32, #tpu.memory_space<hbm>>
      tpu.enqueue_dma source(%dma_start3A_276 : memref<640x32xf32, #tpu.memory_space<hbm>>) target(%dma_start3A_270 : memref<640x32xf32, #tpu.memory_space<vmem_shared>>) target_semaphore(%run_scoped3A : memref<!tpu.dma_semaphore, #tpu.memory_space<semaphore_mem>>)
      %dma_wait3A_277 = arith.constant 0 : i32
      %dma_wait3A_278 = tpu.memref_slice %arg12[%mul3A_0, %dma_wait3A_277] : memref<10240x32xf32, #tpu.memory_space<vmem_shared>> -> memref<640x32xf32, #tpu.memory_space<vmem_shared>>
      %dma_wait3A_279 = arith.constant 0 : i32
      %dma_wait3A_280 = arith.constant 0 : i32
      %dma_wait3A_281 = tpu.memref_slice %arg2[%add3A_1, %dma_wait3A_279, %dma_wait3A_280] : memref<4x10240x32xf32, #tpu.memory_space<hbm>> -> memref<1x10240x32xf32, #tpu.memory_space<hbm>>
      %dma_wait3A_282 = tpu.memref_squeeze %dma_wait3A_281 : memref<1x10240x32xf32, #tpu.memory_space<hbm>> -> memref<10240x32xf32, #tpu.memory_space<hbm>>
      %dma_wait3A_283 = arith.constant 0 : i32
      %dma_wait3A_284 = tpu.memref_slice %dma_wait3A_282[%mul3A_0, %dma_wait3A_283] : memref<10240x32xf32, #tpu.memory_space<hbm>> -> memref<640x32xf32, #tpu.memory_space<hbm>>
      tpu.wait_dma2 semaphore(%run_scoped3A : memref<!tpu.dma_semaphore, #tpu.memory_space<semaphore_mem>>) src(%dma_wait3A_284 : memref<640x32xf32, #tpu.memory_space<hbm>>) dst(%dma_wait3A_278 : memref<640x32xf32, #tpu.memory_space<vmem_shared>>)
      tpu.yield
    }) : () -> ()
    %barrier3A = arith.constant 0 : index
    tpu.barrier barrier_id(%barrier3A)
    %dma_start3A = arith.constant 0 : i32
    %dma_start3A_14 = arith.constant 0 : i32
    %dma_start3A_15 = tpu.memref_slice %arg6[%dma_start3A, %dma_start3A_14] : memref<160x128xi32, #tpu.memory_space<vmem>> -> memref<1x128xi32, #tpu.memory_space<vmem>>
    %dma_start3A_16 = tpu.memref_squeeze %dma_start3A_15 : memref<1x128xi32, #tpu.memory_space<vmem>> -> memref<128xi32, #tpu.memory_space<vmem>>
    %dma_start3A_17 = arith.constant 0 : i32
    %dma_start3A_18 = arith.constant 0 : i32
    %dma_start3A_19 = tpu.memref_slice %arg12[%dma_start3A_17, %dma_start3A_18] : memref<10240x32xf32, #tpu.memory_space<vmem_shared>> -> memref<10240x32xf32, #tpu.memory_space<vmem_shared>>
    tpu.enqueue_indirect_dma source(%dma_start3A_19 : memref<10240x32xf32, #tpu.memory_space<vmem_shared>>) target(%arg8 : memref<128x32xf32, #tpu.memory_space<vmem>>) offsets(%dma_start3A_16 : memref<128xi32, #tpu.memory_space<vmem>>) semaphore(%arg14 : memref<!tpu.dma_semaphore, #tpu.memory_space<semaphore_mem>>)
    %dma_start3A_20 = arith.constant 1 : i32
    %dma_start3A_21 = arith.constant 0 : i32
    %dma_start3A_22 = tpu.memref_slice %arg6[%dma_start3A_20, %dma_start3A_21] : memref<160x128xi32, #tpu.memory_space<vmem>> -> memref<1x128xi32, #tpu.memory_space<vmem>>
    %dma_start3A_23 = tpu.memref_squeeze %dma_start3A_22 : memref<1x128xi32, #tpu.memory_space<vmem>> -> memref<128xi32, #tpu.memory_space<vmem>>
    %dma_start3A_24 = arith.constant 0 : i32
    %dma_start3A_25 = arith.constant 0 : i32
    %dma_start3A_26 = tpu.memref_slice %arg12[%dma_start3A_24, %dma_start3A_25] : memref<10240x32xf32, #tpu.memory_space<vmem_shared>> -> memref<10240x32xf32, #tpu.memory_space<vmem_shared>>
    tpu.enqueue_indirect_dma source(%dma_start3A_26 : memref<10240x32xf32, #tpu.memory_space<vmem_shared>>) target(%arg9 : memref<128x32xf32, #tpu.memory_space<vmem>>) offsets(%dma_start3A_23 : memref<128xi32, #tpu.memory_space<vmem>>) semaphore(%arg15 : memref<!tpu.dma_semaphore, #tpu.memory_space<semaphore_mem>>)
    %dma_start3A_27 = arith.constant 2 : i32
    %dma_start3A_28 = arith.constant 0 : i32
    %dma_start3A_29 = tpu.memref_slice %arg6[%dma_start3A_27, %dma_start3A_28] : memref<160x128xi32, #tpu.memory_space<vmem>> -> memref<1x128xi32, #tpu.memory_space<vmem>>
    %dma_start3A_30 = tpu.memref_squeeze %dma_start3A_29 : memref<1x128xi32, #tpu.memory_space<vmem>> -> memref<128xi32, #tpu.memory_space<vmem>>
    %dma_start3A_31 = arith.constant 0 : i32
    %dma_start3A_32 = arith.constant 0 : i32
    %dma_start3A_33 = tpu.memref_slice %arg12[%dma_start3A_31, %dma_start3A_32] : memref<10240x32xf32, #tpu.memory_space<vmem_shared>> -> memref<10240x32xf32, #tpu.memory_space<vmem_shared>>
    tpu.enqueue_indirect_dma source(%dma_start3A_33 : memref<10240x32xf32, #tpu.memory_space<vmem_shared>>) target(%arg10 : memref<128x32xf32, #tpu.memory_space<vmem>>) offsets(%dma_start3A_30 : memref<128xi32, #tpu.memory_space<vmem>>) semaphore(%arg16 : memref<!tpu.dma_semaphore, #tpu.memory_space<semaphore_mem>>)
    %dma_start3A_34 = arith.constant 3 : i32
    %dma_start3A_35 = arith.constant 0 : i32
    %dma_start3A_36 = tpu.memref_slice %arg6[%dma_start3A_34, %dma_start3A_35] : memref<160x128xi32, #tpu.memory_space<vmem>> -> memref<1x128xi32, #tpu.memory_space<vmem>>
    %dma_start3A_37 = tpu.memref_squeeze %dma_start3A_36 : memref<1x128xi32, #tpu.memory_space<vmem>> -> memref<128xi32, #tpu.memory_space<vmem>>
    %dma_start3A_38 = arith.constant 0 : i32
    %dma_start3A_39 = arith.constant 0 : i32
    %dma_start3A_40 = tpu.memref_slice %arg12[%dma_start3A_38, %dma_start3A_39] : memref<10240x32xf32, #tpu.memory_space<vmem_shared>> -> memref<10240x32xf32, #tpu.memory_space<vmem_shared>>
    tpu.enqueue_indirect_dma source(%dma_start3A_40 : memref<10240x32xf32, #tpu.memory_space<vmem_shared>>) target(%arg11 : memref<128x32xf32, #tpu.memory_space<vmem>>) offsets(%dma_start3A_37 : memref<128xi32, #tpu.memory_space<vmem>>) semaphore(%arg17 : memref<!tpu.dma_semaphore, #tpu.memory_space<semaphore_mem>>)
    %dma_start3A_41 = arith.constant 4 : i32
    %dma_start3A_42 = arith.constant 0 : i32
    %dma_start3A_43 = tpu.memref_slice %arg6[%dma_start3A_41, %dma_start3A_42] : memref<160x128xi32, #tpu.memory_space<vmem>> -> memref<1x128xi32, #tpu.memory_space<vmem>>
    %dma_start3A_44 = tpu.memref_squeeze %dma_start3A_43 : memref<1x128xi32, #tpu.memory_space<vmem>> -> memref<128xi32, #tpu.memory_space<vmem>>
    %dma_start3A_45 = arith.constant 0 : i32
    %dma_start3A_46 = arith.constant 0 : i32
    %dma_start3A_47 = tpu.memref_slice %arg12[%dma_start3A_45, %dma_start3A_46] : memref<10240x32xf32, #tpu.memory_space<vmem_shared>> -> memref<10240x32xf32, #tpu.memory_space<vmem_shared>>
    tpu.enqueue_indirect_dma source(%dma_start3A_47 : memref<10240x32xf32, #tpu.memory_space<vmem_shared>>) target(%arg22 : memref<128x32xf32, #tpu.memory_space<vmem>>) offsets(%dma_start3A_44 : memref<128xi32, #tpu.memory_space<vmem>>) semaphore(%arg26 : memref<!tpu.dma_semaphore, #tpu.memory_space<semaphore_mem>>)
    %dma_start3A_48 = arith.constant 5 : i32
    %dma_start3A_49 = arith.constant 0 : i32
    %dma_start3A_50 = tpu.memref_slice %arg6[%dma_start3A_48, %dma_start3A_49] : memref<160x128xi32, #tpu.memory_space<vmem>> -> memref<1x128xi32, #tpu.memory_space<vmem>>
    %dma_start3A_51 = tpu.memref_squeeze %dma_start3A_50 : memref<1x128xi32, #tpu.memory_space<vmem>> -> memref<128xi32, #tpu.memory_space<vmem>>
    %dma_start3A_52 = arith.constant 0 : i32
    %dma_start3A_53 = arith.constant 0 : i32
    %dma_start3A_54 = tpu.memref_slice %arg12[%dma_start3A_52, %dma_start3A_53] : memref<10240x32xf32, #tpu.memory_space<vmem_shared>> -> memref<10240x32xf32, #tpu.memory_space<vmem_shared>>
    tpu.enqueue_indirect_dma source(%dma_start3A_54 : memref<10240x32xf32, #tpu.memory_space<vmem_shared>>) target(%arg23 : memref<128x32xf32, #tpu.memory_space<vmem>>) offsets(%dma_start3A_51 : memref<128xi32, #tpu.memory_space<vmem>>) semaphore(%arg27 : memref<!tpu.dma_semaphore, #tpu.memory_space<semaphore_mem>>)
    %dma_start3A_55 = arith.constant 6 : i32
    %dma_start3A_56 = arith.constant 0 : i32
    %dma_start3A_57 = tpu.memref_slice %arg6[%dma_start3A_55, %dma_start3A_56] : memref<160x128xi32, #tpu.memory_space<vmem>> -> memref<1x128xi32, #tpu.memory_space<vmem>>
    %dma_start3A_58 = tpu.memref_squeeze %dma_start3A_57 : memref<1x128xi32, #tpu.memory_space<vmem>> -> memref<128xi32, #tpu.memory_space<vmem>>
    %dma_start3A_59 = arith.constant 0 : i32
    %dma_start3A_60 = arith.constant 0 : i32
    %dma_start3A_61 = tpu.memref_slice %arg12[%dma_start3A_59, %dma_start3A_60] : memref<10240x32xf32, #tpu.memory_space<vmem_shared>> -> memref<10240x32xf32, #tpu.memory_space<vmem_shared>>
    tpu.enqueue_indirect_dma source(%dma_start3A_61 : memref<10240x32xf32, #tpu.memory_space<vmem_shared>>) target(%arg24 : memref<128x32xf32, #tpu.memory_space<vmem>>) offsets(%dma_start3A_58 : memref<128xi32, #tpu.memory_space<vmem>>) semaphore(%arg28 : memref<!tpu.dma_semaphore, #tpu.memory_space<semaphore_mem>>)
    %dma_start3A_62 = arith.constant 7 : i32
    %dma_start3A_63 = arith.constant 0 : i32
    %dma_start3A_64 = tpu.memref_slice %arg6[%dma_start3A_62, %dma_start3A_63] : memref<160x128xi32, #tpu.memory_space<vmem>> -> memref<1x128xi32, #tpu.memory_space<vmem>>
    %dma_start3A_65 = tpu.memref_squeeze %dma_start3A_64 : memref<1x128xi32, #tpu.memory_space<vmem>> -> memref<128xi32, #tpu.memory_space<vmem>>
    %dma_start3A_66 = arith.constant 0 : i32
    %dma_start3A_67 = arith.constant 0 : i32
    %dma_start3A_68 = tpu.memref_slice %arg12[%dma_start3A_66, %dma_start3A_67] : memref<10240x32xf32, #tpu.memory_space<vmem_shared>> -> memref<10240x32xf32, #tpu.memory_space<vmem_shared>>
    tpu.enqueue_indirect_dma source(%dma_start3A_68 : memref<10240x32xf32, #tpu.memory_space<vmem_shared>>) target(%arg25 : memref<128x32xf32, #tpu.memory_space<vmem>>) offsets(%dma_start3A_65 : memref<128xi32, #tpu.memory_space<vmem>>) semaphore(%arg29 : memref<!tpu.dma_semaphore, #tpu.memory_space<semaphore_mem>>)
    %scan3A_69 = arith.constant 0 : i32
    %scan3A_70 = arith.constant 0 : i32
    %scan3A_71 = arith.constant 20 : i32
    %scan3A_72 = arith.addi %scan3A_70, %scan3A_71 : i32
    %scan3A_73 = arith.constant 1 : i32
    scf.for %scan3A_269 = %scan3A_70 to %scan3A_72 step %scan3A_73  : i32 {
      %mul3A_270 = arith.constant 8 : i32
      %mul3A_271 = arith.muli %mul3A_270, %scan3A_269 : i32
      %add3A_272 = arith.constant 0 : i32
      %add3A_273 = arith.addi %mul3A_271, %add3A_272 : i32
      %dma_wait3A_274 = arith.constant 0 : i32
      %dma_wait3A_275 = tpu.memref_slice %arg6[%add3A_273, %dma_wait3A_274] : memref<160x128xi32, #tpu.memory_space<vmem>> -> memref<1x128xi32, #tpu.memory_space<vmem>>
      %dma_wait3A_276 = tpu.memref_squeeze %dma_wait3A_275 : memref<1x128xi32, #tpu.memory_space<vmem>> -> memref<128xi32, #tpu.memory_space<vmem>>
      %dma_wait3A_277 = arith.constant 0 : i32
      %dma_wait3A_278 = arith.constant 0 : i32
      %dma_wait3A_279 = tpu.memref_slice %arg12[%dma_wait3A_277, %dma_wait3A_278] : memref<10240x32xf32, #tpu.memory_space<vmem_shared>> -> memref<10240x32xf32, #tpu.memory_space<vmem_shared>>
      tpu.wait_indirect_dma semaphore(%arg14 : memref<!tpu.dma_semaphore, #tpu.memory_space<semaphore_mem>>) src(%dma_wait3A_279 : memref<10240x32xf32, #tpu.memory_space<vmem_shared>>) dst(%arg8 : memref<128x32xf32, #tpu.memory_space<vmem>>)
      %add3A_280 = arith.constant 0 : i32
      %add3A_281 = arith.addi %mul3A_271, %add3A_280 : i32
      %dma_start3A_282 = arith.constant 0 : i32
      %dma_start3A_283 = tpu.memref_slice %arg7[%add3A_281, %dma_start3A_282] : memref<160x128xi32, #tpu.memory_space<vmem>> -> memref<1x128xi32, #tpu.memory_space<vmem>>
      %dma_start3A_284 = tpu.memref_squeeze %dma_start3A_283 : memref<1x128xi32, #tpu.memory_space<vmem>> -> memref<128xi32, #tpu.memory_space<vmem>>
      %dma_start3A_285 = arith.constant 0 : i32
      %dma_start3A_286 = arith.constant 0 : i32
      %dma_start3A_287 = tpu.memref_slice %arg13[%dma_start3A_285, %dma_start3A_286] : memref<10240x32xf32, #tpu.memory_space<vmem_shared>> -> memref<10240x32xf32, #tpu.memory_space<vmem_shared>>
      tpu.enqueue_indirect_dma source(%arg8 : memref<128x32xf32, #tpu.memory_space<vmem>>) target(%dma_start3A_287 : memref<10240x32xf32, #tpu.memory_space<vmem_shared>>) offsets(%dma_start3A_284 : memref<128xi32, #tpu.memory_space<vmem>>) semaphore(%arg18 : memref<!tpu.dma_semaphore, #tpu.memory_space<semaphore_mem>>) {add = true}
      %add3A_288 = arith.constant 1 : i32
      %add3A_289 = arith.addi %mul3A_271, %add3A_288 : i32
      %dma_wait3A_290 = arith.constant 0 : i32
      %dma_wait3A_291 = tpu.memref_slice %arg6[%add3A_289, %dma_wait3A_290] : memref<160x128xi32, #tpu.memory_space<vmem>> -> memref<1x128xi32, #tpu.memory_space<vmem>>
      %dma_wait3A_292 = tpu.memref_squeeze %dma_wait3A_291 : memref<1x128xi32, #tpu.memory_space<vmem>> -> memref<128xi32, #tpu.memory_space<vmem>>
      %dma_wait3A_293 = arith.constant 0 : i32
      %dma_wait3A_294 = arith.constant 0 : i32
      %dma_wait3A_295 = tpu.memref_slice %arg12[%dma_wait3A_293, %dma_wait3A_294] : memref<10240x32xf32, #tpu.memory_space<vmem_shared>> -> memref<10240x32xf32, #tpu.memory_space<vmem_shared>>
      tpu.wait_indirect_dma semaphore(%arg15 : memref<!tpu.dma_semaphore, #tpu.memory_space<semaphore_mem>>) src(%dma_wait3A_295 : memref<10240x32xf32, #tpu.memory_space<vmem_shared>>) dst(%arg9 : memref<128x32xf32, #tpu.memory_space<vmem>>)
      %add3A_296 = arith.constant 1 : i32
      %add3A_297 = arith.addi %mul3A_271, %add3A_296 : i32
      %dma_start3A_298 = arith.constant 0 : i32
      %dma_start3A_299 = tpu.memref_slice %arg7[%add3A_297, %dma_start3A_298] : memref<160x128xi32, #tpu.memory_space<vmem>> -> memref<1x128xi32, #tpu.memory_space<vmem>>
      %dma_start3A_300 = tpu.memref_squeeze %dma_start3A_299 : memref<1x128xi32, #tpu.memory_space<vmem>> -> memref<128xi32, #tpu.memory_space<vmem>>
      %dma_start3A_301 = arith.constant 0 : i32
      %dma_start3A_302 = arith.constant 0 : i32
      %dma_start3A_303 = tpu.memref_slice %arg13[%dma_start3A_301, %dma_start3A_302] : memref<10240x32xf32, #tpu.memory_space<vmem_shared>> -> memref<10240x32xf32, #tpu.memory_space<vmem_shared>>
      tpu.enqueue_indirect_dma source(%arg9 : memref<128x32xf32, #tpu.memory_space<vmem>>) target(%dma_start3A_303 : memref<10240x32xf32, #tpu.memory_space<vmem_shared>>) offsets(%dma_start3A_300 : memref<128xi32, #tpu.memory_space<vmem>>) semaphore(%arg19 : memref<!tpu.dma_semaphore, #tpu.memory_space<semaphore_mem>>) {add = true}
      %add3A_304 = arith.constant 2 : i32
      %add3A_305 = arith.addi %mul3A_271, %add3A_304 : i32
      %dma_wait3A_306 = arith.constant 0 : i32
      %dma_wait3A_307 = tpu.memref_slice %arg6[%add3A_305, %dma_wait3A_306] : memref<160x128xi32, #tpu.memory_space<vmem>> -> memref<1x128xi32, #tpu.memory_space<vmem>>
      %dma_wait3A_308 = tpu.memref_squeeze %dma_wait3A_307 : memref<1x128xi32, #tpu.memory_space<vmem>> -> memref<128xi32, #tpu.memory_space<vmem>>
      %dma_wait3A_309 = arith.constant 0 : i32
      %dma_wait3A_310 = arith.constant 0 : i32
      %dma_wait3A_311 = tpu.memref_slice %arg12[%dma_wait3A_309, %dma_wait3A_310] : memref<10240x32xf32, #tpu.memory_space<vmem_shared>> -> memref<10240x32xf32, #tpu.memory_space<vmem_shared>>
      tpu.wait_indirect_dma semaphore(%arg16 : memref<!tpu.dma_semaphore, #tpu.memory_space<semaphore_mem>>) src(%dma_wait3A_311 : memref<10240x32xf32, #tpu.memory_space<vmem_shared>>) dst(%arg10 : memref<128x32xf32, #tpu.memory_space<vmem>>)
      %add3A_312 = arith.constant 2 : i32
      %add3A_313 = arith.addi %mul3A_271, %add3A_312 : i32
      %dma_start3A_314 = arith.constant 0 : i32
      %dma_start3A_315 = tpu.memref_slice %arg7[%add3A_313, %dma_start3A_314] : memref<160x128xi32, #tpu.memory_space<vmem>> -> memref<1x128xi32, #tpu.memory_space<vmem>>
      %dma_start3A_316 = tpu.memref_squeeze %dma_start3A_315 : memref<1x128xi32, #tpu.memory_space<vmem>> -> memref<128xi32, #tpu.memory_space<vmem>>
      %dma_start3A_317 = arith.constant 0 : i32
      %dma_start3A_318 = arith.constant 0 : i32
      %dma_start3A_319 = tpu.memref_slice %arg13[%dma_start3A_317, %dma_start3A_318] : memref<10240x32xf32, #tpu.memory_space<vmem_shared>> -> memref<10240x32xf32, #tpu.memory_space<vmem_shared>>
      tpu.enqueue_indirect_dma source(%arg10 : memref<128x32xf32, #tpu.memory_space<vmem>>) target(%dma_start3A_319 : memref<10240x32xf32, #tpu.memory_space<vmem_shared>>) offsets(%dma_start3A_316 : memref<128xi32, #tpu.memory_space<vmem>>) semaphore(%arg20 : memref<!tpu.dma_semaphore, #tpu.memory_space<semaphore_mem>>) {add = true}
      %add3A_320 = arith.constant 3 : i32
      %add3A_321 = arith.addi %mul3A_271, %add3A_320 : i32
      %dma_wait3A_322 = arith.constant 0 : i32
      %dma_wait3A_323 = tpu.memref_slice %arg6[%add3A_321, %dma_wait3A_322] : memref<160x128xi32, #tpu.memory_space<vmem>> -> memref<1x128xi32, #tpu.memory_space<vmem>>
      %dma_wait3A_324 = tpu.memref_squeeze %dma_wait3A_323 : memref<1x128xi32, #tpu.memory_space<vmem>> -> memref<128xi32, #tpu.memory_space<vmem>>
      %dma_wait3A_325 = arith.constant 0 : i32
      %dma_wait3A_326 = arith.constant 0 : i32
      %dma_wait3A_327 = tpu.memref_slice %arg12[%dma_wait3A_325, %dma_wait3A_326] : memref<10240x32xf32, #tpu.memory_space<vmem_shared>> -> memref<10240x32xf32, #tpu.memory_space<vmem_shared>>
      tpu.wait_indirect_dma semaphore(%arg17 : memref<!tpu.dma_semaphore, #tpu.memory_space<semaphore_mem>>) src(%dma_wait3A_327 : memref<10240x32xf32, #tpu.memory_space<vmem_shared>>) dst(%arg11 : memref<128x32xf32, #tpu.memory_space<vmem>>)
      %add3A_328 = arith.constant 3 : i32
      %add3A_329 = arith.addi %mul3A_271, %add3A_328 : i32
      %dma_start3A_330 = arith.constant 0 : i32
      %dma_start3A_331 = tpu.memref_slice %arg7[%add3A_329, %dma_start3A_330] : memref<160x128xi32, #tpu.memory_space<vmem>> -> memref<1x128xi32, #tpu.memory_space<vmem>>
      %dma_start3A_332 = tpu.memref_squeeze %dma_start3A_331 : memref<1x128xi32, #tpu.memory_space<vmem>> -> memref<128xi32, #tpu.memory_space<vmem>>
      %dma_start3A_333 = arith.constant 0 : i32
      %dma_start3A_334 = arith.constant 0 : i32
      %dma_start3A_335 = tpu.memref_slice %arg13[%dma_start3A_333, %dma_start3A_334] : memref<10240x32xf32, #tpu.memory_space<vmem_shared>> -> memref<10240x32xf32, #tpu.memory_space<vmem_shared>>
      tpu.enqueue_indirect_dma source(%arg11 : memref<128x32xf32, #tpu.memory_space<vmem>>) target(%dma_start3A_335 : memref<10240x32xf32, #tpu.memory_space<vmem_shared>>) offsets(%dma_start3A_332 : memref<128xi32, #tpu.memory_space<vmem>>) semaphore(%arg21 : memref<!tpu.dma_semaphore, #tpu.memory_space<semaphore_mem>>) {add = true}
      %add3A_336 = arith.constant 4 : i32
      %add3A_337 = arith.addi %mul3A_271, %add3A_336 : i32
      %dma_wait3A_338 = arith.constant 0 : i32
      %dma_wait3A_339 = tpu.memref_slice %arg6[%add3A_337, %dma_wait3A_338] : memref<160x128xi32, #tpu.memory_space<vmem>> -> memref<1x128xi32, #tpu.memory_space<vmem>>
      %dma_wait3A_340 = tpu.memref_squeeze %dma_wait3A_339 : memref<1x128xi32, #tpu.memory_space<vmem>> -> memref<128xi32, #tpu.memory_space<vmem>>
      %dma_wait3A_341 = arith.constant 0 : i32
      %dma_wait3A_342 = arith.constant 0 : i32
      %dma_wait3A_343 = tpu.memref_slice %arg12[%dma_wait3A_341, %dma_wait3A_342] : memref<10240x32xf32, #tpu.memory_space<vmem_shared>> -> memref<10240x32xf32, #tpu.memory_space<vmem_shared>>
      tpu.wait_indirect_dma semaphore(%arg26 : memref<!tpu.dma_semaphore, #tpu.memory_space<semaphore_mem>>) src(%dma_wait3A_343 : memref<10240x32xf32, #tpu.memory_space<vmem_shared>>) dst(%arg22 : memref<128x32xf32, #tpu.memory_space<vmem>>)
      %add3A_344 = arith.constant 4 : i32
      %add3A_345 = arith.addi %mul3A_271, %add3A_344 : i32
      %dma_start3A_346 = arith.constant 0 : i32
      %dma_start3A_347 = tpu.memref_slice %arg7[%add3A_345, %dma_start3A_346] : memref<160x128xi32, #tpu.memory_space<vmem>> -> memref<1x128xi32, #tpu.memory_space<vmem>>
      %dma_start3A_348 = tpu.memref_squeeze %dma_start3A_347 : memref<1x128xi32, #tpu.memory_space<vmem>> -> memref<128xi32, #tpu.memory_space<vmem>>
      %dma_start3A_349 = arith.constant 0 : i32
      %dma_start3A_350 = arith.constant 0 : i32
      %dma_start3A_351 = tpu.memref_slice %arg13[%dma_start3A_349, %dma_start3A_350] : memref<10240x32xf32, #tpu.memory_space<vmem_shared>> -> memref<10240x32xf32, #tpu.memory_space<vmem_shared>>
      tpu.enqueue_indirect_dma source(%arg22 : memref<128x32xf32, #tpu.memory_space<vmem>>) target(%dma_start3A_351 : memref<10240x32xf32, #tpu.memory_space<vmem_shared>>) offsets(%dma_start3A_348 : memref<128xi32, #tpu.memory_space<vmem>>) semaphore(%arg30 : memref<!tpu.dma_semaphore, #tpu.memory_space<semaphore_mem>>) {add = true}
      %add3A_352 = arith.constant 5 : i32
      %add3A_353 = arith.addi %mul3A_271, %add3A_352 : i32
      %dma_wait3A_354 = arith.constant 0 : i32
      %dma_wait3A_355 = tpu.memref_slice %arg6[%add3A_353, %dma_wait3A_354] : memref<160x128xi32, #tpu.memory_space<vmem>> -> memref<1x128xi32, #tpu.memory_space<vmem>>
      %dma_wait3A_356 = tpu.memref_squeeze %dma_wait3A_355 : memref<1x128xi32, #tpu.memory_space<vmem>> -> memref<128xi32, #tpu.memory_space<vmem>>
      %dma_wait3A_357 = arith.constant 0 : i32
      %dma_wait3A_358 = arith.constant 0 : i32
      %dma_wait3A_359 = tpu.memref_slice %arg12[%dma_wait3A_357, %dma_wait3A_358] : memref<10240x32xf32, #tpu.memory_space<vmem_shared>> -> memref<10240x32xf32, #tpu.memory_space<vmem_shared>>
      tpu.wait_indirect_dma semaphore(%arg27 : memref<!tpu.dma_semaphore, #tpu.memory_space<semaphore_mem>>) src(%dma_wait3A_359 : memref<10240x32xf32, #tpu.memory_space<vmem_shared>>) dst(%arg23 : memref<128x32xf32, #tpu.memory_space<vmem>>)
      %add3A_360 = arith.constant 5 : i32
      %add3A_361 = arith.addi %mul3A_271, %add3A_360 : i32
      %dma_start3A_362 = arith.constant 0 : i32
      %dma_start3A_363 = tpu.memref_slice %arg7[%add3A_361, %dma_start3A_362] : memref<160x128xi32, #tpu.memory_space<vmem>> -> memref<1x128xi32, #tpu.memory_space<vmem>>
      %dma_start3A_364 = tpu.memref_squeeze %dma_start3A_363 : memref<1x128xi32, #tpu.memory_space<vmem>> -> memref<128xi32, #tpu.memory_space<vmem>>
      %dma_start3A_365 = arith.constant 0 : i32
      %dma_start3A_366 = arith.constant 0 : i32
      %dma_start3A_367 = tpu.memref_slice %arg13[%dma_start3A_365, %dma_start3A_366] : memref<10240x32xf32, #tpu.memory_space<vmem_shared>> -> memref<10240x32xf32, #tpu.memory_space<vmem_shared>>
      tpu.enqueue_indirect_dma source(%arg23 : memref<128x32xf32, #tpu.memory_space<vmem>>) target(%dma_start3A_367 : memref<10240x32xf32, #tpu.memory_space<vmem_shared>>) offsets(%dma_start3A_364 : memref<128xi32, #tpu.memory_space<vmem>>) semaphore(%arg31 : memref<!tpu.dma_semaphore, #tpu.memory_space<semaphore_mem>>) {add = true}
      %add3A_368 = arith.constant 6 : i32
      %add3A_369 = arith.addi %mul3A_271, %add3A_368 : i32
      %dma_wait3A_370 = arith.constant 0 : i32
      %dma_wait3A_371 = tpu.memref_slice %arg6[%add3A_369, %dma_wait3A_370] : memref<160x128xi32, #tpu.memory_space<vmem>> -> memref<1x128xi32, #tpu.memory_space<vmem>>
      %dma_wait3A_372 = tpu.memref_squeeze %dma_wait3A_371 : memref<1x128xi32, #tpu.memory_space<vmem>> -> memref<128xi32, #tpu.memory_space<vmem>>
      %dma_wait3A_373 = arith.constant 0 : i32
      %dma_wait3A_374 = arith.constant 0 : i32
      %dma_wait3A_375 = tpu.memref_slice %arg12[%dma_wait3A_373, %dma_wait3A_374] : memref<10240x32xf32, #tpu.memory_space<vmem_shared>> -> memref<10240x32xf32, #tpu.memory_space<vmem_shared>>
      tpu.wait_indirect_dma semaphore(%arg28 : memref<!tpu.dma_semaphore, #tpu.memory_space<semaphore_mem>>) src(%dma_wait3A_375 : memref<10240x32xf32, #tpu.memory_space<vmem_shared>>) dst(%arg24 : memref<128x32xf32, #tpu.memory_space<vmem>>)
      %add3A_376 = arith.constant 6 : i32
      %add3A_377 = arith.addi %mul3A_271, %add3A_376 : i32
      %dma_start3A_378 = arith.constant 0 : i32
      %dma_start3A_379 = tpu.memref_slice %arg7[%add3A_377, %dma_start3A_378] : memref<160x128xi32, #tpu.memory_space<vmem>> -> memref<1x128xi32, #tpu.memory_space<vmem>>
      %dma_start3A_380 = tpu.memref_squeeze %dma_start3A_379 : memref<1x128xi32, #tpu.memory_space<vmem>> -> memref<128xi32, #tpu.memory_space<vmem>>
      %dma_start3A_381 = arith.constant 0 : i32
      %dma_start3A_382 = arith.constant 0 : i32
      %dma_start3A_383 = tpu.memref_slice %arg13[%dma_start3A_381, %dma_start3A_382] : memref<10240x32xf32, #tpu.memory_space<vmem_shared>> -> memref<10240x32xf32, #tpu.memory_space<vmem_shared>>
      tpu.enqueue_indirect_dma source(%arg24 : memref<128x32xf32, #tpu.memory_space<vmem>>) target(%dma_start3A_383 : memref<10240x32xf32, #tpu.memory_space<vmem_shared>>) offsets(%dma_start3A_380 : memref<128xi32, #tpu.memory_space<vmem>>) semaphore(%arg32 : memref<!tpu.dma_semaphore, #tpu.memory_space<semaphore_mem>>) {add = true}
      %add3A_384 = arith.constant 7 : i32
      %add3A_385 = arith.addi %mul3A_271, %add3A_384 : i32
      %dma_wait3A_386 = arith.constant 0 : i32
      %dma_wait3A_387 = tpu.memref_slice %arg6[%add3A_385, %dma_wait3A_386] : memref<160x128xi32, #tpu.memory_space<vmem>> -> memref<1x128xi32, #tpu.memory_space<vmem>>
      %dma_wait3A_388 = tpu.memref_squeeze %dma_wait3A_387 : memref<1x128xi32, #tpu.memory_space<vmem>> -> memref<128xi32, #tpu.memory_space<vmem>>
      %dma_wait3A_389 = arith.constant 0 : i32
      %dma_wait3A_390 = arith.constant 0 : i32
      %dma_wait3A_391 = tpu.memref_slice %arg12[%dma_wait3A_389, %dma_wait3A_390] : memref<10240x32xf32, #tpu.memory_space<vmem_shared>> -> memref<10240x32xf32, #tpu.memory_space<vmem_shared>>
      tpu.wait_indirect_dma semaphore(%arg29 : memref<!tpu.dma_semaphore, #tpu.memory_space<semaphore_mem>>) src(%dma_wait3A_391 : memref<10240x32xf32, #tpu.memory_space<vmem_shared>>) dst(%arg25 : memref<128x32xf32, #tpu.memory_space<vmem>>)
      %add3A_392 = arith.constant 7 : i32
      %add3A_393 = arith.addi %mul3A_271, %add3A_392 : i32
      %dma_start3A_394 = arith.constant 0 : i32
      %dma_start3A_395 = tpu.memref_slice %arg7[%add3A_393, %dma_start3A_394] : memref<160x128xi32, #tpu.memory_space<vmem>> -> memref<1x128xi32, #tpu.memory_space<vmem>>
      %dma_start3A_396 = tpu.memref_squeeze %dma_start3A_395 : memref<1x128xi32, #tpu.memory_space<vmem>> -> memref<128xi32, #tpu.memory_space<vmem>>
      %dma_start3A_397 = arith.constant 0 : i32
      %dma_start3A_398 = arith.constant 0 : i32
      %dma_start3A_399 = tpu.memref_slice %arg13[%dma_start3A_397, %dma_start3A_398] : memref<10240x32xf32, #tpu.memory_space<vmem_shared>> -> memref<10240x32xf32, #tpu.memory_space<vmem_shared>>
      tpu.enqueue_indirect_dma source(%arg25 : memref<128x32xf32, #tpu.memory_space<vmem>>) target(%dma_start3A_399 : memref<10240x32xf32, #tpu.memory_space<vmem_shared>>) offsets(%dma_start3A_396 : memref<128xi32, #tpu.memory_space<vmem>>) semaphore(%arg33 : memref<!tpu.dma_semaphore, #tpu.memory_space<semaphore_mem>>) {add = true}
      %lt3A = arith.constant 19 : i32
      %lt3A_400 = arith.cmpi slt, %scan3A_269, %lt3A : i32
      %convert_element_type3A = arith.extui %lt3A_400 : i1 to i32
      %cond3A = arith.constant 0 : i32
      %cond3A_401 = arith.cmpi ne, %convert_element_type3A, %cond3A : i32
      scf.if %cond3A_401 {
        %add3A_402 = arith.constant 0 : i32
        %add3A_403 = arith.addi %mul3A_271, %add3A_402 : i32
        %dma_wait3A_404 = arith.constant 0 : i32
        %dma_wait3A_405 = tpu.memref_slice %arg7[%add3A_403, %dma_wait3A_404] : memref<160x128xi32, #tpu.memory_space<vmem>> -> memref<1x128xi32, #tpu.memory_space<vmem>>
        %dma_wait3A_406 = tpu.memref_squeeze %dma_wait3A_405 : memref<1x128xi32, #tpu.memory_space<vmem>> -> memref<128xi32, #tpu.memory_space<vmem>>
        %dma_wait3A_407 = arith.constant 0 : i32
        %dma_wait3A_408 = arith.constant 0 : i32
        %dma_wait3A_409 = tpu.memref_slice %arg13[%dma_wait3A_407, %dma_wait3A_408] : memref<10240x32xf32, #tpu.memory_space<vmem_shared>> -> memref<10240x32xf32, #tpu.memory_space<vmem_shared>>
        tpu.wait_indirect_dma semaphore(%arg18 : memref<!tpu.dma_semaphore, #tpu.memory_space<semaphore_mem>>) src(%arg8 : memref<128x32xf32, #tpu.memory_space<vmem>>) dst(%dma_wait3A_409 : memref<10240x32xf32, #tpu.memory_space<vmem_shared>>)
        %add3A_410 = arith.constant 8 : i32
        %add3A_411 = arith.addi %mul3A_271, %add3A_410 : i32
        %add3A_412 = arith.constant 0 : i32
        %add3A_413 = arith.addi %add3A_411, %add3A_412 : i32
        %dma_start3A_414 = arith.constant 0 : i32
        %dma_start3A_415 = tpu.memref_slice %arg6[%add3A_413, %dma_start3A_414] : memref<160x128xi32, #tpu.memory_space<vmem>> -> memref<1x128xi32, #tpu.memory_space<vmem>>
        %dma_start3A_416 = tpu.memref_squeeze %dma_start3A_415 : memref<1x128xi32, #tpu.memory_space<vmem>> -> memref<128xi32, #tpu.memory_space<vmem>>
        %dma_start3A_417 = arith.constant 0 : i32
        %dma_start3A_418 = arith.constant 0 : i32
        %dma_start3A_419 = tpu.memref_slice %arg12[%dma_start3A_417, %dma_start3A_418] : memref<10240x32xf32, #tpu.memory_space<vmem_shared>> -> memref<10240x32xf32, #tpu.memory_space<vmem_shared>>
        tpu.enqueue_indirect_dma source(%dma_start3A_419 : memref<10240x32xf32, #tpu.memory_space<vmem_shared>>) target(%arg8 : memref<128x32xf32, #tpu.memory_space<vmem>>) offsets(%dma_start3A_416 : memref<128xi32, #tpu.memory_space<vmem>>) semaphore(%arg14 : memref<!tpu.dma_semaphore, #tpu.memory_space<semaphore_mem>>)
        %add3A_420 = arith.constant 1 : i32
        %add3A_421 = arith.addi %mul3A_271, %add3A_420 : i32
        %dma_wait3A_422 = arith.constant 0 : i32
        %dma_wait3A_423 = tpu.memref_slice %arg7[%add3A_421, %dma_wait3A_422] : memref<160x128xi32, #tpu.memory_space<vmem>> -> memref<1x128xi32, #tpu.memory_space<vmem>>
        %dma_wait3A_424 = tpu.memref_squeeze %dma_wait3A_423 : memref<1x128xi32, #tpu.memory_space<vmem>> -> memref<128xi32, #tpu.memory_space<vmem>>
        %dma_wait3A_425 = arith.constant 0 : i32
        %dma_wait3A_426 = arith.constant 0 : i32
        %dma_wait3A_427 = tpu.memref_slice %arg13[%dma_wait3A_425, %dma_wait3A_426] : memref<10240x32xf32, #tpu.memory_space<vmem_shared>> -> memref<10240x32xf32, #tpu.memory_space<vmem_shared>>
        tpu.wait_indirect_dma semaphore(%arg19 : memref<!tpu.dma_semaphore, #tpu.memory_space<semaphore_mem>>) src(%arg9 : memref<128x32xf32, #tpu.memory_space<vmem>>) dst(%dma_wait3A_427 : memref<10240x32xf32, #tpu.memory_space<vmem_shared>>)
        %add3A_428 = arith.constant 8 : i32
        %add3A_429 = arith.addi %mul3A_271, %add3A_428 : i32
        %add3A_430 = arith.constant 1 : i32
        %add3A_431 = arith.addi %add3A_429, %add3A_430 : i32
        %dma_start3A_432 = arith.constant 0 : i32
        %dma_start3A_433 = tpu.memref_slice %arg6[%add3A_431, %dma_start3A_432] : memref<160x128xi32, #tpu.memory_space<vmem>> -> memref<1x128xi32, #tpu.memory_space<vmem>>
        %dma_start3A_434 = tpu.memref_squeeze %dma_start3A_433 : memref<1x128xi32, #tpu.memory_space<vmem>> -> memref<128xi32, #tpu.memory_space<vmem>>
        %dma_start3A_435 = arith.constant 0 : i32
        %dma_start3A_436 = arith.constant 0 : i32
        %dma_start3A_437 = tpu.memref_slice %arg12[%dma_start3A_435, %dma_start3A_436] : memref<10240x32xf32, #tpu.memory_space<vmem_shared>> -> memref<10240x32xf32, #tpu.memory_space<vmem_shared>>
        tpu.enqueue_indirect_dma source(%dma_start3A_437 : memref<10240x32xf32, #tpu.memory_space<vmem_shared>>) target(%arg9 : memref<128x32xf32, #tpu.memory_space<vmem>>) offsets(%dma_start3A_434 : memref<128xi32, #tpu.memory_space<vmem>>) semaphore(%arg15 : memref<!tpu.dma_semaphore, #tpu.memory_space<semaphore_mem>>)
        %add3A_438 = arith.constant 2 : i32
        %add3A_439 = arith.addi %mul3A_271, %add3A_438 : i32
        %dma_wait3A_440 = arith.constant 0 : i32
        %dma_wait3A_441 = tpu.memref_slice %arg7[%add3A_439, %dma_wait3A_440] : memref<160x128xi32, #tpu.memory_space<vmem>> -> memref<1x128xi32, #tpu.memory_space<vmem>>
        %dma_wait3A_442 = tpu.memref_squeeze %dma_wait3A_441 : memref<1x128xi32, #tpu.memory_space<vmem>> -> memref<128xi32, #tpu.memory_space<vmem>>
        %dma_wait3A_443 = arith.constant 0 : i32
        %dma_wait3A_444 = arith.constant 0 : i32
        %dma_wait3A_445 = tpu.memref_slice %arg13[%dma_wait3A_443, %dma_wait3A_444] : memref<10240x32xf32, #tpu.memory_space<vmem_shared>> -> memref<10240x32xf32, #tpu.memory_space<vmem_shared>>
        tpu.wait_indirect_dma semaphore(%arg20 : memref<!tpu.dma_semaphore, #tpu.memory_space<semaphore_mem>>) src(%arg10 : memref<128x32xf32, #tpu.memory_space<vmem>>) dst(%dma_wait3A_445 : memref<10240x32xf32, #tpu.memory_space<vmem_shared>>)
        %add3A_446 = arith.constant 8 : i32
        %add3A_447 = arith.addi %mul3A_271, %add3A_446 : i32
        %add3A_448 = arith.constant 2 : i32
        %add3A_449 = arith.addi %add3A_447, %add3A_448 : i32
        %dma_start3A_450 = arith.constant 0 : i32
        %dma_start3A_451 = tpu.memref_slice %arg6[%add3A_449, %dma_start3A_450] : memref<160x128xi32, #tpu.memory_space<vmem>> -> memref<1x128xi32, #tpu.memory_space<vmem>>
        %dma_start3A_452 = tpu.memref_squeeze %dma_start3A_451 : memref<1x128xi32, #tpu.memory_space<vmem>> -> memref<128xi32, #tpu.memory_space<vmem>>
        %dma_start3A_453 = arith.constant 0 : i32
        %dma_start3A_454 = arith.constant 0 : i32
        %dma_start3A_455 = tpu.memref_slice %arg12[%dma_start3A_453, %dma_start3A_454] : memref<10240x32xf32, #tpu.memory_space<vmem_shared>> -> memref<10240x32xf32, #tpu.memory_space<vmem_shared>>
        tpu.enqueue_indirect_dma source(%dma_start3A_455 : memref<10240x32xf32, #tpu.memory_space<vmem_shared>>) target(%arg10 : memref<128x32xf32, #tpu.memory_space<vmem>>) offsets(%dma_start3A_452 : memref<128xi32, #tpu.memory_space<vmem>>) semaphore(%arg16 : memref<!tpu.dma_semaphore, #tpu.memory_space<semaphore_mem>>)
        %add3A_456 = arith.constant 3 : i32
        %add3A_457 = arith.addi %mul3A_271, %add3A_456 : i32
        %dma_wait3A_458 = arith.constant 0 : i32
        %dma_wait3A_459 = tpu.memref_slice %arg7[%add3A_457, %dma_wait3A_458] : memref<160x128xi32, #tpu.memory_space<vmem>> -> memref<1x128xi32, #tpu.memory_space<vmem>>
        %dma_wait3A_460 = tpu.memref_squeeze %dma_wait3A_459 : memref<1x128xi32, #tpu.memory_space<vmem>> -> memref<128xi32, #tpu.memory_space<vmem>>
        %dma_wait3A_461 = arith.constant 0 : i32
        %dma_wait3A_462 = arith.constant 0 : i32
        %dma_wait3A_463 = tpu.memref_slice %arg13[%dma_wait3A_461, %dma_wait3A_462] : memref<10240x32xf32, #tpu.memory_space<vmem_shared>> -> memref<10240x32xf32, #tpu.memory_space<vmem_shared>>
        tpu.wait_indirect_dma semaphore(%arg21 : memref<!tpu.dma_semaphore, #tpu.memory_space<semaphore_mem>>) src(%arg11 : memref<128x32xf32, #tpu.memory_space<vmem>>) dst(%dma_wait3A_463 : memref<10240x32xf32, #tpu.memory_space<vmem_shared>>)
        %add3A_464 = arith.constant 8 : i32
        %add3A_465 = arith.addi %mul3A_271, %add3A_464 : i32
        %add3A_466 = arith.constant 3 : i32
        %add3A_467 = arith.addi %add3A_465, %add3A_466 : i32
        %dma_start3A_468 = arith.constant 0 : i32
        %dma_start3A_469 = tpu.memref_slice %arg6[%add3A_467, %dma_start3A_468] : memref<160x128xi32, #tpu.memory_space<vmem>> -> memref<1x128xi32, #tpu.memory_space<vmem>>
        %dma_start3A_470 = tpu.memref_squeeze %dma_start3A_469 : memref<1x128xi32, #tpu.memory_space<vmem>> -> memref<128xi32, #tpu.memory_space<vmem>>
        %dma_start3A_471 = arith.constant 0 : i32
        %dma_start3A_472 = arith.constant 0 : i32
        %dma_start3A_473 = tpu.memref_slice %arg12[%dma_start3A_471, %dma_start3A_472] : memref<10240x32xf32, #tpu.memory_space<vmem_shared>> -> memref<10240x32xf32, #tpu.memory_space<vmem_shared>>
        tpu.enqueue_indirect_dma source(%dma_start3A_473 : memref<10240x32xf32, #tpu.memory_space<vmem_shared>>) target(%arg11 : memref<128x32xf32, #tpu.memory_space<vmem>>) offsets(%dma_start3A_470 : memref<128xi32, #tpu.memory_space<vmem>>) semaphore(%arg17 : memref<!tpu.dma_semaphore, #tpu.memory_space<semaphore_mem>>)
        %add3A_474 = arith.constant 4 : i32
        %add3A_475 = arith.addi %mul3A_271, %add3A_474 : i32
        %dma_wait3A_476 = arith.constant 0 : i32
        %dma_wait3A_477 = tpu.memref_slice %arg7[%add3A_475, %dma_wait3A_476] : memref<160x128xi32, #tpu.memory_space<vmem>> -> memref<1x128xi32, #tpu.memory_space<vmem>>
        %dma_wait3A_478 = tpu.memref_squeeze %dma_wait3A_477 : memref<1x128xi32, #tpu.memory_space<vmem>> -> memref<128xi32, #tpu.memory_space<vmem>>
        %dma_wait3A_479 = arith.constant 0 : i32
        %dma_wait3A_480 = arith.constant 0 : i32
        %dma_wait3A_481 = tpu.memref_slice %arg13[%dma_wait3A_479, %dma_wait3A_480] : memref<10240x32xf32, #tpu.memory_space<vmem_shared>> -> memref<10240x32xf32, #tpu.memory_space<vmem_shared>>
        tpu.wait_indirect_dma semaphore(%arg30 : memref<!tpu.dma_semaphore, #tpu.memory_space<semaphore_mem>>) src(%arg22 : memref<128x32xf32, #tpu.memory_space<vmem>>) dst(%dma_wait3A_481 : memref<10240x32xf32, #tpu.memory_space<vmem_shared>>)
        %add3A_482 = arith.constant 8 : i32
        %add3A_483 = arith.addi %mul3A_271, %add3A_482 : i32
        %add3A_484 = arith.constant 4 : i32
        %add3A_485 = arith.addi %add3A_483, %add3A_484 : i32
        %dma_start3A_486 = arith.constant 0 : i32
        %dma_start3A_487 = tpu.memref_slice %arg6[%add3A_485, %dma_start3A_486] : memref<160x128xi32, #tpu.memory_space<vmem>> -> memref<1x128xi32, #tpu.memory_space<vmem>>
        %dma_start3A_488 = tpu.memref_squeeze %dma_start3A_487 : memref<1x128xi32, #tpu.memory_space<vmem>> -> memref<128xi32, #tpu.memory_space<vmem>>
        %dma_start3A_489 = arith.constant 0 : i32
        %dma_start3A_490 = arith.constant 0 : i32
        %dma_start3A_491 = tpu.memref_slice %arg12[%dma_start3A_489, %dma_start3A_490] : memref<10240x32xf32, #tpu.memory_space<vmem_shared>> -> memref<10240x32xf32, #tpu.memory_space<vmem_shared>>
        tpu.enqueue_indirect_dma source(%dma_start3A_491 : memref<10240x32xf32, #tpu.memory_space<vmem_shared>>) target(%arg22 : memref<128x32xf32, #tpu.memory_space<vmem>>) offsets(%dma_start3A_488 : memref<128xi32, #tpu.memory_space<vmem>>) semaphore(%arg26 : memref<!tpu.dma_semaphore, #tpu.memory_space<semaphore_mem>>)
        %add3A_492 = arith.constant 5 : i32
        %add3A_493 = arith.addi %mul3A_271, %add3A_492 : i32
        %dma_wait3A_494 = arith.constant 0 : i32
        %dma_wait3A_495 = tpu.memref_slice %arg7[%add3A_493, %dma_wait3A_494] : memref<160x128xi32, #tpu.memory_space<vmem>> -> memref<1x128xi32, #tpu.memory_space<vmem>>
        %dma_wait3A_496 = tpu.memref_squeeze %dma_wait3A_495 : memref<1x128xi32, #tpu.memory_space<vmem>> -> memref<128xi32, #tpu.memory_space<vmem>>
        %dma_wait3A_497 = arith.constant 0 : i32
        %dma_wait3A_498 = arith.constant 0 : i32
        %dma_wait3A_499 = tpu.memref_slice %arg13[%dma_wait3A_497, %dma_wait3A_498] : memref<10240x32xf32, #tpu.memory_space<vmem_shared>> -> memref<10240x32xf32, #tpu.memory_space<vmem_shared>>
        tpu.wait_indirect_dma semaphore(%arg31 : memref<!tpu.dma_semaphore, #tpu.memory_space<semaphore_mem>>) src(%arg23 : memref<128x32xf32, #tpu.memory_space<vmem>>) dst(%dma_wait3A_499 : memref<10240x32xf32, #tpu.memory_space<vmem_shared>>)
        %add3A_500 = arith.constant 8 : i32
        %add3A_501 = arith.addi %mul3A_271, %add3A_500 : i32
        %add3A_502 = arith.constant 5 : i32
        %add3A_503 = arith.addi %add3A_501, %add3A_502 : i32
        %dma_start3A_504 = arith.constant 0 : i32
        %dma_start3A_505 = tpu.memref_slice %arg6[%add3A_503, %dma_start3A_504] : memref<160x128xi32, #tpu.memory_space<vmem>> -> memref<1x128xi32, #tpu.memory_space<vmem>>
        %dma_start3A_506 = tpu.memref_squeeze %dma_start3A_505 : memref<1x128xi32, #tpu.memory_space<vmem>> -> memref<128xi32, #tpu.memory_space<vmem>>
        %dma_start3A_507 = arith.constant 0 : i32
        %dma_start3A_508 = arith.constant 0 : i32
        %dma_start3A_509 = tpu.memref_slice %arg12[%dma_start3A_507, %dma_start3A_508] : memref<10240x32xf32, #tpu.memory_space<vmem_shared>> -> memref<10240x32xf32, #tpu.memory_space<vmem_shared>>
        tpu.enqueue_indirect_dma source(%dma_start3A_509 : memref<10240x32xf32, #tpu.memory_space<vmem_shared>>) target(%arg23 : memref<128x32xf32, #tpu.memory_space<vmem>>) offsets(%dma_start3A_506 : memref<128xi32, #tpu.memory_space<vmem>>) semaphore(%arg27 : memref<!tpu.dma_semaphore, #tpu.memory_space<semaphore_mem>>)
        %add3A_510 = arith.constant 6 : i32
        %add3A_511 = arith.addi %mul3A_271, %add3A_510 : i32
        %dma_wait3A_512 = arith.constant 0 : i32
        %dma_wait3A_513 = tpu.memref_slice %arg7[%add3A_511, %dma_wait3A_512] : memref<160x128xi32, #tpu.memory_space<vmem>> -> memref<1x128xi32, #tpu.memory_space<vmem>>
        %dma_wait3A_514 = tpu.memref_squeeze %dma_wait3A_513 : memref<1x128xi32, #tpu.memory_space<vmem>> -> memref<128xi32, #tpu.memory_space<vmem>>
        %dma_wait3A_515 = arith.constant 0 : i32
        %dma_wait3A_516 = arith.constant 0 : i32
        %dma_wait3A_517 = tpu.memref_slice %arg13[%dma_wait3A_515, %dma_wait3A_516] : memref<10240x32xf32, #tpu.memory_space<vmem_shared>> -> memref<10240x32xf32, #tpu.memory_space<vmem_shared>>
        tpu.wait_indirect_dma semaphore(%arg32 : memref<!tpu.dma_semaphore, #tpu.memory_space<semaphore_mem>>) src(%arg24 : memref<128x32xf32, #tpu.memory_space<vmem>>) dst(%dma_wait3A_517 : memref<10240x32xf32, #tpu.memory_space<vmem_shared>>)
        %add3A_518 = arith.constant 8 : i32
        %add3A_519 = arith.addi %mul3A_271, %add3A_518 : i32
        %add3A_520 = arith.constant 6 : i32
        %add3A_521 = arith.addi %add3A_519, %add3A_520 : i32
        %dma_start3A_522 = arith.constant 0 : i32
        %dma_start3A_523 = tpu.memref_slice %arg6[%add3A_521, %dma_start3A_522] : memref<160x128xi32, #tpu.memory_space<vmem>> -> memref<1x128xi32, #tpu.memory_space<vmem>>
        %dma_start3A_524 = tpu.memref_squeeze %dma_start3A_523 : memref<1x128xi32, #tpu.memory_space<vmem>> -> memref<128xi32, #tpu.memory_space<vmem>>
        %dma_start3A_525 = arith.constant 0 : i32
        %dma_start3A_526 = arith.constant 0 : i32
        %dma_start3A_527 = tpu.memref_slice %arg12[%dma_start3A_525, %dma_start3A_526] : memref<10240x32xf32, #tpu.memory_space<vmem_shared>> -> memref<10240x32xf32, #tpu.memory_space<vmem_shared>>
        tpu.enqueue_indirect_dma source(%dma_start3A_527 : memref<10240x32xf32, #tpu.memory_space<vmem_shared>>) target(%arg24 : memref<128x32xf32, #tpu.memory_space<vmem>>) offsets(%dma_start3A_524 : memref<128xi32, #tpu.memory_space<vmem>>) semaphore(%arg28 : memref<!tpu.dma_semaphore, #tpu.memory_space<semaphore_mem>>)
        %add3A_528 = arith.constant 7 : i32
        %add3A_529 = arith.addi %mul3A_271, %add3A_528 : i32
        %dma_wait3A_530 = arith.constant 0 : i32
        %dma_wait3A_531 = tpu.memref_slice %arg7[%add3A_529, %dma_wait3A_530] : memref<160x128xi32, #tpu.memory_space<vmem>> -> memref<1x128xi32, #tpu.memory_space<vmem>>
        %dma_wait3A_532 = tpu.memref_squeeze %dma_wait3A_531 : memref<1x128xi32, #tpu.memory_space<vmem>> -> memref<128xi32, #tpu.memory_space<vmem>>
        %dma_wait3A_533 = arith.constant 0 : i32
        %dma_wait3A_534 = arith.constant 0 : i32
        %dma_wait3A_535 = tpu.memref_slice %arg13[%dma_wait3A_533, %dma_wait3A_534] : memref<10240x32xf32, #tpu.memory_space<vmem_shared>> -> memref<10240x32xf32, #tpu.memory_space<vmem_shared>>
        tpu.wait_indirect_dma semaphore(%arg33 : memref<!tpu.dma_semaphore, #tpu.memory_space<semaphore_mem>>) src(%arg25 : memref<128x32xf32, #tpu.memory_space<vmem>>) dst(%dma_wait3A_535 : memref<10240x32xf32, #tpu.memory_space<vmem_shared>>)
        %add3A_536 = arith.constant 8 : i32
        %add3A_537 = arith.addi %mul3A_271, %add3A_536 : i32
        %add3A_538 = arith.constant 7 : i32
        %add3A_539 = arith.addi %add3A_537, %add3A_538 : i32
        %dma_start3A_540 = arith.constant 0 : i32
        %dma_start3A_541 = tpu.memref_slice %arg6[%add3A_539, %dma_start3A_540] : memref<160x128xi32, #tpu.memory_space<vmem>> -> memref<1x128xi32, #tpu.memory_space<vmem>>
        %dma_start3A_542 = tpu.memref_squeeze %dma_start3A_541 : memref<1x128xi32, #tpu.memory_space<vmem>> -> memref<128xi32, #tpu.memory_space<vmem>>
        %dma_start3A_543 = arith.constant 0 : i32
        %dma_start3A_544 = arith.constant 0 : i32
        %dma_start3A_545 = tpu.memref_slice %arg12[%dma_start3A_543, %dma_start3A_544] : memref<10240x32xf32, #tpu.memory_space<vmem_shared>> -> memref<10240x32xf32, #tpu.memory_space<vmem_shared>>
        tpu.enqueue_indirect_dma source(%dma_start3A_545 : memref<10240x32xf32, #tpu.memory_space<vmem_shared>>) target(%arg25 : memref<128x32xf32, #tpu.memory_space<vmem>>) offsets(%dma_start3A_542 : memref<128xi32, #tpu.memory_space<vmem>>) semaphore(%arg29 : memref<!tpu.dma_semaphore, #tpu.memory_space<semaphore_mem>>)
      } else {
      }
    }
    %scan3A_74 = arith.constant 20 : i32
    %dma_wait3A = arith.constant 152 : i32
    %dma_wait3A_75 = arith.constant 0 : i32
    %dma_wait3A_76 = tpu.memref_slice %arg7[%dma_wait3A, %dma_wait3A_75] : memref<160x128xi32, #tpu.memory_space<vmem>> -> memref<1x128xi32, #tpu.memory_space<vmem>>
    %dma_wait3A_77 = tpu.memref_squeeze %dma_wait3A_76 : memref<1x128xi32, #tpu.memory_space<vmem>> -> memref<128xi32, #tpu.memory_space<vmem>>
    %dma_wait3A_78 = arith.constant 0 : i32
    %dma_wait3A_79 = arith.constant 0 : i32
    %dma_wait3A_80 = tpu.memref_slice %arg13[%dma_wait3A_78, %dma_wait3A_79] : memref<10240x32xf32, #tpu.memory_space<vmem_shared>> -> memref<10240x32xf32, #tpu.memory_space<vmem_shared>>
    tpu.wait_indirect_dma semaphore(%arg18 : memref<!tpu.dma_semaphore, #tpu.memory_space<semaphore_mem>>) src(%arg8 : memref<128x32xf32, #tpu.memory_space<vmem>>) dst(%dma_wait3A_80 : memref<10240x32xf32, #tpu.memory_space<vmem_shared>>)
    %dma_wait3A_81 = arith.constant 153 : i32
    %dma_wait3A_82 = arith.constant 0 : i32
    %dma_wait3A_83 = tpu.memref_slice %arg7[%dma_wait3A_81, %dma_wait3A_82] : memref<160x128xi32, #tpu.memory_space<vmem>> -> memref<1x128xi32, #tpu.memory_space<vmem>>
    %dma_wait3A_84 = tpu.memref_squeeze %dma_wait3A_83 : memref<1x128xi32, #tpu.memory_space<vmem>> -> memref<128xi32, #tpu.memory_space<vmem>>
    %dma_wait3A_85 = arith.constant 0 : i32
    %dma_wait3A_86 = arith.constant 0 : i32
    %dma_wait3A_87 = tpu.memref_slice %arg13[%dma_wait3A_85, %dma_wait3A_86] : memref<10240x32xf32, #tpu.memory_space<vmem_shared>> -> memref<10240x32xf32, #tpu.memory_space<vmem_shared>>
    tpu.wait_indirect_dma semaphore(%arg19 : memref<!tpu.dma_semaphore, #tpu.memory_space<semaphore_mem>>) src(%arg9 : memref<128x32xf32, #tpu.memory_space<vmem>>) dst(%dma_wait3A_87 : memref<10240x32xf32, #tpu.memory_space<vmem_shared>>)
    %dma_wait3A_88 = arith.constant 154 : i32
    %dma_wait3A_89 = arith.constant 0 : i32
    %dma_wait3A_90 = tpu.memref_slice %arg7[%dma_wait3A_88, %dma_wait3A_89] : memref<160x128xi32, #tpu.memory_space<vmem>> -> memref<1x128xi32, #tpu.memory_space<vmem>>
    %dma_wait3A_91 = tpu.memref_squeeze %dma_wait3A_90 : memref<1x128xi32, #tpu.memory_space<vmem>> -> memref<128xi32, #tpu.memory_space<vmem>>
    %dma_wait3A_92 = arith.constant 0 : i32
    %dma_wait3A_93 = arith.constant 0 : i32
    %dma_wait3A_94 = tpu.memref_slice %arg13[%dma_wait3A_92, %dma_wait3A_93] : memref<10240x32xf32, #tpu.memory_space<vmem_shared>> -> memref<10240x32xf32, #tpu.memory_space<vmem_shared>>
    tpu.wait_indirect_dma semaphore(%arg20 : memref<!tpu.dma_semaphore, #tpu.memory_space<semaphore_mem>>) src(%arg10 : memref<128x32xf32, #tpu.memory_space<vmem>>) dst(%dma_wait3A_94 : memref<10240x32xf32, #tpu.memory_space<vmem_shared>>)
    %dma_wait3A_95 = arith.constant 155 : i32
    %dma_wait3A_96 = arith.constant 0 : i32
    %dma_wait3A_97 = tpu.memref_slice %arg7[%dma_wait3A_95, %dma_wait3A_96] : memref<160x128xi32, #tpu.memory_space<vmem>> -> memref<1x128xi32, #tpu.memory_space<vmem>>
    %dma_wait3A_98 = tpu.memref_squeeze %dma_wait3A_97 : memref<1x128xi32, #tpu.memory_space<vmem>> -> memref<128xi32, #tpu.memory_space<vmem>>
    %dma_wait3A_99 = arith.constant 0 : i32
    %dma_wait3A_100 = arith.constant 0 : i32
    %dma_wait3A_101 = tpu.memref_slice %arg13[%dma_wait3A_99, %dma_wait3A_100] : memref<10240x32xf32, #tpu.memory_space<vmem_shared>> -> memref<10240x32xf32, #tpu.memory_space<vmem_shared>>
    tpu.wait_indirect_dma semaphore(%arg21 : memref<!tpu.dma_semaphore, #tpu.memory_space<semaphore_mem>>) src(%arg11 : memref<128x32xf32, #tpu.memory_space<vmem>>) dst(%dma_wait3A_101 : memref<10240x32xf32, #tpu.memory_space<vmem_shared>>)
    %dma_wait3A_102 = arith.constant 156 : i32
    %dma_wait3A_103 = arith.constant 0 : i32
    %dma_wait3A_104 = tpu.memref_slice %arg7[%dma_wait3A_102, %dma_wait3A_103] : memref<160x128xi32, #tpu.memory_space<vmem>> -> memref<1x128xi32, #tpu.memory_space<vmem>>
    %dma_wait3A_105 = tpu.memref_squeeze %dma_wait3A_104 : memref<1x128xi32, #tpu.memory_space<vmem>> -> memref<128xi32, #tpu.memory_space<vmem>>
    %dma_wait3A_106 = arith.constant 0 : i32
    %dma_wait3A_107 = arith.constant 0 : i32
    %dma_wait3A_108 = tpu.memref_slice %arg13[%dma_wait3A_106, %dma_wait3A_107] : memref<10240x32xf32, #tpu.memory_space<vmem_shared>> -> memref<10240x32xf32, #tpu.memory_space<vmem_shared>>
    tpu.wait_indirect_dma semaphore(%arg30 : memref<!tpu.dma_semaphore, #tpu.memory_space<semaphore_mem>>) src(%arg22 : memref<128x32xf32, #tpu.memory_space<vmem>>) dst(%dma_wait3A_108 : memref<10240x32xf32, #tpu.memory_space<vmem_shared>>)
    %dma_wait3A_109 = arith.constant 157 : i32
    %dma_wait3A_110 = arith.constant 0 : i32
    %dma_wait3A_111 = tpu.memref_slice %arg7[%dma_wait3A_109, %dma_wait3A_110] : memref<160x128xi32, #tpu.memory_space<vmem>> -> memref<1x128xi32, #tpu.memory_space<vmem>>
    %dma_wait3A_112 = tpu.memref_squeeze %dma_wait3A_111 : memref<1x128xi32, #tpu.memory_space<vmem>> -> memref<128xi32, #tpu.memory_space<vmem>>
    %dma_wait3A_113 = arith.constant 0 : i32
    %dma_wait3A_114 = arith.constant 0 : i32
    %dma_wait3A_115 = tpu.memref_slice %arg13[%dma_wait3A_113, %dma_wait3A_114] : memref<10240x32xf32, #tpu.memory_space<vmem_shared>> -> memref<10240x32xf32, #tpu.memory_space<vmem_shared>>
    tpu.wait_indirect_dma semaphore(%arg31 : memref<!tpu.dma_semaphore, #tpu.memory_space<semaphore_mem>>) src(%arg23 : memref<128x32xf32, #tpu.memory_space<vmem>>) dst(%dma_wait3A_115 : memref<10240x32xf32, #tpu.memory_space<vmem_shared>>)
    %dma_wait3A_116 = arith.constant 158 : i32
    %dma_wait3A_117 = arith.constant 0 : i32
    %dma_wait3A_118 = tpu.memref_slice %arg7[%dma_wait3A_116, %dma_wait3A_117] : memref<160x128xi32, #tpu.memory_space<vmem>> -> memref<1x128xi32, #tpu.memory_space<vmem>>
    %dma_wait3A_119 = tpu.memref_squeeze %dma_wait3A_118 : memref<1x128xi32, #tpu.memory_space<vmem>> -> memref<128xi32, #tpu.memory_space<vmem>>
    %dma_wait3A_120 = arith.constant 0 : i32
    %dma_wait3A_121 = arith.constant 0 : i32
    %dma_wait3A_122 = tpu.memref_slice %arg13[%dma_wait3A_120, %dma_wait3A_121] : memref<10240x32xf32, #tpu.memory_space<vmem_shared>> -> memref<10240x32xf32, #tpu.memory_space<vmem_shared>>
    tpu.wait_indirect_dma semaphore(%arg32 : memref<!tpu.dma_semaphore, #tpu.memory_space<semaphore_mem>>) src(%arg24 : memref<128x32xf32, #tpu.memory_space<vmem>>) dst(%dma_wait3A_122 : memref<10240x32xf32, #tpu.memory_space<vmem_shared>>)
    %dma_wait3A_123 = arith.constant 159 : i32
    %dma_wait3A_124 = arith.constant 0 : i32
    %dma_wait3A_125 = tpu.memref_slice %arg7[%dma_wait3A_123, %dma_wait3A_124] : memref<160x128xi32, #tpu.memory_space<vmem>> -> memref<1x128xi32, #tpu.memory_space<vmem>>
    %dma_wait3A_126 = tpu.memref_squeeze %dma_wait3A_125 : memref<1x128xi32, #tpu.memory_space<vmem>> -> memref<128xi32, #tpu.memory_space<vmem>>
    %dma_wait3A_127 = arith.constant 0 : i32
    %dma_wait3A_128 = arith.constant 0 : i32
    %dma_wait3A_129 = tpu.memref_slice %arg13[%dma_wait3A_127, %dma_wait3A_128] : memref<10240x32xf32, #tpu.memory_space<vmem_shared>> -> memref<10240x32xf32, #tpu.memory_space<vmem_shared>>
    tpu.wait_indirect_dma semaphore(%arg33 : memref<!tpu.dma_semaphore, #tpu.memory_space<semaphore_mem>>) src(%arg25 : memref<128x32xf32, #tpu.memory_space<vmem>>) dst(%dma_wait3A_129 : memref<10240x32xf32, #tpu.memory_space<vmem_shared>>)
    %barrier3A_130 = arith.constant 0 : index
    tpu.barrier barrier_id(%barrier3A_130)
    "tpu.region"() ({
      %run_scoped3A = tpu.sem_alloc : memref<!tpu.dma_semaphore, #tpu.memory_space<semaphore_mem>>
      %dma_start3A_269 = arith.constant 0 : i32
      %dma_start3A_270 = arith.constant 0 : i32
      %dma_start3A_271 = tpu.memref_slice %arg5[%add3A_1, %dma_start3A_269, %dma_start3A_270] : memref<4x10240x32xf32, #tpu.memory_space<hbm>> -> memref<1x10240x32xf32, #tpu.memory_space<hbm>>
      %dma_start3A_272 = tpu.memref_squeeze %dma_start3A_271 : memref<1x10240x32xf32, #tpu.memory_space<hbm>> -> memref<10240x32xf32, #tpu.memory_space<hbm>>
      %dma_start3A_273 = arith.constant 0 : i32
      %dma_start3A_274 = tpu.memref_slice %dma_start3A_272[%mul3A_0, %dma_start3A_273] : memref<10240x32xf32, #tpu.memory_space<hbm>> -> memref<640x32xf32, #tpu.memory_space<hbm>>
      %dma_start3A_275 = arith.constant 0 : i32
      %dma_start3A_276 = tpu.memref_slice %arg13[%mul3A_0, %dma_start3A_275] : memref<10240x32xf32, #tpu.memory_space<vmem_shared>> -> memref<640x32xf32, #tpu.memory_space<vmem_shared>>
      tpu.enqueue_dma source(%dma_start3A_276 : memref<640x32xf32, #tpu.memory_space<vmem_shared>>) target(%dma_start3A_274 : memref<640x32xf32, #tpu.memory_space<hbm>>) target_semaphore(%run_scoped3A : memref<!tpu.dma_semaphore, #tpu.memory_space<semaphore_mem>>)
      %dma_wait3A_277 = arith.constant 0 : i32
      %dma_wait3A_278 = arith.constant 0 : i32
      %dma_wait3A_279 = tpu.memref_slice %arg5[%add3A_1, %dma_wait3A_277, %dma_wait3A_278] : memref<4x10240x32xf32, #tpu.memory_space<hbm>> -> memref<1x10240x32xf32, #tpu.memory_space<hbm>>
      %dma_wait3A_280 = tpu.memref_squeeze %dma_wait3A_279 : memref<1x10240x32xf32, #tpu.memory_space<hbm>> -> memref<10240x32xf32, #tpu.memory_space<hbm>>
      %dma_wait3A_281 = arith.constant 0 : i32
      %dma_wait3A_282 = tpu.memref_slice %dma_wait3A_280[%mul3A_0, %dma_wait3A_281] : memref<10240x32xf32, #tpu.memory_space<hbm>> -> memref<640x32xf32, #tpu.memory_space<hbm>>
      %dma_wait3A_283 = arith.constant 0 : i32
      %dma_wait3A_284 = tpu.memref_slice %arg13[%mul3A_0, %dma_wait3A_283] : memref<10240x32xf32, #tpu.memory_space<vmem_shared>> -> memref<640x32xf32, #tpu.memory_space<vmem_shared>>
      tpu.wait_dma2 semaphore(%run_scoped3A : memref<!tpu.dma_semaphore, #tpu.memory_space<semaphore_mem>>) src(%dma_wait3A_284 : memref<640x32xf32, #tpu.memory_space<vmem_shared>>) dst(%dma_wait3A_282 : memref<640x32xf32, #tpu.memory_space<hbm>>)
      tpu.yield
    }) : () -> ()
    %mul3A_131 = arith.constant 640 : i32
    %mul3A_132 = arith.muli %arg1, %mul3A_131 : i32
    %add3A_133 = arith.constant 2 : i32
    %add3A_134 = arith.addi %arg0, %add3A_133 : i32
    %broadcast_in_dim3A_135 = arith.constant 0.000000e+00 : f32
    %broadcast_in_dim3A_136 = vector.broadcast %broadcast_in_dim3A_135 : f32 to vector<16xf32>
    %scan3A_137 = arith.constant 0 : i32
    %scan3A_138 = arith.constant 0 : i32
    %scan3A_139 = arith.constant 128 : i32
    %scan3A_140 = arith.addi %scan3A_138, %scan3A_139 : i32
    %scan3A_141 = arith.constant 1 : i32
    scf.for %scan3A_269 = %scan3A_138 to %scan3A_140 step %scan3A_141  : i32 {
      %swap3A = arith.index_cast %scan3A_269 : i32 to index
      %swap3A_270 = arith.constant 0 : index
      %swap3A_271 = tpu.vector_load %arg8[%swap3A, %swap3A_270] {strides = array<i32>} : memref<128x32xf32, #tpu.memory_space<vmem>>, vector<1x16xf32>,
      %swap3A_272 = vector.shape_cast %swap3A_271 : vector<1x16xf32> to vector<16xf32>
      %swap3A_273 = vector.shape_cast %broadcast_in_dim3A_136 : vector<16xf32> to vector<1x16xf32>
      tpu.vector_store %arg8[%swap3A, %swap3A_270], %swap3A_273 {strides = array<i32>} : memref<128x32xf32, #tpu.memory_space<vmem>>, vector<1x16xf32>,
      %swap3A_274 = arith.index_cast %scan3A_269 : i32 to index
      %swap3A_275 = arith.constant 16 : index
      %swap3A_276 = tpu.vector_load %arg8[%swap3A_274, %swap3A_275] {strides = array<i32>} : memref<128x32xf32, #tpu.memory_space<vmem>>, vector<1x16xf32>,
      %swap3A_277 = vector.shape_cast %swap3A_276 : vector<1x16xf32> to vector<16xf32>
      %swap3A_278 = vector.shape_cast %broadcast_in_dim3A_136 : vector<16xf32> to vector<1x16xf32>
      tpu.vector_store %arg8[%swap3A_274, %swap3A_275], %swap3A_278 {strides = array<i32>} : memref<128x32xf32, #tpu.memory_space<vmem>>, vector<1x16xf32>,
    }
    %scan3A_142 = arith.constant 128 : i32
    %scan3A_143 = arith.constant 0 : i32
    %scan3A_144 = arith.constant 0 : i32
    %scan3A_145 = arith.constant 5 : i32
    %scan3A_146 = arith.addi %scan3A_144, %scan3A_145 : i32
    %scan3A_147 = arith.constant 1 : i32
    scf.for %scan3A_269 = %scan3A_144 to %scan3A_146 step %scan3A_147  : i32 {
      %mul3A_270 = arith.constant 128 : i32
      %mul3A_271 = arith.muli %scan3A_269, %mul3A_270 : i32
      %add3A_272 = arith.addi %mul3A_132, %mul3A_271 : i32
      "tpu.region"() ({
        %run_scoped3A = tpu.sem_alloc : memref<!tpu.dma_semaphore, #tpu.memory_space<semaphore_mem>>
        %dma_start3A_273 = arith.constant 0 : i32
        %dma_start3A_274 = tpu.memref_slice %arg13[%add3A_272, %dma_start3A_273] : memref<10240x32xf32, #tpu.memory_space<vmem_shared>> -> memref<128x32xf32, #tpu.memory_space<vmem_shared>>
        %dma_start3A_275 = arith.constant 0 : i32
        %dma_start3A_276 = tpu.memref_slice %arg13[%add3A_272, %dma_start3A_275] : memref<10240x32xf32, #tpu.memory_space<vmem_shared>> -> memref<128x32xf32, #tpu.memory_space<vmem_shared>>
        tpu.enqueue_dma source(%arg8 : memref<128x32xf32, #tpu.memory_space<vmem>>) target(%dma_start3A_276 : memref<128x32xf32, #tpu.memory_space<vmem_shared>>) target_semaphore(%run_scoped3A : memref<!tpu.dma_semaphore, #tpu.memory_space<semaphore_mem>>)
        %dma_wait3A_277 = arith.constant 0 : i32
        %dma_wait3A_278 = tpu.memref_slice %arg13[%add3A_272, %dma_wait3A_277] : memref<10240x32xf32, #tpu.memory_space<vmem_shared>> -> memref<128x32xf32, #tpu.memory_space<vmem_shared>>
        %dma_wait3A_279 = arith.constant 0 : i32
        %dma_wait3A_280 = tpu.memref_slice %arg13[%add3A_272, %dma_wait3A_279] : memref<10240x32xf32, #tpu.memory_space<vmem_shared>> -> memref<128x32xf32, #tpu.memory_space<vmem_shared>>
        tpu.wait_dma2 semaphore(%run_scoped3A : memref<!tpu.dma_semaphore, #tpu.memory_space<semaphore_mem>>) src(%arg8 : memref<128x32xf32, #tpu.memory_space<vmem>>) dst(%dma_wait3A_280 : memref<128x32xf32, #tpu.memory_space<vmem_shared>>)
        tpu.yield
      }) : () -> ()
    }
    %scan3A_148 = arith.constant 5 : i32
    "tpu.region"() ({
      %run_scoped3A = tpu.sem_alloc : memref<!tpu.dma_semaphore, #tpu.memory_space<semaphore_mem>>
      %dma_start3A_269 = arith.constant 0 : i32
      %dma_start3A_270 = tpu.memref_slice %arg12[%mul3A_132, %dma_start3A_269] : memref<10240x32xf32, #tpu.memory_space<vmem_shared>> -> memref<640x32xf32, #tpu.memory_space<vmem_shared>>
      %dma_start3A_271 = arith.constant 0 : i32
      %dma_start3A_272 = arith.constant 0 : i32
      %dma_start3A_273 = tpu.memref_slice %arg2[%add3A_134, %dma_start3A_271, %dma_start3A_272] : memref<4x10240x32xf32, #tpu.memory_space<hbm>> -> memref<1x10240x32xf32, #tpu.memory_space<hbm>>
      %dma_start3A_274 = tpu.memref_squeeze %dma_start3A_273 : memref<1x10240x32xf32, #tpu.memory_space<hbm>> -> memref<10240x32xf32, #tpu.memory_space<hbm>>
      %dma_start3A_275 = arith.constant 0 : i32
      %dma_start3A_276 = tpu.memref_slice %dma_start3A_274[%mul3A_132, %dma_start3A_275] : memref<10240x32xf32, #tpu.memory_space<hbm>> -> memref<640x32xf32, #tpu.memory_space<hbm>>
      tpu.enqueue_dma source(%dma_start3A_276 : memref<640x32xf32, #tpu.memory_space<hbm>>) target(%dma_start3A_270 : memref<640x32xf32, #tpu.memory_space<vmem_shared>>) target_semaphore(%run_scoped3A : memref<!tpu.dma_semaphore, #tpu.memory_space<semaphore_mem>>)
      %dma_wait3A_277 = arith.constant 0 : i32
      %dma_wait3A_278 = tpu.memref_slice %arg12[%mul3A_132, %dma_wait3A_277] : memref<10240x32xf32, #tpu.memory_space<vmem_shared>> -> memref<640x32xf32, #tpu.memory_space<vmem_shared>>
      %dma_wait3A_279 = arith.constant 0 : i32
      %dma_wait3A_280 = arith.constant 0 : i32
      %dma_wait3A_281 = tpu.memref_slice %arg2[%add3A_134, %dma_wait3A_279, %dma_wait3A_280] : memref<4x10240x32xf32, #tpu.memory_space<hbm>> -> memref<1x10240x32xf32, #tpu.memory_space<hbm>>
      %dma_wait3A_282 = tpu.memref_squeeze %dma_wait3A_281 : memref<1x10240x32xf32, #tpu.memory_space<hbm>> -> memref<10240x32xf32, #tpu.memory_space<hbm>>
      %dma_wait3A_283 = arith.constant 0 : i32
      %dma_wait3A_284 = tpu.memref_slice %dma_wait3A_282[%mul3A_132, %dma_wait3A_283] : memref<10240x32xf32, #tpu.memory_space<hbm>> -> memref<640x32xf32, #tpu.memory_space<hbm>>
      tpu.wait_dma2 semaphore(%run_scoped3A : memref<!tpu.dma_semaphore, #tpu.memory_space<semaphore_mem>>) src(%dma_wait3A_284 : memref<640x32xf32, #tpu.memory_space<hbm>>) dst(%dma_wait3A_278 : memref<640x32xf32, #tpu.memory_space<vmem_shared>>)
      tpu.yield
    }) : () -> ()
    %barrier3A_149 = arith.constant 0 : index
    tpu.barrier barrier_id(%barrier3A_149)
    %dma_start3A_150 = arith.constant 0 : i32
    %dma_start3A_151 = arith.constant 0 : i32
    %dma_start3A_152 = tpu.memref_slice %arg6[%dma_start3A_150, %dma_start3A_151] : memref<160x128xi32, #tpu.memory_space<vmem>> -> memref<1x128xi32, #tpu.memory_space<vmem>>
    %dma_start3A_153 = tpu.memref_squeeze %dma_start3A_152 : memref<1x128xi32, #tpu.memory_space<vmem>> -> memref<128xi32, #tpu.memory_space<vmem>>
    %dma_start3A_154 = arith.constant 0 : i32
    %dma_start3A_155 = arith.constant 0 : i32
    %dma_start3A_156 = tpu.memref_slice %arg12[%dma_start3A_154, %dma_start3A_155] : memref<10240x32xf32, #tpu.memory_space<vmem_shared>> -> memref<10240x32xf32, #tpu.memory_space<vmem_shared>>
    tpu.enqueue_indirect_dma source(%dma_start3A_156 : memref<10240x32xf32, #tpu.memory_space<vmem_shared>>) target(%arg8 : memref<128x32xf32, #tpu.memory_space<vmem>>) offsets(%dma_start3A_153 : memref<128xi32, #tpu.memory_space<vmem>>) semaphore(%arg14 : memref<!tpu.dma_semaphore, #tpu.memory_space<semaphore_mem>>)
    %dma_start3A_157 = arith.constant 1 : i32
    %dma_start3A_158 = arith.constant 0 : i32
    %dma_start3A_159 = tpu.memref_slice %arg6[%dma_start3A_157, %dma_start3A_158] : memref<160x128xi32, #tpu.memory_space<vmem>> -> memref<1x128xi32, #tpu.memory_space<vmem>>
    %dma_start3A_160 = tpu.memref_squeeze %dma_start3A_159 : memref<1x128xi32, #tpu.memory_space<vmem>> -> memref<128xi32, #tpu.memory_space<vmem>>
    %dma_start3A_161 = arith.constant 0 : i32
    %dma_start3A_162 = arith.constant 0 : i32
    %dma_start3A_163 = tpu.memref_slice %arg12[%dma_start3A_161, %dma_start3A_162] : memref<10240x32xf32, #tpu.memory_space<vmem_shared>> -> memref<10240x32xf32, #tpu.memory_space<vmem_shared>>
    tpu.enqueue_indirect_dma source(%dma_start3A_163 : memref<10240x32xf32, #tpu.memory_space<vmem_shared>>) target(%arg9 : memref<128x32xf32, #tpu.memory_space<vmem>>) offsets(%dma_start3A_160 : memref<128xi32, #tpu.memory_space<vmem>>) semaphore(%arg15 : memref<!tpu.dma_semaphore, #tpu.memory_space<semaphore_mem>>)
    %dma_start3A_164 = arith.constant 2 : i32
    %dma_start3A_165 = arith.constant 0 : i32
    %dma_start3A_166 = tpu.memref_slice %arg6[%dma_start3A_164, %dma_start3A_165] : memref<160x128xi32, #tpu.memory_space<vmem>> -> memref<1x128xi32, #tpu.memory_space<vmem>>
    %dma_start3A_167 = tpu.memref_squeeze %dma_start3A_166 : memref<1x128xi32, #tpu.memory_space<vmem>> -> memref<128xi32, #tpu.memory_space<vmem>>
    %dma_start3A_168 = arith.constant 0 : i32
    %dma_start3A_169 = arith.constant 0 : i32
    %dma_start3A_170 = tpu.memref_slice %arg12[%dma_start3A_168, %dma_start3A_169] : memref<10240x32xf32, #tpu.memory_space<vmem_shared>> -> memref<10240x32xf32, #tpu.memory_space<vmem_shared>>
    tpu.enqueue_indirect_dma source(%dma_start3A_170 : memref<10240x32xf32, #tpu.memory_space<vmem_shared>>) target(%arg10 : memref<128x32xf32, #tpu.memory_space<vmem>>) offsets(%dma_start3A_167 : memref<128xi32, #tpu.memory_space<vmem>>) semaphore(%arg16 : memref<!tpu.dma_semaphore, #tpu.memory_space<semaphore_mem>>)
    %dma_start3A_171 = arith.constant 3 : i32
    %dma_start3A_172 = arith.constant 0 : i32
    %dma_start3A_173 = tpu.memref_slice %arg6[%dma_start3A_171, %dma_start3A_172] : memref<160x128xi32, #tpu.memory_space<vmem>> -> memref<1x128xi32, #tpu.memory_space<vmem>>
    %dma_start3A_174 = tpu.memref_squeeze %dma_start3A_173 : memref<1x128xi32, #tpu.memory_space<vmem>> -> memref<128xi32, #tpu.memory_space<vmem>>
    %dma_start3A_175 = arith.constant 0 : i32
    %dma_start3A_176 = arith.constant 0 : i32
    %dma_start3A_177 = tpu.memref_slice %arg12[%dma_start3A_175, %dma_start3A_176] : memref<10240x32xf32, #tpu.memory_space<vmem_shared>> -> memref<10240x32xf32, #tpu.memory_space<vmem_shared>>
    tpu.enqueue_indirect_dma source(%dma_start3A_177 : memref<10240x32xf32, #tpu.memory_space<vmem_shared>>) target(%arg11 : memref<128x32xf32, #tpu.memory_space<vmem>>) offsets(%dma_start3A_174 : memref<128xi32, #tpu.memory_space<vmem>>) semaphore(%arg17 : memref<!tpu.dma_semaphore, #tpu.memory_space<semaphore_mem>>)
    %dma_start3A_178 = arith.constant 4 : i32
    %dma_start3A_179 = arith.constant 0 : i32
    %dma_start3A_180 = tpu.memref_slice %arg6[%dma_start3A_178, %dma_start3A_179] : memref<160x128xi32, #tpu.memory_space<vmem>> -> memref<1x128xi32, #tpu.memory_space<vmem>>
    %dma_start3A_181 = tpu.memref_squeeze %dma_start3A_180 : memref<1x128xi32, #tpu.memory_space<vmem>> -> memref<128xi32, #tpu.memory_space<vmem>>
    %dma_start3A_182 = arith.constant 0 : i32
    %dma_start3A_183 = arith.constant 0 : i32
    %dma_start3A_184 = tpu.memref_slice %arg12[%dma_start3A_182, %dma_start3A_183] : memref<10240x32xf32, #tpu.memory_space<vmem_shared>> -> memref<10240x32xf32, #tpu.memory_space<vmem_shared>>
    tpu.enqueue_indirect_dma source(%dma_start3A_184 : memref<10240x32xf32, #tpu.memory_space<vmem_shared>>) target(%arg22 : memref<128x32xf32, #tpu.memory_space<vmem>>) offsets(%dma_start3A_181 : memref<128xi32, #tpu.memory_space<vmem>>) semaphore(%arg26 : memref<!tpu.dma_semaphore, #tpu.memory_space<semaphore_mem>>)
    %dma_start3A_185 = arith.constant 5 : i32
    %dma_start3A_186 = arith.constant 0 : i32
    %dma_start3A_187 = tpu.memref_slice %arg6[%dma_start3A_185, %dma_start3A_186] : memref<160x128xi32, #tpu.memory_space<vmem>> -> memref<1x128xi32, #tpu.memory_space<vmem>>
    %dma_start3A_188 = tpu.memref_squeeze %dma_start3A_187 : memref<1x128xi32, #tpu.memory_space<vmem>> -> memref<128xi32, #tpu.memory_space<vmem>>
    %dma_start3A_189 = arith.constant 0 : i32
    %dma_start3A_190 = arith.constant 0 : i32
    %dma_start3A_191 = tpu.memref_slice %arg12[%dma_start3A_189, %dma_start3A_190] : memref<10240x32xf32, #tpu.memory_space<vmem_shared>> -> memref<10240x32xf32, #tpu.memory_space<vmem_shared>>
    tpu.enqueue_indirect_dma source(%dma_start3A_191 : memref<10240x32xf32, #tpu.memory_space<vmem_shared>>) target(%arg23 : memref<128x32xf32, #tpu.memory_space<vmem>>) offsets(%dma_start3A_188 : memref<128xi32, #tpu.memory_space<vmem>>) semaphore(%arg27 : memref<!tpu.dma_semaphore, #tpu.memory_space<semaphore_mem>>)
    %dma_start3A_192 = arith.constant 6 : i32
    %dma_start3A_193 = arith.constant 0 : i32
    %dma_start3A_194 = tpu.memref_slice %arg6[%dma_start3A_192, %dma_start3A_193] : memref<160x128xi32, #tpu.memory_space<vmem>> -> memref<1x128xi32, #tpu.memory_space<vmem>>
    %dma_start3A_195 = tpu.memref_squeeze %dma_start3A_194 : memref<1x128xi32, #tpu.memory_space<vmem>> -> memref<128xi32, #tpu.memory_space<vmem>>
    %dma_start3A_196 = arith.constant 0 : i32
    %dma_start3A_197 = arith.constant 0 : i32
    %dma_start3A_198 = tpu.memref_slice %arg12[%dma_start3A_196, %dma_start3A_197] : memref<10240x32xf32, #tpu.memory_space<vmem_shared>> -> memref<10240x32xf32, #tpu.memory_space<vmem_shared>>
    tpu.enqueue_indirect_dma source(%dma_start3A_198 : memref<10240x32xf32, #tpu.memory_space<vmem_shared>>) target(%arg24 : memref<128x32xf32, #tpu.memory_space<vmem>>) offsets(%dma_start3A_195 : memref<128xi32, #tpu.memory_space<vmem>>) semaphore(%arg28 : memref<!tpu.dma_semaphore, #tpu.memory_space<semaphore_mem>>)
    %dma_start3A_199 = arith.constant 7 : i32
    %dma_start3A_200 = arith.constant 0 : i32
    %dma_start3A_201 = tpu.memref_slice %arg6[%dma_start3A_199, %dma_start3A_200] : memref<160x128xi32, #tpu.memory_space<vmem>> -> memref<1x128xi32, #tpu.memory_space<vmem>>
    %dma_start3A_202 = tpu.memref_squeeze %dma_start3A_201 : memref<1x128xi32, #tpu.memory_space<vmem>> -> memref<128xi32, #tpu.memory_space<vmem>>
    %dma_start3A_203 = arith.constant 0 : i32
    %dma_start3A_204 = arith.constant 0 : i32
    %dma_start3A_205 = tpu.memref_slice %arg12[%dma_start3A_203, %dma_start3A_204] : memref<10240x32xf32, #tpu.memory_space<vmem_shared>> -> memref<10240x32xf32, #tpu.memory_space<vmem_shared>>
    tpu.enqueue_indirect_dma source(%dma_start3A_205 : memref<10240x32xf32, #tpu.memory_space<vmem_shared>>) target(%arg25 : memref<128x32xf32, #tpu.memory_space<vmem>>) offsets(%dma_start3A_202 : memref<128xi32, #tpu.memory_space<vmem>>) semaphore(%arg29 : memref<!tpu.dma_semaphore, #tpu.memory_space<semaphore_mem>>)
    %scan3A_206 = arith.constant 0 : i32
    %scan3A_207 = arith.constant 0 : i32
    %scan3A_208 = arith.constant 20 : i32
    %scan3A_209 = arith.addi %scan3A_207, %scan3A_208 : i32
    %scan3A_210 = arith.constant 1 : i32
    scf.for %scan3A_269 = %scan3A_207 to %scan3A_209 step %scan3A_210  : i32 {
      %mul3A_270 = arith.constant 8 : i32
      %mul3A_271 = arith.muli %mul3A_270, %scan3A_269 : i32
      %add3A_272 = arith.constant 0 : i32
      %add3A_273 = arith.addi %mul3A_271, %add3A_272 : i32
      %dma_wait3A_274 = arith.constant 0 : i32
      %dma_wait3A_275 = tpu.memref_slice %arg6[%add3A_273, %dma_wait3A_274] : memref<160x128xi32, #tpu.memory_space<vmem>> -> memref<1x128xi32, #tpu.memory_space<vmem>>
      %dma_wait3A_276 = tpu.memref_squeeze %dma_wait3A_275 : memref<1x128xi32, #tpu.memory_space<vmem>> -> memref<128xi32, #tpu.memory_space<vmem>>
      %dma_wait3A_277 = arith.constant 0 : i32
      %dma_wait3A_278 = arith.constant 0 : i32
      %dma_wait3A_279 = tpu.memref_slice %arg12[%dma_wait3A_277, %dma_wait3A_278] : memref<10240x32xf32, #tpu.memory_space<vmem_shared>> -> memref<10240x32xf32, #tpu.memory_space<vmem_shared>>
      tpu.wait_indirect_dma semaphore(%arg14 : memref<!tpu.dma_semaphore, #tpu.memory_space<semaphore_mem>>) src(%dma_wait3A_279 : memref<10240x32xf32, #tpu.memory_space<vmem_shared>>) dst(%arg8 : memref<128x32xf32, #tpu.memory_space<vmem>>)
      %add3A_280 = arith.constant 0 : i32
      %add3A_281 = arith.addi %mul3A_271, %add3A_280 : i32
      %dma_start3A_282 = arith.constant 0 : i32
      %dma_start3A_283 = tpu.memref_slice %arg7[%add3A_281, %dma_start3A_282] : memref<160x128xi32, #tpu.memory_space<vmem>> -> memref<1x128xi32, #tpu.memory_space<vmem>>
      %dma_start3A_284 = tpu.memref_squeeze %dma_start3A_283 : memref<1x128xi32, #tpu.memory_space<vmem>> -> memref<128xi32, #tpu.memory_space<vmem>>
      %dma_start3A_285 = arith.constant 0 : i32
      %dma_start3A_286 = arith.constant 0 : i32
      %dma_start3A_287 = tpu.memref_slice %arg13[%dma_start3A_285, %dma_start3A_286] : memref<10240x32xf32, #tpu.memory_space<vmem_shared>> -> memref<10240x32xf32, #tpu.memory_space<vmem_shared>>
      tpu.enqueue_indirect_dma source(%arg8 : memref<128x32xf32, #tpu.memory_space<vmem>>) target(%dma_start3A_287 : memref<10240x32xf32, #tpu.memory_space<vmem_shared>>) offsets(%dma_start3A_284 : memref<128xi32, #tpu.memory_space<vmem>>) semaphore(%arg18 : memref<!tpu.dma_semaphore, #tpu.memory_space<semaphore_mem>>) {add = true}
      %add3A_288 = arith.constant 1 : i32
      %add3A_289 = arith.addi %mul3A_271, %add3A_288 : i32
      %dma_wait3A_290 = arith.constant 0 : i32
      %dma_wait3A_291 = tpu.memref_slice %arg6[%add3A_289, %dma_wait3A_290] : memref<160x128xi32, #tpu.memory_space<vmem>> -> memref<1x128xi32, #tpu.memory_space<vmem>>
      %dma_wait3A_292 = tpu.memref_squeeze %dma_wait3A_291 : memref<1x128xi32, #tpu.memory_space<vmem>> -> memref<128xi32, #tpu.memory_space<vmem>>
      %dma_wait3A_293 = arith.constant 0 : i32
      %dma_wait3A_294 = arith.constant 0 : i32
      %dma_wait3A_295 = tpu.memref_slice %arg12[%dma_wait3A_293, %dma_wait3A_294] : memref<10240x32xf32, #tpu.memory_space<vmem_shared>> -> memref<10240x32xf32, #tpu.memory_space<vmem_shared>>
      tpu.wait_indirect_dma semaphore(%arg15 : memref<!tpu.dma_semaphore, #tpu.memory_space<semaphore_mem>>) src(%dma_wait3A_295 : memref<10240x32xf32, #tpu.memory_space<vmem_shared>>) dst(%arg9 : memref<128x32xf32, #tpu.memory_space<vmem>>)
      %add3A_296 = arith.constant 1 : i32
      %add3A_297 = arith.addi %mul3A_271, %add3A_296 : i32
      %dma_start3A_298 = arith.constant 0 : i32
      %dma_start3A_299 = tpu.memref_slice %arg7[%add3A_297, %dma_start3A_298] : memref<160x128xi32, #tpu.memory_space<vmem>> -> memref<1x128xi32, #tpu.memory_space<vmem>>
      %dma_start3A_300 = tpu.memref_squeeze %dma_start3A_299 : memref<1x128xi32, #tpu.memory_space<vmem>> -> memref<128xi32, #tpu.memory_space<vmem>>
      %dma_start3A_301 = arith.constant 0 : i32
      %dma_start3A_302 = arith.constant 0 : i32
      %dma_start3A_303 = tpu.memref_slice %arg13[%dma_start3A_301, %dma_start3A_302] : memref<10240x32xf32, #tpu.memory_space<vmem_shared>> -> memref<10240x32xf32, #tpu.memory_space<vmem_shared>>
      tpu.enqueue_indirect_dma source(%arg9 : memref<128x32xf32, #tpu.memory_space<vmem>>) target(%dma_start3A_303 : memref<10240x32xf32, #tpu.memory_space<vmem_shared>>) offsets(%dma_start3A_300 : memref<128xi32, #tpu.memory_space<vmem>>) semaphore(%arg19 : memref<!tpu.dma_semaphore, #tpu.memory_space<semaphore_mem>>) {add = true}
      %add3A_304 = arith.constant 2 : i32
      %add3A_305 = arith.addi %mul3A_271, %add3A_304 : i32
      %dma_wait3A_306 = arith.constant 0 : i32
      %dma_wait3A_307 = tpu.memref_slice %arg6[%add3A_305, %dma_wait3A_306] : memref<160x128xi32, #tpu.memory_space<vmem>> -> memref<1x128xi32, #tpu.memory_space<vmem>>
      %dma_wait3A_308 = tpu.memref_squeeze %dma_wait3A_307 : memref<1x128xi32, #tpu.memory_space<vmem>> -> memref<128xi32, #tpu.memory_space<vmem>>
      %dma_wait3A_309 = arith.constant 0 : i32
      %dma_wait3A_310 = arith.constant 0 : i32
      %dma_wait3A_311 = tpu.memref_slice %arg12[%dma_wait3A_309, %dma_wait3A_310] : memref<10240x32xf32, #tpu.memory_space<vmem_shared>> -> memref<10240x32xf32, #tpu.memory_space<vmem_shared>>
      tpu.wait_indirect_dma semaphore(%arg16 : memref<!tpu.dma_semaphore, #tpu.memory_space<semaphore_mem>>) src(%dma_wait3A_311 : memref<10240x32xf32, #tpu.memory_space<vmem_shared>>) dst(%arg10 : memref<128x32xf32, #tpu.memory_space<vmem>>)
      %add3A_312 = arith.constant 2 : i32
      %add3A_313 = arith.addi %mul3A_271, %add3A_312 : i32
      %dma_start3A_314 = arith.constant 0 : i32
      %dma_start3A_315 = tpu.memref_slice %arg7[%add3A_313, %dma_start3A_314] : memref<160x128xi32, #tpu.memory_space<vmem>> -> memref<1x128xi32, #tpu.memory_space<vmem>>
      %dma_start3A_316 = tpu.memref_squeeze %dma_start3A_315 : memref<1x128xi32, #tpu.memory_space<vmem>> -> memref<128xi32, #tpu.memory_space<vmem>>
      %dma_start3A_317 = arith.constant 0 : i32
      %dma_start3A_318 = arith.constant 0 : i32
      %dma_start3A_319 = tpu.memref_slice %arg13[%dma_start3A_317, %dma_start3A_318] : memref<10240x32xf32, #tpu.memory_space<vmem_shared>> -> memref<10240x32xf32, #tpu.memory_space<vmem_shared>>
      tpu.enqueue_indirect_dma source(%arg10 : memref<128x32xf32, #tpu.memory_space<vmem>>) target(%dma_start3A_319 : memref<10240x32xf32, #tpu.memory_space<vmem_shared>>) offsets(%dma_start3A_316 : memref<128xi32, #tpu.memory_space<vmem>>) semaphore(%arg20 : memref<!tpu.dma_semaphore, #tpu.memory_space<semaphore_mem>>) {add = true}
      %add3A_320 = arith.constant 3 : i32
      %add3A_321 = arith.addi %mul3A_271, %add3A_320 : i32
      %dma_wait3A_322 = arith.constant 0 : i32
      %dma_wait3A_323 = tpu.memref_slice %arg6[%add3A_321, %dma_wait3A_322] : memref<160x128xi32, #tpu.memory_space<vmem>> -> memref<1x128xi32, #tpu.memory_space<vmem>>
      %dma_wait3A_324 = tpu.memref_squeeze %dma_wait3A_323 : memref<1x128xi32, #tpu.memory_space<vmem>> -> memref<128xi32, #tpu.memory_space<vmem>>
      %dma_wait3A_325 = arith.constant 0 : i32
      %dma_wait3A_326 = arith.constant 0 : i32
      %dma_wait3A_327 = tpu.memref_slice %arg12[%dma_wait3A_325, %dma_wait3A_326] : memref<10240x32xf32, #tpu.memory_space<vmem_shared>> -> memref<10240x32xf32, #tpu.memory_space<vmem_shared>>
      tpu.wait_indirect_dma semaphore(%arg17 : memref<!tpu.dma_semaphore, #tpu.memory_space<semaphore_mem>>) src(%dma_wait3A_327 : memref<10240x32xf32, #tpu.memory_space<vmem_shared>>) dst(%arg11 : memref<128x32xf32, #tpu.memory_space<vmem>>)
      %add3A_328 = arith.constant 3 : i32
      %add3A_329 = arith.addi %mul3A_271, %add3A_328 : i32
      %dma_start3A_330 = arith.constant 0 : i32
      %dma_start3A_331 = tpu.memref_slice %arg7[%add3A_329, %dma_start3A_330] : memref<160x128xi32, #tpu.memory_space<vmem>> -> memref<1x128xi32, #tpu.memory_space<vmem>>
      %dma_start3A_332 = tpu.memref_squeeze %dma_start3A_331 : memref<1x128xi32, #tpu.memory_space<vmem>> -> memref<128xi32, #tpu.memory_space<vmem>>
      %dma_start3A_333 = arith.constant 0 : i32
      %dma_start3A_334 = arith.constant 0 : i32
      %dma_start3A_335 = tpu.memref_slice %arg13[%dma_start3A_333, %dma_start3A_334] : memref<10240x32xf32, #tpu.memory_space<vmem_shared>> -> memref<10240x32xf32, #tpu.memory_space<vmem_shared>>
      tpu.enqueue_indirect_dma source(%arg11 : memref<128x32xf32, #tpu.memory_space<vmem>>) target(%dma_start3A_335 : memref<10240x32xf32, #tpu.memory_space<vmem_shared>>) offsets(%dma_start3A_332 : memref<128xi32, #tpu.memory_space<vmem>>) semaphore(%arg21 : memref<!tpu.dma_semaphore, #tpu.memory_space<semaphore_mem>>) {add = true}
      %add3A_336 = arith.constant 4 : i32
      %add3A_337 = arith.addi %mul3A_271, %add3A_336 : i32
      %dma_wait3A_338 = arith.constant 0 : i32
      %dma_wait3A_339 = tpu.memref_slice %arg6[%add3A_337, %dma_wait3A_338] : memref<160x128xi32, #tpu.memory_space<vmem>> -> memref<1x128xi32, #tpu.memory_space<vmem>>
      %dma_wait3A_340 = tpu.memref_squeeze %dma_wait3A_339 : memref<1x128xi32, #tpu.memory_space<vmem>> -> memref<128xi32, #tpu.memory_space<vmem>>
      %dma_wait3A_341 = arith.constant 0 : i32
      %dma_wait3A_342 = arith.constant 0 : i32
      %dma_wait3A_343 = tpu.memref_slice %arg12[%dma_wait3A_341, %dma_wait3A_342] : memref<10240x32xf32, #tpu.memory_space<vmem_shared>> -> memref<10240x32xf32, #tpu.memory_space<vmem_shared>>
      tpu.wait_indirect_dma semaphore(%arg26 : memref<!tpu.dma_semaphore, #tpu.memory_space<semaphore_mem>>) src(%dma_wait3A_343 : memref<10240x32xf32, #tpu.memory_space<vmem_shared>>) dst(%arg22 : memref<128x32xf32, #tpu.memory_space<vmem>>)
      %add3A_344 = arith.constant 4 : i32
      %add3A_345 = arith.addi %mul3A_271, %add3A_344 : i32
      %dma_start3A_346 = arith.constant 0 : i32
      %dma_start3A_347 = tpu.memref_slice %arg7[%add3A_345, %dma_start3A_346] : memref<160x128xi32, #tpu.memory_space<vmem>> -> memref<1x128xi32, #tpu.memory_space<vmem>>
      %dma_start3A_348 = tpu.memref_squeeze %dma_start3A_347 : memref<1x128xi32, #tpu.memory_space<vmem>> -> memref<128xi32, #tpu.memory_space<vmem>>
      %dma_start3A_349 = arith.constant 0 : i32
      %dma_start3A_350 = arith.constant 0 : i32
      %dma_start3A_351 = tpu.memref_slice %arg13[%dma_start3A_349, %dma_start3A_350] : memref<10240x32xf32, #tpu.memory_space<vmem_shared>> -> memref<10240x32xf32, #tpu.memory_space<vmem_shared>>
      tpu.enqueue_indirect_dma source(%arg22 : memref<128x32xf32, #tpu.memory_space<vmem>>) target(%dma_start3A_351 : memref<10240x32xf32, #tpu.memory_space<vmem_shared>>) offsets(%dma_start3A_348 : memref<128xi32, #tpu.memory_space<vmem>>) semaphore(%arg30 : memref<!tpu.dma_semaphore, #tpu.memory_space<semaphore_mem>>) {add = true}
      %add3A_352 = arith.constant 5 : i32
      %add3A_353 = arith.addi %mul3A_271, %add3A_352 : i32
      %dma_wait3A_354 = arith.constant 0 : i32
      %dma_wait3A_355 = tpu.memref_slice %arg6[%add3A_353, %dma_wait3A_354] : memref<160x128xi32, #tpu.memory_space<vmem>> -> memref<1x128xi32, #tpu.memory_space<vmem>>
      %dma_wait3A_356 = tpu.memref_squeeze %dma_wait3A_355 : memref<1x128xi32, #tpu.memory_space<vmem>> -> memref<128xi32, #tpu.memory_space<vmem>>
      %dma_wait3A_357 = arith.constant 0 : i32
      %dma_wait3A_358 = arith.constant 0 : i32
      %dma_wait3A_359 = tpu.memref_slice %arg12[%dma_wait3A_357, %dma_wait3A_358] : memref<10240x32xf32, #tpu.memory_space<vmem_shared>> -> memref<10240x32xf32, #tpu.memory_space<vmem_shared>>
      tpu.wait_indirect_dma semaphore(%arg27 : memref<!tpu.dma_semaphore, #tpu.memory_space<semaphore_mem>>) src(%dma_wait3A_359 : memref<10240x32xf32, #tpu.memory_space<vmem_shared>>) dst(%arg23 : memref<128x32xf32, #tpu.memory_space<vmem>>)
      %add3A_360 = arith.constant 5 : i32
      %add3A_361 = arith.addi %mul3A_271, %add3A_360 : i32
      %dma_start3A_362 = arith.constant 0 : i32
      %dma_start3A_363 = tpu.memref_slice %arg7[%add3A_361, %dma_start3A_362] : memref<160x128xi32, #tpu.memory_space<vmem>> -> memref<1x128xi32, #tpu.memory_space<vmem>>
      %dma_start3A_364 = tpu.memref_squeeze %dma_start3A_363 : memref<1x128xi32, #tpu.memory_space<vmem>> -> memref<128xi32, #tpu.memory_space<vmem>>
      %dma_start3A_365 = arith.constant 0 : i32
      %dma_start3A_366 = arith.constant 0 : i32
      %dma_start3A_367 = tpu.memref_slice %arg13[%dma_start3A_365, %dma_start3A_366] : memref<10240x32xf32, #tpu.memory_space<vmem_shared>> -> memref<10240x32xf32, #tpu.memory_space<vmem_shared>>
      tpu.enqueue_indirect_dma source(%arg23 : memref<128x32xf32, #tpu.memory_space<vmem>>) target(%dma_start3A_367 : memref<10240x32xf32, #tpu.memory_space<vmem_shared>>) offsets(%dma_start3A_364 : memref<128xi32, #tpu.memory_space<vmem>>) semaphore(%arg31 : memref<!tpu.dma_semaphore, #tpu.memory_space<semaphore_mem>>) {add = true}
      %add3A_368 = arith.constant 6 : i32
      %add3A_369 = arith.addi %mul3A_271, %add3A_368 : i32
      %dma_wait3A_370 = arith.constant 0 : i32
      %dma_wait3A_371 = tpu.memref_slice %arg6[%add3A_369, %dma_wait3A_370] : memref<160x128xi32, #tpu.memory_space<vmem>> -> memref<1x128xi32, #tpu.memory_space<vmem>>
      %dma_wait3A_372 = tpu.memref_squeeze %dma_wait3A_371 : memref<1x128xi32, #tpu.memory_space<vmem>> -> memref<128xi32, #tpu.memory_space<vmem>>
      %dma_wait3A_373 = arith.constant 0 : i32
      %dma_wait3A_374 = arith.constant 0 : i32
      %dma_wait3A_375 = tpu.memref_slice %arg12[%dma_wait3A_373, %dma_wait3A_374] : memref<10240x32xf32, #tpu.memory_space<vmem_shared>> -> memref<10240x32xf32, #tpu.memory_space<vmem_shared>>
      tpu.wait_indirect_dma semaphore(%arg28 : memref<!tpu.dma_semaphore, #tpu.memory_space<semaphore_mem>>) src(%dma_wait3A_375 : memref<10240x32xf32, #tpu.memory_space<vmem_shared>>) dst(%arg24 : memref<128x32xf32, #tpu.memory_space<vmem>>)
      %add3A_376 = arith.constant 6 : i32
      %add3A_377 = arith.addi %mul3A_271, %add3A_376 : i32
      %dma_start3A_378 = arith.constant 0 : i32
      %dma_start3A_379 = tpu.memref_slice %arg7[%add3A_377, %dma_start3A_378] : memref<160x128xi32, #tpu.memory_space<vmem>> -> memref<1x128xi32, #tpu.memory_space<vmem>>
      %dma_start3A_380 = tpu.memref_squeeze %dma_start3A_379 : memref<1x128xi32, #tpu.memory_space<vmem>> -> memref<128xi32, #tpu.memory_space<vmem>>
      %dma_start3A_381 = arith.constant 0 : i32
      %dma_start3A_382 = arith.constant 0 : i32
      %dma_start3A_383 = tpu.memref_slice %arg13[%dma_start3A_381, %dma_start3A_382] : memref<10240x32xf32, #tpu.memory_space<vmem_shared>> -> memref<10240x32xf32, #tpu.memory_space<vmem_shared>>
      tpu.enqueue_indirect_dma source(%arg24 : memref<128x32xf32, #tpu.memory_space<vmem>>) target(%dma_start3A_383 : memref<10240x32xf32, #tpu.memory_space<vmem_shared>>) offsets(%dma_start3A_380 : memref<128xi32, #tpu.memory_space<vmem>>) semaphore(%arg32 : memref<!tpu.dma_semaphore, #tpu.memory_space<semaphore_mem>>) {add = true}
      %add3A_384 = arith.constant 7 : i32
      %add3A_385 = arith.addi %mul3A_271, %add3A_384 : i32
      %dma_wait3A_386 = arith.constant 0 : i32
      %dma_wait3A_387 = tpu.memref_slice %arg6[%add3A_385, %dma_wait3A_386] : memref<160x128xi32, #tpu.memory_space<vmem>> -> memref<1x128xi32, #tpu.memory_space<vmem>>
      %dma_wait3A_388 = tpu.memref_squeeze %dma_wait3A_387 : memref<1x128xi32, #tpu.memory_space<vmem>> -> memref<128xi32, #tpu.memory_space<vmem>>
      %dma_wait3A_389 = arith.constant 0 : i32
      %dma_wait3A_390 = arith.constant 0 : i32
      %dma_wait3A_391 = tpu.memref_slice %arg12[%dma_wait3A_389, %dma_wait3A_390] : memref<10240x32xf32, #tpu.memory_space<vmem_shared>> -> memref<10240x32xf32, #tpu.memory_space<vmem_shared>>
      tpu.wait_indirect_dma semaphore(%arg29 : memref<!tpu.dma_semaphore, #tpu.memory_space<semaphore_mem>>) src(%dma_wait3A_391 : memref<10240x32xf32, #tpu.memory_space<vmem_shared>>) dst(%arg25 : memref<128x32xf32, #tpu.memory_space<vmem>>)
      %add3A_392 = arith.constant 7 : i32
      %add3A_393 = arith.addi %mul3A_271, %add3A_392 : i32
      %dma_start3A_394 = arith.constant 0 : i32
      %dma_start3A_395 = tpu.memref_slice %arg7[%add3A_393, %dma_start3A_394] : memref<160x128xi32, #tpu.memory_space<vmem>> -> memref<1x128xi32, #tpu.memory_space<vmem>>
      %dma_start3A_396 = tpu.memref_squeeze %dma_start3A_395 : memref<1x128xi32, #tpu.memory_space<vmem>> -> memref<128xi32, #tpu.memory_space<vmem>>
      %dma_start3A_397 = arith.constant 0 : i32
      %dma_start3A_398 = arith.constant 0 : i32
      %dma_start3A_399 = tpu.memref_slice %arg13[%dma_start3A_397, %dma_start3A_398] : memref<10240x32xf32, #tpu.memory_space<vmem_shared>> -> memref<10240x32xf32, #tpu.memory_space<vmem_shared>>
      tpu.enqueue_indirect_dma source(%arg25 : memref<128x32xf32, #tpu.memory_space<vmem>>) target(%dma_start3A_399 : memref<10240x32xf32, #tpu.memory_space<vmem_shared>>) offsets(%dma_start3A_396 : memref<128xi32, #tpu.memory_space<vmem>>) semaphore(%arg33 : memref<!tpu.dma_semaphore, #tpu.memory_space<semaphore_mem>>) {add = true}
      %lt3A = arith.constant 19 : i32
      %lt3A_400 = arith.cmpi slt, %scan3A_269, %lt3A : i32
      %convert_element_type3A = arith.extui %lt3A_400 : i1 to i32
      %cond3A = arith.constant 0 : i32
      %cond3A_401 = arith.cmpi ne, %convert_element_type3A, %cond3A : i32
      scf.if %cond3A_401 {
        %add3A_402 = arith.constant 0 : i32
        %add3A_403 = arith.addi %mul3A_271, %add3A_402 : i32
        %dma_wait3A_404 = arith.constant 0 : i32
        %dma_wait3A_405 = tpu.memref_slice %arg7[%add3A_403, %dma_wait3A_404] : memref<160x128xi32, #tpu.memory_space<vmem>> -> memref<1x128xi32, #tpu.memory_space<vmem>>
        %dma_wait3A_406 = tpu.memref_squeeze %dma_wait3A_405 : memref<1x128xi32, #tpu.memory_space<vmem>> -> memref<128xi32, #tpu.memory_space<vmem>>
        %dma_wait3A_407 = arith.constant 0 : i32
        %dma_wait3A_408 = arith.constant 0 : i32
        %dma_wait3A_409 = tpu.memref_slice %arg13[%dma_wait3A_407, %dma_wait3A_408] : memref<10240x32xf32, #tpu.memory_space<vmem_shared>> -> memref<10240x32xf32, #tpu.memory_space<vmem_shared>>
        tpu.wait_indirect_dma semaphore(%arg18 : memref<!tpu.dma_semaphore, #tpu.memory_space<semaphore_mem>>) src(%arg8 : memref<128x32xf32, #tpu.memory_space<vmem>>) dst(%dma_wait3A_409 : memref<10240x32xf32, #tpu.memory_space<vmem_shared>>)
        %add3A_410 = arith.constant 8 : i32
        %add3A_411 = arith.addi %mul3A_271, %add3A_410 : i32
        %add3A_412 = arith.constant 0 : i32
        %add3A_413 = arith.addi %add3A_411, %add3A_412 : i32
        %dma_start3A_414 = arith.constant 0 : i32
        %dma_start3A_415 = tpu.memref_slice %arg6[%add3A_413, %dma_start3A_414] : memref<160x128xi32, #tpu.memory_space<vmem>> -> memref<1x128xi32, #tpu.memory_space<vmem>>
        %dma_start3A_416 = tpu.memref_squeeze %dma_start3A_415 : memref<1x128xi32, #tpu.memory_space<vmem>> -> memref<128xi32, #tpu.memory_space<vmem>>
        %dma_start3A_417 = arith.constant 0 : i32
        %dma_start3A_418 = arith.constant 0 : i32
        %dma_start3A_419 = tpu.memref_slice %arg12[%dma_start3A_417, %dma_start3A_418] : memref<10240x32xf32, #tpu.memory_space<vmem_shared>> -> memref<10240x32xf32, #tpu.memory_space<vmem_shared>>
        tpu.enqueue_indirect_dma source(%dma_start3A_419 : memref<10240x32xf32, #tpu.memory_space<vmem_shared>>) target(%arg8 : memref<128x32xf32, #tpu.memory_space<vmem>>) offsets(%dma_start3A_416 : memref<128xi32, #tpu.memory_space<vmem>>) semaphore(%arg14 : memref<!tpu.dma_semaphore, #tpu.memory_space<semaphore_mem>>)
        %add3A_420 = arith.constant 1 : i32
        %add3A_421 = arith.addi %mul3A_271, %add3A_420 : i32
        %dma_wait3A_422 = arith.constant 0 : i32
        %dma_wait3A_423 = tpu.memref_slice %arg7[%add3A_421, %dma_wait3A_422] : memref<160x128xi32, #tpu.memory_space<vmem>> -> memref<1x128xi32, #tpu.memory_space<vmem>>
        %dma_wait3A_424 = tpu.memref_squeeze %dma_wait3A_423 : memref<1x128xi32, #tpu.memory_space<vmem>> -> memref<128xi32, #tpu.memory_space<vmem>>
        %dma_wait3A_425 = arith.constant 0 : i32
        %dma_wait3A_426 = arith.constant 0 : i32
        %dma_wait3A_427 = tpu.memref_slice %arg13[%dma_wait3A_425, %dma_wait3A_426] : memref<10240x32xf32, #tpu.memory_space<vmem_shared>> -> memref<10240x32xf32, #tpu.memory_space<vmem_shared>>
        tpu.wait_indirect_dma semaphore(%arg19 : memref<!tpu.dma_semaphore, #tpu.memory_space<semaphore_mem>>) src(%arg9 : memref<128x32xf32, #tpu.memory_space<vmem>>) dst(%dma_wait3A_427 : memref<10240x32xf32, #tpu.memory_space<vmem_shared>>)
        %add3A_428 = arith.constant 8 : i32
        %add3A_429 = arith.addi %mul3A_271, %add3A_428 : i32
        %add3A_430 = arith.constant 1 : i32
        %add3A_431 = arith.addi %add3A_429, %add3A_430 : i32
        %dma_start3A_432 = arith.constant 0 : i32
        %dma_start3A_433 = tpu.memref_slice %arg6[%add3A_431, %dma_start3A_432] : memref<160x128xi32, #tpu.memory_space<vmem>> -> memref<1x128xi32, #tpu.memory_space<vmem>>
        %dma_start3A_434 = tpu.memref_squeeze %dma_start3A_433 : memref<1x128xi32, #tpu.memory_space<vmem>> -> memref<128xi32, #tpu.memory_space<vmem>>
        %dma_start3A_435 = arith.constant 0 : i32
        %dma_start3A_436 = arith.constant 0 : i32
        %dma_start3A_437 = tpu.memref_slice %arg12[%dma_start3A_435, %dma_start3A_436] : memref<10240x32xf32, #tpu.memory_space<vmem_shared>> -> memref<10240x32xf32, #tpu.memory_space<vmem_shared>>
        tpu.enqueue_indirect_dma source(%dma_start3A_437 : memref<10240x32xf32, #tpu.memory_space<vmem_shared>>) target(%arg9 : memref<128x32xf32, #tpu.memory_space<vmem>>) offsets(%dma_start3A_434 : memref<128xi32, #tpu.memory_space<vmem>>) semaphore(%arg15 : memref<!tpu.dma_semaphore, #tpu.memory_space<semaphore_mem>>)
        %add3A_438 = arith.constant 2 : i32
        %add3A_439 = arith.addi %mul3A_271, %add3A_438 : i32
        %dma_wait3A_440 = arith.constant 0 : i32
        %dma_wait3A_441 = tpu.memref_slice %arg7[%add3A_439, %dma_wait3A_440] : memref<160x128xi32, #tpu.memory_space<vmem>> -> memref<1x128xi32, #tpu.memory_space<vmem>>
        %dma_wait3A_442 = tpu.memref_squeeze %dma_wait3A_441 : memref<1x128xi32, #tpu.memory_space<vmem>> -> memref<128xi32, #tpu.memory_space<vmem>>
        %dma_wait3A_443 = arith.constant 0 : i32
        %dma_wait3A_444 = arith.constant 0 : i32
        %dma_wait3A_445 = tpu.memref_slice %arg13[%dma_wait3A_443, %dma_wait3A_444] : memref<10240x32xf32, #tpu.memory_space<vmem_shared>> -> memref<10240x32xf32, #tpu.memory_space<vmem_shared>>
        tpu.wait_indirect_dma semaphore(%arg20 : memref<!tpu.dma_semaphore, #tpu.memory_space<semaphore_mem>>) src(%arg10 : memref<128x32xf32, #tpu.memory_space<vmem>>) dst(%dma_wait3A_445 : memref<10240x32xf32, #tpu.memory_space<vmem_shared>>)
        %add3A_446 = arith.constant 8 : i32
        %add3A_447 = arith.addi %mul3A_271, %add3A_446 : i32
        %add3A_448 = arith.constant 2 : i32
        %add3A_449 = arith.addi %add3A_447, %add3A_448 : i32
        %dma_start3A_450 = arith.constant 0 : i32
        %dma_start3A_451 = tpu.memref_slice %arg6[%add3A_449, %dma_start3A_450] : memref<160x128xi32, #tpu.memory_space<vmem>> -> memref<1x128xi32, #tpu.memory_space<vmem>>
        %dma_start3A_452 = tpu.memref_squeeze %dma_start3A_451 : memref<1x128xi32, #tpu.memory_space<vmem>> -> memref<128xi32, #tpu.memory_space<vmem>>
        %dma_start3A_453 = arith.constant 0 : i32
        %dma_start3A_454 = arith.constant 0 : i32
        %dma_start3A_455 = tpu.memref_slice %arg12[%dma_start3A_453, %dma_start3A_454] : memref<10240x32xf32, #tpu.memory_space<vmem_shared>> -> memref<10240x32xf32, #tpu.memory_space<vmem_shared>>
        tpu.enqueue_indirect_dma source(%dma_start3A_455 : memref<10240x32xf32, #tpu.memory_space<vmem_shared>>) target(%arg10 : memref<128x32xf32, #tpu.memory_space<vmem>>) offsets(%dma_start3A_452 : memref<128xi32, #tpu.memory_space<vmem>>) semaphore(%arg16 : memref<!tpu.dma_semaphore, #tpu.memory_space<semaphore_mem>>)
        %add3A_456 = arith.constant 3 : i32
        %add3A_457 = arith.addi %mul3A_271, %add3A_456 : i32
        %dma_wait3A_458 = arith.constant 0 : i32
        %dma_wait3A_459 = tpu.memref_slice %arg7[%add3A_457, %dma_wait3A_458] : memref<160x128xi32, #tpu.memory_space<vmem>> -> memref<1x128xi32, #tpu.memory_space<vmem>>
        %dma_wait3A_460 = tpu.memref_squeeze %dma_wait3A_459 : memref<1x128xi32, #tpu.memory_space<vmem>> -> memref<128xi32, #tpu.memory_space<vmem>>
        %dma_wait3A_461 = arith.constant 0 : i32
        %dma_wait3A_462 = arith.constant 0 : i32
        %dma_wait3A_463 = tpu.memref_slice %arg13[%dma_wait3A_461, %dma_wait3A_462] : memref<10240x32xf32, #tpu.memory_space<vmem_shared>> -> memref<10240x32xf32, #tpu.memory_space<vmem_shared>>
        tpu.wait_indirect_dma semaphore(%arg21 : memref<!tpu.dma_semaphore, #tpu.memory_space<semaphore_mem>>) src(%arg11 : memref<128x32xf32, #tpu.memory_space<vmem>>) dst(%dma_wait3A_463 : memref<10240x32xf32, #tpu.memory_space<vmem_shared>>)
        %add3A_464 = arith.constant 8 : i32
        %add3A_465 = arith.addi %mul3A_271, %add3A_464 : i32
        %add3A_466 = arith.constant 3 : i32
        %add3A_467 = arith.addi %add3A_465, %add3A_466 : i32
        %dma_start3A_468 = arith.constant 0 : i32
        %dma_start3A_469 = tpu.memref_slice %arg6[%add3A_467, %dma_start3A_468] : memref<160x128xi32, #tpu.memory_space<vmem>> -> memref<1x128xi32, #tpu.memory_space<vmem>>
        %dma_start3A_470 = tpu.memref_squeeze %dma_start3A_469 : memref<1x128xi32, #tpu.memory_space<vmem>> -> memref<128xi32, #tpu.memory_space<vmem>>
        %dma_start3A_471 = arith.constant 0 : i32
        %dma_start3A_472 = arith.constant 0 : i32
        %dma_start3A_473 = tpu.memref_slice %arg12[%dma_start3A_471, %dma_start3A_472] : memref<10240x32xf32, #tpu.memory_space<vmem_shared>> -> memref<10240x32xf32, #tpu.memory_space<vmem_shared>>
        tpu.enqueue_indirect_dma source(%dma_start3A_473 : memref<10240x32xf32, #tpu.memory_space<vmem_shared>>) target(%arg11 : memref<128x32xf32, #tpu.memory_space<vmem>>) offsets(%dma_start3A_470 : memref<128xi32, #tpu.memory_space<vmem>>) semaphore(%arg17 : memref<!tpu.dma_semaphore, #tpu.memory_space<semaphore_mem>>)
        %add3A_474 = arith.constant 4 : i32
        %add3A_475 = arith.addi %mul3A_271, %add3A_474 : i32
        %dma_wait3A_476 = arith.constant 0 : i32
        %dma_wait3A_477 = tpu.memref_slice %arg7[%add3A_475, %dma_wait3A_476] : memref<160x128xi32, #tpu.memory_space<vmem>> -> memref<1x128xi32, #tpu.memory_space<vmem>>
        %dma_wait3A_478 = tpu.memref_squeeze %dma_wait3A_477 : memref<1x128xi32, #tpu.memory_space<vmem>> -> memref<128xi32, #tpu.memory_space<vmem>>
        %dma_wait3A_479 = arith.constant 0 : i32
        %dma_wait3A_480 = arith.constant 0 : i32
        %dma_wait3A_481 = tpu.memref_slice %arg13[%dma_wait3A_479, %dma_wait3A_480] : memref<10240x32xf32, #tpu.memory_space<vmem_shared>> -> memref<10240x32xf32, #tpu.memory_space<vmem_shared>>
        tpu.wait_indirect_dma semaphore(%arg30 : memref<!tpu.dma_semaphore, #tpu.memory_space<semaphore_mem>>) src(%arg22 : memref<128x32xf32, #tpu.memory_space<vmem>>) dst(%dma_wait3A_481 : memref<10240x32xf32, #tpu.memory_space<vmem_shared>>)
        %add3A_482 = arith.constant 8 : i32
        %add3A_483 = arith.addi %mul3A_271, %add3A_482 : i32
        %add3A_484 = arith.constant 4 : i32
        %add3A_485 = arith.addi %add3A_483, %add3A_484 : i32
        %dma_start3A_486 = arith.constant 0 : i32
        %dma_start3A_487 = tpu.memref_slice %arg6[%add3A_485, %dma_start3A_486] : memref<160x128xi32, #tpu.memory_space<vmem>> -> memref<1x128xi32, #tpu.memory_space<vmem>>
        %dma_start3A_488 = tpu.memref_squeeze %dma_start3A_487 : memref<1x128xi32, #tpu.memory_space<vmem>> -> memref<128xi32, #tpu.memory_space<vmem>>
        %dma_start3A_489 = arith.constant 0 : i32
        %dma_start3A_490 = arith.constant 0 : i32
        %dma_start3A_491 = tpu.memref_slice %arg12[%dma_start3A_489, %dma_start3A_490] : memref<10240x32xf32, #tpu.memory_space<vmem_shared>> -> memref<10240x32xf32, #tpu.memory_space<vmem_shared>>
        tpu.enqueue_indirect_dma source(%dma_start3A_491 : memref<10240x32xf32, #tpu.memory_space<vmem_shared>>) target(%arg22 : memref<128x32xf32, #tpu.memory_space<vmem>>) offsets(%dma_start3A_488 : memref<128xi32, #tpu.memory_space<vmem>>) semaphore(%arg26 : memref<!tpu.dma_semaphore, #tpu.memory_space<semaphore_mem>>)
        %add3A_492 = arith.constant 5 : i32
        %add3A_493 = arith.addi %mul3A_271, %add3A_492 : i32
        %dma_wait3A_494 = arith.constant 0 : i32
        %dma_wait3A_495 = tpu.memref_slice %arg7[%add3A_493, %dma_wait3A_494] : memref<160x128xi32, #tpu.memory_space<vmem>> -> memref<1x128xi32, #tpu.memory_space<vmem>>
        %dma_wait3A_496 = tpu.memref_squeeze %dma_wait3A_495 : memref<1x128xi32, #tpu.memory_space<vmem>> -> memref<128xi32, #tpu.memory_space<vmem>>
        %dma_wait3A_497 = arith.constant 0 : i32
        %dma_wait3A_498 = arith.constant 0 : i32
        %dma_wait3A_499 = tpu.memref_slice %arg13[%dma_wait3A_497, %dma_wait3A_498] : memref<10240x32xf32, #tpu.memory_space<vmem_shared>> -> memref<10240x32xf32, #tpu.memory_space<vmem_shared>>
        tpu.wait_indirect_dma semaphore(%arg31 : memref<!tpu.dma_semaphore, #tpu.memory_space<semaphore_mem>>) src(%arg23 : memref<128x32xf32, #tpu.memory_space<vmem>>) dst(%dma_wait3A_499 : memref<10240x32xf32, #tpu.memory_space<vmem_shared>>)
        %add3A_500 = arith.constant 8 : i32
        %add3A_501 = arith.addi %mul3A_271, %add3A_500 : i32
        %add3A_502 = arith.constant 5 : i32
        %add3A_503 = arith.addi %add3A_501, %add3A_502 : i32
        %dma_start3A_504 = arith.constant 0 : i32
        %dma_start3A_505 = tpu.memref_slice %arg6[%add3A_503, %dma_start3A_504] : memref<160x128xi32, #tpu.memory_space<vmem>> -> memref<1x128xi32, #tpu.memory_space<vmem>>
        %dma_start3A_506 = tpu.memref_squeeze %dma_start3A_505 : memref<1x128xi32, #tpu.memory_space<vmem>> -> memref<128xi32, #tpu.memory_space<vmem>>
        %dma_start3A_507 = arith.constant 0 : i32
        %dma_start3A_508 = arith.constant 0 : i32
        %dma_start3A_509 = tpu.memref_slice %arg12[%dma_start3A_507, %dma_start3A_508] : memref<10240x32xf32, #tpu.memory_space<vmem_shared>> -> memref<10240x32xf32, #tpu.memory_space<vmem_shared>>
        tpu.enqueue_indirect_dma source(%dma_start3A_509 : memref<10240x32xf32, #tpu.memory_space<vmem_shared>>) target(%arg23 : memref<128x32xf32, #tpu.memory_space<vmem>>) offsets(%dma_start3A_506 : memref<128xi32, #tpu.memory_space<vmem>>) semaphore(%arg27 : memref<!tpu.dma_semaphore, #tpu.memory_space<semaphore_mem>>)
        %add3A_510 = arith.constant 6 : i32
        %add3A_511 = arith.addi %mul3A_271, %add3A_510 : i32
        %dma_wait3A_512 = arith.constant 0 : i32
        %dma_wait3A_513 = tpu.memref_slice %arg7[%add3A_511, %dma_wait3A_512] : memref<160x128xi32, #tpu.memory_space<vmem>> -> memref<1x128xi32, #tpu.memory_space<vmem>>
        %dma_wait3A_514 = tpu.memref_squeeze %dma_wait3A_513 : memref<1x128xi32, #tpu.memory_space<vmem>> -> memref<128xi32, #tpu.memory_space<vmem>>
        %dma_wait3A_515 = arith.constant 0 : i32
        %dma_wait3A_516 = arith.constant 0 : i32
        %dma_wait3A_517 = tpu.memref_slice %arg13[%dma_wait3A_515, %dma_wait3A_516] : memref<10240x32xf32, #tpu.memory_space<vmem_shared>> -> memref<10240x32xf32, #tpu.memory_space<vmem_shared>>
        tpu.wait_indirect_dma semaphore(%arg32 : memref<!tpu.dma_semaphore, #tpu.memory_space<semaphore_mem>>) src(%arg24 : memref<128x32xf32, #tpu.memory_space<vmem>>) dst(%dma_wait3A_517 : memref<10240x32xf32, #tpu.memory_space<vmem_shared>>)
        %add3A_518 = arith.constant 8 : i32
        %add3A_519 = arith.addi %mul3A_271, %add3A_518 : i32
        %add3A_520 = arith.constant 6 : i32
        %add3A_521 = arith.addi %add3A_519, %add3A_520 : i32
        %dma_start3A_522 = arith.constant 0 : i32
        %dma_start3A_523 = tpu.memref_slice %arg6[%add3A_521, %dma_start3A_522] : memref<160x128xi32, #tpu.memory_space<vmem>> -> memref<1x128xi32, #tpu.memory_space<vmem>>
        %dma_start3A_524 = tpu.memref_squeeze %dma_start3A_523 : memref<1x128xi32, #tpu.memory_space<vmem>> -> memref<128xi32, #tpu.memory_space<vmem>>
        %dma_start3A_525 = arith.constant 0 : i32
        %dma_start3A_526 = arith.constant 0 : i32
        %dma_start3A_527 = tpu.memref_slice %arg12[%dma_start3A_525, %dma_start3A_526] : memref<10240x32xf32, #tpu.memory_space<vmem_shared>> -> memref<10240x32xf32, #tpu.memory_space<vmem_shared>>
        tpu.enqueue_indirect_dma source(%dma_start3A_527 : memref<10240x32xf32, #tpu.memory_space<vmem_shared>>) target(%arg24 : memref<128x32xf32, #tpu.memory_space<vmem>>) offsets(%dma_start3A_524 : memref<128xi32, #tpu.memory_space<vmem>>) semaphore(%arg28 : memref<!tpu.dma_semaphore, #tpu.memory_space<semaphore_mem>>)
        %add3A_528 = arith.constant 7 : i32
        %add3A_529 = arith.addi %mul3A_271, %add3A_528 : i32
        %dma_wait3A_530 = arith.constant 0 : i32
        %dma_wait3A_531 = tpu.memref_slice %arg7[%add3A_529, %dma_wait3A_530] : memref<160x128xi32, #tpu.memory_space<vmem>> -> memref<1x128xi32, #tpu.memory_space<vmem>>
        %dma_wait3A_532 = tpu.memref_squeeze %dma_wait3A_531 : memref<1x128xi32, #tpu.memory_space<vmem>> -> memref<128xi32, #tpu.memory_space<vmem>>
        %dma_wait3A_533 = arith.constant 0 : i32
        %dma_wait3A_534 = arith.constant 0 : i32
        %dma_wait3A_535 = tpu.memref_slice %arg13[%dma_wait3A_533, %dma_wait3A_534] : memref<10240x32xf32, #tpu.memory_space<vmem_shared>> -> memref<10240x32xf32, #tpu.memory_space<vmem_shared>>
        tpu.wait_indirect_dma semaphore(%arg33 : memref<!tpu.dma_semaphore, #tpu.memory_space<semaphore_mem>>) src(%arg25 : memref<128x32xf32, #tpu.memory_space<vmem>>) dst(%dma_wait3A_535 : memref<10240x32xf32, #tpu.memory_space<vmem_shared>>)
        %add3A_536 = arith.constant 8 : i32
        %add3A_537 = arith.addi %mul3A_271, %add3A_536 : i32
        %add3A_538 = arith.constant 7 : i32
        %add3A_539 = arith.addi %add3A_537, %add3A_538 : i32
        %dma_start3A_540 = arith.constant 0 : i32
        %dma_start3A_541 = tpu.memref_slice %arg6[%add3A_539, %dma_start3A_540] : memref<160x128xi32, #tpu.memory_space<vmem>> -> memref<1x128xi32, #tpu.memory_space<vmem>>
        %dma_start3A_542 = tpu.memref_squeeze %dma_start3A_541 : memref<1x128xi32, #tpu.memory_space<vmem>> -> memref<128xi32, #tpu.memory_space<vmem>>
        %dma_start3A_543 = arith.constant 0 : i32
        %dma_start3A_544 = arith.constant 0 : i32
        %dma_start3A_545 = tpu.memref_slice %arg12[%dma_start3A_543, %dma_start3A_544] : memref<10240x32xf32, #tpu.memory_space<vmem_shared>> -> memref<10240x32xf32, #tpu.memory_space<vmem_shared>>
        tpu.enqueue_indirect_dma source(%dma_start3A_545 : memref<10240x32xf32, #tpu.memory_space<vmem_shared>>) target(%arg25 : memref<128x32xf32, #tpu.memory_space<vmem>>) offsets(%dma_start3A_542 : memref<128xi32, #tpu.memory_space<vmem>>) semaphore(%arg29 : memref<!tpu.dma_semaphore, #tpu.memory_space<semaphore_mem>>)
      } else {
      }
    }
    %scan3A_211 = arith.constant 20 : i32
    %dma_wait3A_212 = arith.constant 152 : i32
    %dma_wait3A_213 = arith.constant 0 : i32
    %dma_wait3A_214 = tpu.memref_slice %arg7[%dma_wait3A_212, %dma_wait3A_213] : memref<160x128xi32, #tpu.memory_space<vmem>> -> memref<1x128xi32, #tpu.memory_space<vmem>>
    %dma_wait3A_215 = tpu.memref_squeeze %dma_wait3A_214 : memref<1x128xi32, #tpu.memory_space<vmem>> -> memref<128xi32, #tpu.memory_space<vmem>>
    %dma_wait3A_216 = arith.constant 0 : i32
    %dma_wait3A_217 = arith.constant 0 : i32
    %dma_wait3A_218 = tpu.memref_slice %arg13[%dma_wait3A_216, %dma_wait3A_217] : memref<10240x32xf32, #tpu.memory_space<vmem_shared>> -> memref<10240x32xf32, #tpu.memory_space<vmem_shared>>
    tpu.wait_indirect_dma semaphore(%arg18 : memref<!tpu.dma_semaphore, #tpu.memory_space<semaphore_mem>>) src(%arg8 : memref<128x32xf32, #tpu.memory_space<vmem>>) dst(%dma_wait3A_218 : memref<10240x32xf32, #tpu.memory_space<vmem_shared>>)
    %dma_wait3A_219 = arith.constant 153 : i32
    %dma_wait3A_220 = arith.constant 0 : i32
    %dma_wait3A_221 = tpu.memref_slice %arg7[%dma_wait3A_219, %dma_wait3A_220] : memref<160x128xi32, #tpu.memory_space<vmem>> -> memref<1x128xi32, #tpu.memory_space<vmem>>
    %dma_wait3A_222 = tpu.memref_squeeze %dma_wait3A_221 : memref<1x128xi32, #tpu.memory_space<vmem>> -> memref<128xi32, #tpu.memory_space<vmem>>
    %dma_wait3A_223 = arith.constant 0 : i32
    %dma_wait3A_224 = arith.constant 0 : i32
    %dma_wait3A_225 = tpu.memref_slice %arg13[%dma_wait3A_223, %dma_wait3A_224] : memref<10240x32xf32, #tpu.memory_space<vmem_shared>> -> memref<10240x32xf32, #tpu.memory_space<vmem_shared>>
    tpu.wait_indirect_dma semaphore(%arg19 : memref<!tpu.dma_semaphore, #tpu.memory_space<semaphore_mem>>) src(%arg9 : memref<128x32xf32, #tpu.memory_space<vmem>>) dst(%dma_wait3A_225 : memref<10240x32xf32, #tpu.memory_space<vmem_shared>>)
    %dma_wait3A_226 = arith.constant 154 : i32
    %dma_wait3A_227 = arith.constant 0 : i32
    %dma_wait3A_228 = tpu.memref_slice %arg7[%dma_wait3A_226, %dma_wait3A_227] : memref<160x128xi32, #tpu.memory_space<vmem>> -> memref<1x128xi32, #tpu.memory_space<vmem>>
    %dma_wait3A_229 = tpu.memref_squeeze %dma_wait3A_228 : memref<1x128xi32, #tpu.memory_space<vmem>> -> memref<128xi32, #tpu.memory_space<vmem>>
    %dma_wait3A_230 = arith.constant 0 : i32
    %dma_wait3A_231 = arith.constant 0 : i32
    %dma_wait3A_232 = tpu.memref_slice %arg13[%dma_wait3A_230, %dma_wait3A_231] : memref<10240x32xf32, #tpu.memory_space<vmem_shared>> -> memref<10240x32xf32, #tpu.memory_space<vmem_shared>>
    tpu.wait_indirect_dma semaphore(%arg20 : memref<!tpu.dma_semaphore, #tpu.memory_space<semaphore_mem>>) src(%arg10 : memref<128x32xf32, #tpu.memory_space<vmem>>) dst(%dma_wait3A_232 : memref<10240x32xf32, #tpu.memory_space<vmem_shared>>)
    %dma_wait3A_233 = arith.constant 155 : i32
    %dma_wait3A_234 = arith.constant 0 : i32
    %dma_wait3A_235 = tpu.memref_slice %arg7[%dma_wait3A_233, %dma_wait3A_234] : memref<160x128xi32, #tpu.memory_space<vmem>> -> memref<1x128xi32, #tpu.memory_space<vmem>>
    %dma_wait3A_236 = tpu.memref_squeeze %dma_wait3A_235 : memref<1x128xi32, #tpu.memory_space<vmem>> -> memref<128xi32, #tpu.memory_space<vmem>>
    %dma_wait3A_237 = arith.constant 0 : i32
    %dma_wait3A_238 = arith.constant 0 : i32
    %dma_wait3A_239 = tpu.memref_slice %arg13[%dma_wait3A_237, %dma_wait3A_238] : memref<10240x32xf32, #tpu.memory_space<vmem_shared>> -> memref<10240x32xf32, #tpu.memory_space<vmem_shared>>
    tpu.wait_indirect_dma semaphore(%arg21 : memref<!tpu.dma_semaphore, #tpu.memory_space<semaphore_mem>>) src(%arg11 : memref<128x32xf32, #tpu.memory_space<vmem>>) dst(%dma_wait3A_239 : memref<10240x32xf32, #tpu.memory_space<vmem_shared>>)
    %dma_wait3A_240 = arith.constant 156 : i32
    %dma_wait3A_241 = arith.constant 0 : i32
    %dma_wait3A_242 = tpu.memref_slice %arg7[%dma_wait3A_240, %dma_wait3A_241] : memref<160x128xi32, #tpu.memory_space<vmem>> -> memref<1x128xi32, #tpu.memory_space<vmem>>
    %dma_wait3A_243 = tpu.memref_squeeze %dma_wait3A_242 : memref<1x128xi32, #tpu.memory_space<vmem>> -> memref<128xi32, #tpu.memory_space<vmem>>
    %dma_wait3A_244 = arith.constant 0 : i32
    %dma_wait3A_245 = arith.constant 0 : i32
    %dma_wait3A_246 = tpu.memref_slice %arg13[%dma_wait3A_244, %dma_wait3A_245] : memref<10240x32xf32, #tpu.memory_space<vmem_shared>> -> memref<10240x32xf32, #tpu.memory_space<vmem_shared>>
    tpu.wait_indirect_dma semaphore(%arg30 : memref<!tpu.dma_semaphore, #tpu.memory_space<semaphore_mem>>) src(%arg22 : memref<128x32xf32, #tpu.memory_space<vmem>>) dst(%dma_wait3A_246 : memref<10240x32xf32, #tpu.memory_space<vmem_shared>>)
    %dma_wait3A_247 = arith.constant 157 : i32
    %dma_wait3A_248 = arith.constant 0 : i32
    %dma_wait3A_249 = tpu.memref_slice %arg7[%dma_wait3A_247, %dma_wait3A_248] : memref<160x128xi32, #tpu.memory_space<vmem>> -> memref<1x128xi32, #tpu.memory_space<vmem>>
    %dma_wait3A_250 = tpu.memref_squeeze %dma_wait3A_249 : memref<1x128xi32, #tpu.memory_space<vmem>> -> memref<128xi32, #tpu.memory_space<vmem>>
    %dma_wait3A_251 = arith.constant 0 : i32
    %dma_wait3A_252 = arith.constant 0 : i32
    %dma_wait3A_253 = tpu.memref_slice %arg13[%dma_wait3A_251, %dma_wait3A_252] : memref<10240x32xf32, #tpu.memory_space<vmem_shared>> -> memref<10240x32xf32, #tpu.memory_space<vmem_shared>>
    tpu.wait_indirect_dma semaphore(%arg31 : memref<!tpu.dma_semaphore, #tpu.memory_space<semaphore_mem>>) src(%arg23 : memref<128x32xf32, #tpu.memory_space<vmem>>) dst(%dma_wait3A_253 : memref<10240x32xf32, #tpu.memory_space<vmem_shared>>)
    %dma_wait3A_254 = arith.constant 158 : i32
    %dma_wait3A_255 = arith.constant 0 : i32
    %dma_wait3A_256 = tpu.memref_slice %arg7[%dma_wait3A_254, %dma_wait3A_255] : memref<160x128xi32, #tpu.memory_space<vmem>> -> memref<1x128xi32, #tpu.memory_space<vmem>>
    %dma_wait3A_257 = tpu.memref_squeeze %dma_wait3A_256 : memref<1x128xi32, #tpu.memory_space<vmem>> -> memref<128xi32, #tpu.memory_space<vmem>>
    %dma_wait3A_258 = arith.constant 0 : i32
    %dma_wait3A_259 = arith.constant 0 : i32
    %dma_wait3A_260 = tpu.memref_slice %arg13[%dma_wait3A_258, %dma_wait3A_259] : memref<10240x32xf32, #tpu.memory_space<vmem_shared>> -> memref<10240x32xf32, #tpu.memory_space<vmem_shared>>
    tpu.wait_indirect_dma semaphore(%arg32 : memref<!tpu.dma_semaphore, #tpu.memory_space<semaphore_mem>>) src(%arg24 : memref<128x32xf32, #tpu.memory_space<vmem>>) dst(%dma_wait3A_260 : memref<10240x32xf32, #tpu.memory_space<vmem_shared>>)
    %dma_wait3A_261 = arith.constant 159 : i32
    %dma_wait3A_262 = arith.constant 0 : i32
    %dma_wait3A_263 = tpu.memref_slice %arg7[%dma_wait3A_261, %dma_wait3A_262] : memref<160x128xi32, #tpu.memory_space<vmem>> -> memref<1x128xi32, #tpu.memory_space<vmem>>
    %dma_wait3A_264 = tpu.memref_squeeze %dma_wait3A_263 : memref<1x128xi32, #tpu.memory_space<vmem>> -> memref<128xi32, #tpu.memory_space<vmem>>
    %dma_wait3A_265 = arith.constant 0 : i32
    %dma_wait3A_266 = arith.constant 0 : i32
    %dma_wait3A_267 = tpu.memref_slice %arg13[%dma_wait3A_265, %dma_wait3A_266] : memref<10240x32xf32, #tpu.memory_space<vmem_shared>> -> memref<10240x32xf32, #tpu.memory_space<vmem_shared>>
    tpu.wait_indirect_dma semaphore(%arg33 : memref<!tpu.dma_semaphore, #tpu.memory_space<semaphore_mem>>) src(%arg25 : memref<128x32xf32, #tpu.memory_space<vmem>>) dst(%dma_wait3A_267 : memref<10240x32xf32, #tpu.memory_space<vmem_shared>>)
    %barrier3A_268 = arith.constant 0 : index
    tpu.barrier barrier_id(%barrier3A_268)
    "tpu.region"() ({
      %run_scoped3A = tpu.sem_alloc : memref<!tpu.dma_semaphore, #tpu.memory_space<semaphore_mem>>
      %dma_start3A_269 = arith.constant 0 : i32
      %dma_start3A_270 = arith.constant 0 : i32
      %dma_start3A_271 = tpu.memref_slice %arg5[%add3A_134, %dma_start3A_269, %dma_start3A_270] : memref<4x10240x32xf32, #tpu.memory_space<hbm>> -> memref<1x10240x32xf32, #tpu.memory_space<hbm>>
      %dma_start3A_272 = tpu.memref_squeeze %dma_start3A_271 : memref<1x10240x32xf32, #tpu.memory_space<hbm>> -> memref<10240x32xf32, #tpu.memory_space<hbm>>
      %dma_start3A_273 = arith.constant 0 : i32
      %dma_start3A_274 = tpu.memref_slice %dma_start3A_272[%mul3A_132, %dma_start3A_273] : memref<10240x32xf32, #tpu.memory_space<hbm>> -> memref<640x32xf32, #tpu.memory_space<hbm>>
      %dma_start3A_275 = arith.constant 0 : i32
      %dma_start3A_276 = tpu.memref_slice %arg13[%mul3A_132, %dma_start3A_275] : memref<10240x32xf32, #tpu.memory_space<vmem_shared>> -> memref<640x32xf32, #tpu.memory_space<vmem_shared>>
      tpu.enqueue_dma source(%dma_start3A_276 : memref<640x32xf32, #tpu.memory_space<vmem_shared>>) target(%dma_start3A_274 : memref<640x32xf32, #tpu.memory_space<hbm>>) target_semaphore(%run_scoped3A : memref<!tpu.dma_semaphore, #tpu.memory_space<semaphore_mem>>)
      %dma_wait3A_277 = arith.constant 0 : i32
      %dma_wait3A_278 = arith.constant 0 : i32
      %dma_wait3A_279 = tpu.memref_slice %arg5[%add3A_134, %dma_wait3A_277, %dma_wait3A_278] : memref<4x10240x32xf32, #tpu.memory_space<hbm>> -> memref<1x10240x32xf32, #tpu.memory_space<hbm>>
      %dma_wait3A_280 = tpu.memref_squeeze %dma_wait3A_279 : memref<1x10240x32xf32, #tpu.memory_space<hbm>> -> memref<10240x32xf32, #tpu.memory_space<hbm>>
      %dma_wait3A_281 = arith.constant 0 : i32
      %dma_wait3A_282 = tpu.memref_slice %dma_wait3A_280[%mul3A_132, %dma_wait3A_281] : memref<10240x32xf32, #tpu.memory_space<hbm>> -> memref<640x32xf32, #tpu.memory_space<hbm>>
      %dma_wait3A_283 = arith.constant 0 : i32
      %dma_wait3A_284 = tpu.memref_slice %arg13[%mul3A_132, %dma_wait3A_283] : memref<10240x32xf32, #tpu.memory_space<vmem_shared>> -> memref<640x32xf32, #tpu.memory_space<vmem_shared>>
      tpu.wait_dma2 semaphore(%run_scoped3A : memref<!tpu.dma_semaphore, #tpu.memory_space<semaphore_mem>>) src(%dma_wait3A_284 : memref<640x32xf32, #tpu.memory_space<vmem_shared>>) dst(%dma_wait3A_282 : memref<640x32xf32, #tpu.memory_space<hbm>>)
      tpu.yield
    }) : () -> ()
    return
  }
}

module attributes {stable_mosaic.version = 14 : i64} {
  func.func @_tc_self_body(%arg0: i32, %arg1: memref<1024x128xf32, #tpu.memory_space<vmem>>, %arg2: memref<128x128xf32, #tpu.memory_space<vmem>>, %arg3: memref<1x128xf32, #tpu.memory_space<vmem>>, %arg4: memref<1024x128xf32, #tpu.memory_space<vmem>>) attributes {dimension_semantics = [#tpu.dimension_semantics<arbitrary>], iteration_bounds = array<i64: 10>, scalar_prefetch = 0 : i64, scratch_operands = 0 : i64, tpu.core_type = #tpu.core_type<tc>, window_params = [{transform_indices = @transform_0, window_bounds = array<i64: 1024, 128>}, {pipeline_mode = #tpu.pipeline_mode<synchronous>, transform_indices = @transform_1, window_bounds = array<i64: 128, 128>}, {pipeline_mode = #tpu.pipeline_mode<synchronous>, transform_indices = @transform_2, window_bounds = array<i64: 1, 128>}, {transform_indices = @transform_3, window_bounds = array<i64: 1024, 128>}]} {
    %get3A = arith.constant 0 : index
    %get3A_0 = arith.constant 0 : index
    %get3A_1 = vector.load %arg1[%get3A, %get3A_0] : memref<1024x128xf32, #tpu.memory_space<vmem>>, vector<1024x128xf32>
    %get3A_2 = arith.constant 0 : index
    %get3A_3 = arith.constant 0 : index
    %get3A_4 = vector.load %arg2[%get3A_2, %get3A_3] : memref<128x128xf32, #tpu.memory_space<vmem>>, vector<128x128xf32>
    %dot_general3A = arith.constant dense<0.000000e+00> : vector<1024x128xf32>
    %dot_general3A_5 = tpu.matmul %get3A_1, %get3A_4, %dot_general3A {dimension_numbers = #tpu.dot_dimension_numbers<[1], [0], [0], [1], [0, 0, 1, 1], [], []>, transpose_lhs_hint = false} : vector<1024x128xf32>, vector<128x128xf32>, vector<1024x128xf32> -> vector<1024x128xf32>
    %get3A_6 = arith.constant 0 : index
    %get3A_7 = arith.constant 0 : index
    %get3A_8 = vector.load %arg3[%get3A_6, %get3A_7] : memref<1x128xf32, #tpu.memory_space<vmem>>, vector<1x128xf32>
    %add3A = vector.broadcast %get3A_8 : vector<1x128xf32> to vector<1024x128xf32>
    %add3A_9 = arith.addf %dot_general3A_5, %add3A : vector<1024x128xf32>
    %swap3A = arith.constant 0 : index
    %swap3A_10 = arith.constant 0 : index
    %swap3A_11 = vector.load %arg4[%swap3A, %swap3A_10] : memref<1024x128xf32, #tpu.memory_space<vmem>>, vector<1024x128xf32>
    tpu.vector_store %arg4[%swap3A, %swap3A_10], %add3A_9 {strides = array<i32>} : memref<1024x128xf32, #tpu.memory_space<vmem>>, vector<1024x128xf32>,
    return
  }
  func.func @transform_0(%arg0: i32) -> (i32, i32) {
    %c0_i32 = arith.constant 0 : i32
    %c0_i32_0 = arith.constant 0 : i32
    return %arg0, %c0_i32 : i32, i32
  }
  func.func @transform_1(%arg0: i32) -> (i32, i32) {
    %c0_i32 = arith.constant 0 : i32
    %c0_i32_0 = arith.constant 0 : i32
    %c0_i32_1 = arith.constant 0 : i32
    return %c0_i32, %c0_i32_0 : i32, i32
  }
  func.func @transform_2(%arg0: i32) -> (i32, i32) {
    %c0_i32 = arith.constant 0 : i32
    %c0_i32_0 = arith.constant 0 : i32
    %c0_i32_1 = arith.constant 0 : i32
    return %c0_i32, %c0_i32_0 : i32, i32
  }
  func.func @transform_3(%arg0: i32) -> (i32, i32) {
    %c0_i32 = arith.constant 0 : i32
    %c0_i32_0 = arith.constant 0 : i32
    return %arg0, %c0_i32 : i32, i32
  }
}

module attributes {stable_mosaic.version = 14 : i64} {
  func.func @_tc1_body(%arg0: i32, %arg1: memref<1024x128xf32, #tpu.memory_space<vmem>>, %arg2: memref<4x1024x32xf32, #tpu.memory_space<vmem>>, %arg3: memref<2x1024x16xf32, #tpu.memory_space<vmem>>, %arg4: memref<128x128xf32, #tpu.memory_space<vmem>>, %arg5: memref<1024x128xf32, #tpu.memory_space<vmem>>, %arg6: memref<4x1024x32xf32, #tpu.memory_space<vmem>>, %arg7: memref<1024x16xf32, #tpu.memory_space<vmem>>) attributes {dimension_semantics = [#tpu.dimension_semantics<arbitrary>], iteration_bounds = array<i64: 10>, scalar_prefetch = 0 : i64, scratch_operands = 0 : i64, tpu.core_type = #tpu.core_type<tc>, window_params = [{transform_indices = @transform_0, window_bounds = array<i64: 1024, 128>}, {transform_indices = @transform_1, window_bounds = array<i64: 4, 1024, 32>}, {transform_indices = @transform_2, window_bounds = array<i64: 2, 1024, 16>}, {pipeline_mode = #tpu.pipeline_mode<synchronous>, transform_indices = @transform_3, window_bounds = array<i64: 128, 128>}, {transform_indices = @transform_4, window_bounds = array<i64: 1024, 128>}, {transform_indices = @transform_5, window_bounds = array<i64: 4, 1024, 32>}, {transform_indices = @transform_6, window_bounds = array<i64: 1024, 16>}]} {
    %get3A = arith.constant 0 : index
    %get3A_0 = arith.constant 0 : index
    %get3A_1 = arith.constant 0 : index
    %get3A_2 = vector.load %arg3[%get3A, %get3A_0, %get3A_1] : memref<2x1024x16xf32, #tpu.memory_space<vmem>>, vector<1x1024x1xf32>
    %get3A_3 = vector.shape_cast %get3A_2 : vector<1x1024x1xf32> to vector<1024x1xf32>
    %get3A_4 = arith.constant 1 : index
    %get3A_5 = arith.constant 0 : index
    %get3A_6 = arith.constant 0 : index
    %get3A_7 = vector.load %arg3[%get3A_4, %get3A_5, %get3A_6] : memref<2x1024x16xf32, #tpu.memory_space<vmem>>, vector<1x1024x1xf32>
    %get3A_8 = vector.shape_cast %get3A_7 : vector<1x1024x1xf32> to vector<1024x1xf32>
    %add3A = arith.addf %get3A_3, %get3A_8 : vector<1024x1xf32>
    %max3A = arith.constant 1.000000e+00 : f32
    %max3A_9 = vector.broadcast %max3A : f32 to vector<1024x1xf32>
    %max3A_10 = arith.maximumf %add3A, %max3A_9 : vector<1024x1xf32>
    %div3A = arith.constant 1.000000e+00 : f32
    %div3A_11 = vector.broadcast %div3A : f32 to vector<1024x1xf32>
    %div3A_12 = arith.divf %div3A_11, %max3A_10 : vector<1024x1xf32>
    %get3A_13 = arith.constant 0 : index
    %get3A_14 = arith.constant 0 : index
    %get3A_15 = arith.constant 0 : index
    %get3A_16 = vector.load %arg2[%get3A_13, %get3A_14, %get3A_15] : memref<4x1024x32xf32, #tpu.memory_space<vmem>>, vector<1x1024x32xf32>
    %get3A_17 = vector.shape_cast %get3A_16 : vector<1x1024x32xf32> to vector<1024x32xf32>
    %get3A_18 = arith.constant 1 : index
    %get3A_19 = arith.constant 0 : index
    %get3A_20 = arith.constant 0 : index
    %get3A_21 = vector.load %arg2[%get3A_18, %get3A_19, %get3A_20] : memref<4x1024x32xf32, #tpu.memory_space<vmem>>, vector<1x1024x32xf32>
    %get3A_22 = vector.shape_cast %get3A_21 : vector<1x1024x32xf32> to vector<1024x32xf32>
    %get3A_23 = arith.constant 2 : index
    %get3A_24 = arith.constant 0 : index
    %get3A_25 = arith.constant 0 : index
    %get3A_26 = vector.load %arg2[%get3A_23, %get3A_24, %get3A_25] : memref<4x1024x32xf32, #tpu.memory_space<vmem>>, vector<1x1024x32xf32>
    %get3A_27 = vector.shape_cast %get3A_26 : vector<1x1024x32xf32> to vector<1024x32xf32>
    %get3A_28 = arith.constant 3 : index
    %get3A_29 = arith.constant 0 : index
    %get3A_30 = arith.constant 0 : index
    %get3A_31 = vector.load %arg2[%get3A_28, %get3A_29, %get3A_30] : memref<4x1024x32xf32, #tpu.memory_space<vmem>>, vector<1x1024x32xf32>
    %get3A_32 = vector.shape_cast %get3A_31 : vector<1x1024x32xf32> to vector<1024x32xf32>
    %concatenate3A = tpu.concatenate %get3A_17, %get3A_22, %get3A_27, %get3A_32 in 1 : vector<1024x32xf32>, vector<1024x32xf32>, vector<1024x32xf32>, vector<1024x32xf32> -> vector<1024x128xf32>
    %mul3A = vector.broadcast %div3A_12 : vector<1024x1xf32> to vector<1024x128xf32>
    %mul3A_33 = arith.mulf %concatenate3A, %mul3A : vector<1024x128xf32>
    %get3A_34 = arith.constant 0 : index
    %get3A_35 = arith.constant 0 : index
    %get3A_36 = vector.load %arg1[%get3A_34, %get3A_35] : memref<1024x128xf32, #tpu.memory_space<vmem>>, vector<1024x128xf32>
    %get3A_37 = arith.constant 0 : index
    %get3A_38 = arith.constant 0 : index
    %get3A_39 = vector.load %arg4[%get3A_37, %get3A_38] : memref<128x128xf32, #tpu.memory_space<vmem>>, vector<128x128xf32>
    %dot_general3A = arith.constant dense<0.000000e+00> : vector<1024x128xf32>
    %dot_general3A_40 = tpu.matmul %mul3A_33, %get3A_39, %dot_general3A {dimension_numbers = #tpu.dot_dimension_numbers<[1], [0], [0], [1], [0, 0, 1, 1], [], []>, transpose_lhs_hint = false} : vector<1024x128xf32>, vector<128x128xf32>, vector<1024x128xf32> -> vector<1024x128xf32>
    %add3A_41 = arith.addf %get3A_36, %dot_general3A_40 : vector<1024x128xf32>
    %max3A_42 = arith.constant 0.000000e+00 : f32
    %max3A_43 = vector.broadcast %max3A_42 : f32 to vector<1024x128xf32>
    %max3A_44 = arith.maximumf %add3A_41, %max3A_43 : vector<1024x128xf32>
    %swap3A = arith.constant 0 : index
    %swap3A_45 = arith.constant 0 : index
    %swap3A_46 = vector.load %arg5[%swap3A, %swap3A_45] : memref<1024x128xf32, #tpu.memory_space<vmem>>, vector<1024x128xf32>
    tpu.vector_store %arg5[%swap3A, %swap3A_45], %max3A_44 {strides = array<i32>} : memref<1024x128xf32, #tpu.memory_space<vmem>>, vector<1024x128xf32>,
    %slice3A = vector.extract_strided_slice %max3A_44 {offsets = [0, 0], sizes = [1024, 32], strides = [1, 1]} : vector<1024x128xf32> to vector<1024x32xf32>
    %swap3A_47 = arith.constant 0 : index
    %swap3A_48 = arith.constant 0 : index
    %swap3A_49 = arith.constant 0 : index
    %swap3A_50 = vector.load %arg6[%swap3A_47, %swap3A_48, %swap3A_49] : memref<4x1024x32xf32, #tpu.memory_space<vmem>>, vector<1x1024x32xf32>
    %swap3A_51 = vector.shape_cast %swap3A_50 : vector<1x1024x32xf32> to vector<1024x32xf32>
    %swap3A_52 = vector.shape_cast %slice3A : vector<1024x32xf32> to vector<1x1024x32xf32>
    tpu.vector_store %arg6[%swap3A_47, %swap3A_48, %swap3A_49], %swap3A_52 {strides = array<i32>} : memref<4x1024x32xf32, #tpu.memory_space<vmem>>, vector<1x1024x32xf32>,
    %slice3A_53 = vector.extract_strided_slice %max3A_44 {offsets = [0, 32], sizes = [1024, 32], strides = [1, 1]} : vector<1024x128xf32> to vector<1024x32xf32>
    %swap3A_54 = arith.constant 1 : index
    %swap3A_55 = arith.constant 0 : index
    %swap3A_56 = arith.constant 0 : index
    %swap3A_57 = vector.load %arg6[%swap3A_54, %swap3A_55, %swap3A_56] : memref<4x1024x32xf32, #tpu.memory_space<vmem>>, vector<1x1024x32xf32>
    %swap3A_58 = vector.shape_cast %swap3A_57 : vector<1x1024x32xf32> to vector<1024x32xf32>
    %swap3A_59 = vector.shape_cast %slice3A_53 : vector<1024x32xf32> to vector<1x1024x32xf32>
    tpu.vector_store %arg6[%swap3A_54, %swap3A_55, %swap3A_56], %swap3A_59 {strides = array<i32>} : memref<4x1024x32xf32, #tpu.memory_space<vmem>>, vector<1x1024x32xf32>,
    %slice3A_60 = vector.extract_strided_slice %max3A_44 {offsets = [0, 64], sizes = [1024, 32], strides = [1, 1]} : vector<1024x128xf32> to vector<1024x32xf32>
    %swap3A_61 = arith.constant 2 : index
    %swap3A_62 = arith.constant 0 : index
    %swap3A_63 = arith.constant 0 : index
    %swap3A_64 = vector.load %arg6[%swap3A_61, %swap3A_62, %swap3A_63] : memref<4x1024x32xf32, #tpu.memory_space<vmem>>, vector<1x1024x32xf32>
    %swap3A_65 = vector.shape_cast %swap3A_64 : vector<1x1024x32xf32> to vector<1024x32xf32>
    %swap3A_66 = vector.shape_cast %slice3A_60 : vector<1024x32xf32> to vector<1x1024x32xf32>
    tpu.vector_store %arg6[%swap3A_61, %swap3A_62, %swap3A_63], %swap3A_66 {strides = array<i32>} : memref<4x1024x32xf32, #tpu.memory_space<vmem>>, vector<1x1024x32xf32>,
    %slice3A_67 = vector.extract_strided_slice %max3A_44 {offsets = [0, 96], sizes = [1024, 32], strides = [1, 1]} : vector<1024x128xf32> to vector<1024x32xf32>
    %swap3A_68 = arith.constant 3 : index
    %swap3A_69 = arith.constant 0 : index
    %swap3A_70 = arith.constant 0 : index
    %swap3A_71 = vector.load %arg6[%swap3A_68, %swap3A_69, %swap3A_70] : memref<4x1024x32xf32, #tpu.memory_space<vmem>>, vector<1x1024x32xf32>
    %swap3A_72 = vector.shape_cast %swap3A_71 : vector<1x1024x32xf32> to vector<1024x32xf32>
    %swap3A_73 = vector.shape_cast %slice3A_67 : vector<1024x32xf32> to vector<1x1024x32xf32>
    tpu.vector_store %arg6[%swap3A_68, %swap3A_69, %swap3A_70], %swap3A_73 {strides = array<i32>} : memref<4x1024x32xf32, #tpu.memory_space<vmem>>, vector<1x1024x32xf32>,
    %broadcast_in_dim3A = vector.shape_cast %div3A_12 : vector<1024x1xf32> to vector<1024x1xf32>
    %broadcast_in_dim3A_74 = vector.broadcast %broadcast_in_dim3A : vector<1024x1xf32> to vector<1024x16xf32>
    %swap3A_75 = arith.constant 0 : index
    %swap3A_76 = arith.constant 0 : index
    %swap3A_77 = vector.load %arg7[%swap3A_75, %swap3A_76] : memref<1024x16xf32, #tpu.memory_space<vmem>>, vector<1024x16xf32>
    tpu.vector_store %arg7[%swap3A_75, %swap3A_76], %broadcast_in_dim3A_74 {strides = array<i32>} : memref<1024x16xf32, #tpu.memory_space<vmem>>, vector<1024x16xf32>,
    return
  }
  func.func @transform_0(%arg0: i32) -> (i32, i32) {
    %c0_i32 = arith.constant 0 : i32
    %c0_i32_0 = arith.constant 0 : i32
    return %arg0, %c0_i32 : i32, i32
  }
  func.func @transform_1(%arg0: i32) -> (i32, i32, i32) {
    %c0_i32 = arith.constant 0 : i32
    %c0_i32_0 = arith.constant 0 : i32
    %c0_i32_1 = arith.constant 0 : i32
    return %c0_i32, %arg0, %c0_i32_0 : i32, i32, i32
  }
  func.func @transform_2(%arg0: i32) -> (i32, i32, i32) {
    %c0_i32 = arith.constant 0 : i32
    %c0_i32_0 = arith.constant 0 : i32
    %c0_i32_1 = arith.constant 0 : i32
    return %c0_i32, %arg0, %c0_i32_0 : i32, i32, i32
  }
  func.func @transform_3(%arg0: i32) -> (i32, i32) {
    %c0_i32 = arith.constant 0 : i32
    %c0_i32_0 = arith.constant 0 : i32
    %c0_i32_1 = arith.constant 0 : i32
    return %c0_i32, %c0_i32_0 : i32, i32
  }
  func.func @transform_4(%arg0: i32) -> (i32, i32) {
    %c0_i32 = arith.constant 0 : i32
    %c0_i32_0 = arith.constant 0 : i32
    return %arg0, %c0_i32 : i32, i32
  }
  func.func @transform_5(%arg0: i32) -> (i32, i32, i32) {
    %c0_i32 = arith.constant 0 : i32
    %c0_i32_0 = arith.constant 0 : i32
    %c0_i32_1 = arith.constant 0 : i32
    return %c0_i32, %arg0, %c0_i32_0 : i32, i32, i32
  }
  func.func @transform_6(%arg0: i32) -> (i32, i32) {
    %c0_i32 = arith.constant 0 : i32
    %c0_i32_0 = arith.constant 0 : i32
    return %arg0, %c0_i32 : i32, i32
  }
}

module attributes {stable_mosaic.version = 14 : i64} {
  func.func @_tc2_body(%arg0: i32, %arg1: memref<1024x128xf32, #tpu.memory_space<vmem>>, %arg2: memref<4x1024x32xf32, #tpu.memory_space<vmem>>, %arg3: memref<1024x16xf32, #tpu.memory_space<vmem>>, %arg4: memref<128x128xf32, #tpu.memory_space<vmem>>, %arg5: memref<1024x128xf32, #tpu.memory_space<vmem>>, %arg6: memref<4x1024x32xf32, #tpu.memory_space<vmem>>) attributes {dimension_semantics = [#tpu.dimension_semantics<arbitrary>], iteration_bounds = array<i64: 10>, scalar_prefetch = 0 : i64, scratch_operands = 0 : i64, tpu.core_type = #tpu.core_type<tc>, window_params = [{transform_indices = @transform_0, window_bounds = array<i64: 1024, 128>}, {transform_indices = @transform_1, window_bounds = array<i64: 4, 1024, 32>}, {transform_indices = @transform_2, window_bounds = array<i64: 1024, 16>}, {pipeline_mode = #tpu.pipeline_mode<synchronous>, transform_indices = @transform_3, window_bounds = array<i64: 128, 128>}, {transform_indices = @transform_4, window_bounds = array<i64: 1024, 128>}, {transform_indices = @transform_5, window_bounds = array<i64: 4, 1024, 32>}]} {
    %get3A = arith.constant 0 : index
    %get3A_0 = arith.constant 0 : index
    %get3A_1 = vector.load %arg3[%get3A, %get3A_0] : memref<1024x16xf32, #tpu.memory_space<vmem>>, vector<1024x1xf32>
    %get3A_2 = arith.constant 0 : index
    %get3A_3 = arith.constant 0 : index
    %get3A_4 = arith.constant 0 : index
    %get3A_5 = vector.load %arg2[%get3A_2, %get3A_3, %get3A_4] : memref<4x1024x32xf32, #tpu.memory_space<vmem>>, vector<1x1024x32xf32>
    %get3A_6 = vector.shape_cast %get3A_5 : vector<1x1024x32xf32> to vector<1024x32xf32>
    %get3A_7 = arith.constant 1 : index
    %get3A_8 = arith.constant 0 : index
    %get3A_9 = arith.constant 0 : index
    %get3A_10 = vector.load %arg2[%get3A_7, %get3A_8, %get3A_9] : memref<4x1024x32xf32, #tpu.memory_space<vmem>>, vector<1x1024x32xf32>
    %get3A_11 = vector.shape_cast %get3A_10 : vector<1x1024x32xf32> to vector<1024x32xf32>
    %get3A_12 = arith.constant 2 : index
    %get3A_13 = arith.constant 0 : index
    %get3A_14 = arith.constant 0 : index
    %get3A_15 = vector.load %arg2[%get3A_12, %get3A_13, %get3A_14] : memref<4x1024x32xf32, #tpu.memory_space<vmem>>, vector<1x1024x32xf32>
    %get3A_16 = vector.shape_cast %get3A_15 : vector<1x1024x32xf32> to vector<1024x32xf32>
    %get3A_17 = arith.constant 3 : index
    %get3A_18 = arith.constant 0 : index
    %get3A_19 = arith.constant 0 : index
    %get3A_20 = vector.load %arg2[%get3A_17, %get3A_18, %get3A_19] : memref<4x1024x32xf32, #tpu.memory_space<vmem>>, vector<1x1024x32xf32>
    %get3A_21 = vector.shape_cast %get3A_20 : vector<1x1024x32xf32> to vector<1024x32xf32>
    %concatenate3A = tpu.concatenate %get3A_6, %get3A_11, %get3A_16, %get3A_21 in 1 : vector<1024x32xf32>, vector<1024x32xf32>, vector<1024x32xf32>, vector<1024x32xf32> -> vector<1024x128xf32>
    %mul3A = vector.broadcast %get3A_1 : vector<1024x1xf32> to vector<1024x128xf32>
    %mul3A_22 = arith.mulf %concatenate3A, %mul3A : vector<1024x128xf32>
    %get3A_23 = arith.constant 0 : index
    %get3A_24 = arith.constant 0 : index
    %get3A_25 = vector.load %arg1[%get3A_23, %get3A_24] : memref<1024x128xf32, #tpu.memory_space<vmem>>, vector<1024x128xf32>
    %get3A_26 = arith.constant 0 : index
    %get3A_27 = arith.constant 0 : index
    %get3A_28 = vector.load %arg4[%get3A_26, %get3A_27] : memref<128x128xf32, #tpu.memory_space<vmem>>, vector<128x128xf32>
    %dot_general3A = arith.constant dense<0.000000e+00> : vector<1024x128xf32>
    %dot_general3A_29 = tpu.matmul %mul3A_22, %get3A_28, %dot_general3A {dimension_numbers = #tpu.dot_dimension_numbers<[1], [0], [0], [1], [0, 0, 1, 1], [], []>, transpose_lhs_hint = false} : vector<1024x128xf32>, vector<128x128xf32>, vector<1024x128xf32> -> vector<1024x128xf32>
    %add3A = arith.addf %get3A_25, %dot_general3A_29 : vector<1024x128xf32>
    %max3A = arith.constant 0.000000e+00 : f32
    %max3A_30 = vector.broadcast %max3A : f32 to vector<1024x128xf32>
    %max3A_31 = arith.maximumf %add3A, %max3A_30 : vector<1024x128xf32>
    %swap3A = arith.constant 0 : index
    %swap3A_32 = arith.constant 0 : index
    %swap3A_33 = vector.load %arg5[%swap3A, %swap3A_32] : memref<1024x128xf32, #tpu.memory_space<vmem>>, vector<1024x128xf32>
    tpu.vector_store %arg5[%swap3A, %swap3A_32], %max3A_31 {strides = array<i32>} : memref<1024x128xf32, #tpu.memory_space<vmem>>, vector<1024x128xf32>,
    %slice3A = vector.extract_strided_slice %max3A_31 {offsets = [0, 0], sizes = [1024, 32], strides = [1, 1]} : vector<1024x128xf32> to vector<1024x32xf32>
    %swap3A_34 = arith.constant 0 : index
    %swap3A_35 = arith.constant 0 : index
    %swap3A_36 = arith.constant 0 : index
    %swap3A_37 = vector.load %arg6[%swap3A_34, %swap3A_35, %swap3A_36] : memref<4x1024x32xf32, #tpu.memory_space<vmem>>, vector<1x1024x32xf32>
    %swap3A_38 = vector.shape_cast %swap3A_37 : vector<1x1024x32xf32> to vector<1024x32xf32>
    %swap3A_39 = vector.shape_cast %slice3A : vector<1024x32xf32> to vector<1x1024x32xf32>
    tpu.vector_store %arg6[%swap3A_34, %swap3A_35, %swap3A_36], %swap3A_39 {strides = array<i32>} : memref<4x1024x32xf32, #tpu.memory_space<vmem>>, vector<1x1024x32xf32>,
    %slice3A_40 = vector.extract_strided_slice %max3A_31 {offsets = [0, 32], sizes = [1024, 32], strides = [1, 1]} : vector<1024x128xf32> to vector<1024x32xf32>
    %swap3A_41 = arith.constant 1 : index
    %swap3A_42 = arith.constant 0 : index
    %swap3A_43 = arith.constant 0 : index
    %swap3A_44 = vector.load %arg6[%swap3A_41, %swap3A_42, %swap3A_43] : memref<4x1024x32xf32, #tpu.memory_space<vmem>>, vector<1x1024x32xf32>
    %swap3A_45 = vector.shape_cast %swap3A_44 : vector<1x1024x32xf32> to vector<1024x32xf32>
    %swap3A_46 = vector.shape_cast %slice3A_40 : vector<1024x32xf32> to vector<1x1024x32xf32>
    tpu.vector_store %arg6[%swap3A_41, %swap3A_42, %swap3A_43], %swap3A_46 {strides = array<i32>} : memref<4x1024x32xf32, #tpu.memory_space<vmem>>, vector<1x1024x32xf32>,
    %slice3A_47 = vector.extract_strided_slice %max3A_31 {offsets = [0, 64], sizes = [1024, 32], strides = [1, 1]} : vector<1024x128xf32> to vector<1024x32xf32>
    %swap3A_48 = arith.constant 2 : index
    %swap3A_49 = arith.constant 0 : index
    %swap3A_50 = arith.constant 0 : index
    %swap3A_51 = vector.load %arg6[%swap3A_48, %swap3A_49, %swap3A_50] : memref<4x1024x32xf32, #tpu.memory_space<vmem>>, vector<1x1024x32xf32>
    %swap3A_52 = vector.shape_cast %swap3A_51 : vector<1x1024x32xf32> to vector<1024x32xf32>
    %swap3A_53 = vector.shape_cast %slice3A_47 : vector<1024x32xf32> to vector<1x1024x32xf32>
    tpu.vector_store %arg6[%swap3A_48, %swap3A_49, %swap3A_50], %swap3A_53 {strides = array<i32>} : memref<4x1024x32xf32, #tpu.memory_space<vmem>>, vector<1x1024x32xf32>,
    %slice3A_54 = vector.extract_strided_slice %max3A_31 {offsets = [0, 96], sizes = [1024, 32], strides = [1, 1]} : vector<1024x128xf32> to vector<1024x32xf32>
    %swap3A_55 = arith.constant 3 : index
    %swap3A_56 = arith.constant 0 : index
    %swap3A_57 = arith.constant 0 : index
    %swap3A_58 = vector.load %arg6[%swap3A_55, %swap3A_56, %swap3A_57] : memref<4x1024x32xf32, #tpu.memory_space<vmem>>, vector<1x1024x32xf32>
    %swap3A_59 = vector.shape_cast %swap3A_58 : vector<1x1024x32xf32> to vector<1024x32xf32>
    %swap3A_60 = vector.shape_cast %slice3A_54 : vector<1024x32xf32> to vector<1x1024x32xf32>
    tpu.vector_store %arg6[%swap3A_55, %swap3A_56, %swap3A_57], %swap3A_60 {strides = array<i32>} : memref<4x1024x32xf32, #tpu.memory_space<vmem>>, vector<1x1024x32xf32>,
    return
  }
  func.func @transform_0(%arg0: i32) -> (i32, i32) {
    %c0_i32 = arith.constant 0 : i32
    %c0_i32_0 = arith.constant 0 : i32
    return %arg0, %c0_i32 : i32, i32
  }
  func.func @transform_1(%arg0: i32) -> (i32, i32, i32) {
    %c0_i32 = arith.constant 0 : i32
    %c0_i32_0 = arith.constant 0 : i32
    %c0_i32_1 = arith.constant 0 : i32
    return %c0_i32, %arg0, %c0_i32_0 : i32, i32, i32
  }
  func.func @transform_2(%arg0: i32) -> (i32, i32) {
    %c0_i32 = arith.constant 0 : i32
    %c0_i32_0 = arith.constant 0 : i32
    return %arg0, %c0_i32 : i32, i32
  }
  func.func @transform_3(%arg0: i32) -> (i32, i32) {
    %c0_i32 = arith.constant 0 : i32
    %c0_i32_0 = arith.constant 0 : i32
    %c0_i32_1 = arith.constant 0 : i32
    return %c0_i32, %c0_i32_0 : i32, i32
  }
  func.func @transform_4(%arg0: i32) -> (i32, i32) {
    %c0_i32 = arith.constant 0 : i32
    %c0_i32_0 = arith.constant 0 : i32
    return %arg0, %c0_i32 : i32, i32
  }
  func.func @transform_5(%arg0: i32) -> (i32, i32, i32) {
    %c0_i32 = arith.constant 0 : i32
    %c0_i32_0 = arith.constant 0 : i32
    %c0_i32_1 = arith.constant 0 : i32
    return %c0_i32, %arg0, %c0_i32_0 : i32, i32, i32
  }
}

module attributes {stable_mosaic.version = 14 : i64} {
  func.func @_tc3_body(%arg0: i32, %arg1: memref<1024x128xf32, #tpu.memory_space<vmem>>, %arg2: memref<4x1024x32xf32, #tpu.memory_space<vmem>>, %arg3: memref<1024x16xf32, #tpu.memory_space<vmem>>, %arg4: memref<128x128xf32, #tpu.memory_space<vmem>>, %arg5: memref<1024x128xf32, #tpu.memory_space<vmem>>) attributes {dimension_semantics = [#tpu.dimension_semantics<arbitrary>], iteration_bounds = array<i64: 10>, scalar_prefetch = 0 : i64, scratch_operands = 0 : i64, tpu.core_type = #tpu.core_type<tc>, window_params = [{transform_indices = @transform_0, window_bounds = array<i64: 1024, 128>}, {transform_indices = @transform_1, window_bounds = array<i64: 4, 1024, 32>}, {transform_indices = @transform_2, window_bounds = array<i64: 1024, 16>}, {pipeline_mode = #tpu.pipeline_mode<synchronous>, transform_indices = @transform_3, window_bounds = array<i64: 128, 128>}, {transform_indices = @transform_4, window_bounds = array<i64: 1024, 128>}]} {
    %get3A = arith.constant 0 : index
    %get3A_0 = arith.constant 0 : index
    %get3A_1 = vector.load %arg3[%get3A, %get3A_0] : memref<1024x16xf32, #tpu.memory_space<vmem>>, vector<1024x1xf32>
    %get3A_2 = arith.constant 0 : index
    %get3A_3 = arith.constant 0 : index
    %get3A_4 = arith.constant 0 : index
    %get3A_5 = vector.load %arg2[%get3A_2, %get3A_3, %get3A_4] : memref<4x1024x32xf32, #tpu.memory_space<vmem>>, vector<1x1024x32xf32>
    %get3A_6 = vector.shape_cast %get3A_5 : vector<1x1024x32xf32> to vector<1024x32xf32>
    %get3A_7 = arith.constant 1 : index
    %get3A_8 = arith.constant 0 : index
    %get3A_9 = arith.constant 0 : index
    %get3A_10 = vector.load %arg2[%get3A_7, %get3A_8, %get3A_9] : memref<4x1024x32xf32, #tpu.memory_space<vmem>>, vector<1x1024x32xf32>
    %get3A_11 = vector.shape_cast %get3A_10 : vector<1x1024x32xf32> to vector<1024x32xf32>
    %get3A_12 = arith.constant 2 : index
    %get3A_13 = arith.constant 0 : index
    %get3A_14 = arith.constant 0 : index
    %get3A_15 = vector.load %arg2[%get3A_12, %get3A_13, %get3A_14] : memref<4x1024x32xf32, #tpu.memory_space<vmem>>, vector<1x1024x32xf32>
    %get3A_16 = vector.shape_cast %get3A_15 : vector<1x1024x32xf32> to vector<1024x32xf32>
    %get3A_17 = arith.constant 3 : index
    %get3A_18 = arith.constant 0 : index
    %get3A_19 = arith.constant 0 : index
    %get3A_20 = vector.load %arg2[%get3A_17, %get3A_18, %get3A_19] : memref<4x1024x32xf32, #tpu.memory_space<vmem>>, vector<1x1024x32xf32>
    %get3A_21 = vector.shape_cast %get3A_20 : vector<1x1024x32xf32> to vector<1024x32xf32>
    %concatenate3A = tpu.concatenate %get3A_6, %get3A_11, %get3A_16, %get3A_21 in 1 : vector<1024x32xf32>, vector<1024x32xf32>, vector<1024x32xf32>, vector<1024x32xf32> -> vector<1024x128xf32>
    %mul3A = vector.broadcast %get3A_1 : vector<1024x1xf32> to vector<1024x128xf32>
    %mul3A_22 = arith.mulf %concatenate3A, %mul3A : vector<1024x128xf32>
    %get3A_23 = arith.constant 0 : index
    %get3A_24 = arith.constant 0 : index
    %get3A_25 = vector.load %arg1[%get3A_23, %get3A_24] : memref<1024x128xf32, #tpu.memory_space<vmem>>, vector<1024x128xf32>
    %get3A_26 = arith.constant 0 : index
    %get3A_27 = arith.constant 0 : index
    %get3A_28 = vector.load %arg4[%get3A_26, %get3A_27] : memref<128x128xf32, #tpu.memory_space<vmem>>, vector<128x128xf32>
    %dot_general3A = arith.constant dense<0.000000e+00> : vector<1024x128xf32>
    %dot_general3A_29 = tpu.matmul %mul3A_22, %get3A_28, %dot_general3A {dimension_numbers = #tpu.dot_dimension_numbers<[1], [0], [0], [1], [0, 0, 1, 1], [], []>, transpose_lhs_hint = false} : vector<1024x128xf32>, vector<128x128xf32>, vector<1024x128xf32> -> vector<1024x128xf32>
    %add3A = arith.addf %get3A_25, %dot_general3A_29 : vector<1024x128xf32>
    %swap3A = arith.constant 0 : index
    %swap3A_30 = arith.constant 0 : index
    %swap3A_31 = vector.load %arg5[%swap3A, %swap3A_30] : memref<1024x128xf32, #tpu.memory_space<vmem>>, vector<1024x128xf32>
    tpu.vector_store %arg5[%swap3A, %swap3A_30], %add3A {strides = array<i32>} : memref<1024x128xf32, #tpu.memory_space<vmem>>, vector<1024x128xf32>,
    return
  }
  func.func @transform_0(%arg0: i32) -> (i32, i32) {
    %c0_i32 = arith.constant 0 : i32
    %c0_i32_0 = arith.constant 0 : i32
    return %arg0, %c0_i32 : i32, i32
  }
  func.func @transform_1(%arg0: i32) -> (i32, i32, i32) {
    %c0_i32 = arith.constant 0 : i32
    %c0_i32_0 = arith.constant 0 : i32
    %c0_i32_1 = arith.constant 0 : i32
    return %c0_i32, %arg0, %c0_i32_0 : i32, i32, i32
  }
  func.func @transform_2(%arg0: i32) -> (i32, i32) {
    %c0_i32 = arith.constant 0 : i32
    %c0_i32_0 = arith.constant 0 : i32
    return %arg0, %c0_i32 : i32, i32
  }
  func.func @transform_3(%arg0: i32) -> (i32, i32) {
    %c0_i32 = arith.constant 0 : i32
    %c0_i32_0 = arith.constant 0 : i32
    %c0_i32_1 = arith.constant 0 : i32
    return %c0_i32, %c0_i32_0 : i32, i32
  }
  func.func @transform_4(%arg0: i32) -> (i32, i32) {
    %c0_i32 = arith.constant 0 : i32
    %c0_i32_0 = arith.constant 0 : i32
    return %arg0, %c0_i32 : i32, i32
  }
}

</mosaic_0001>

<sc_bundles>
// kernel: kernel.11.cloned.1.call-start
scs
__scs_entry_jumppad:
0x0: {  	(pc) =	sbr.rel $0x88, $3  }
0x1: {  	(tag) =	ssettag $0x0;
	lr =	simm.s32 $0x1  }
0x2: {  	[smem:$0x3F96] =	sst lr;
	_ =	strace $0xD0000000  }
0x3: {  	_ = 	snop  }
0x4: {  	_ = 	snop  }
0x5: {  	_ = 	snop  }
0x6: {  	_ = 	snop  }
0x7: {  	_ = 	snop  }
__scs_overlays_trampoline_lowered:
0x8: {  	[smem:$0x3FA5] =	sst s0  }
0x9: {  	[smem:$0x3FA6] =	sst s1  }
0xa: {  	[smem:$0x3FA7] =	sst s2  }
0xb: {  	[smem:$0x3FA8] =	sst s3  }
0xc: {  	[smem:$0x3FA9] =	sst s4  }
0xd: {  	[smem:$0x3FAA] =	sst s5  }
0xe: {  	[smem:$0x3FAB] =	sst s6  }
0xf: {  	[smem:$0x3FAC] =	sst s7  }
0x10: {  	[smem:$0x3FAD] =	sst s8  }
0x11: {  	[smem:$0x3FAE] =	sst s9;
	s0 =	simm.s32 @!p0 $0x0  }
0x12: {  	s1 =	sld [smem:$0x3F94];
	s0 =	simm.s32 @p0 $0x1  }
0x13: {  	[smem:$0x3FAF] =	sst s0;
	s0 =	simm.s32 @!p1 $0x0  }
0x14: {  	s2 =	sld [smem:$0x3F93];
	s0 =	simm.s32 @p1 $0x1  }
0x15: {  	[smem:$0x3FB0] =	sst s0;
	s0 =	simm.s32 @!p2 $0x0  }
0x16: {  	s3 =	sld [smem:$0x3FDB];
	s0 =	simm.s32 @p2 $0x1  }
0x17: {  	s4 =	simm.s32 $0x1BF5;
	[smem:$0x3FB2] =	sst s0  }
0x18: {  	s0 =	sld [smem:$0x3F95];
	_ =	swait.ge [sflag:s4], $0x0  }
0x19: {  	s7 =	sld [smem:$0x3F96]  }
0x1a: {  	s8 =	sadd.s32 $0xFFFFE003, lr  }
0x1b: {  	s9 =	sadd.s32 $0xFFFFFEF7, lr;
	s5 =	simm.s32 $0xFFFFFFFF;
	p2 =	slt.u32 s8, $0xFFFFF086  }
0x1c: {  	p1 =	slt.u32 s9, $0xF7A;
	s5 =	simm.s32 @!p2 $0x0  }
0x1d: {  	s5 =	simm.s32 @p1 $0x1;
	p0 =	seq.s32 s7, s2  }
0x1e: {  	s7 =	smul.u32 @!p0 $0xF7A, s2;
	p2 =	seq.s32 @!p0 s5, $0x0  }
0x1f: {  	s9 =	smul.u32 $0xF7A, s1;
	s8 =	simm.s32 @!p0 $0x1BF5;
	p2 =	por !p2, p0  }
0x20: {  	[sflag:s8] =	ssyncset.s32 @!p0 $0xFFFFF086;
	s6 =	sadd.s32 @!p0 s3, s7;
	s7 =	simm.s32 @!p0 $0x108  }
0x21: {  	s3 =	sadd.s32 s3, s9;
	s6 =	sadd.s32 @!p0 $0x88, s6;
	s7 =	simm.s32 @p2 $0x1082  }
0x22: {  	[simem:s7], [sflag:s8] =	dma.local @!p0 [hbm:s6], $0xF7A  }
0x23: {  	s9 =	sor.u32 $0xD0000000, s2;
	s6 =	simm.s32 $0x108;
	_ =	swait.ge @!p0 [sflag:s8], $0x0  }
0x24: {  	s3 =	sadd.s32 $0x88, s3;
	s6 =	simm.s32 @!p1 $0x1082;
	[sflag:s4] =	ssyncset.s32 $0xFFFFF086  }
0x25: {  	[simem:s6], [sflag:s4] =	dma.local [hbm:s3], $0xF7A  }
0x26: {  	[smem:$0x3F96] =	sst s1;
	(tag) =	ssettag s2;
	_ =	strace s9  }
0x27: {  	s1 =	sld [smem:$0x3FA6]  }
0x28: {  	s2 =	sld [smem:$0x3FA7]  }
0x29: {  	s4 =	sld [smem:$0x3FA9]  }
0x2a: {  	p0 =	seq.s32 s5, $0x0;
	s5 =	sld [smem:$0x3FAA]  }
0x2b: {  	s6 =	sld [smem:$0x3FAB]  }
0x2c: {  	s7 =	sld [smem:$0x3FAC]  }
0x2d: {  	s3 =	simm.s32 $0x108;
	s8 =	sld [smem:$0x3FAD]  }
0x2e: {  	s3 =	simm.s32 @!p0 $0x1082;
	s9 =	sld [smem:$0x3FAE]  }
0x2f: {  	lr =	sadd.s32 s0, s3;
	s0 =	sld [smem:$0x3FA5]  }
0x30: {  	s3 =	sld [smem:$0x3FA8]  }
0x31: {  	[smem:$0x3FB1] =	sst s10  }
0x32: {  	s10 =	sld [smem:$0x3FAF];
	_ =	sdelay $0x3  }
0x33: {  	p0 =	seq.s32 s10, $0x1;
	s10 =	sld [smem:$0x3FB1];
	_ =	sdelay $0x3  }
0x34: {  	[smem:$0x3FB1] =	sst s10  }
0x35: {  	s10 =	sld [smem:$0x3FB0];
	_ =	sdelay $0x3  }
0x36: {  	p1 =	seq.s32 s10, $0x1;
	s10 =	sld [smem:$0x3FB1];
	_ =	sdelay $0x3  }
0x37: {  	[smem:$0x3FB1] =	sst s10  }
0x38: {  	s10 =	sld [smem:$0x3FB2]  }
0x39: {  	_ = 	snop;
	(pc) =	sbr.ind lr, $3  }
0x3a: {  	_ = 	snop  }
0x3b: {  	_ = 	snop  }
0x3c: {  	p2 =	seq.s32 s10, $0x1;
	s10 =	sld [smem:$0x3FB1]  }
0x3d: {  	_ =	shalt  }
0x3e: {  	_ =	shalt  }
0x3f: {  	_ =	shalt  }
0x40: {  	_ =	shalt  }
0x41: {  	_ =	shalt  }
0x42: {  	_ =	shalt  }
0x43: {  	_ =	shalt  }
0x44: {  	_ =	shalt  }
0x45: {  	_ =	shalt  }
0x46: {  	_ =	shalt  }
0x47: {  	_ =	shalt  }
0x48: {  	_ =	shalt  }
0x49: {  	_ =	shalt  }
0x4a: {  	_ =	shalt  }
0x4b: {  	_ =	shalt  }
0x4c: {  	_ =	shalt  }
0x4d: {  	_ =	shalt  }
0x4e: {  	_ =	shalt  }
0x4f: {  	_ =	shalt  }
0x50: {  	_ =	shalt  }
0x51: {  	_ =	shalt  }
0x52: {  	_ =	shalt  }
0x53: {  	_ =	shalt  }
0x54: {  	_ =	shalt  }
0x55: {  	_ =	shalt  }
0x56: {  	_ =	shalt  }
0x57: {  	_ =	shalt  }
0x58: {  	_ =	shalt  }
0x59: {  	_ =	shalt  }
0x5a: {  	_ =	shalt  }
0x5b: {  	_ =	shalt  }
0x5c: {  	_ =	shalt  }
0x5d: {  	_ =	shalt  }
0x5e: {  	_ =	shalt  }
0x5f: {  	_ =	shalt  }
0x60: {  	_ =	shalt  }
0x61: {  	_ =	shalt  }
0x62: {  	_ =	shalt  }
0x63: {  	_ =	shalt  }
0x64: {  	_ =	shalt  }
0x65: {  	_ =	shalt  }
0x66: {  	_ =	shalt  }
0x67: {  	_ =	shalt  }
0x68: {  	_ =	shalt  }
0x69: {  	_ =	shalt  }
0x6a: {  	_ =	shalt  }
0x6b: {  	_ =	shalt  }
0x6c: {  	_ =	shalt  }
0x6d: {  	_ =	shalt  }
0x6e: {  	_ =	shalt  }
0x6f: {  	_ =	shalt  }
0x70: {  	_ =	shalt  }
0x71: {  	_ =	shalt  }
0x72: {  	_ =	shalt  }
0x73: {  	_ =	shalt  }
0x74: {  	_ =	shalt  }
0x75: {  	_ =	shalt  }
0x76: {  	_ =	shalt  }
0x77: {  	_ =	shalt  }
0x78: {  	_ =	shalt  }
0x79: {  	_ =	shalt  }
0x7a: {  	_ =	shalt  }
0x7b: {  	_ =	shalt  }
0x7c: {  	_ =	shalt  }
0x7d: {  	_ =	shalt  }
0x7e: {  	_ =	shalt  }
0x7f: {  	_ =	shalt  }
0x80: {  	_ =	shalt  }
0x81: {  	_ =	shalt  }
0x82: {  	_ =	shalt  }
0x83: {  	_ =	shalt  }
0x84: {  	_ =	shalt  }
0x85: {  	_ =	shalt  }
0x86: {  	_ =	shalt  }
0x87: {  	_ =	shalt  }
.Lfunc_end0:
.L_simem_size_0:
called_computation_lowered:
.L_overlay_start_0:
0x88: {  	s2 =	sld [smem:$0x3FD9]  }
0x89: {  	s3 =	sld [smem:$0x3FFE];
	_ =	sdelay $0x1  }
0x8a: {  	s1 =	srdreg.scid  }
0x8b: {  	s0 =	sand.u32 $0x1, s1  }
0x8c: {  	s17 =	sshll.u32 s0, $0xA;
	s2 =	sadd.s32 s3, s2  }
0x8d: {  	s2 =	sadd.s32 s2, s17  }
0x8e: {  	[smem:$0x3FBD] =	sst s2  }
0x8f: {  	_ = 	snop  }
0x90: {  	s2 =	sld [smem:$0x3FD0];
	(tm) =	ssettm $0x1  }
0x91: {  	s18 =	sld [smem:$0x3FFB];
	_ =	sdelay $0x3  }
0x92: {  	_ =	strace s18  }
0x93: {  	s3 =	sld [smem:$0x3FFC];
	_ =	sdelay $0x3  }
0x94: {  	_ =	strace s3  }
0x95: {  	s3 =	sld [smem:$0x3FFD];
	_ =	sdelay $0x3  }
0x96: {  	_ =	strace s3  }
0x97: {  	_ =	strace $0x8FFFFFFF  }
0x98: {  	s19 =	sld [smem:$0x3FDB];
	_ =	sdelay $0x1  }
0x99: {  	s4 =	simm.s32 $_scs_section_size  }
0x9a: {  	s5 =	simm.s32 $_size__tile_overlayer_lowered;
	s6 =	simm.s32 $_tile_overlayer_lowered  }
0x9b: {  	s22 =	simm.s32 $0x1BFF;
	s21 =	sshll.u32 s6, $0x1;
	s3 =	sadd.s32 s4, s19  }
0x9c: {  	s7 =	simm.s32 $0x0;
	s20 =	sshll.u32 s5, $0x1;
	s5 =	sadd.s32 s21, s3  }
0x9d: {  	[timem:s7], [sflag:s22] =	dma.local [hbm:s5], s20  }
0x9e: {  	_ =	swait.ge [sflag:s22], s20  }
0x9f: {  	s4 =	ssub.s32 $0x0, s20;
	[sflag:s22] =	ssyncset.done $0x0  }
0xa0: {  	[sflag:s22] =	ssyncadd.s32 s4;
	_ =	sdelay $0x1  }
0xa1: {  	s23 =	simm.s32 $0x1B8B  }
0xa2: {  	_ =	swait.ge [sflag:s23], $0x1  }
0xa3: {  	[sflag:s23] =	ssyncset.done $0x0  }
0xa4: {  	s25 =	simm.s32 $0x1B8E;
	s24 =	sld [smem:$0x3FFE];
	[sflag:s23] =	ssyncadd.s32 $0xFFFFFFFF  }
0xa5: {  	s26 =	simm.s32 $execute0_lowered;
	[smem:$0x3FD2] =	sst s25  }
0xa6: {  	s5 =	sshll.u32 s26, $0x1;
	_ =	strace $0x80000046;
	[dreg:$0x1] =	wrdreg $0xFFFFFFFF  }
0xa7: {  	s28 =	simm.s32 $_size_execute0_lowered;
	s3 =	sadd.s32 s3, s5;
	[dreg:$0x0] =	wrdreg $0x0  }
0xa8: {  	s5 =	sshll.u32 s28, $0x1;
	[dreg:$0x2] =	wrdreg s3  }
0xa9: {  	[dreg:$0x3] =	wrdreg s5  }
0xaa: {  	[dreg:$0x4] =	wrdreg $0xC0  }
0xab: {  	_ =	task [dreg:s7], $0x5FFFF  }
0xac: {  	[dreg:$0x1] =	wrdreg $0xFFFFFFFF  }
0xad: {  	[dreg:$0x0] =	wrdreg $0x60  }
0xae: {  	[dreg:$0x2] =	wrdreg s24  }
0xaf: {  	[dreg:$0x3] =	wrdreg s2  }
0xb0: {  	[dreg:$0x4] =	wrdreg $0x1B0000  }
0xb1: {  	[dreg:$0x5] =	wrdreg $0x130000  }
0xb2: {  	[dreg:$0x6] =	wrdreg $0xE0000  }
0xb3: {  	[dreg:$0x7] =	wrdreg $0x9  }
0xb4: {  	_ =	task.clear_ibuf [dreg:s7], $0x8FFFF;
	_ =	strace $0x90000046  }
0xb5: {  	s29 =	simm.s32 $0x9;
	_ =	strace $0x80000048  }
0xb6: {  	_ =	swait.ge [sflag:s29], $0x1  }
0xb7: {  	[sflag:s29] =	ssyncadd.s32 $0xFFFFFFFF  }
0xb8: {  	_ =	strace $0x90000048  }
0xb9: {  	_ =	sfence  }
0xba: {  	s30 =	sld [smem:$0x0];
	_ =	sdelay $0x2  }
0xbb: {  	s31 =	sshll.u32 s1, $0xD;
	s1 =	sshrl.u32 s1, $0x2  }
0xbc: {  	s3 =	sand.u32 $0x4000, s31;
	s1 =	sadd.s32 s1, s30  }
0xbd: {  	s0 =	sor.u32 s3, s0;
	s1 =	sshll.u32 s1, $0x11  }
0xbe: {  	s0 =	sor.u32 s1, s0  }
0xbf: {  	s0 =	sadd.s32 $0x8F2B, s0  }
0xc0: {  	[sflag:s0] =	ssyncadd.remote.s32 $0x1  }
0xc1: {  	_ =	sfence.sel $0xFFFF  }
0xc2: {  	[dreg:$0x0] =	wrdreg $0xFFFFFFFF;
	(pc) =	sbr.abs _section_cstart, $3  }
0xc3: {  	[dreg:$0x1] =	wrdreg $0xFFFFFFFF  }
0xc4: {  	_ =	task.clear_ibuf [dreg:s7], $0x2FFFF;
	_ =	strace $0x9FFFFFFF  }
0xc5: {  	(tm) =	ssettm $0x7FFFFFFF  }
tec
execute0_lowered:
.L_overlay_start_1:
0x0: {  	(tag) =	ssettag $0x1  }
0x1: {  	s0 =	rddreg [dreg:$0x0]  }
0x2: {  	s2 =	rddreg [dreg:$0x1]  }
0x3: {  	s1 =	rddreg [dreg:$0x2]  }
0x4: {  	s3 =	rddreg [dreg:$0x3]  }
0x5: {  	s4 =	rddreg [dreg:$0x4];
	s16 =	stileid.u32  }
0x6: {  	s5 =	simm.s32 $0x0;
	s6 =	srdreg.scid;
	s7 =	smul.u32 $0xA00, s16  }
0x7: {  	s29 =	simm.s32 $0xA000;
	s30 =	simm.s32 $0x80;
	s12 =	smul.u32 $0x2800, s16  }
0x8: {  	s31 =	simm.s32 $0xB000;
	s28 =	simm.s32 $0x7;
	s15 =	smul.u32 $0x14000, s16  }
0x9: {  	[smem:$0x7FF] =	sst s5;
	s6 =	sand.u32 $0x1, s6;
	s21 =	smul.u32 $0x5000, s16  }
0xa: {  	s8 =	sadd.s32 $0x2400, s0;
	s13 =	sadd.s32 $0x3E400, s0;
	s9 =	smul.u32 $0x5000, s6  }
0xb: {  	_ =	strace $0x80000047;
	s11 =	ssub.s32 $0x2, s6;
	s22 =	smul.u32 $0xA000, s6  }
0xc: {  	s6 =	smul.u32 $0x50000, s6;
	s10 =	sadd.s32 s7, s0;
	s14 =	sshrl.u32 s11, $0x1  }
0xd: {  	s24 =	sadd.s32 s12, s1;
	s2 =	sadd.s32 s2, s7;
	s25 =	sshrl.u32 s15, $0x2  }
0xe: {  	s26 =	sadd.s32 s21, s4;
	s19 =	sshrl.u32 s12, $0x3;
	s12 =	simm.s32 $0x2  }
0xf: {  	s0 =	sadd.s32 s9, s0;
	s20 =	ssub.s32 s11, s14;
	[dreg:$0x6] =	wrdreg s2  }
0x10: {  	s23 =	sadd.s32 $0x2A400, s10;
	s10 =	sadd.s32 s25, s3;
	[dreg:$0x9] =	wrdreg s26  }
0x11: {  	s7 =	sadd.s32 s8, s22;
	s14 =	sshrl.u32 s21, $0x3;
	s17 =	sshrl.u32 s22, $0x2  }
0x12: {  	s6 =	sshrl.u32 s6, $0x3;
	[dreg:$0x7] =	wrdreg s22;
	s11 =	sadd.s32 s21, s3  }
0x13: {  	[dreg:$0x8] =	wrdreg s23;
	s18 =	sadd.s32 $0x5000, s17;
	s6 =	sadd.s32 $0x14000, s6  }
0x14: {  	[dreg:$0xb] =	wrdreg s11;
	s0 =	sadd.s32 $0x34400, s0;
	s9 =	smax.u32 s20, $0x1  }
0x15: {  	s15 =	sadd.s32 $0x1000, s10;
	s20 =	sadd.s32 $0x2000, s10;
	[dreg:$0xa] =	wrdreg s18  }
0x16: {  	s21 =	sadd.s32 $0x3000, s10;
	s2 =	sadd.s32 s14, s7;
	[dreg:$0xc] =	wrdreg s9  }
0x17: {  	s26 =	sadd.s32 $0x5080, s17;
	s7 =	simm.s32 $0xD000;
	[dreg:$0xd] =	wrdreg s20  }
0x18: {  	s11 =	simm.s32 $0x1;
	s18 =	sadd.s32 s13, s22;
	[dreg:$0xe] =	wrdreg s21  }
0x19: {  	s8 =	sadd.s32 s8, s6;
	s6 =	sadd.s32 s13, s6;
	[dreg:$0xf] =	wrdreg s2  }
0x1a: {  	[dreg:$0x13] =	wrdreg s26;
	s0 =	sadd.s32 s19, s0;
	s26 =	simm.s32 $0xB  }
0x1b: {  	s9 =	simm.s32 $0x18000;
	s13 =	simm.s32 $0x3;
	s19 =	simm.s32 $0x6  }
0x1c: {  	s20 =	simm.s32 $0x8;
	s22 =	sadd.s32 s14, s18;
	[dreg:$0x14] =	wrdreg s0  }
0x1d: {  	s21 =	simm.s32 $0x9;
	s23 =	sadd.s32 s14, s8;
	[dreg:$0x10] =	wrdreg s22  }
0x1e: {  	s25 =	sadd.s32 s14, s6;
	s8 =	simm.s32 $0x5000;
	[dreg:$0x11] =	wrdreg s23  }
0x1f: {  	s14 =	simm.s32 $0x4;
	s18 =	simm.s32 $0x5;
	[dreg:$0x12] =	wrdreg s25  }
0x20: {  	v0 =	vimm.f32 $0.0e+00;
	v1 =	vimm.f32 $1.000000000e+00;
	s22 =	sadd.s32 $0x4000, s10;
	s25 =	simm.s32 $0xC000;
	s23 =	simm.s32 $0xA  }
.LBB2_1:
0x21: {  	s0 =	simm.s32 $0x0  }
.LBB2_2:
0x22: {  	p0 =	sne.s32 s0, $0x9FC0  }
.Ltmp0:
0x23: {  	_ = 	snop;
	(pc) =	sbr.rel @p0 .LBB2_2-.Ltmp0, $3  }
0x24: {  	_ =	sdelay $0x1  }
0x25: {  	s2 =	sshra.s32 s0, $0x2  }
0x26: {  	s0 =	sadd.s32 $0x40, s0;
	[tilespmem:s2+$0x18800] =	vst v0  }
0x27: {  	s0 =	simm.s32 $0x40;
	s2 =	simm.s32 $0x0  }
.LBB2_4:
0x28: {  	p0 =	sne.s32 s0, $0x1FC0;
	[tilespmem:s2+$0x18000] =	vst v1;
	s2 =	smov.u32 s0;
	s0 =	sadd.s32 $0x40, s0  }
.Ltmp1:
0x29: {  	(pc) =	sbr.rel @p0 .LBB2_4-.Ltmp1, $2  }
0x2a: {  	_ =	sdelay $0x2  }
0x2b: {  	s2 =	sshra.s32 s2, $0x2  }
0x2c: {  	[tilespmem:s2+$0x18000] =	vst v1;
	s0 =	simm.s32 $0x18800  }
0x2d: {  	[spmem:s24] =	stream.linear.scatter [tilespmem:s0], [sflag:$0xB], $0x2800, $0x38;
	[tilespmem:$0x1D800] =	vst v63  }
0x2e: {  	_ =	swait.ge [sflag:s26], $0x2800  }
0x2f: {  	[sflag:s26] =	ssyncset.done $0x0  }
0x30: {  	s6 =	simm.s32 $0x0;
	s17 =	rddreg [dreg:$0x6];
	[sflag:s26] =	ssyncadd.s32 $0xFFFFD800  }
0x31: {  	[tilespmem:s6], [sflag:$0xB] =	stream.linear.gather [hbm4b:s17+s6], $0x5000, $0x38;
	[tilespmem:$0x1D800] =	vst v63  }
0x32: {  	_ =	swait.ge [sflag:s26], $0x5000  }
0x33: {  	[sflag:s26] =	ssyncset.done $0x0  }
0x34: {  	s16 =	smov.u32 s24;
	s24 =	rddreg [dreg:$0x8];
	[sflag:s26] =	ssyncadd.s32 $0xFFFFB000  }
0x35: {  	[tilespmem:s8], [sflag:$0xB] =	stream.linear.gather [hbm4b:s24+s6], $0x5000, $0x38;
	[tilespmem:$0x1D800] =	vst v63  }
0x36: {  	_ =	swait.ge [sflag:s26], $0x5000  }
0x37: {  	[sflag:s26] =	ssyncset.done $0x0  }
0x38: {  	s2 =	simm.s32 $0x0;
	s0 =	simm.s32 $0x80;
	[sflag:s26] =	ssyncadd.s32 $0xFFFFB000  }
.LBB2_6:
0x39: {  	p0 =	sne.s32 s0, $0x3F80;
	[tilespmem:s2+$0xA000] =	vst v0;
	s6 =	smov.u32 s0;
	s0 =	sadd.s32 $0x80, s0  }
.Ltmp2:
0x3a: {  	[tilespmem:s2+$0xA010] =	vst v0;
	(pc) =	sbr.rel @p0 .LBB2_6-.Ltmp2, $2  }
0x3b: {  	_ =	sdelay $0x2  }
0x3c: {  	s2 =	sshra.s32 s6, $0x2  }
0x3d: {  	[tilespmem:s2+$0xA000] =	vst v0  }
0x3e: {  	[tilespmem:s2+$0xA010] =	vst v0  }
0x3f: {  	[spmem:s10] =	stream.linear.scatter [tilespmem:s29], [sflag:$0xB], $0x1000, $0x38;
	[tilespmem:$0x1D800] =	vst v63  }
0x40: {  	_ =	swait.ge [sflag:s26], $0x1000  }
0x41: {  	[sflag:s26] =	ssyncset.done $0x0  }
0x42: {  	[sflag:s26] =	ssyncadd.s32 $0xFFFFF000  }
0x43: {  	[spmem:s15] =	stream.linear.scatter [tilespmem:s29], [sflag:$0xB], $0x1000, $0x38;
	[tilespmem:$0x1D800] =	vst v63  }
0x44: {  	_ =	swait.ge [sflag:s26], $0x1000  }
0x45: {  	[sflag:s26] =	ssyncset.done $0x0  }
0x46: {  	s0 =	rddreg [dreg:$0xd];
	[sflag:s26] =	ssyncadd.s32 $0xFFFFF000  }
0x47: {  	[spmem:s0] =	stream.linear.scatter [tilespmem:s29], [sflag:$0xB], $0x1000, $0x38;
	[tilespmem:$0x1D800] =	vst v63  }
0x48: {  	_ =	swait.ge [sflag:s26], $0x1000  }
0x49: {  	[sflag:s26] =	ssyncset.done $0x0  }
0x4a: {  	s24 =	rddreg [dreg:$0xe];
	[sflag:s26] =	ssyncadd.s32 $0xFFFFF000  }
0x4b: {  	[spmem:s24] =	stream.linear.scatter [tilespmem:s29], [sflag:$0xB], $0x1000, $0x38;
	[tilespmem:$0x1D800] =	vst v63  }
0x4c: {  	_ =	swait.ge [sflag:s26], $0x1000  }
0x4d: {  	[sflag:s26] =	ssyncset.done $0x0  }
0x4e: {  	s2 =	stileid.u32;
	[sflag:s26] =	ssyncadd.s32 $0xFFFFF000  }
0x4f: {  	[spmem:s22] =	stream.linear.scatter [tilespmem:s29], [sflag:$0xB], $0x1000, $0x38;
	[tilespmem:$0x1D800] =	vst v63  }
0x50: {  	s0 =	sshll.u32 s2, $0x6;
	_ =	swait.ge [sflag:s26], $0x1000  }
0x51: {  	s0 =	sor.u32 $0x1C0B, s0;
	[sflag:s26] =	ssyncset.done $0x0;
	s6 =	rddreg [dreg:$0x9]  }
0x52: {  	[sflag:s26] =	ssyncadd.s32 $0xFFFFF000;
	s2 =	sshrl.u32 s6, $0x3;
	s6 =	rddreg [dreg:$0xf]  }
0x53: {  	[spmem:s2], [sflag:s0] =	dma.local [hbm:s6], $0xA00  }
0x54: {  	_ =	swait.ge [sflag:s26], $0xA00  }
0x55: {  	[sflag:s26] =	ssyncset.done $0x0  }
0x56: {  	[sflag:s26] =	ssyncadd.s32 $0xFFFFF600  }
0x57: {  	s24 =	simm.s32 $0x0;
	[bflag:$0x0] =	sbarrier.arrive $0xFFFF  }
0x58: {  	[tilespmem:s29], [sflag:$0x1] =	stream.indirect.gather [spmem:s4], $0x20, s24, s30, $0xb8;
	[tilespmem:$0x1D800] =	vst v63  }
0x59: {  	_ = 	snop  }
0x5a: {  	[tilespmem:s31], [sflag:$0x2] =	stream.indirect.gather [spmem:s4], $0x20, s30, s30, $0xb8;
	[tilespmem:$0x1D800] =	vst v63  }
0x5b: {  	s17 =	smov.u32 s15;
	s15 =	simm.s32 $0x100  }
0x5c: {  	[tilespmem:s25], [sflag:$0x3] =	stream.indirect.gather [spmem:s4], $0x20, s15, s30, $0xb8;
	[tilespmem:$0x1D800] =	vst v63  }
0x5d: {  	s15 =	simm.s32 $0x180  }
0x5e: {  	[tilespmem:s7], [sflag:$0x4] =	stream.indirect.gather [spmem:s4], $0x20, s15, s30, $0xb8;
	[tilespmem:$0x1D800] =	vst v63  }
0x5f: {  	s15 =	rddreg [dreg:$0xa]  }
0x60: {  	[spmem:s1] =	stream.indirect.scatter.add.f32 [tilespmem:s9], [sflag:$0x9], $0x10, s15, s30, $0xb8;
	[tilespmem:$0x1D800] =	vst v63  }
0x61: {  	s15 =	rddreg [dreg:$0x13]  }
0x62: {  	[spmem:s1] =	stream.indirect.scatter.add.f32 [tilespmem:s9], [sflag:$0xA], $0x10, s15, s30, $0xb8;
	[tilespmem:$0x1D800] =	vst v63  }
0x63: {  	_ =	swait.ge [sflag:s11], $0x1000  }
0x64: {  	[sflag:s11] =	ssyncset.done $0x0  }
0x65: {  	[sflag:s11] =	ssyncadd.s32 $0xFFFFF000  }
0x66: {  	[spmem:s3] =	stream.indirect.scatter.add.f32 [tilespmem:s29], [sflag:$0x5], $0x20, s8, s30, $0xb8;
	[tilespmem:$0x1D800] =	vst v63  }
0x67: {  	_ =	swait.ge [sflag:s12], $0x1000  }
0x68: {  	[sflag:s12] =	ssyncset.done $0x0  }
0x69: {  	s15 =	simm.s32 $0x5080;
	[sflag:s12] =	ssyncadd.s32 $0xFFFFF000  }
0x6a: {  	[spmem:s3] =	stream.indirect.scatter.add.f32 [tilespmem:s31], [sflag:$0x6], $0x20, s15, s30, $0xb8;
	[tilespmem:$0x1D800] =	vst v63  }
0x6b: {  	_ =	swait.ge [sflag:s13], $0x1000  }
0x6c: {  	[sflag:s13] =	ssyncset.done $0x0  }
0x6d: {  	s8 =	simm.s32 $0x5100;
	[sflag:s13] =	ssyncadd.s32 $0xFFFFF000  }
0x6e: {  	[spmem:s3] =	stream.indirect.scatter.add.f32 [tilespmem:s25], [sflag:$0x7], $0x20, s8, s30, $0xb8;
	[tilespmem:$0x1D800] =	vst v63  }
0x6f: {  	_ =	swait.ge [sflag:s14], $0x1000  }
0x70: {  	[sflag:s14] =	ssyncset.done $0x0  }
0x71: {  	s15 =	simm.s32 $0x5180;
	[sflag:s14] =	ssyncadd.s32 $0xFFFFF000  }
0x72: {  	[spmem:s3] =	stream.indirect.scatter.add.f32 [tilespmem:s7], [sflag:$0x8], $0x20, s15, s30, $0xb8;
	[tilespmem:$0x1D800] =	vst v63  }
0x73: {  	_ =	swait.ge [sflag:s18], $0x1000  }
0x74: {  	[sflag:s18] =	ssyncset.done $0x0  }
0x75: {  	s8 =	simm.s32 $0x200;
	[sflag:s18] =	ssyncadd.s32 $0xFFFFF000  }
0x76: {  	[tilespmem:s29], [sflag:$0x1] =	stream.indirect.gather [spmem:s4], $0x20, s8, s30, $0xb8;
	[tilespmem:$0x1D800] =	vst v63  }
0x77: {  	_ =	swait.ge [sflag:s19], $0x1000  }
0x78: {  	[sflag:s19] =	ssyncset.done $0x0  }
0x79: {  	s15 =	simm.s32 $0x280;
	[sflag:s19] =	ssyncadd.s32 $0xFFFFF000  }
0x7a: {  	[tilespmem:s31], [sflag:$0x2] =	stream.indirect.gather [spmem:s4], $0x20, s15, s30, $0xb8;
	[tilespmem:$0x1D800] =	vst v63  }
0x7b: {  	_ =	swait.ge [sflag:s28], $0x1000  }
0x7c: {  	[sflag:s28] =	ssyncset.done $0x0  }
0x7d: {  	s8 =	simm.s32 $0x300;
	[sflag:s28] =	ssyncadd.s32 $0xFFFFF000  }
0x7e: {  	[tilespmem:s25], [sflag:$0x3] =	stream.indirect.gather [spmem:s4], $0x20, s8, s30, $0xb8;
	[tilespmem:$0x1D800] =	vst v63  }
0x7f: {  	_ =	swait.ge [sflag:s20], $0x1000  }
0x80: {  	[sflag:s20] =	ssyncset.done $0x0  }
0x81: {  	s15 =	simm.s32 $0x380;
	s8 =	rddreg [dreg:$0x7];
	[sflag:s20] =	ssyncadd.s32 $0xFFFFF000  }
0x82: {  	[tilespmem:s7], [sflag:$0x4] =	stream.indirect.gather [spmem:s4], $0x20, s15, s30, $0xb8;
	[tilespmem:$0x1D800] =	vst v63  }
.LBB2_8:
0x83: {  	_ =	swait.ge [sflag:s21], $0x800  }
0x84: {  	[sflag:s21] =	ssyncset.done $0x0  }
0x85: {  	[sflag:s21] =	ssyncadd.s32 $0xFFFFF800  }
0x86: {  	_ =	swait.ge [sflag:s23], $0x800  }
0x87: {  	s6 =	sshra.s32 s8, $0x2;
	[sflag:s23] =	ssyncset.done $0x0  }
0x88: {  	s15 =	sadd.s32 $0x5100, s6;
	[sflag:s23] =	ssyncadd.s32 $0xFFFFF800  }
0x89: {  	[spmem:s1] =	stream.indirect.scatter.add.f32 [tilespmem:s9], [sflag:$0x9], $0x10, s15, s30, $0xb8;
	[tilespmem:$0x1D800] =	vst v63  }
0x8a: {  	s6 =	sadd.s32 $0x5180, s6  }
0x8b: {  	[spmem:s1] =	stream.indirect.scatter.add.f32 [tilespmem:s9], [sflag:$0xA], $0x10, s6, s30, $0xb8;
	[tilespmem:$0x1D800] =	vst v63  }
0x8c: {  	_ =	swait.ge [sflag:s11], $0x1000  }
0x8d: {  	s6 =	sshra.s32 s24, $0x2;
	[sflag:s11] =	ssyncset.done $0x0  }
0x8e: {  	s15 =	sadd.s32 $0x5200, s6;
	[sflag:s11] =	ssyncadd.s32 $0xFFFFF000  }
0x8f: {  	[spmem:s3] =	stream.indirect.scatter.add.f32 [tilespmem:s29], [sflag:$0x5], $0x20, s15, s30, $0xb8;
	[tilespmem:$0x1D800] =	vst v63  }
0x90: {  	_ =	swait.ge [sflag:s12], $0x1000  }
0x91: {  	[sflag:s12] =	ssyncset.done $0x0  }
0x92: {  	s15 =	sadd.s32 $0x5280, s6;
	[sflag:s12] =	ssyncadd.s32 $0xFFFFF000  }
0x93: {  	[spmem:s3] =	stream.indirect.scatter.add.f32 [tilespmem:s31], [sflag:$0x6], $0x20, s15, s30, $0xb8;
	[tilespmem:$0x1D800] =	vst v63  }
0x94: {  	_ =	swait.ge [sflag:s13], $0x1000  }
0x95: {  	[sflag:s13] =	ssyncset.done $0x0  }
0x96: {  	p0 =	seq.s32 s24, $0x13000;
	s15 =	sadd.s32 $0x5300, s6;
	[sflag:s13] =	ssyncadd.s32 $0xFFFFF000  }
0x97: {  	[spmem:s3] =	stream.indirect.scatter.add.f32 [tilespmem:s25], [sflag:$0x7], $0x20, s15, s30, $0xb8;
	[tilespmem:$0x1D800] =	vst v63  }
.Ltmp3:
0x98: {  	_ = 	snop;
	(pc) =	sbr.rel @p0 .LBB2_10-.Ltmp3, $4  }
0x99: {  	_ =	swait.ge [sflag:s14], $0x1000  }
0x9a: {  	[sflag:s14] =	ssyncset.done $0x0  }
0x9b: {  	s15 =	sadd.s32 $0x5380, s6;
	[sflag:s14] =	ssyncadd.s32 $0xFFFFF000  }
0x9c: {  	[spmem:s3] =	stream.indirect.scatter.add.f32 [tilespmem:s7], [sflag:$0x8], $0x20, s15, s30, $0xb8;
	[tilespmem:$0x1D800] =	vst v63  }
0x9d: {  	_ =	swait.ge [sflag:s18], $0x1000  }
0x9e: {  	[sflag:s18] =	ssyncset.done $0x0  }
0x9f: {  	s15 =	sadd.s32 $0x400, s6;
	[sflag:s18] =	ssyncadd.s32 $0xFFFFF000  }
0xa0: {  	[tilespmem:s29], [sflag:$0x1] =	stream.indirect.gather [spmem:s4], $0x20, s15, s30, $0xb8;
	[tilespmem:$0x1D800] =	vst v63  }
0xa1: {  	_ =	swait.ge [sflag:s19], $0x1000  }
0xa2: {  	[sflag:s19] =	ssyncset.done $0x0  }
0xa3: {  	s15 =	sadd.s32 $0x480, s6;
	[sflag:s19] =	ssyncadd.s32 $0xFFFFF000  }
0xa4: {  	[tilespmem:s31], [sflag:$0x2] =	stream.indirect.gather [spmem:s4], $0x20, s15, s30, $0xb8;
	[tilespmem:$0x1D800] =	vst v63  }
0xa5: {  	_ =	swait.ge [sflag:s28], $0x1000  }
0xa6: {  	[sflag:s28] =	ssyncset.done $0x0  }
0xa7: {  	s15 =	sadd.s32 $0x500, s6;
	[sflag:s28] =	ssyncadd.s32 $0xFFFFF000  }
0xa8: {  	[tilespmem:s25], [sflag:$0x3] =	stream.indirect.gather [spmem:s4], $0x20, s15, s30, $0xb8;
	[tilespmem:$0x1D800] =	vst v63  }
.Ltmp4:
0xa9: {  	_ = 	snop;
	(pc) =	sbr.rel .LBB2_8-.Ltmp4, $4  }
0xaa: {  	_ =	swait.ge [sflag:s20], $0x1000  }
0xab: {  	s24 =	sadd.s32 $0x800, s24;
	[sflag:s20] =	ssyncset.done $0x0  }
0xac: {  	s8 =	sadd.s32 $0x400, s8;
	s15 =	sadd.s32 $0x580, s6;
	[sflag:s20] =	ssyncadd.s32 $0xFFFFF000  }
0xad: {  	[tilespmem:s7], [sflag:$0x4] =	stream.indirect.gather [spmem:s4], $0x20, s15, s30, $0xb8;
	[tilespmem:$0x1D800] =	vst v63  }
.LBB2_10:
0xae: {  	_ =	swait.ge [sflag:s21], $0x800  }
0xaf: {  	[sflag:s21] =	ssyncset.done $0x0  }
0xb0: {  	[sflag:s21] =	ssyncadd.s32 $0xFFFFF800  }
0xb1: {  	_ =	swait.ge [sflag:s23], $0x800  }
0xb2: {  	[sflag:s23] =	ssyncset.done $0x0  }
0xb3: {  	[sflag:s23] =	ssyncadd.s32 $0xFFFFF800  }
0xb4: {  	_ =	swait.ge [sflag:s18], $0x1000  }
0xb5: {  	[sflag:s18] =	ssyncset.done $0x0  }
0xb6: {  	[sflag:s18] =	ssyncadd.s32 $0xFFFFF000  }
0xb7: {  	_ =	swait.ge [sflag:s19], $0x1000  }
0xb8: {  	[sflag:s19] =	ssyncset.done $0x0  }
0xb9: {  	[sflag:s19] =	ssyncadd.s32 $0xFFFFF000  }
0xba: {  	_ =	swait.ge [sflag:s28], $0x1000  }
0xbb: {  	[sflag:s28] =	ssyncset.done $0x0  }
0xbc: {  	[sflag:s28] =	ssyncadd.s32 $0xFFFFF000  }
0xbd: {  	_ =	swait.ge [sflag:s20], $0x1000  }
0xbe: {  	[sflag:s20] =	ssyncset.done $0x0  }
0xbf: {  	[sflag:s20] =	ssyncadd.s32 $0xFFFFF000  }
0xc0: {  	[bflag:$0x0] =	sbarrier.arrive $0xFFFF  }
0xc1: {  	s6 =	rddreg [dreg:$0xb]  }
0xc2: {  	s15 =	rddreg [dreg:$0x10];
	s24 =	sshrl.u32 s6, $0x3  }
0xc3: {  	[hbm:s15], [sflag:s0] =	dma.local [spmem:s24], $0xA00  }
0xc4: {  	_ =	swait.ge [sflag:s26], $0xA00  }
0xc5: {  	[sflag:s26] =	ssyncset.done $0x0  }
0xc6: {  	s8 =	simm.s32 $0x0;
	s6 =	simm.s32 $0x80;
	[sflag:s26] =	ssyncadd.s32 $0xFFFFF600  }
.LBB2_11:
0xc7: {  	p0 =	sne.s32 s6, $0x3F80;
	[tilespmem:s8+$0xA000] =	vst v0;
	s15 =	smov.u32 s6;
	s6 =	sadd.s32 $0x80, s6  }
.Ltmp5:
0xc8: {  	[tilespmem:s8+$0xA010] =	vst v0;
	(pc) =	sbr.rel @p0 .LBB2_11-.Ltmp5, $2  }
0xc9: {  	_ =	sdelay $0x2  }
0xca: {  	s8 =	sshra.s32 s15, $0x2  }
0xcb: {  	[tilespmem:s8+$0xA000] =	vst v0  }
0xcc: {  	[tilespmem:s8+$0xA010] =	vst v0  }
0xcd: {  	[spmem:s10] =	stream.linear.scatter [tilespmem:s29], [sflag:$0xB], $0x1000, $0x38;
	[tilespmem:$0x1D800] =	vst v63  }
0xce: {  	_ =	swait.ge [sflag:s26], $0x1000  }
0xcf: {  	[sflag:s26] =	ssyncset.done $0x0  }
0xd0: {  	[sflag:s26] =	ssyncadd.s32 $0xFFFFF000  }
0xd1: {  	[spmem:s17] =	stream.linear.scatter [tilespmem:s29], [sflag:$0xB], $0x1000, $0x38;
	[tilespmem:$0x1D800] =	vst v63  }
0xd2: {  	_ =	swait.ge [sflag:s26], $0x1000  }
0xd3: {  	[sflag:s26] =	ssyncset.done $0x0  }
0xd4: {  	s6 =	rddreg [dreg:$0xd];
	[sflag:s26] =	ssyncadd.s32 $0xFFFFF000  }
0xd5: {  	[spmem:s6] =	stream.linear.scatter [tilespmem:s29], [sflag:$0xB], $0x1000, $0x38;
	[tilespmem:$0x1D800] =	vst v63  }
0xd6: {  	_ =	swait.ge [sflag:s26], $0x1000  }
0xd7: {  	[sflag:s26] =	ssyncset.done $0x0  }
0xd8: {  	s15 =	smov.u32 s17;
	s17 =	rddreg [dreg:$0xe];
	[sflag:s26] =	ssyncadd.s32 $0xFFFFF000  }
0xd9: {  	[spmem:s17] =	stream.linear.scatter [tilespmem:s29], [sflag:$0xB], $0x1000, $0x38;
	[tilespmem:$0x1D800] =	vst v63  }
0xda: {  	_ =	swait.ge [sflag:s26], $0x1000  }
0xdb: {  	[sflag:s26] =	ssyncset.done $0x0  }
0xdc: {  	[sflag:s26] =	ssyncadd.s32 $0xFFFFF000  }
0xdd: {  	[spmem:s22] =	stream.linear.scatter [tilespmem:s29], [sflag:$0xB], $0x1000, $0x38;
	[tilespmem:$0x1D800] =	vst v63  }
0xde: {  	_ =	swait.ge [sflag:s26], $0x1000  }
0xdf: {  	[sflag:s26] =	ssyncset.done $0x0  }
0xe0: {  	s8 =	rddreg [dreg:$0x11];
	[sflag:s26] =	ssyncadd.s32 $0xFFFFF000  }
0xe1: {  	[spmem:s2], [sflag:s0] =	dma.local [hbm:s8], $0xA00  }
0xe2: {  	_ =	swait.ge [sflag:s26], $0xA00  }
0xe3: {  	[sflag:s26] =	ssyncset.done $0x0  }
0xe4: {  	[sflag:s26] =	ssyncadd.s32 $0xFFFFF600  }
0xe5: {  	s17 =	simm.s32 $0x0;
	[bflag:$0x0] =	sbarrier.arrive $0xFFFF  }
0xe6: {  	[tilespmem:s29], [sflag:$0x1] =	stream.indirect.gather [spmem:s4], $0x20, s17, s30, $0xb8;
	[tilespmem:$0x1D800] =	vst v63  }
0xe7: {  	_ = 	snop  }
0xe8: {  	[tilespmem:s31], [sflag:$0x2] =	stream.indirect.gather [spmem:s4], $0x20, s30, s30, $0xb8;
	[tilespmem:$0x1D800] =	vst v63  }
0xe9: {  	s6 =	simm.s32 $0x100  }
0xea: {  	[tilespmem:s25], [sflag:$0x3] =	stream.indirect.gather [spmem:s4], $0x20, s6, s30, $0xb8;
	[tilespmem:$0x1D800] =	vst v63  }
0xeb: {  	s8 =	simm.s32 $0x180  }
0xec: {  	[tilespmem:s7], [sflag:$0x4] =	stream.indirect.gather [spmem:s4], $0x20, s8, s30, $0xb8;
	[tilespmem:$0x1D800] =	vst v63  }
0xed: {  	_ =	swait.ge [sflag:s11], $0x1000  }
0xee: {  	[sflag:s11] =	ssyncset.done $0x0  }
0xef: {  	s17 =	simm.s32 $0x5000;
	[sflag:s11] =	ssyncadd.s32 $0xFFFFF000  }
0xf0: {  	[spmem:s3] =	stream.indirect.scatter.add.f32 [tilespmem:s29], [sflag:$0x5], $0x20, s17, s30, $0xb8;
	[tilespmem:$0x1D800] =	vst v63  }
0xf1: {  	_ =	swait.ge [sflag:s12], $0x1000  }
0xf2: {  	[sflag:s12] =	ssyncset.done $0x0  }
0xf3: {  	s6 =	simm.s32 $0x5080;
	[sflag:s12] =	ssyncadd.s32 $0xFFFFF000  }
0xf4: {  	[spmem:s3] =	stream.indirect.scatter.add.f32 [tilespmem:s31], [sflag:$0x6], $0x20, s6, s30, $0xb8;
	[tilespmem:$0x1D800] =	vst v63  }
0xf5: {  	_ =	swait.ge [sflag:s13], $0x1000  }
0xf6: {  	[sflag:s13] =	ssyncset.done $0x0  }
0xf7: {  	s8 =	simm.s32 $0x5100;
	[sflag:s13] =	ssyncadd.s32 $0xFFFFF000  }
0xf8: {  	[spmem:s3] =	stream.indirect.scatter.add.f32 [tilespmem:s25], [sflag:$0x7], $0x20, s8, s30, $0xb8;
	[tilespmem:$0x1D800] =	vst v63  }
0xf9: {  	_ =	swait.ge [sflag:s14], $0x1000  }
0xfa: {  	[sflag:s14] =	ssyncset.done $0x0  }
0xfb: {  	s17 =	simm.s32 $0x5180;
	[sflag:s14] =	ssyncadd.s32 $0xFFFFF000  }
0xfc: {  	[spmem:s3] =	stream.indirect.scatter.add.f32 [tilespmem:s7], [sflag:$0x8], $0x20, s17, s30, $0xb8;
	[tilespmem:$0x1D800] =	vst v63  }
0xfd: {  	_ =	swait.ge [sflag:s18], $0x1000  }
0xfe: {  	[sflag:s18] =	ssyncset.done $0x0  }
0xff: {  	s6 =	simm.s32 $0x200;
	[sflag:s18] =	ssyncadd.s32 $0xFFFFF000  }
0x100: {  	[tilespmem:s29], [sflag:$0x1] =	stream.indirect.gather [spmem:s4], $0x20, s6, s30, $0xb8;
	[tilespmem:$0x1D800] =	vst v63  }
0x101: {  	_ =	swait.ge [sflag:s19], $0x1000  }
0x102: {  	[sflag:s19] =	ssyncset.done $0x0  }
0x103: {  	s8 =	simm.s32 $0x280;
	[sflag:s19] =	ssyncadd.s32 $0xFFFFF000  }
0x104: {  	[tilespmem:s31], [sflag:$0x2] =	stream.indirect.gather [spmem:s4], $0x20, s8, s30, $0xb8;
	[tilespmem:$0x1D800] =	vst v63  }
0x105: {  	_ =	swait.ge [sflag:s28], $0x1000  }
0x106: {  	[sflag:s28] =	ssyncset.done $0x0  }
0x107: {  	s17 =	simm.s32 $0x300;
	[sflag:s28] =	ssyncadd.s32 $0xFFFFF000  }
0x108: {  	[tilespmem:s25], [sflag:$0x3] =	stream.indirect.gather [spmem:s4], $0x20, s17, s30, $0xb8;
	[tilespmem:$0x1D800] =	vst v63  }
0x109: {  	_ =	swait.ge [sflag:s20], $0x1000  }
0x10a: {  	[sflag:s20] =	ssyncset.done $0x0  }
0x10b: {  	s2 =	simm.s32 $0x800;
	s6 =	simm.s32 $0x380;
	[sflag:s20] =	ssyncadd.s32 $0xFFFFF000  }
.LBB2_13:
0x10c: {  	[tilespmem:s7], [sflag:$0x4] =	stream.indirect.gather [spmem:s4], $0x20, s6, s30, $0xb8;
	[tilespmem:$0x1D800] =	vst v63  }
0x10d: {  	s6 =	smov.u32 s2  }
0x10e: {  	p0 =	sne.s32 s2, $0x13000;
	s2 =	sadd.s32 $0x800, s2;
	_ =	swait.ge [sflag:s11], $0x1000  }
0x10f: {  	s8 =	sshra.s32 s6, $0x2;
	[sflag:s11] =	ssyncset.done $0x0  }
0x110: {  	s6 =	sadd.s32 $0x5000, s8;
	[sflag:s11] =	ssyncadd.s32 $0xFFFFF000  }
0x111: {  	[spmem:s3] =	stream.indirect.scatter.add.f32 [tilespmem:s29], [sflag:$0x5], $0x20, s6, s30, $0xb8;
	[tilespmem:$0x1D800] =	vst v63  }
0x112: {  	_ =	swait.ge [sflag:s12], $0x1000  }
0x113: {  	[sflag:s12] =	ssyncset.done $0x0  }
0x114: {  	s6 =	sadd.s32 $0x5080, s8;
	[sflag:s12] =	ssyncadd.s32 $0xFFFFF000  }
0x115: {  	[spmem:s3] =	stream.indirect.scatter.add.f32 [tilespmem:s31], [sflag:$0x6], $0x20, s6, s30, $0xb8;
	[tilespmem:$0x1D800] =	vst v63  }
0x116: {  	_ =	swait.ge [sflag:s13], $0x1000  }
0x117: {  	[sflag:s13] =	ssyncset.done $0x0  }
0x118: {  	s6 =	sadd.s32 $0x5100, s8;
	[sflag:s13] =	ssyncadd.s32 $0xFFFFF000  }
0x119: {  	[spmem:s3] =	stream.indirect.scatter.add.f32 [tilespmem:s25], [sflag:$0x7], $0x20, s6, s30, $0xb8;
	[tilespmem:$0x1D800] =	vst v63  }
0x11a: {  	_ =	swait.ge [sflag:s14], $0x1000  }
0x11b: {  	[sflag:s14] =	ssyncset.done $0x0  }
0x11c: {  	s6 =	sadd.s32 $0x5180, s8;
	[sflag:s14] =	ssyncadd.s32 $0xFFFFF000  }
0x11d: {  	[spmem:s3] =	stream.indirect.scatter.add.f32 [tilespmem:s7], [sflag:$0x8], $0x20, s6, s30, $0xb8;
	[tilespmem:$0x1D800] =	vst v63  }
0x11e: {  	_ =	swait.ge [sflag:s18], $0x1000  }
0x11f: {  	[sflag:s18] =	ssyncset.done $0x0  }
0x120: {  	s6 =	sadd.s32 $0x200, s8;
	[sflag:s18] =	ssyncadd.s32 $0xFFFFF000  }
0x121: {  	[tilespmem:s29], [sflag:$0x1] =	stream.indirect.gather [spmem:s4], $0x20, s6, s30, $0xb8;
	[tilespmem:$0x1D800] =	vst v63  }
0x122: {  	_ =	swait.ge [sflag:s19], $0x1000  }
0x123: {  	[sflag:s19] =	ssyncset.done $0x0  }
0x124: {  	s6 =	sadd.s32 $0x280, s8;
	[sflag:s19] =	ssyncadd.s32 $0xFFFFF000  }
0x125: {  	[tilespmem:s31], [sflag:$0x2] =	stream.indirect.gather [spmem:s4], $0x20, s6, s30, $0xb8;
	[tilespmem:$0x1D800] =	vst v63  }
0x126: {  	_ =	swait.ge [sflag:s28], $0x1000  }
0x127: {  	[sflag:s28] =	ssyncset.done $0x0  }
.Ltmp6:
0x128: {  	s6 =	sadd.s32 $0x300, s8;
	[sflag:s28] =	ssyncadd.s32 $0xFFFFF000;
	(pc) =	sbr.rel @p0 .LBB2_13-.Ltmp6, $4  }
0x129: {  	[tilespmem:s25], [sflag:$0x3] =	stream.indirect.gather [spmem:s4], $0x20, s6, s30, $0xb8;
	[tilespmem:$0x1D800] =	vst v63  }
0x12a: {  	_ =	swait.ge [sflag:s20], $0x1000  }
0x12b: {  	[sflag:s20] =	ssyncset.done $0x0  }
0x12c: {  	s6 =	sadd.s32 $0x380, s8;
	[sflag:s20] =	ssyncadd.s32 $0xFFFFF000  }
0x12d: {  	[tilespmem:s7], [sflag:$0x4] =	stream.indirect.gather [spmem:s4], $0x20, s6, s30, $0xb8;
	[tilespmem:$0x1D800] =	vst v63  }
0x12e: {  	_ =	swait.ge [sflag:s11], $0x1000  }
0x12f: {  	[sflag:s11] =	ssyncset.done $0x0  }
0x130: {  	s2 =	simm.s32 $0x9E00;
	[sflag:s11] =	ssyncadd.s32 $0xFFFFF000  }
0x131: {  	[spmem:s3] =	stream.indirect.scatter.add.f32 [tilespmem:s29], [sflag:$0x5], $0x20, s2, s30, $0xb8;
	[tilespmem:$0x1D800] =	vst v63  }
0x132: {  	_ =	swait.ge [sflag:s12], $0x1000  }
0x133: {  	[sflag:s12] =	ssyncset.done $0x0  }
0x134: {  	s6 =	simm.s32 $0x9E80;
	[sflag:s12] =	ssyncadd.s32 $0xFFFFF000  }
0x135: {  	[spmem:s3] =	stream.indirect.scatter.add.f32 [tilespmem:s31], [sflag:$0x6], $0x20, s6, s30, $0xb8;
	[tilespmem:$0x1D800] =	vst v63  }
0x136: {  	_ =	swait.ge [sflag:s13], $0x1000  }
0x137: {  	[sflag:s13] =	ssyncset.done $0x0  }
0x138: {  	s8 =	simm.s32 $0x9F00;
	[sflag:s13] =	ssyncadd.s32 $0xFFFFF000  }
0x139: {  	[spmem:s3] =	stream.indirect.scatter.add.f32 [tilespmem:s25], [sflag:$0x7], $0x20, s8, s30, $0xb8;
	[tilespmem:$0x1D800] =	vst v63  }
0x13a: {  	_ =	swait.ge [sflag:s14], $0x1000  }
0x13b: {  	[sflag:s14] =	ssyncset.done $0x0  }
0x13c: {  	s17 =	simm.s32 $0x9F80;
	[sflag:s14] =	ssyncadd.s32 $0xFFFFF000  }
0x13d: {  	[spmem:s3] =	stream.indirect.scatter.add.f32 [tilespmem:s7], [sflag:$0x8], $0x20, s17, s30, $0xb8;
	[tilespmem:$0x1D800] =	vst v63  }
0x13e: {  	_ =	swait.ge [sflag:s18], $0x1000  }
0x13f: {  	[sflag:s18] =	ssyncset.done $0x0  }
0x140: {  	[sflag:s18] =	ssyncadd.s32 $0xFFFFF000  }
0x141: {  	_ =	swait.ge [sflag:s19], $0x1000  }
0x142: {  	[sflag:s19] =	ssyncset.done $0x0  }
0x143: {  	[sflag:s19] =	ssyncadd.s32 $0xFFFFF000  }
0x144: {  	_ =	swait.ge [sflag:s28], $0x1000  }
0x145: {  	[sflag:s28] =	ssyncset.done $0x0  }
0x146: {  	[sflag:s28] =	ssyncadd.s32 $0xFFFFF000  }
0x147: {  	_ =	swait.ge [sflag:s20], $0x1000  }
0x148: {  	[sflag:s20] =	ssyncset.done $0x0  }
0x149: {  	[sflag:s20] =	ssyncadd.s32 $0xFFFFF000  }
0x14a: {  	[bflag:$0x0] =	sbarrier.arrive $0xFFFF  }
0x14b: {  	s6 =	rddreg [dreg:$0x12]  }
0x14c: {  	[hbm:s6], [sflag:s0] =	dma.local [spmem:s24], $0xA00  }
0x14d: {  	_ =	swait.ge [sflag:s26], $0xA00  }
0x14e: {  	s8 =	sshrl.u32 s16, $0x3;
	[sflag:s26] =	ssyncset.done $0x0  }
0x14f: {  	s24 =	smov.u32 s16;
	s16 =	rddreg [dreg:$0x14];
	[sflag:s26] =	ssyncadd.s32 $0xFFFFF600  }
0x150: {  	[hbm:s16], [sflag:s0] =	dma.local [spmem:s8], $0x500  }
0x151: {  	_ =	swait.ge [sflag:s26], $0x500  }
0x152: {  	s5 =	sadd.s32 $0x1, s5;
	s17 =	rddreg [dreg:$0xc]  }
0x153: {  	p0 =	sne.s32 s5, s17  }
.Ltmp7:
0x154: {  	_ = 	snop;
	(pc) =	sbr.rel @p0 .LBB2_1-.Ltmp7, $3  }
0x155: {  	_ =	sdelay $0x1  }
0x156: {  	[sflag:s26] =	ssyncset.done $0x0  }
0x157: {  	s8 =	simm.s32 $0x5000;
	[sflag:s26] =	ssyncadd.s32 $0xFFFFFB00  }
0x158: {  	_ =	sfence.sel $0x180000  }
0x159: {  	[bflag:$0x0] =	sbarrier.arrive $0xFFFF  }
0x15a: {  	_ =	strace $0x90000047  }
0x15b: {  	s0 =	stileid.u32;
	[bflag:$0x2] =	sbarrier.arrive $0xFFFF  }
0x15c: {  	p0 =	sne.s32 s0, $0x0;
	s0 =	rddreg [dreg:$0x5]  }
0x15d: {  	s0 =	sadd.s32 @!p0 $0x100000, s0  }
0x15e: {  	[sflag:s0] =	ssyncadd.tile.s32 @!p0 $0x1;
	_ =	shalt  }
.Lfunc_end2:
_tile_overlayer_lowered:
.L_overlay_start_2:
0x15f: {  	(tag) =	ssettag $0x2  }
0x160: {  	s0 =	rddreg [dreg:$0x0];
	s2 =	stileid.u32  }
0x161: {  	s1 =	rddreg [dreg:$0x1];
	p0 =	sne.s32 s2, $0x0  }
0x162: {  	s3 =	rddreg [dreg:$0x2];
	[bflag:$0x3] =	sbarrier.arrive $0xFFFF;
	s2 =	simm.s32 @!p0 $0x1C0B  }
0x163: {  	[timem:s3], [sflag:s2] =	dma.local @!p0 [hbm:s0], s1  }
0x164: {  	s0 =	simm.s32 @!p0 $0xB  }
0x165: {  	_ =	swait.ge @!p0 [sflag:s0], s1  }
0x166: {  	s1 =	ssub.s32 @!p0 $0x0, s1;
	[sflag:s0] =	ssyncset.done @!p0 $0x0  }
0x167: {  	[sflag:s0] =	ssyncadd.s32 @!p0 s1  }
0x168: {  	[bflag:$0x3] =	sbarrier.arrive $0xFFFF  }
0x169: {  	_ =	shalt  }

// kernel: kernel.14.cloned.1.call-start
scs
__scs_entry_jumppad:
0x0: {  	(pc) =	sbr.rel $0x88, $3  }
0x1: {  	(tag) =	ssettag $0x0;
	lr =	simm.s32 $0x1  }
0x2: {  	[smem:$0x3F96] =	sst lr;
	_ =	strace $0xD0000000  }
0x3: {  	_ = 	snop  }
0x4: {  	_ = 	snop  }
0x5: {  	_ = 	snop  }
0x6: {  	_ = 	snop  }
0x7: {  	_ = 	snop  }
__scs_overlays_trampoline_lowered:
0x8: {  	[smem:$0x3FA5] =	sst s0  }
0x9: {  	[smem:$0x3FA6] =	sst s1  }
0xa: {  	[smem:$0x3FA7] =	sst s2  }
0xb: {  	[smem:$0x3FA8] =	sst s3  }
0xc: {  	[smem:$0x3FA9] =	sst s4  }
0xd: {  	[smem:$0x3FAA] =	sst s5  }
0xe: {  	[smem:$0x3FAB] =	sst s6  }
0xf: {  	[smem:$0x3FAC] =	sst s7  }
0x10: {  	[smem:$0x3FAD] =	sst s8  }
0x11: {  	[smem:$0x3FAE] =	sst s9;
	s0 =	simm.s32 @!p0 $0x0  }
0x12: {  	s1 =	sld [smem:$0x3F94];
	s0 =	simm.s32 @p0 $0x1  }
0x13: {  	[smem:$0x3FAF] =	sst s0;
	s0 =	simm.s32 @!p1 $0x0  }
0x14: {  	s2 =	sld [smem:$0x3F93];
	s0 =	simm.s32 @p1 $0x1  }
0x15: {  	[smem:$0x3FB0] =	sst s0;
	s0 =	simm.s32 @!p2 $0x0  }
0x16: {  	s3 =	sld [smem:$0x3FDB];
	s0 =	simm.s32 @p2 $0x1  }
0x17: {  	s4 =	simm.s32 $0x1BF5;
	[smem:$0x3FB2] =	sst s0  }
0x18: {  	s0 =	sld [smem:$0x3F95];
	_ =	swait.ge [sflag:s4], $0x0  }
0x19: {  	s7 =	sld [smem:$0x3F96]  }
0x1a: {  	s8 =	sadd.s32 $0xFFFFE003, lr  }
0x1b: {  	s9 =	sadd.s32 $0xFFFFFEF7, lr;
	s5 =	simm.s32 $0xFFFFFFFF;
	p2 =	slt.u32 s8, $0xFFFFF086  }
0x1c: {  	p1 =	slt.u32 s9, $0xF7A;
	s5 =	simm.s32 @!p2 $0x0  }
0x1d: {  	s5 =	simm.s32 @p1 $0x1;
	p0 =	seq.s32 s7, s2  }
0x1e: {  	s7 =	smul.u32 @!p0 $0xF7A, s2;
	p2 =	seq.s32 @!p0 s5, $0x0  }
0x1f: {  	s9 =	smul.u32 $0xF7A, s1;
	s8 =	simm.s32 @!p0 $0x1BF5;
	p2 =	por !p2, p0  }
0x20: {  	[sflag:s8] =	ssyncset.s32 @!p0 $0xFFFFF086;
	s6 =	sadd.s32 @!p0 s3, s7;
	s7 =	simm.s32 @!p0 $0x108  }
0x21: {  	s3 =	sadd.s32 s3, s9;
	s6 =	sadd.s32 @!p0 $0x88, s6;
	s7 =	simm.s32 @p2 $0x1082  }
0x22: {  	[simem:s7], [sflag:s8] =	dma.local @!p0 [hbm:s6], $0xF7A  }
0x23: {  	s9 =	sor.u32 $0xD0000000, s2;
	s6 =	simm.s32 $0x108;
	_ =	swait.ge @!p0 [sflag:s8], $0x0  }
0x24: {  	s3 =	sadd.s32 $0x88, s3;
	s6 =	simm.s32 @!p1 $0x1082;
	[sflag:s4] =	ssyncset.s32 $0xFFFFF086  }
0x25: {  	[simem:s6], [sflag:s4] =	dma.local [hbm:s3], $0xF7A  }
0x26: {  	[smem:$0x3F96] =	sst s1;
	(tag) =	ssettag s2;
	_ =	strace s9  }
0x27: {  	s1 =	sld [smem:$0x3FA6]  }
0x28: {  	s2 =	sld [smem:$0x3FA7]  }
0x29: {  	s4 =	sld [smem:$0x3FA9]  }
0x2a: {  	p0 =	seq.s32 s5, $0x0;
	s5 =	sld [smem:$0x3FAA]  }
0x2b: {  	s6 =	sld [smem:$0x3FAB]  }
0x2c: {  	s7 =	sld [smem:$0x3FAC]  }
0x2d: {  	s3 =	simm.s32 $0x108;
	s8 =	sld [smem:$0x3FAD]  }
0x2e: {  	s3 =	simm.s32 @!p0 $0x1082;
	s9 =	sld [smem:$0x3FAE]  }
0x2f: {  	lr =	sadd.s32 s0, s3;
	s0 =	sld [smem:$0x3FA5]  }
0x30: {  	s3 =	sld [smem:$0x3FA8]  }
0x31: {  	[smem:$0x3FB1] =	sst s10  }
0x32: {  	s10 =	sld [smem:$0x3FAF];
	_ =	sdelay $0x3  }
0x33: {  	p0 =	seq.s32 s10, $0x1;
	s10 =	sld [smem:$0x3FB1];
	_ =	sdelay $0x3  }
0x34: {  	[smem:$0x3FB1] =	sst s10  }
0x35: {  	s10 =	sld [smem:$0x3FB0];
	_ =	sdelay $0x3  }
0x36: {  	p1 =	seq.s32 s10, $0x1;
	s10 =	sld [smem:$0x3FB1];
	_ =	sdelay $0x3  }
0x37: {  	[smem:$0x3FB1] =	sst s10  }
0x38: {  	s10 =	sld [smem:$0x3FB2]  }
0x39: {  	_ = 	snop;
	(pc) =	sbr.ind lr, $3  }
0x3a: {  	_ = 	snop  }
0x3b: {  	_ = 	snop  }
0x3c: {  	p2 =	seq.s32 s10, $0x1;
	s10 =	sld [smem:$0x3FB1]  }
0x3d: {  	_ =	shalt  }
0x3e: {  	_ =	shalt  }
0x3f: {  	_ =	shalt  }
0x40: {  	_ =	shalt  }
0x41: {  	_ =	shalt  }
0x42: {  	_ =	shalt  }
0x43: {  	_ =	shalt  }
0x44: {  	_ =	shalt  }
0x45: {  	_ =	shalt  }
0x46: {  	_ =	shalt  }
0x47: {  	_ =	shalt  }
0x48: {  	_ =	shalt  }
0x49: {  	_ =	shalt  }
0x4a: {  	_ =	shalt  }
0x4b: {  	_ =	shalt  }
0x4c: {  	_ =	shalt  }
0x4d: {  	_ =	shalt  }
0x4e: {  	_ =	shalt  }
0x4f: {  	_ =	shalt  }
0x50: {  	_ =	shalt  }
0x51: {  	_ =	shalt  }
0x52: {  	_ =	shalt  }
0x53: {  	_ =	shalt  }
0x54: {  	_ =	shalt  }
0x55: {  	_ =	shalt  }
0x56: {  	_ =	shalt  }
0x57: {  	_ =	shalt  }
0x58: {  	_ =	shalt  }
0x59: {  	_ =	shalt  }
0x5a: {  	_ =	shalt  }
0x5b: {  	_ =	shalt  }
0x5c: {  	_ =	shalt  }
0x5d: {  	_ =	shalt  }
0x5e: {  	_ =	shalt  }
0x5f: {  	_ =	shalt  }
0x60: {  	_ =	shalt  }
0x61: {  	_ =	shalt  }
0x62: {  	_ =	shalt  }
0x63: {  	_ =	shalt  }
0x64: {  	_ =	shalt  }
0x65: {  	_ =	shalt  }
0x66: {  	_ =	shalt  }
0x67: {  	_ =	shalt  }
0x68: {  	_ =	shalt  }
0x69: {  	_ =	shalt  }
0x6a: {  	_ =	shalt  }
0x6b: {  	_ =	shalt  }
0x6c: {  	_ =	shalt  }
0x6d: {  	_ =	shalt  }
0x6e: {  	_ =	shalt  }
0x6f: {  	_ =	shalt  }
0x70: {  	_ =	shalt  }
0x71: {  	_ =	shalt  }
0x72: {  	_ =	shalt  }
0x73: {  	_ =	shalt  }
0x74: {  	_ =	shalt  }
0x75: {  	_ =	shalt  }
0x76: {  	_ =	shalt  }
0x77: {  	_ =	shalt  }
0x78: {  	_ =	shalt  }
0x79: {  	_ =	shalt  }
0x7a: {  	_ =	shalt  }
0x7b: {  	_ =	shalt  }
0x7c: {  	_ =	shalt  }
0x7d: {  	_ =	shalt  }
0x7e: {  	_ =	shalt  }
0x7f: {  	_ =	shalt  }
0x80: {  	_ =	shalt  }
0x81: {  	_ =	shalt  }
0x82: {  	_ =	shalt  }
0x83: {  	_ =	shalt  }
0x84: {  	_ =	shalt  }
0x85: {  	_ =	shalt  }
0x86: {  	_ =	shalt  }
0x87: {  	_ =	shalt  }
.Lfunc_end0:
.L_simem_size_0:
called_computation.1_lowered:
.L_overlay_start_0:
0x88: {  	s2 =	sld [smem:$0x3FD9]  }
0x89: {  	s3 =	sld [smem:$0x3FFE];
	_ =	sdelay $0x1  }
0x8a: {  	s1 =	srdreg.scid  }
0x8b: {  	s0 =	sand.u32 $0x1, s1  }
0x8c: {  	s17 =	sshll.u32 s0, $0xA;
	s2 =	sadd.s32 s3, s2  }
0x8d: {  	s2 =	sadd.s32 s2, s17  }
0x8e: {  	[smem:$0x3FBD] =	sst s2  }
0x8f: {  	_ = 	snop  }
0x90: {  	s2 =	sld [smem:$0x3FD0];
	(tm) =	ssettm $0x1  }
0x91: {  	s18 =	sld [smem:$0x3FFB];
	_ =	sdelay $0x3  }
0x92: {  	_ =	strace s18  }
0x93: {  	s3 =	sld [smem:$0x3FFC];
	_ =	sdelay $0x3  }
0x94: {  	_ =	strace s3  }
0x95: {  	s3 =	sld [smem:$0x3FFD];
	_ =	sdelay $0x3  }
0x96: {  	_ =	strace s3  }
0x97: {  	_ =	strace $0x8FFFFFFF  }
0x98: {  	s19 =	sld [smem:$0x3FDB];
	_ =	sdelay $0x1  }
0x99: {  	s4 =	simm.s32 $_scs_section_size  }
0x9a: {  	s5 =	simm.s32 $_size__tile_overlayer_lowered;
	s6 =	simm.s32 $_tile_overlayer_lowered  }
0x9b: {  	s22 =	simm.s32 $0x1BFF;
	s21 =	sshll.u32 s6, $0x1;
	s3 =	sadd.s32 s4, s19  }
0x9c: {  	s7 =	simm.s32 $0x0;
	s20 =	sshll.u32 s5, $0x1;
	s5 =	sadd.s32 s21, s3  }
0x9d: {  	[timem:s7], [sflag:s22] =	dma.local [hbm:s5], s20  }
0x9e: {  	_ =	swait.ge [sflag:s22], s20  }
0x9f: {  	s4 =	ssub.s32 $0x0, s20;
	[sflag:s22] =	ssyncset.done $0x0  }
0xa0: {  	[sflag:s22] =	ssyncadd.s32 s4;
	_ =	sdelay $0x1  }
0xa1: {  	s23 =	simm.s32 $0x1B8B  }
0xa2: {  	_ =	swait.ge [sflag:s23], $0x1  }
0xa3: {  	[sflag:s23] =	ssyncset.done $0x0  }
0xa4: {  	s25 =	simm.s32 $0x1B8E;
	s24 =	sld [smem:$0x3FFE];
	[sflag:s23] =	ssyncadd.s32 $0xFFFFFFFF  }
0xa5: {  	s26 =	simm.s32 $execute0_lowered;
	[smem:$0x3FD2] =	sst s25  }
0xa6: {  	s5 =	sshll.u32 s26, $0x1;
	_ =	strace $0x80000049;
	[dreg:$0x1] =	wrdreg $0xFFFFFFFF  }
0xa7: {  	s28 =	simm.s32 $_size_execute0_lowered;
	s3 =	sadd.s32 s3, s5;
	[dreg:$0x0] =	wrdreg $0x0  }
0xa8: {  	s5 =	sshll.u32 s28, $0x1;
	[dreg:$0x2] =	wrdreg s3  }
0xa9: {  	[dreg:$0x3] =	wrdreg s5  }
0xaa: {  	[dreg:$0x4] =	wrdreg $0xC0  }
0xab: {  	_ =	task [dreg:s7], $0x5FFFF  }
0xac: {  	[dreg:$0x1] =	wrdreg $0xFFFFFFFF  }
0xad: {  	[dreg:$0x0] =	wrdreg $0x60  }
0xae: {  	[dreg:$0x2] =	wrdreg s24  }
0xaf: {  	[dreg:$0x3] =	wrdreg s2  }
0xb0: {  	[dreg:$0x4] =	wrdreg $0x130000  }
0xb1: {  	[dreg:$0x5] =	wrdreg $0xE0000  }
0xb2: {  	[dreg:$0x6] =	wrdreg $0x9  }
0xb3: {  	_ =	task.clear_ibuf [dreg:s7], $0x7FFFF;
	_ =	strace $0x90000049  }
0xb4: {  	s29 =	simm.s32 $0x9;
	_ =	strace $0x8000004B  }
0xb5: {  	_ =	swait.ge [sflag:s29], $0x1  }
0xb6: {  	[sflag:s29] =	ssyncadd.s32 $0xFFFFFFFF  }
0xb7: {  	_ =	strace $0x9000004B  }
0xb8: {  	_ =	sfence  }
0xb9: {  	s30 =	sld [smem:$0x0];
	_ =	sdelay $0x2  }
0xba: {  	s31 =	sshll.u32 s1, $0xD;
	s1 =	sshrl.u32 s1, $0x2  }
0xbb: {  	s3 =	sand.u32 $0x4000, s31;
	s1 =	sadd.s32 s1, s30  }
0xbc: {  	s0 =	sor.u32 s3, s0;
	s1 =	sshll.u32 s1, $0x11  }
0xbd: {  	s0 =	sor.u32 s1, s0  }
0xbe: {  	s0 =	sadd.s32 $0x8F2B, s0  }
0xbf: {  	[sflag:s0] =	ssyncadd.remote.s32 $0x1  }
0xc0: {  	_ =	sfence.sel $0xFFFF  }
0xc1: {  	[dreg:$0x0] =	wrdreg $0xFFFFFFFF;
	(pc) =	sbr.abs _section_cstart, $3  }
0xc2: {  	[dreg:$0x1] =	wrdreg $0xFFFFFFFF  }
0xc3: {  	_ =	task.clear_ibuf [dreg:s7], $0x2FFFF;
	_ =	strace $0x9FFFFFFF  }
0xc4: {  	(tm) =	ssettm $0x7FFFFFFF  }
0xc5: {  	_ =	shalt  }
tec
execute0_lowered:
.L_overlay_start_1:
0x0: {  	(tag) =	ssettag $0x1  }
0x1: {  	s0 =	rddreg [dreg:$0x0]  }
0x2: {  	s2 =	rddreg [dreg:$0x1]  }
0x3: {  	s1 =	rddreg [dreg:$0x2]  }
0x4: {  	s3 =	rddreg [dreg:$0x3];
	s4 =	simm.s32 $0x0;
	s10 =	stileid.u32  }
0x5: {  	s5 =	srdreg.scid;
	s17 =	simm.s32 $0xA000;
	s19 =	simm.s32 $0x80  }
0x6: {  	s28 =	simm.s32 $0xD000;
	s30 =	simm.s32 $0x18000;
	s26 =	smul.u32 $0xA00, s10  }
0x7: {  	s29 =	simm.s32 $0xB;
	s31 =	simm.s32 $0x5;
	s7 =	smul.u32 $0x14000, s10  }
0x8: {  	[smem:$0x7FF] =	sst s4;
	s5 =	sand.u32 $0x1, s5;
	s10 =	smul.u32 $0x5000, s10  }
0x9: {  	s6 =	sadd.s32 $0x2400, s0;
	_ =	strace $0x8000004A;
	s12 =	smul.u32 $0xA000, s5  }
0xa: {  	s9 =	ssub.s32 $0x2, s5;
	s5 =	smul.u32 $0x50000, s5;
	s8 =	sadd.s32 s26, s0  }
0xb: {  	s0 =	sadd.s32 $0x34400, s0;
	s11 =	sshrl.u32 s9, $0x1;
	s7 =	sshrl.u32 s7, $0x2  }
0xc: {  	s2 =	sadd.s32 s2, s26;
	s13 =	sadd.s32 s10, s3;
	s16 =	sshrl.u32 s10, $0x3  }
0xd: {  	s10 =	sadd.s32 s10, s1;
	s9 =	ssub.s32 s9, s11;
	[dreg:$0x5] =	wrdreg s2  }
0xe: {  	s8 =	sadd.s32 $0x2A400, s8;
	s11 =	sadd.s32 s7, s1;
	[dreg:$0x8] =	wrdreg s13  }
0xf: {  	s14 =	sadd.s32 s6, s12;
	s15 =	sshrl.u32 s5, $0x3;
	s18 =	sadd.s32 s0, s12  }
0x10: {  	[dreg:$0x9] =	wrdreg s10;
	s5 =	simm.s32 $0x1B000;
	s10 =	simm.s32 $0x9  }
0x11: {  	s12 =	simm.s32 $0x10;
	s13 =	simm.s32 $0x0;
	[dreg:$0x6] =	wrdreg s8  }
0x12: {  	s4 =	sadd.s32 $0x14000, s15;
	s20 =	smax.u32 s9, $0x1;
	[dreg:$0x7] =	wrdreg s11  }
0x13: {  	s21 =	sadd.s32 $0x1000, s11;
	s22 =	sadd.s32 $0x2000, s11;
	[dreg:$0xa] =	wrdreg s20  }
0x14: {  	s23 =	sadd.s32 $0x3000, s11;
	s24 =	sadd.s32 $0x4000, s11;
	[dreg:$0xb] =	wrdreg s21  }
0x15: {  	s15 =	simm.s32 $0x11;
	s2 =	sadd.s32 s16, s14;
	[dreg:$0xc] =	wrdreg s22  }
0x16: {  	s25 =	sadd.s32 s16, s18;
	s8 =	simm.s32 $0x2;
	[dreg:$0xd] =	wrdreg s23  }
0x17: {  	s9 =	simm.s32 $0x3;
	s18 =	simm.s32 $0xC;
	[dreg:$0xe] =	wrdreg s24  }
0x18: {  	s11 =	simm.s32 $0xF;
	s6 =	sadd.s32 s6, s4;
	[dreg:$0xf] =	wrdreg s2  }
0x19: {  	s0 =	sadd.s32 s0, s4;
	s20 =	simm.s32 $0xB000;
	[dreg:$0x10] =	wrdreg s25  }
0x1a: {  	s25 =	simm.s32 $0xC000;
	s2 =	simm.s32 $0x1A000;
	s21 =	simm.s32 $0x4  }
0x1b: {  	s22 =	simm.s32 $0x7;
	s4 =	simm.s32 $0x8;
	s23 =	simm.s32 $0xD  }
0x1c: {  	s24 =	simm.s32 $0xE;
	s26 =	sadd.s32 s16, s6;
	s0 =	sadd.s32 s16, s0  }
0x1d: {  	s6 =	simm.s32 $0x1;
	s16 =	simm.s32 $0x6;
	[dreg:$0x11] =	wrdreg s26  }
0x1e: {  	v0 =	vimm.f32 $0.0e+00;
	[dreg:$0x12] =	wrdreg s0;
	s0 =	simm.s32 $0x19000;
	s26 =	simm.s32 $0xA  }
.LBB2_1:
0x1f: {  	[dreg:$0x13] =	wrdreg s13  }
0x20: {  	s7 =	simm.s32 $0x0;
	s14 =	rddreg [dreg:$0x5]  }
0x21: {  	[tilespmem:s7], [sflag:$0x11] =	stream.linear.gather [hbm4b:s14+s7], $0x5000, $0x38;
	[tilespmem:$0x1C000] =	vst v63  }
0x22: {  	_ =	swait.ge [sflag:s15], $0x5000  }
0x23: {  	[sflag:s15] =	ssyncset.done $0x0  }
0x24: {  	s14 =	simm.s32 $0x5000;
	s13 =	rddreg [dreg:$0x6];
	[sflag:s15] =	ssyncadd.s32 $0xFFFFB000  }
0x25: {  	[tilespmem:s14], [sflag:$0x11] =	stream.linear.gather [hbm4b:s13+s7], $0x5000, $0x38;
	[tilespmem:$0x1C000] =	vst v63  }
0x26: {  	_ =	swait.ge [sflag:s15], $0x5000  }
0x27: {  	[sflag:s15] =	ssyncset.done $0x0  }
0x28: {  	s7 =	simm.s32 $0x80;
	s14 =	simm.s32 $0x0;
	[sflag:s15] =	ssyncadd.s32 $0xFFFFB000  }
.LBB2_2:
0x29: {  	p0 =	sne.s32 s7, $0x3F80;
	[tilespmem:s14+$0xA000] =	vst v0;
	s13 =	smov.u32 s7;
	s7 =	sadd.s32 $0x80, s7  }
.Ltmp0:
0x2a: {  	[tilespmem:s14+$0xA010] =	vst v0;
	(pc) =	sbr.rel @p0 .LBB2_2-.Ltmp0, $2  }
0x2b: {  	_ =	sdelay $0x2  }
0x2c: {  	s14 =	sshra.s32 s13, $0x2  }
0x2d: {  	[tilespmem:s14+$0xA000] =	vst v0  }
0x2e: {  	[tilespmem:s14+$0xA010] =	vst v0;
	s7 =	rddreg [dreg:$0x7]  }
0x2f: {  	[spmem:s7] =	stream.linear.scatter [tilespmem:s17], [sflag:$0x11], $0x1000, $0x38;
	[tilespmem:$0x1C000] =	vst v63  }
0x30: {  	_ =	swait.ge [sflag:s15], $0x1000  }
0x31: {  	[sflag:s15] =	ssyncset.done $0x0  }
0x32: {  	s13 =	rddreg [dreg:$0xb];
	[sflag:s15] =	ssyncadd.s32 $0xFFFFF000  }
0x33: {  	[spmem:s13] =	stream.linear.scatter [tilespmem:s17], [sflag:$0x11], $0x1000, $0x38;
	[tilespmem:$0x1C000] =	vst v63  }
0x34: {  	_ =	swait.ge [sflag:s15], $0x1000  }
0x35: {  	[sflag:s15] =	ssyncset.done $0x0  }
0x36: {  	s14 =	rddreg [dreg:$0xc];
	[sflag:s15] =	ssyncadd.s32 $0xFFFFF000  }
0x37: {  	[spmem:s14] =	stream.linear.scatter [tilespmem:s17], [sflag:$0x11], $0x1000, $0x38;
	[tilespmem:$0x1C000] =	vst v63  }
0x38: {  	_ =	swait.ge [sflag:s15], $0x1000  }
0x39: {  	[sflag:s15] =	ssyncset.done $0x0  }
0x3a: {  	s13 =	rddreg [dreg:$0xd];
	[sflag:s15] =	ssyncadd.s32 $0xFFFFF000  }
0x3b: {  	[spmem:s13] =	stream.linear.scatter [tilespmem:s17], [sflag:$0x11], $0x1000, $0x38;
	[tilespmem:$0x1C000] =	vst v63  }
0x3c: {  	s13 =	stileid.u32;
	_ =	swait.ge [sflag:s15], $0x1000  }
0x3d: {  	s7 =	sshll.u32 s13, $0x6;
	[sflag:s15] =	ssyncset.done $0x0  }
0x3e: {  	s14 =	rddreg [dreg:$0xe];
	s13 =	sor.u32 $0x1C11, s7;
	[sflag:s15] =	ssyncadd.s32 $0xFFFFF000  }
0x3f: {  	[spmem:s14] =	stream.linear.scatter [tilespmem:s17], [sflag:$0x11], $0x1000, $0x38;
	[tilespmem:$0x1C000] =	vst v63  }
0x40: {  	_ =	swait.ge [sflag:s15], $0x1000;
	[dreg:$0x14] =	wrdreg s13  }
0x41: {  	s14 =	rddreg [dreg:$0x8]  }
0x42: {  	[sflag:s15] =	ssyncset.done $0x0;
	s7 =	rddreg [dreg:$0xf];
	s14 =	sshrl.u32 s14, $0x3  }
0x43: {  	[sflag:s15] =	ssyncadd.s32 $0xFFFFF000;
	[dreg:$0x15] =	wrdreg s14  }
0x44: {  	[spmem:s14], [sflag:s13] =	dma.local [hbm:s7], $0xA00  }
0x45: {  	_ =	swait.ge [sflag:s15], $0xA00  }
0x46: {  	[sflag:s15] =	ssyncset.done $0x0  }
0x47: {  	[sflag:s15] =	ssyncadd.s32 $0xFFFFF600  }
0x48: {  	s13 =	simm.s32 $0x0;
	[bflag:$0x0] =	sbarrier.arrive $0xFFFF  }
0x49: {  	[tilespmem:s17], [sflag:$0x1] =	stream.indirect.gather [spmem:s3], $0x20, s13, s19, $0xb8;
	[tilespmem:$0x1C000] =	vst v63  }
0x4a: {  	_ = 	snop  }
0x4b: {  	[tilespmem:s20], [sflag:$0x2] =	stream.indirect.gather [spmem:s3], $0x20, s19, s19, $0xb8;
	[tilespmem:$0x1C000] =	vst v63  }
0x4c: {  	s14 =	simm.s32 $0x100  }
0x4d: {  	[tilespmem:s25], [sflag:$0x3] =	stream.indirect.gather [spmem:s3], $0x20, s14, s19, $0xb8;
	[tilespmem:$0x1C000] =	vst v63  }
0x4e: {  	s13 =	simm.s32 $0x180  }
0x4f: {  	[tilespmem:s28], [sflag:$0x4] =	stream.indirect.gather [spmem:s3], $0x20, s13, s19, $0xb8;
	[tilespmem:$0x1C000] =	vst v63  }
0x50: {  	s14 =	simm.s32 $0x200  }
0x51: {  	[tilespmem:s30], [sflag:$0x9] =	stream.indirect.gather [spmem:s3], $0x20, s14, s19, $0xb8;
	[tilespmem:$0x1C000] =	vst v63  }
0x52: {  	s13 =	simm.s32 $0x280  }
0x53: {  	[tilespmem:s0], [sflag:$0xA] =	stream.indirect.gather [spmem:s3], $0x20, s13, s19, $0xb8;
	[tilespmem:$0x1C000] =	vst v63  }
0x54: {  	s14 =	simm.s32 $0x300  }
0x55: {  	[tilespmem:s2], [sflag:$0xB] =	stream.indirect.gather [spmem:s3], $0x20, s14, s19, $0xb8;
	[tilespmem:$0x1C000] =	vst v63  }
0x56: {  	s13 =	simm.s32 $0x380  }
0x57: {  	[tilespmem:s5], [sflag:$0xC] =	stream.indirect.gather [spmem:s3], $0x20, s13, s19, $0xb8;
	[tilespmem:$0x1C000] =	vst v63  }
0x58: {  	_ =	swait.ge [sflag:s6], $0x1000  }
0x59: {  	[sflag:s6] =	ssyncset.done $0x0  }
0x5a: {  	s14 =	simm.s32 $0x5000;
	[sflag:s6] =	ssyncadd.s32 $0xFFFFF000  }
0x5b: {  	[spmem:s1] =	stream.indirect.scatter.add.f32 [tilespmem:s17], [sflag:$0x5], $0x20, s14, s19, $0xb8;
	[tilespmem:$0x1C000] =	vst v63  }
0x5c: {  	_ =	swait.ge [sflag:s8], $0x1000  }
0x5d: {  	[sflag:s8] =	ssyncset.done $0x0  }
0x5e: {  	s13 =	simm.s32 $0x5080;
	[sflag:s8] =	ssyncadd.s32 $0xFFFFF000  }
0x5f: {  	[spmem:s1] =	stream.indirect.scatter.add.f32 [tilespmem:s20], [sflag:$0x6], $0x20, s13, s19, $0xb8;
	[tilespmem:$0x1C000] =	vst v63  }
0x60: {  	_ =	swait.ge [sflag:s9], $0x1000  }
0x61: {  	[sflag:s9] =	ssyncset.done $0x0  }
0x62: {  	s14 =	simm.s32 $0x5100;
	[sflag:s9] =	ssyncadd.s32 $0xFFFFF000  }
0x63: {  	[spmem:s1] =	stream.indirect.scatter.add.f32 [tilespmem:s25], [sflag:$0x7], $0x20, s14, s19, $0xb8;
	[tilespmem:$0x1C000] =	vst v63  }
0x64: {  	_ =	swait.ge [sflag:s21], $0x1000  }
0x65: {  	[sflag:s21] =	ssyncset.done $0x0  }
0x66: {  	s13 =	simm.s32 $0x5180;
	[sflag:s21] =	ssyncadd.s32 $0xFFFFF000  }
0x67: {  	[spmem:s1] =	stream.indirect.scatter.add.f32 [tilespmem:s28], [sflag:$0x8], $0x20, s13, s19, $0xb8;
	[tilespmem:$0x1C000] =	vst v63  }
0x68: {  	_ =	swait.ge [sflag:s10], $0x1000  }
0x69: {  	[sflag:s10] =	ssyncset.done $0x0  }
0x6a: {  	s14 =	simm.s32 $0x5200;
	[sflag:s10] =	ssyncadd.s32 $0xFFFFF000  }
0x6b: {  	[spmem:s1] =	stream.indirect.scatter.add.f32 [tilespmem:s30], [sflag:$0xD], $0x20, s14, s19, $0xb8;
	[tilespmem:$0x1C000] =	vst v63  }
0x6c: {  	_ =	swait.ge [sflag:s26], $0x1000  }
0x6d: {  	[sflag:s26] =	ssyncset.done $0x0  }
0x6e: {  	s13 =	simm.s32 $0x5280;
	[sflag:s26] =	ssyncadd.s32 $0xFFFFF000  }
0x6f: {  	[spmem:s1] =	stream.indirect.scatter.add.f32 [tilespmem:s0], [sflag:$0xE], $0x20, s13, s19, $0xb8;
	[tilespmem:$0x1C000] =	vst v63  }
0x70: {  	_ =	swait.ge [sflag:s29], $0x1000  }
0x71: {  	[sflag:s29] =	ssyncset.done $0x0  }
0x72: {  	s14 =	simm.s32 $0x5300;
	[sflag:s29] =	ssyncadd.s32 $0xFFFFF000  }
0x73: {  	[spmem:s1] =	stream.indirect.scatter.add.f32 [tilespmem:s2], [sflag:$0xF], $0x20, s14, s19, $0xb8;
	[tilespmem:$0x1C000] =	vst v63  }
0x74: {  	_ =	swait.ge [sflag:s18], $0x1000  }
0x75: {  	[sflag:s18] =	ssyncset.done $0x0  }
0x76: {  	s13 =	simm.s32 $0x5380;
	[sflag:s18] =	ssyncadd.s32 $0xFFFFF000  }
0x77: {  	[spmem:s1] =	stream.indirect.scatter.add.f32 [tilespmem:s5], [sflag:$0x10], $0x20, s13, s19, $0xb8;
	[tilespmem:$0x1C000] =	vst v63  }
0x78: {  	_ =	swait.ge [sflag:s31], $0x1000  }
0x79: {  	[sflag:s31] =	ssyncset.done $0x0  }
0x7a: {  	s14 =	simm.s32 $0x400;
	[sflag:s31] =	ssyncadd.s32 $0xFFFFF000  }
0x7b: {  	[tilespmem:s17], [sflag:$0x1] =	stream.indirect.gather [spmem:s3], $0x20, s14, s19, $0xb8;
	[tilespmem:$0x1C000] =	vst v63  }
0x7c: {  	_ =	swait.ge [sflag:s16], $0x1000  }
0x7d: {  	[sflag:s16] =	ssyncset.done $0x0  }
0x7e: {  	s13 =	simm.s32 $0x480;
	[sflag:s16] =	ssyncadd.s32 $0xFFFFF000  }
0x7f: {  	[tilespmem:s20], [sflag:$0x2] =	stream.indirect.gather [spmem:s3], $0x20, s13, s19, $0xb8;
	[tilespmem:$0x1C000] =	vst v63  }
0x80: {  	_ =	swait.ge [sflag:s22], $0x1000  }
0x81: {  	[sflag:s22] =	ssyncset.done $0x0  }
0x82: {  	s14 =	simm.s32 $0x500;
	[sflag:s22] =	ssyncadd.s32 $0xFFFFF000  }
0x83: {  	[tilespmem:s25], [sflag:$0x3] =	stream.indirect.gather [spmem:s3], $0x20, s14, s19, $0xb8;
	[tilespmem:$0x1C000] =	vst v63  }
0x84: {  	_ =	swait.ge [sflag:s4], $0x1000  }
0x85: {  	[sflag:s4] =	ssyncset.done $0x0  }
0x86: {  	s13 =	simm.s32 $0x580;
	[sflag:s4] =	ssyncadd.s32 $0xFFFFF000  }
0x87: {  	[tilespmem:s28], [sflag:$0x4] =	stream.indirect.gather [spmem:s3], $0x20, s13, s19, $0xb8;
	[tilespmem:$0x1C000] =	vst v63  }
0x88: {  	_ =	swait.ge [sflag:s23], $0x1000  }
0x89: {  	[sflag:s23] =	ssyncset.done $0x0  }
0x8a: {  	s14 =	simm.s32 $0x600;
	[sflag:s23] =	ssyncadd.s32 $0xFFFFF000  }
0x8b: {  	[tilespmem:s30], [sflag:$0x9] =	stream.indirect.gather [spmem:s3], $0x20, s14, s19, $0xb8;
	[tilespmem:$0x1C000] =	vst v63  }
0x8c: {  	_ =	swait.ge [sflag:s24], $0x1000  }
0x8d: {  	[sflag:s24] =	ssyncset.done $0x0  }
0x8e: {  	s13 =	simm.s32 $0x680;
	[sflag:s24] =	ssyncadd.s32 $0xFFFFF000  }
0x8f: {  	[tilespmem:s0], [sflag:$0xA] =	stream.indirect.gather [spmem:s3], $0x20, s13, s19, $0xb8;
	[tilespmem:$0x1C000] =	vst v63  }
0x90: {  	_ =	swait.ge [sflag:s11], $0x1000  }
0x91: {  	[sflag:s11] =	ssyncset.done $0x0  }
0x92: {  	s14 =	simm.s32 $0x700;
	[sflag:s11] =	ssyncadd.s32 $0xFFFFF000  }
0x93: {  	[tilespmem:s2], [sflag:$0xB] =	stream.indirect.gather [spmem:s3], $0x20, s14, s19, $0xb8;
	[tilespmem:$0x1C000] =	vst v63  }
0x94: {  	_ =	swait.ge [sflag:s12], $0x1000  }
0x95: {  	[sflag:s12] =	ssyncset.done $0x0  }
0x96: {  	s7 =	simm.s32 $0x780;
	s14 =	simm.s32 $0x1000;
	[sflag:s12] =	ssyncadd.s32 $0xFFFFF000  }
.LBB2_4:
0x97: {  	[tilespmem:s5], [sflag:$0xC] =	stream.indirect.gather [spmem:s3], $0x20, s7, s19, $0xb8;
	[tilespmem:$0x1C000] =	vst v63  }
0x98: {  	s7 =	smov.u32 s14  }
0x99: {  	p0 =	sne.s32 s14, $0x12000;
	s14 =	sadd.s32 $0x1000, s14;
	_ =	swait.ge [sflag:s6], $0x1000  }
0x9a: {  	s7 =	sshra.s32 s7, $0x2;
	[sflag:s6] =	ssyncset.done $0x0  }
0x9b: {  	s13 =	sadd.s32 $0x5000, s7;
	[sflag:s6] =	ssyncadd.s32 $0xFFFFF000  }
0x9c: {  	[spmem:s1] =	stream.indirect.scatter.add.f32 [tilespmem:s17], [sflag:$0x5], $0x20, s13, s19, $0xb8;
	[tilespmem:$0x1C000] =	vst v63  }
0x9d: {  	_ =	swait.ge [sflag:s8], $0x1000  }
0x9e: {  	[sflag:s8] =	ssyncset.done $0x0  }
0x9f: {  	s13 =	sadd.s32 $0x5080, s7;
	[sflag:s8] =	ssyncadd.s32 $0xFFFFF000  }
0xa0: {  	[spmem:s1] =	stream.indirect.scatter.add.f32 [tilespmem:s20], [sflag:$0x6], $0x20, s13, s19, $0xb8;
	[tilespmem:$0x1C000] =	vst v63  }
0xa1: {  	_ =	swait.ge [sflag:s9], $0x1000  }
0xa2: {  	[sflag:s9] =	ssyncset.done $0x0  }
0xa3: {  	s13 =	sadd.s32 $0x5100, s7;
	[sflag:s9] =	ssyncadd.s32 $0xFFFFF000  }
0xa4: {  	[spmem:s1] =	stream.indirect.scatter.add.f32 [tilespmem:s25], [sflag:$0x7], $0x20, s13, s19, $0xb8;
	[tilespmem:$0x1C000] =	vst v63  }
0xa5: {  	_ =	swait.ge [sflag:s21], $0x1000  }
0xa6: {  	[sflag:s21] =	ssyncset.done $0x0  }
0xa7: {  	s13 =	sadd.s32 $0x5180, s7;
	[sflag:s21] =	ssyncadd.s32 $0xFFFFF000  }
0xa8: {  	[spmem:s1] =	stream.indirect.scatter.add.f32 [tilespmem:s28], [sflag:$0x8], $0x20, s13, s19, $0xb8;
	[tilespmem:$0x1C000] =	vst v63  }
0xa9: {  	_ =	swait.ge [sflag:s10], $0x1000  }
0xaa: {  	[sflag:s10] =	ssyncset.done $0x0  }
0xab: {  	s13 =	sadd.s32 $0x5200, s7;
	[sflag:s10] =	ssyncadd.s32 $0xFFFFF000  }
0xac: {  	[spmem:s1] =	stream.indirect.scatter.add.f32 [tilespmem:s30], [sflag:$0xD], $0x20, s13, s19, $0xb8;
	[tilespmem:$0x1C000] =	vst v63  }
0xad: {  	_ =	swait.ge [sflag:s26], $0x1000  }
0xae: {  	[sflag:s26] =	ssyncset.done $0x0  }
0xaf: {  	s13 =	sadd.s32 $0x5280, s7;
	[sflag:s26] =	ssyncadd.s32 $0xFFFFF000  }
0xb0: {  	[spmem:s1] =	stream.indirect.scatter.add.f32 [tilespmem:s0], [sflag:$0xE], $0x20, s13, s19, $0xb8;
	[tilespmem:$0x1C000] =	vst v63  }
0xb1: {  	_ =	swait.ge [sflag:s29], $0x1000  }
0xb2: {  	[sflag:s29] =	ssyncset.done $0x0  }
0xb3: {  	s13 =	sadd.s32 $0x5300, s7;
	[sflag:s29] =	ssyncadd.s32 $0xFFFFF000  }
0xb4: {  	[spmem:s1] =	stream.indirect.scatter.add.f32 [tilespmem:s2], [sflag:$0xF], $0x20, s13, s19, $0xb8;
	[tilespmem:$0x1C000] =	vst v63  }
0xb5: {  	_ =	swait.ge [sflag:s18], $0x1000  }
0xb6: {  	[sflag:s18] =	ssyncset.done $0x0  }
0xb7: {  	s13 =	sadd.s32 $0x5380, s7;
	[sflag:s18] =	ssyncadd.s32 $0xFFFFF000  }
0xb8: {  	[spmem:s1] =	stream.indirect.scatter.add.f32 [tilespmem:s5], [sflag:$0x10], $0x20, s13, s19, $0xb8;
	[tilespmem:$0x1C000] =	vst v63  }
0xb9: {  	_ =	swait.ge [sflag:s31], $0x1000  }
0xba: {  	[sflag:s31] =	ssyncset.done $0x0  }
0xbb: {  	s13 =	sadd.s32 $0x400, s7;
	[sflag:s31] =	ssyncadd.s32 $0xFFFFF000  }
0xbc: {  	[tilespmem:s17], [sflag:$0x1] =	stream.indirect.gather [spmem:s3], $0x20, s13, s19, $0xb8;
	[tilespmem:$0x1C000] =	vst v63  }
0xbd: {  	_ =	swait.ge [sflag:s16], $0x1000  }
0xbe: {  	[sflag:s16] =	ssyncset.done $0x0  }
0xbf: {  	s13 =	sadd.s32 $0x480, s7;
	[sflag:s16] =	ssyncadd.s32 $0xFFFFF000  }
0xc0: {  	[tilespmem:s20], [sflag:$0x2] =	stream.indirect.gather [spmem:s3], $0x20, s13, s19, $0xb8;
	[tilespmem:$0x1C000] =	vst v63  }
0xc1: {  	_ =	swait.ge [sflag:s22], $0x1000  }
0xc2: {  	[sflag:s22] =	ssyncset.done $0x0  }
0xc3: {  	s13 =	sadd.s32 $0x500, s7;
	[sflag:s22] =	ssyncadd.s32 $0xFFFFF000  }
0xc4: {  	[tilespmem:s25], [sflag:$0x3] =	stream.indirect.gather [spmem:s3], $0x20, s13, s19, $0xb8;
	[tilespmem:$0x1C000] =	vst v63  }
0xc5: {  	_ =	swait.ge [sflag:s4], $0x1000  }
0xc6: {  	[sflag:s4] =	ssyncset.done $0x0  }
0xc7: {  	s13 =	sadd.s32 $0x580, s7;
	[sflag:s4] =	ssyncadd.s32 $0xFFFFF000  }
0xc8: {  	[tilespmem:s28], [sflag:$0x4] =	stream.indirect.gather [spmem:s3], $0x20, s13, s19, $0xb8;
	[tilespmem:$0x1C000] =	vst v63  }
0xc9: {  	_ =	swait.ge [sflag:s23], $0x1000  }
0xca: {  	[sflag:s23] =	ssyncset.done $0x0  }
0xcb: {  	s13 =	sadd.s32 $0x600, s7;
	[sflag:s23] =	ssyncadd.s32 $0xFFFFF000  }
0xcc: {  	[tilespmem:s30], [sflag:$0x9] =	stream.indirect.gather [spmem:s3], $0x20, s13, s19, $0xb8;
	[tilespmem:$0x1C000] =	vst v63  }
0xcd: {  	_ =	swait.ge [sflag:s24], $0x1000  }
0xce: {  	[sflag:s24] =	ssyncset.done $0x0  }
0xcf: {  	s13 =	sadd.s32 $0x680, s7;
	[sflag:s24] =	ssyncadd.s32 $0xFFFFF000  }
0xd0: {  	[tilespmem:s0], [sflag:$0xA] =	stream.indirect.gather [spmem:s3], $0x20, s13, s19, $0xb8;
	[tilespmem:$0x1C000] =	vst v63  }
0xd1: {  	_ =	swait.ge [sflag:s11], $0x1000  }
0xd2: {  	[sflag:s11] =	ssyncset.done $0x0  }
.Ltmp1:
0xd3: {  	s13 =	sadd.s32 $0x700, s7;
	[sflag:s11] =	ssyncadd.s32 $0xFFFFF000;
	(pc) =	sbr.rel @p0 .LBB2_4-.Ltmp1, $4  }
0xd4: {  	[tilespmem:s2], [sflag:$0xB] =	stream.indirect.gather [spmem:s3], $0x20, s13, s19, $0xb8;
	[tilespmem:$0x1C000] =	vst v63  }
0xd5: {  	_ =	swait.ge [sflag:s12], $0x1000  }
0xd6: {  	[sflag:s12] =	ssyncset.done $0x0  }
0xd7: {  	s7 =	sadd.s32 $0x780, s7;
	[sflag:s12] =	ssyncadd.s32 $0xFFFFF000  }
0xd8: {  	[tilespmem:s5], [sflag:$0xC] =	stream.indirect.gather [spmem:s3], $0x20, s7, s19, $0xb8;
	[tilespmem:$0x1C000] =	vst v63  }
0xd9: {  	_ =	swait.ge [sflag:s6], $0x1000  }
0xda: {  	[sflag:s6] =	ssyncset.done $0x0  }
0xdb: {  	s14 =	simm.s32 $0x9C00;
	[sflag:s6] =	ssyncadd.s32 $0xFFFFF000  }
0xdc: {  	[spmem:s1] =	stream.indirect.scatter.add.f32 [tilespmem:s17], [sflag:$0x5], $0x20, s14, s19, $0xb8;
	[tilespmem:$0x1C000] =	vst v63  }
0xdd: {  	_ =	swait.ge [sflag:s8], $0x1000  }
0xde: {  	[sflag:s8] =	ssyncset.done $0x0  }
0xdf: {  	s13 =	simm.s32 $0x9C80;
	[sflag:s8] =	ssyncadd.s32 $0xFFFFF000  }
0xe0: {  	[spmem:s1] =	stream.indirect.scatter.add.f32 [tilespmem:s20], [sflag:$0x6], $0x20, s13, s19, $0xb8;
	[tilespmem:$0x1C000] =	vst v63  }
0xe1: {  	_ =	swait.ge [sflag:s9], $0x1000  }
0xe2: {  	[sflag:s9] =	ssyncset.done $0x0  }
0xe3: {  	s14 =	simm.s32 $0x9D00;
	[sflag:s9] =	ssyncadd.s32 $0xFFFFF000  }
0xe4: {  	[spmem:s1] =	stream.indirect.scatter.add.f32 [tilespmem:s25], [sflag:$0x7], $0x20, s14, s19, $0xb8;
	[tilespmem:$0x1C000] =	vst v63  }
0xe5: {  	_ =	swait.ge [sflag:s21], $0x1000  }
0xe6: {  	[sflag:s21] =	ssyncset.done $0x0  }
0xe7: {  	s13 =	simm.s32 $0x9D80;
	[sflag:s21] =	ssyncadd.s32 $0xFFFFF000  }
0xe8: {  	[spmem:s1] =	stream.indirect.scatter.add.f32 [tilespmem:s28], [sflag:$0x8], $0x20, s13, s19, $0xb8;
	[tilespmem:$0x1C000] =	vst v63  }
0xe9: {  	_ =	swait.ge [sflag:s10], $0x1000  }
0xea: {  	[sflag:s10] =	ssyncset.done $0x0  }
0xeb: {  	s14 =	simm.s32 $0x9E00;
	[sflag:s10] =	ssyncadd.s32 $0xFFFFF000  }
0xec: {  	[spmem:s1] =	stream.indirect.scatter.add.f32 [tilespmem:s30], [sflag:$0xD], $0x20, s14, s19, $0xb8;
	[tilespmem:$0x1C000] =	vst v63  }
0xed: {  	_ =	swait.ge [sflag:s26], $0x1000  }
0xee: {  	[sflag:s26] =	ssyncset.done $0x0  }
0xef: {  	s13 =	simm.s32 $0x9E80;
	[sflag:s26] =	ssyncadd.s32 $0xFFFFF000  }
0xf0: {  	[spmem:s1] =	stream.indirect.scatter.add.f32 [tilespmem:s0], [sflag:$0xE], $0x20, s13, s19, $0xb8;
	[tilespmem:$0x1C000] =	vst v63  }
0xf1: {  	_ =	swait.ge [sflag:s29], $0x1000  }
0xf2: {  	[sflag:s29] =	ssyncset.done $0x0  }
0xf3: {  	s14 =	simm.s32 $0x9F00;
	[sflag:s29] =	ssyncadd.s32 $0xFFFFF000  }
0xf4: {  	[spmem:s1] =	stream.indirect.scatter.add.f32 [tilespmem:s2], [sflag:$0xF], $0x20, s14, s19, $0xb8;
	[tilespmem:$0x1C000] =	vst v63  }
0xf5: {  	_ =	swait.ge [sflag:s18], $0x1000  }
0xf6: {  	[sflag:s18] =	ssyncset.done $0x0  }
0xf7: {  	s13 =	simm.s32 $0x9F80;
	[sflag:s18] =	ssyncadd.s32 $0xFFFFF000  }
0xf8: {  	[spmem:s1] =	stream.indirect.scatter.add.f32 [tilespmem:s5], [sflag:$0x10], $0x20, s13, s19, $0xb8;
	[tilespmem:$0x1C000] =	vst v63  }
0xf9: {  	_ =	swait.ge [sflag:s31], $0x1000  }
0xfa: {  	[sflag:s31] =	ssyncset.done $0x0  }
0xfb: {  	[sflag:s31] =	ssyncadd.s32 $0xFFFFF000  }
0xfc: {  	_ =	swait.ge [sflag:s16], $0x1000  }
0xfd: {  	[sflag:s16] =	ssyncset.done $0x0  }
0xfe: {  	[sflag:s16] =	ssyncadd.s32 $0xFFFFF000  }
0xff: {  	_ =	swait.ge [sflag:s22], $0x1000  }
0x100: {  	[sflag:s22] =	ssyncset.done $0x0  }
0x101: {  	[sflag:s22] =	ssyncadd.s32 $0xFFFFF000  }
0x102: {  	_ =	swait.ge [sflag:s4], $0x1000  }
0x103: {  	[sflag:s4] =	ssyncset.done $0x0  }
0x104: {  	[sflag:s4] =	ssyncadd.s32 $0xFFFFF000  }
0x105: {  	_ =	swait.ge [sflag:s23], $0x1000  }
0x106: {  	[sflag:s23] =	ssyncset.done $0x0  }
0x107: {  	[sflag:s23] =	ssyncadd.s32 $0xFFFFF000  }
0x108: {  	_ =	swait.ge [sflag:s24], $0x1000  }
0x109: {  	[sflag:s24] =	ssyncset.done $0x0  }
0x10a: {  	[sflag:s24] =	ssyncadd.s32 $0xFFFFF000  }
0x10b: {  	_ =	swait.ge [sflag:s11], $0x1000  }
0x10c: {  	[sflag:s11] =	ssyncset.done $0x0  }
0x10d: {  	[sflag:s11] =	ssyncadd.s32 $0xFFFFF000  }
0x10e: {  	_ =	swait.ge [sflag:s12], $0x1000  }
0x10f: {  	[sflag:s12] =	ssyncset.done $0x0  }
0x110: {  	[sflag:s12] =	ssyncadd.s32 $0xFFFFF000  }
0x111: {  	[bflag:$0x0] =	sbarrier.arrive $0xFFFF  }
0x112: {  	s14 =	rddreg [dreg:$0x9]  }
0x113: {  	s7 =	rddreg [dreg:$0x10]  }
0x114: {  	s13 =	rddreg [dreg:$0x14];
	s14 =	sshrl.u32 s14, $0x3  }
0x115: {  	[dreg:$0x16] =	wrdreg s14  }
0x116: {  	[hbm:s7], [sflag:s13] =	dma.local [spmem:s14], $0xA00  }
0x117: {  	_ =	swait.ge [sflag:s15], $0xA00  }
0x118: {  	[sflag:s15] =	ssyncset.done $0x0  }
0x119: {  	s7 =	simm.s32 $0x80;
	s14 =	simm.s32 $0x0;
	[sflag:s15] =	ssyncadd.s32 $0xFFFFF600  }
.LBB2_6:
0x11a: {  	p0 =	sne.s32 s7, $0x3F80;
	[tilespmem:s14+$0xA000] =	vst v0;
	s13 =	smov.u32 s7;
	s7 =	sadd.s32 $0x80, s7  }
.Ltmp2:
0x11b: {  	[tilespmem:s14+$0xA010] =	vst v0;
	(pc) =	sbr.rel @p0 .LBB2_6-.Ltmp2, $2  }
0x11c: {  	_ =	sdelay $0x2  }
0x11d: {  	s14 =	sshra.s32 s13, $0x2  }
0x11e: {  	[tilespmem:s14+$0xA000] =	vst v0  }
0x11f: {  	[tilespmem:s14+$0xA010] =	vst v0;
	s7 =	rddreg [dreg:$0x7]  }
0x120: {  	[spmem:s7] =	stream.linear.scatter [tilespmem:s17], [sflag:$0x11], $0x1000, $0x38;
	[tilespmem:$0x1C000] =	vst v63  }
0x121: {  	_ =	swait.ge [sflag:s15], $0x1000  }
0x122: {  	[sflag:s15] =	ssyncset.done $0x0  }
0x123: {  	s13 =	rddreg [dreg:$0xb];
	[sflag:s15] =	ssyncadd.s32 $0xFFFFF000  }
0x124: {  	[spmem:s13] =	stream.linear.scatter [tilespmem:s17], [sflag:$0x11], $0x1000, $0x38;
	[tilespmem:$0x1C000] =	vst v63  }
0x125: {  	_ =	swait.ge [sflag:s15], $0x1000  }
0x126: {  	[sflag:s15] =	ssyncset.done $0x0  }
0x127: {  	s14 =	rddreg [dreg:$0xc];
	[sflag:s15] =	ssyncadd.s32 $0xFFFFF000  }
0x128: {  	[spmem:s14] =	stream.linear.scatter [tilespmem:s17], [sflag:$0x11], $0x1000, $0x38;
	[tilespmem:$0x1C000] =	vst v63  }
0x129: {  	_ =	swait.ge [sflag:s15], $0x1000  }
0x12a: {  	[sflag:s15] =	ssyncset.done $0x0  }
0x12b: {  	s13 =	rddreg [dreg:$0xd];
	[sflag:s15] =	ssyncadd.s32 $0xFFFFF000  }
0x12c: {  	[spmem:s13] =	stream.linear.scatter [tilespmem:s17], [sflag:$0x11], $0x1000, $0x38;
	[tilespmem:$0x1C000] =	vst v63  }
0x12d: {  	_ =	swait.ge [sflag:s15], $0x1000  }
0x12e: {  	[sflag:s15] =	ssyncset.done $0x0  }
0x12f: {  	s14 =	rddreg [dreg:$0xe];
	[sflag:s15] =	ssyncadd.s32 $0xFFFFF000  }
0x130: {  	[spmem:s14] =	stream.linear.scatter [tilespmem:s17], [sflag:$0x11], $0x1000, $0x38;
	[tilespmem:$0x1C000] =	vst v63  }
0x131: {  	_ =	swait.ge [sflag:s15], $0x1000  }
0x132: {  	s7 =	rddreg [dreg:$0x11]  }
0x133: {  	[sflag:s15] =	ssyncset.done $0x0;
	s13 =	rddreg [dreg:$0x14]  }
0x134: {  	s14 =	rddreg [dreg:$0x15];
	[sflag:s15] =	ssyncadd.s32 $0xFFFFF000  }
0x135: {  	[spmem:s14], [sflag:s13] =	dma.local [hbm:s7], $0xA00  }
0x136: {  	_ =	swait.ge [sflag:s15], $0xA00  }
0x137: {  	[sflag:s15] =	ssyncset.done $0x0  }
0x138: {  	[sflag:s15] =	ssyncadd.s32 $0xFFFFF600  }
0x139: {  	s13 =	simm.s32 $0x0;
	[bflag:$0x0] =	sbarrier.arrive $0xFFFF  }
0x13a: {  	[tilespmem:s17], [sflag:$0x1] =	stream.indirect.gather [spmem:s3], $0x20, s13, s19, $0xb8;
	[tilespmem:$0x1C000] =	vst v63  }
0x13b: {  	_ = 	snop  }
0x13c: {  	[tilespmem:s20], [sflag:$0x2] =	stream.indirect.gather [spmem:s3], $0x20, s19, s19, $0xb8;
	[tilespmem:$0x1C000] =	vst v63  }
0x13d: {  	s14 =	simm.s32 $0x100  }
0x13e: {  	[tilespmem:s25], [sflag:$0x3] =	stream.indirect.gather [spmem:s3], $0x20, s14, s19, $0xb8;
	[tilespmem:$0x1C000] =	vst v63  }
0x13f: {  	s13 =	simm.s32 $0x180  }
0x140: {  	[tilespmem:s28], [sflag:$0x4] =	stream.indirect.gather [spmem:s3], $0x20, s13, s19, $0xb8;
	[tilespmem:$0x1C000] =	vst v63  }
0x141: {  	s14 =	simm.s32 $0x200  }
0x142: {  	[tilespmem:s30], [sflag:$0x9] =	stream.indirect.gather [spmem:s3], $0x20, s14, s19, $0xb8;
	[tilespmem:$0x1C000] =	vst v63  }
0x143: {  	s13 =	simm.s32 $0x280  }
0x144: {  	[tilespmem:s0], [sflag:$0xA] =	stream.indirect.gather [spmem:s3], $0x20, s13, s19, $0xb8;
	[tilespmem:$0x1C000] =	vst v63  }
0x145: {  	s14 =	simm.s32 $0x300  }
0x146: {  	[tilespmem:s2], [sflag:$0xB] =	stream.indirect.gather [spmem:s3], $0x20, s14, s19, $0xb8;
	[tilespmem:$0x1C000] =	vst v63  }
0x147: {  	s13 =	simm.s32 $0x380  }
0x148: {  	[tilespmem:s5], [sflag:$0xC] =	stream.indirect.gather [spmem:s3], $0x20, s13, s19, $0xb8;
	[tilespmem:$0x1C000] =	vst v63  }
0x149: {  	_ =	swait.ge [sflag:s6], $0x1000  }
0x14a: {  	[sflag:s6] =	ssyncset.done $0x0  }
0x14b: {  	s14 =	simm.s32 $0x5000;
	[sflag:s6] =	ssyncadd.s32 $0xFFFFF000  }
0x14c: {  	[spmem:s1] =	stream.indirect.scatter.add.f32 [tilespmem:s17], [sflag:$0x5], $0x20, s14, s19, $0xb8;
	[tilespmem:$0x1C000] =	vst v63  }
0x14d: {  	_ =	swait.ge [sflag:s8], $0x1000  }
0x14e: {  	[sflag:s8] =	ssyncset.done $0x0  }
0x14f: {  	s13 =	simm.s32 $0x5080;
	[sflag:s8] =	ssyncadd.s32 $0xFFFFF000  }
0x150: {  	[spmem:s1] =	stream.indirect.scatter.add.f32 [tilespmem:s20], [sflag:$0x6], $0x20, s13, s19, $0xb8;
	[tilespmem:$0x1C000] =	vst v63  }
0x151: {  	_ =	swait.ge [sflag:s9], $0x1000  }
0x152: {  	[sflag:s9] =	ssyncset.done $0x0  }
0x153: {  	s14 =	simm.s32 $0x5100;
	[sflag:s9] =	ssyncadd.s32 $0xFFFFF000  }
0x154: {  	[spmem:s1] =	stream.indirect.scatter.add.f32 [tilespmem:s25], [sflag:$0x7], $0x20, s14, s19, $0xb8;
	[tilespmem:$0x1C000] =	vst v63  }
0x155: {  	_ =	swait.ge [sflag:s21], $0x1000  }
0x156: {  	[sflag:s21] =	ssyncset.done $0x0  }
0x157: {  	s13 =	simm.s32 $0x5180;
	[sflag:s21] =	ssyncadd.s32 $0xFFFFF000  }
0x158: {  	[spmem:s1] =	stream.indirect.scatter.add.f32 [tilespmem:s28], [sflag:$0x8], $0x20, s13, s19, $0xb8;
	[tilespmem:$0x1C000] =	vst v63  }
0x159: {  	_ =	swait.ge [sflag:s10], $0x1000  }
0x15a: {  	[sflag:s10] =	ssyncset.done $0x0  }
0x15b: {  	s14 =	simm.s32 $0x5200;
	[sflag:s10] =	ssyncadd.s32 $0xFFFFF000  }
0x15c: {  	[spmem:s1] =	stream.indirect.scatter.add.f32 [tilespmem:s30], [sflag:$0xD], $0x20, s14, s19, $0xb8;
	[tilespmem:$0x1C000] =	vst v63  }
0x15d: {  	_ =	swait.ge [sflag:s26], $0x1000  }
0x15e: {  	[sflag:s26] =	ssyncset.done $0x0  }
0x15f: {  	s13 =	simm.s32 $0x5280;
	[sflag:s26] =	ssyncadd.s32 $0xFFFFF000  }
0x160: {  	[spmem:s1] =	stream.indirect.scatter.add.f32 [tilespmem:s0], [sflag:$0xE], $0x20, s13, s19, $0xb8;
	[tilespmem:$0x1C000] =	vst v63  }
0x161: {  	_ =	swait.ge [sflag:s29], $0x1000  }
0x162: {  	[sflag:s29] =	ssyncset.done $0x0  }
0x163: {  	s14 =	simm.s32 $0x5300;
	[sflag:s29] =	ssyncadd.s32 $0xFFFFF000  }
0x164: {  	[spmem:s1] =	stream.indirect.scatter.add.f32 [tilespmem:s2], [sflag:$0xF], $0x20, s14, s19, $0xb8;
	[tilespmem:$0x1C000] =	vst v63  }
0x165: {  	_ =	swait.ge [sflag:s18], $0x1000  }
0x166: {  	[sflag:s18] =	ssyncset.done $0x0  }
0x167: {  	s13 =	simm.s32 $0x5380;
	[sflag:s18] =	ssyncadd.s32 $0xFFFFF000  }
0x168: {  	[spmem:s1] =	stream.indirect.scatter.add.f32 [tilespmem:s5], [sflag:$0x10], $0x20, s13, s19, $0xb8;
	[tilespmem:$0x1C000] =	vst v63  }
0x169: {  	_ =	swait.ge [sflag:s31], $0x1000  }
0x16a: {  	[sflag:s31] =	ssyncset.done $0x0  }
0x16b: {  	s14 =	simm.s32 $0x400;
	[sflag:s31] =	ssyncadd.s32 $0xFFFFF000  }
0x16c: {  	[tilespmem:s17], [sflag:$0x1] =	stream.indirect.gather [spmem:s3], $0x20, s14, s19, $0xb8;
	[tilespmem:$0x1C000] =	vst v63  }
0x16d: {  	_ =	swait.ge [sflag:s16], $0x1000  }
0x16e: {  	[sflag:s16] =	ssyncset.done $0x0  }
0x16f: {  	s13 =	simm.s32 $0x480;
	[sflag:s16] =	ssyncadd.s32 $0xFFFFF000  }
0x170: {  	[tilespmem:s20], [sflag:$0x2] =	stream.indirect.gather [spmem:s3], $0x20, s13, s19, $0xb8;
	[tilespmem:$0x1C000] =	vst v63  }
0x171: {  	_ =	swait.ge [sflag:s22], $0x1000  }
0x172: {  	[sflag:s22] =	ssyncset.done $0x0  }
0x173: {  	s14 =	simm.s32 $0x500;
	[sflag:s22] =	ssyncadd.s32 $0xFFFFF000  }
0x174: {  	[tilespmem:s25], [sflag:$0x3] =	stream.indirect.gather [spmem:s3], $0x20, s14, s19, $0xb8;
	[tilespmem:$0x1C000] =	vst v63  }
0x175: {  	_ =	swait.ge [sflag:s4], $0x1000  }
0x176: {  	[sflag:s4] =	ssyncset.done $0x0  }
0x177: {  	s13 =	simm.s32 $0x580;
	[sflag:s4] =	ssyncadd.s32 $0xFFFFF000  }
0x178: {  	[tilespmem:s28], [sflag:$0x4] =	stream.indirect.gather [spmem:s3], $0x20, s13, s19, $0xb8;
	[tilespmem:$0x1C000] =	vst v63  }
0x179: {  	_ =	swait.ge [sflag:s23], $0x1000  }
0x17a: {  	[sflag:s23] =	ssyncset.done $0x0  }
0x17b: {  	s14 =	simm.s32 $0x600;
	[sflag:s23] =	ssyncadd.s32 $0xFFFFF000  }
0x17c: {  	[tilespmem:s30], [sflag:$0x9] =	stream.indirect.gather [spmem:s3], $0x20, s14, s19, $0xb8;
	[tilespmem:$0x1C000] =	vst v63  }
0x17d: {  	_ =	swait.ge [sflag:s24], $0x1000  }
0x17e: {  	[sflag:s24] =	ssyncset.done $0x0  }
0x17f: {  	s13 =	simm.s32 $0x680;
	[sflag:s24] =	ssyncadd.s32 $0xFFFFF000  }
0x180: {  	[tilespmem:s0], [sflag:$0xA] =	stream.indirect.gather [spmem:s3], $0x20, s13, s19, $0xb8;
	[tilespmem:$0x1C000] =	vst v63  }
0x181: {  	_ =	swait.ge [sflag:s11], $0x1000  }
0x182: {  	[sflag:s11] =	ssyncset.done $0x0  }
0x183: {  	s14 =	simm.s32 $0x700;
	[sflag:s11] =	ssyncadd.s32 $0xFFFFF000  }
0x184: {  	[tilespmem:s2], [sflag:$0xB] =	stream.indirect.gather [spmem:s3], $0x20, s14, s19, $0xb8;
	[tilespmem:$0x1C000] =	vst v63  }
0x185: {  	_ =	swait.ge [sflag:s12], $0x1000  }
0x186: {  	[sflag:s12] =	ssyncset.done $0x0  }
0x187: {  	s7 =	simm.s32 $0x1000;
	s14 =	simm.s32 $0x780;
	[sflag:s12] =	ssyncadd.s32 $0xFFFFF000  }
.LBB2_8:
0x188: {  	[tilespmem:s5], [sflag:$0xC] =	stream.indirect.gather [spmem:s3], $0x20, s14, s19, $0xb8;
	[tilespmem:$0x1C000] =	vst v63  }
0x189: {  	s13 =	smov.u32 s7  }
0x18a: {  	p0 =	sne.s32 s7, $0x12000;
	s7 =	sadd.s32 $0x1000, s7;
	_ =	swait.ge [sflag:s6], $0x1000  }
0x18b: {  	s14 =	sshra.s32 s13, $0x2;
	[sflag:s6] =	ssyncset.done $0x0  }
0x18c: {  	s13 =	sadd.s32 $0x5000, s14;
	[sflag:s6] =	ssyncadd.s32 $0xFFFFF000  }
0x18d: {  	[spmem:s1] =	stream.indirect.scatter.add.f32 [tilespmem:s17], [sflag:$0x5], $0x20, s13, s19, $0xb8;
	[tilespmem:$0x1C000] =	vst v63  }
0x18e: {  	_ =	swait.ge [sflag:s8], $0x1000  }
0x18f: {  	[sflag:s8] =	ssyncset.done $0x0  }
0x190: {  	s13 =	sadd.s32 $0x5080, s14;
	[sflag:s8] =	ssyncadd.s32 $0xFFFFF000  }
0x191: {  	[spmem:s1] =	stream.indirect.scatter.add.f32 [tilespmem:s20], [sflag:$0x6], $0x20, s13, s19, $0xb8;
	[tilespmem:$0x1C000] =	vst v63  }
0x192: {  	_ =	swait.ge [sflag:s9], $0x1000  }
0x193: {  	[sflag:s9] =	ssyncset.done $0x0  }
0x194: {  	s13 =	sadd.s32 $0x5100, s14;
	[sflag:s9] =	ssyncadd.s32 $0xFFFFF000  }
0x195: {  	[spmem:s1] =	stream.indirect.scatter.add.f32 [tilespmem:s25], [sflag:$0x7], $0x20, s13, s19, $0xb8;
	[tilespmem:$0x1C000] =	vst v63  }
0x196: {  	_ =	swait.ge [sflag:s21], $0x1000  }
0x197: {  	[sflag:s21] =	ssyncset.done $0x0  }
0x198: {  	s13 =	sadd.s32 $0x5180, s14;
	[sflag:s21] =	ssyncadd.s32 $0xFFFFF000  }
0x199: {  	[spmem:s1] =	stream.indirect.scatter.add.f32 [tilespmem:s28], [sflag:$0x8], $0x20, s13, s19, $0xb8;
	[tilespmem:$0x1C000] =	vst v63  }
0x19a: {  	_ =	swait.ge [sflag:s10], $0x1000  }
0x19b: {  	[sflag:s10] =	ssyncset.done $0x0  }
0x19c: {  	s13 =	sadd.s32 $0x5200, s14;
	[sflag:s10] =	ssyncadd.s32 $0xFFFFF000  }
0x19d: {  	[spmem:s1] =	stream.indirect.scatter.add.f32 [tilespmem:s30], [sflag:$0xD], $0x20, s13, s19, $0xb8;
	[tilespmem:$0x1C000] =	vst v63  }
0x19e: {  	_ =	swait.ge [sflag:s26], $0x1000  }
0x19f: {  	[sflag:s26] =	ssyncset.done $0x0  }
0x1a0: {  	s13 =	sadd.s32 $0x5280, s14;
	[sflag:s26] =	ssyncadd.s32 $0xFFFFF000  }
0x1a1: {  	[spmem:s1] =	stream.indirect.scatter.add.f32 [tilespmem:s0], [sflag:$0xE], $0x20, s13, s19, $0xb8;
	[tilespmem:$0x1C000] =	vst v63  }
0x1a2: {  	_ =	swait.ge [sflag:s29], $0x1000  }
0x1a3: {  	[sflag:s29] =	ssyncset.done $0x0  }
0x1a4: {  	s13 =	sadd.s32 $0x5300, s14;
	[sflag:s29] =	ssyncadd.s32 $0xFFFFF000  }
0x1a5: {  	[spmem:s1] =	stream.indirect.scatter.add.f32 [tilespmem:s2], [sflag:$0xF], $0x20, s13, s19, $0xb8;
	[tilespmem:$0x1C000] =	vst v63  }
0x1a6: {  	_ =	swait.ge [sflag:s18], $0x1000  }
0x1a7: {  	[sflag:s18] =	ssyncset.done $0x0  }
0x1a8: {  	s13 =	sadd.s32 $0x5380, s14;
	[sflag:s18] =	ssyncadd.s32 $0xFFFFF000  }
0x1a9: {  	[spmem:s1] =	stream.indirect.scatter.add.f32 [tilespmem:s5], [sflag:$0x10], $0x20, s13, s19, $0xb8;
	[tilespmem:$0x1C000] =	vst v63  }
0x1aa: {  	_ =	swait.ge [sflag:s31], $0x1000  }
0x1ab: {  	[sflag:s31] =	ssyncset.done $0x0  }
0x1ac: {  	s13 =	sadd.s32 $0x400, s14;
	[sflag:s31] =	ssyncadd.s32 $0xFFFFF000  }
0x1ad: {  	[tilespmem:s17], [sflag:$0x1] =	stream.indirect.gather [spmem:s3], $0x20, s13, s19, $0xb8;
	[tilespmem:$0x1C000] =	vst v63  }
0x1ae: {  	_ =	swait.ge [sflag:s16], $0x1000  }
0x1af: {  	[sflag:s16] =	ssyncset.done $0x0  }
0x1b0: {  	s13 =	sadd.s32 $0x480, s14;
	[sflag:s16] =	ssyncadd.s32 $0xFFFFF000  }
0x1b1: {  	[tilespmem:s20], [sflag:$0x2] =	stream.indirect.gather [spmem:s3], $0x20, s13, s19, $0xb8;
	[tilespmem:$0x1C000] =	vst v63  }
0x1b2: {  	_ =	swait.ge [sflag:s22], $0x1000  }
0x1b3: {  	[sflag:s22] =	ssyncset.done $0x0  }
0x1b4: {  	s13 =	sadd.s32 $0x500, s14;
	[sflag:s22] =	ssyncadd.s32 $0xFFFFF000  }
0x1b5: {  	[tilespmem:s25], [sflag:$0x3] =	stream.indirect.gather [spmem:s3], $0x20, s13, s19, $0xb8;
	[tilespmem:$0x1C000] =	vst v63  }
0x1b6: {  	_ =	swait.ge [sflag:s4], $0x1000  }
0x1b7: {  	[sflag:s4] =	ssyncset.done $0x0  }
0x1b8: {  	s13 =	sadd.s32 $0x580, s14;
	[sflag:s4] =	ssyncadd.s32 $0xFFFFF000  }
0x1b9: {  	[tilespmem:s28], [sflag:$0x4] =	stream.indirect.gather [spmem:s3], $0x20, s13, s19, $0xb8;
	[tilespmem:$0x1C000] =	vst v63  }
0x1ba: {  	_ =	swait.ge [sflag:s23], $0x1000  }
0x1bb: {  	[sflag:s23] =	ssyncset.done $0x0  }
0x1bc: {  	s13 =	sadd.s32 $0x600, s14;
	[sflag:s23] =	ssyncadd.s32 $0xFFFFF000  }
0x1bd: {  	[tilespmem:s30], [sflag:$0x9] =	stream.indirect.gather [spmem:s3], $0x20, s13, s19, $0xb8;
	[tilespmem:$0x1C000] =	vst v63  }
0x1be: {  	_ =	swait.ge [sflag:s24], $0x1000  }
0x1bf: {  	[sflag:s24] =	ssyncset.done $0x0  }
0x1c0: {  	s13 =	sadd.s32 $0x680, s14;
	[sflag:s24] =	ssyncadd.s32 $0xFFFFF000  }
0x1c1: {  	[tilespmem:s0], [sflag:$0xA] =	stream.indirect.gather [spmem:s3], $0x20, s13, s19, $0xb8;
	[tilespmem:$0x1C000] =	vst v63  }
0x1c2: {  	_ =	swait.ge [sflag:s11], $0x1000  }
0x1c3: {  	[sflag:s11] =	ssyncset.done $0x0  }
.Ltmp3:
0x1c4: {  	s13 =	sadd.s32 $0x700, s14;
	[sflag:s11] =	ssyncadd.s32 $0xFFFFF000;
	(pc) =	sbr.rel @p0 .LBB2_8-.Ltmp3, $4  }
0x1c5: {  	[tilespmem:s2], [sflag:$0xB] =	stream.indirect.gather [spmem:s3], $0x20, s13, s19, $0xb8;
	[tilespmem:$0x1C000] =	vst v63  }
0x1c6: {  	_ =	swait.ge [sflag:s12], $0x1000  }
0x1c7: {  	[sflag:s12] =	ssyncset.done $0x0  }
0x1c8: {  	s14 =	sadd.s32 $0x780, s14;
	[sflag:s12] =	ssyncadd.s32 $0xFFFFF000  }
0x1c9: {  	[tilespmem:s5], [sflag:$0xC] =	stream.indirect.gather [spmem:s3], $0x20, s14, s19, $0xb8;
	[tilespmem:$0x1C000] =	vst v63  }
0x1ca: {  	_ =	swait.ge [sflag:s6], $0x1000  }
0x1cb: {  	[sflag:s6] =	ssyncset.done $0x0  }
0x1cc: {  	s7 =	simm.s32 $0x9C00;
	[sflag:s6] =	ssyncadd.s32 $0xFFFFF000  }
0x1cd: {  	[spmem:s1] =	stream.indirect.scatter.add.f32 [tilespmem:s17], [sflag:$0x5], $0x20, s7, s19, $0xb8;
	[tilespmem:$0x1C000] =	vst v63  }
0x1ce: {  	_ =	swait.ge [sflag:s8], $0x1000  }
0x1cf: {  	[sflag:s8] =	ssyncset.done $0x0  }
0x1d0: {  	s14 =	simm.s32 $0x9C80;
	[sflag:s8] =	ssyncadd.s32 $0xFFFFF000  }
0x1d1: {  	[spmem:s1] =	stream.indirect.scatter.add.f32 [tilespmem:s20], [sflag:$0x6], $0x20, s14, s19, $0xb8;
	[tilespmem:$0x1C000] =	vst v63  }
0x1d2: {  	_ =	swait.ge [sflag:s9], $0x1000  }
0x1d3: {  	[sflag:s9] =	ssyncset.done $0x0  }
0x1d4: {  	s13 =	simm.s32 $0x9D00;
	[sflag:s9] =	ssyncadd.s32 $0xFFFFF000  }
0x1d5: {  	[spmem:s1] =	stream.indirect.scatter.add.f32 [tilespmem:s25], [sflag:$0x7], $0x20, s13, s19, $0xb8;
	[tilespmem:$0x1C000] =	vst v63  }
0x1d6: {  	_ =	swait.ge [sflag:s21], $0x1000  }
0x1d7: {  	[sflag:s21] =	ssyncset.done $0x0  }
0x1d8: {  	s14 =	simm.s32 $0x9D80;
	[sflag:s21] =	ssyncadd.s32 $0xFFFFF000  }
0x1d9: {  	[spmem:s1] =	stream.indirect.scatter.add.f32 [tilespmem:s28], [sflag:$0x8], $0x20, s14, s19, $0xb8;
	[tilespmem:$0x1C000] =	vst v63  }
0x1da: {  	_ =	swait.ge [sflag:s10], $0x1000  }
0x1db: {  	[sflag:s10] =	ssyncset.done $0x0  }
0x1dc: {  	s13 =	simm.s32 $0x9E00;
	[sflag:s10] =	ssyncadd.s32 $0xFFFFF000  }
0x1dd: {  	[spmem:s1] =	stream.indirect.scatter.add.f32 [tilespmem:s30], [sflag:$0xD], $0x20, s13, s19, $0xb8;
	[tilespmem:$0x1C000] =	vst v63  }
0x1de: {  	_ =	swait.ge [sflag:s26], $0x1000  }
0x1df: {  	[sflag:s26] =	ssyncset.done $0x0  }
0x1e0: {  	s14 =	simm.s32 $0x9E80;
	[sflag:s26] =	ssyncadd.s32 $0xFFFFF000  }
0x1e1: {  	[spmem:s1] =	stream.indirect.scatter.add.f32 [tilespmem:s0], [sflag:$0xE], $0x20, s14, s19, $0xb8;
	[tilespmem:$0x1C000] =	vst v63  }
0x1e2: {  	_ =	swait.ge [sflag:s29], $0x1000  }
0x1e3: {  	[sflag:s29] =	ssyncset.done $0x0  }
0x1e4: {  	s13 =	simm.s32 $0x9F00;
	[sflag:s29] =	ssyncadd.s32 $0xFFFFF000  }
0x1e5: {  	[spmem:s1] =	stream.indirect.scatter.add.f32 [tilespmem:s2], [sflag:$0xF], $0x20, s13, s19, $0xb8;
	[tilespmem:$0x1C000] =	vst v63  }
0x1e6: {  	_ =	swait.ge [sflag:s18], $0x1000  }
0x1e7: {  	[sflag:s18] =	ssyncset.done $0x0  }
0x1e8: {  	s14 =	simm.s32 $0x9F80;
	[sflag:s18] =	ssyncadd.s32 $0xFFFFF000  }
0x1e9: {  	[spmem:s1] =	stream.indirect.scatter.add.f32 [tilespmem:s5], [sflag:$0x10], $0x20, s14, s19, $0xb8;
	[tilespmem:$0x1C000] =	vst v63  }
0x1ea: {  	_ =	swait.ge [sflag:s31], $0x1000  }
0x1eb: {  	[sflag:s31] =	ssyncset.done $0x0  }
0x1ec: {  	[sflag:s31] =	ssyncadd.s32 $0xFFFFF000  }
0x1ed: {  	_ =	swait.ge [sflag:s16], $0x1000  }
0x1ee: {  	[sflag:s16] =	ssyncset.done $0x0  }
0x1ef: {  	[sflag:s16] =	ssyncadd.s32 $0xFFFFF000  }
0x1f0: {  	_ =	swait.ge [sflag:s22], $0x1000  }
0x1f1: {  	[sflag:s22] =	ssyncset.done $0x0  }
0x1f2: {  	[sflag:s22] =	ssyncadd.s32 $0xFFFFF000  }
0x1f3: {  	_ =	swait.ge [sflag:s4], $0x1000  }
0x1f4: {  	[sflag:s4] =	ssyncset.done $0x0  }
0x1f5: {  	[sflag:s4] =	ssyncadd.s32 $0xFFFFF000  }
0x1f6: {  	_ =	swait.ge [sflag:s23], $0x1000  }
0x1f7: {  	[sflag:s23] =	ssyncset.done $0x0  }
0x1f8: {  	[sflag:s23] =	ssyncadd.s32 $0xFFFFF000  }
0x1f9: {  	_ =	swait.ge [sflag:s24], $0x1000  }
0x1fa: {  	[sflag:s24] =	ssyncset.done $0x0  }
0x1fb: {  	[sflag:s24] =	ssyncadd.s32 $0xFFFFF000  }
0x1fc: {  	_ =	swait.ge [sflag:s11], $0x1000  }
0x1fd: {  	[sflag:s11] =	ssyncset.done $0x0  }
0x1fe: {  	[sflag:s11] =	ssyncadd.s32 $0xFFFFF000  }
0x1ff: {  	_ =	swait.ge [sflag:s12], $0x1000  }
0x200: {  	[sflag:s12] =	ssyncset.done $0x0  }
0x201: {  	[sflag:s12] =	ssyncadd.s32 $0xFFFFF000  }
0x202: {  	[bflag:$0x0] =	sbarrier.arrive $0xFFFF  }
0x203: {  	s7 =	rddreg [dreg:$0x12]  }
0x204: {  	s13 =	rddreg [dreg:$0x14]  }
0x205: {  	s14 =	rddreg [dreg:$0x16]  }
0x206: {  	[hbm:s7], [sflag:s13] =	dma.local [spmem:s14], $0xA00  }
0x207: {  	_ =	swait.ge [sflag:s15], $0xA00  }
0x208: {  	s7 =	rddreg [dreg:$0x13]  }
0x209: {  	s14 =	rddreg [dreg:$0xa];
	s13 =	sadd.s32 $0x1, s7  }
0x20a: {  	p0 =	sne.s32 s13, s14  }
.Ltmp4:
0x20b: {  	_ = 	snop;
	(pc) =	sbr.rel @p0 .LBB2_1-.Ltmp4, $3  }
0x20c: {  	_ =	sdelay $0x1  }
0x20d: {  	[sflag:s15] =	ssyncset.done $0x0  }
0x20e: {  	[sflag:s15] =	ssyncadd.s32 $0xFFFFF600  }
0x20f: {  	_ =	sfence.sel $0x180000  }
0x210: {  	[bflag:$0x0] =	sbarrier.arrive $0xFFFF  }
0x211: {  	_ =	strace $0x9000004A  }
0x212: {  	s0 =	stileid.u32;
	[bflag:$0x2] =	sbarrier.arrive $0xFFFF  }
0x213: {  	p0 =	sne.s32 s0, $0x0;
	s0 =	rddreg [dreg:$0x4]  }
0x214: {  	s0 =	sadd.s32 @!p0 $0x100000, s0  }
0x215: {  	[sflag:s0] =	ssyncadd.tile.s32 @!p0 $0x1;
	_ =	shalt  }
.Lfunc_end2:
_tile_overlayer_lowered:
.L_overlay_start_2:
0x216: {  	(tag) =	ssettag $0x2  }
0x217: {  	s0 =	rddreg [dreg:$0x0];
	s2 =	stileid.u32  }
0x218: {  	s1 =	rddreg [dreg:$0x1];
	p0 =	sne.s32 s2, $0x0  }
0x219: {  	s3 =	rddreg [dreg:$0x2];
	[bflag:$0x3] =	sbarrier.arrive $0xFFFF;
	s2 =	simm.s32 @!p0 $0x1C11  }
0x21a: {  	[timem:s3], [sflag:s2] =	dma.local @!p0 [hbm:s0], s1  }
0x21b: {  	s0 =	simm.s32 @!p0 $0x11  }
0x21c: {  	_ =	swait.ge @!p0 [sflag:s0], s1  }
0x21d: {  	s1 =	ssub.s32 @!p0 $0x0, s1;
	[sflag:s0] =	ssyncset.done @!p0 $0x0  }
0x21e: {  	[sflag:s0] =	ssyncadd.s32 @!p0 s1  }
0x21f: {  	[bflag:$0x3] =	sbarrier.arrive $0xFFFF  }
0x220: {  	_ =	shalt  }

// kernel: kernel.17.cloned.1.call-start
scs
__scs_entry_jumppad:
0x0: {  	(pc) =	sbr.rel $0x88, $3  }
0x1: {  	(tag) =	ssettag $0x0;
	lr =	simm.s32 $0x1  }
0x2: {  	[smem:$0x3F96] =	sst lr;
	_ =	strace $0xD0000000  }
0x3: {  	_ = 	snop  }
0x4: {  	_ = 	snop  }
0x5: {  	_ = 	snop  }
0x6: {  	_ = 	snop  }
0x7: {  	_ = 	snop  }
__scs_overlays_trampoline_lowered:
0x8: {  	[smem:$0x3FA5] =	sst s0  }
0x9: {  	[smem:$0x3FA6] =	sst s1  }
0xa: {  	[smem:$0x3FA7] =	sst s2  }
0xb: {  	[smem:$0x3FA8] =	sst s3  }
0xc: {  	[smem:$0x3FA9] =	sst s4  }
0xd: {  	[smem:$0x3FAA] =	sst s5  }
0xe: {  	[smem:$0x3FAB] =	sst s6  }
0xf: {  	[smem:$0x3FAC] =	sst s7  }
0x10: {  	[smem:$0x3FAD] =	sst s8  }
0x11: {  	[smem:$0x3FAE] =	sst s9;
	s0 =	simm.s32 @!p0 $0x0  }
0x12: {  	s1 =	sld [smem:$0x3F94];
	s0 =	simm.s32 @p0 $0x1  }
0x13: {  	[smem:$0x3FAF] =	sst s0;
	s0 =	simm.s32 @!p1 $0x0  }
0x14: {  	s2 =	sld [smem:$0x3F93];
	s0 =	simm.s32 @p1 $0x1  }
0x15: {  	[smem:$0x3FB0] =	sst s0;
	s0 =	simm.s32 @!p2 $0x0  }
0x16: {  	s3 =	sld [smem:$0x3FDB];
	s0 =	simm.s32 @p2 $0x1  }
0x17: {  	s4 =	simm.s32 $0x1BF5;
	[smem:$0x3FB2] =	sst s0  }
0x18: {  	s0 =	sld [smem:$0x3F95];
	_ =	swait.ge [sflag:s4], $0x0  }
0x19: {  	s7 =	sld [smem:$0x3F96]  }
0x1a: {  	s8 =	sadd.s32 $0xFFFFE003, lr  }
0x1b: {  	s9 =	sadd.s32 $0xFFFFFEF7, lr;
	s5 =	simm.s32 $0xFFFFFFFF;
	p2 =	slt.u32 s8, $0xFFFFF086  }
0x1c: {  	p1 =	slt.u32 s9, $0xF7A;
	s5 =	simm.s32 @!p2 $0x0  }
0x1d: {  	s5 =	simm.s32 @p1 $0x1;
	p0 =	seq.s32 s7, s2  }
0x1e: {  	s7 =	smul.u32 @!p0 $0xF7A, s2;
	p2 =	seq.s32 @!p0 s5, $0x0  }
0x1f: {  	s9 =	smul.u32 $0xF7A, s1;
	s8 =	simm.s32 @!p0 $0x1BF5;
	p2 =	por !p2, p0  }
0x20: {  	[sflag:s8] =	ssyncset.s32 @!p0 $0xFFFFF086;
	s6 =	sadd.s32 @!p0 s3, s7;
	s7 =	simm.s32 @!p0 $0x108  }
0x21: {  	s3 =	sadd.s32 s3, s9;
	s6 =	sadd.s32 @!p0 $0x88, s6;
	s7 =	simm.s32 @p2 $0x1082  }
0x22: {  	[simem:s7], [sflag:s8] =	dma.local @!p0 [hbm:s6], $0xF7A  }
0x23: {  	s9 =	sor.u32 $0xD0000000, s2;
	s6 =	simm.s32 $0x108;
	_ =	swait.ge @!p0 [sflag:s8], $0x0  }
0x24: {  	s3 =	sadd.s32 $0x88, s3;
	s6 =	simm.s32 @!p1 $0x1082;
	[sflag:s4] =	ssyncset.s32 $0xFFFFF086  }
0x25: {  	[simem:s6], [sflag:s4] =	dma.local [hbm:s3], $0xF7A  }
0x26: {  	[smem:$0x3F96] =	sst s1;
	(tag) =	ssettag s2;
	_ =	strace s9  }
0x27: {  	s1 =	sld [smem:$0x3FA6]  }
0x28: {  	s2 =	sld [smem:$0x3FA7]  }
0x29: {  	s4 =	sld [smem:$0x3FA9]  }
0x2a: {  	p0 =	seq.s32 s5, $0x0;
	s5 =	sld [smem:$0x3FAA]  }
0x2b: {  	s6 =	sld [smem:$0x3FAB]  }
0x2c: {  	s7 =	sld [smem:$0x3FAC]  }
0x2d: {  	s3 =	simm.s32 $0x108;
	s8 =	sld [smem:$0x3FAD]  }
0x2e: {  	s3 =	simm.s32 @!p0 $0x1082;
	s9 =	sld [smem:$0x3FAE]  }
0x2f: {  	lr =	sadd.s32 s0, s3;
	s0 =	sld [smem:$0x3FA5]  }
0x30: {  	s3 =	sld [smem:$0x3FA8]  }
0x31: {  	[smem:$0x3FB1] =	sst s10  }
0x32: {  	s10 =	sld [smem:$0x3FAF];
	_ =	sdelay $0x3  }
0x33: {  	p0 =	seq.s32 s10, $0x1;
	s10 =	sld [smem:$0x3FB1];
	_ =	sdelay $0x3  }
0x34: {  	[smem:$0x3FB1] =	sst s10  }
0x35: {  	s10 =	sld [smem:$0x3FB0];
	_ =	sdelay $0x3  }
0x36: {  	p1 =	seq.s32 s10, $0x1;
	s10 =	sld [smem:$0x3FB1];
	_ =	sdelay $0x3  }
0x37: {  	[smem:$0x3FB1] =	sst s10  }
0x38: {  	s10 =	sld [smem:$0x3FB2]  }
0x39: {  	_ = 	snop;
	(pc) =	sbr.ind lr, $3  }
0x3a: {  	_ = 	snop  }
0x3b: {  	_ = 	snop  }
0x3c: {  	p2 =	seq.s32 s10, $0x1;
	s10 =	sld [smem:$0x3FB1]  }
0x3d: {  	_ =	shalt  }
0x3e: {  	_ =	shalt  }
0x3f: {  	_ =	shalt  }
0x40: {  	_ =	shalt  }
0x41: {  	_ =	shalt  }
0x42: {  	_ =	shalt  }
0x43: {  	_ =	shalt  }
0x44: {  	_ =	shalt  }
0x45: {  	_ =	shalt  }
0x46: {  	_ =	shalt  }
0x47: {  	_ =	shalt  }
0x48: {  	_ =	shalt  }
0x49: {  	_ =	shalt  }
0x4a: {  	_ =	shalt  }
0x4b: {  	_ =	shalt  }
0x4c: {  	_ =	shalt  }
0x4d: {  	_ =	shalt  }
0x4e: {  	_ =	shalt  }
0x4f: {  	_ =	shalt  }
0x50: {  	_ =	shalt  }
0x51: {  	_ =	shalt  }
0x52: {  	_ =	shalt  }
0x53: {  	_ =	shalt  }
0x54: {  	_ =	shalt  }
0x55: {  	_ =	shalt  }
0x56: {  	_ =	shalt  }
0x57: {  	_ =	shalt  }
0x58: {  	_ =	shalt  }
0x59: {  	_ =	shalt  }
0x5a: {  	_ =	shalt  }
0x5b: {  	_ =	shalt  }
0x5c: {  	_ =	shalt  }
0x5d: {  	_ =	shalt  }
0x5e: {  	_ =	shalt  }
0x5f: {  	_ =	shalt  }
0x60: {  	_ =	shalt  }
0x61: {  	_ =	shalt  }
0x62: {  	_ =	shalt  }
0x63: {  	_ =	shalt  }
0x64: {  	_ =	shalt  }
0x65: {  	_ =	shalt  }
0x66: {  	_ =	shalt  }
0x67: {  	_ =	shalt  }
0x68: {  	_ =	shalt  }
0x69: {  	_ =	shalt  }
0x6a: {  	_ =	shalt  }
0x6b: {  	_ =	shalt  }
0x6c: {  	_ =	shalt  }
0x6d: {  	_ =	shalt  }
0x6e: {  	_ =	shalt  }
0x6f: {  	_ =	shalt  }
0x70: {  	_ =	shalt  }
0x71: {  	_ =	shalt  }
0x72: {  	_ =	shalt  }
0x73: {  	_ =	shalt  }
0x74: {  	_ =	shalt  }
0x75: {  	_ =	shalt  }
0x76: {  	_ =	shalt  }
0x77: {  	_ =	shalt  }
0x78: {  	_ =	shalt  }
0x79: {  	_ =	shalt  }
0x7a: {  	_ =	shalt  }
0x7b: {  	_ =	shalt  }
0x7c: {  	_ =	shalt  }
0x7d: {  	_ =	shalt  }
0x7e: {  	_ =	shalt  }
0x7f: {  	_ =	shalt  }
0x80: {  	_ =	shalt  }
0x81: {  	_ =	shalt  }
0x82: {  	_ =	shalt  }
0x83: {  	_ =	shalt  }
0x84: {  	_ =	shalt  }
0x85: {  	_ =	shalt  }
0x86: {  	_ =	shalt  }
0x87: {  	_ =	shalt  }
.Lfunc_end0:
.L_simem_size_0:
called_computation.2_lowered:
.L_overlay_start_0:
0x88: {  	s2 =	sld [smem:$0x3FD9]  }
0x89: {  	s3 =	sld [smem:$0x3FFE];
	_ =	sdelay $0x1  }
0x8a: {  	s1 =	srdreg.scid  }
0x8b: {  	s0 =	sand.u32 $0x1, s1  }
0x8c: {  	s17 =	sshll.u32 s0, $0xA;
	s2 =	sadd.s32 s3, s2  }
0x8d: {  	s2 =	sadd.s32 s2, s17  }
0x8e: {  	[smem:$0x3FBD] =	sst s2  }
0x8f: {  	_ = 	snop  }
0x90: {  	s2 =	sld [smem:$0x3FD0];
	(tm) =	ssettm $0x1  }
0x91: {  	s18 =	sld [smem:$0x3FFB];
	_ =	sdelay $0x3  }
0x92: {  	_ =	strace s18  }
0x93: {  	s3 =	sld [smem:$0x3FFC];
	_ =	sdelay $0x3  }
0x94: {  	_ =	strace s3  }
0x95: {  	s3 =	sld [smem:$0x3FFD];
	_ =	sdelay $0x3  }
0x96: {  	_ =	strace s3  }
0x97: {  	_ =	strace $0x8FFFFFFF  }
0x98: {  	s19 =	sld [smem:$0x3FDB];
	_ =	sdelay $0x1  }
0x99: {  	s4 =	simm.s32 $_scs_section_size  }
0x9a: {  	s5 =	simm.s32 $_size__tile_overlayer_lowered;
	s6 =	simm.s32 $_tile_overlayer_lowered  }
0x9b: {  	s22 =	simm.s32 $0x1BFF;
	s21 =	sshll.u32 s6, $0x1;
	s3 =	sadd.s32 s4, s19  }
0x9c: {  	s7 =	simm.s32 $0x0;
	s20 =	sshll.u32 s5, $0x1;
	s5 =	sadd.s32 s21, s3  }
0x9d: {  	[timem:s7], [sflag:s22] =	dma.local [hbm:s5], s20  }
0x9e: {  	_ =	swait.ge [sflag:s22], s20  }
0x9f: {  	s4 =	ssub.s32 $0x0, s20;
	[sflag:s22] =	ssyncset.done $0x0  }
0xa0: {  	[sflag:s22] =	ssyncadd.s32 s4;
	_ =	sdelay $0x1  }
0xa1: {  	s23 =	simm.s32 $0x1B8B  }
0xa2: {  	_ =	swait.ge [sflag:s23], $0x1  }
0xa3: {  	[sflag:s23] =	ssyncset.done $0x0  }
0xa4: {  	s25 =	simm.s32 $0x1B8E;
	s24 =	sld [smem:$0x3FFE];
	[sflag:s23] =	ssyncadd.s32 $0xFFFFFFFF  }
0xa5: {  	s26 =	simm.s32 $execute0_lowered;
	[smem:$0x3FD2] =	sst s25  }
0xa6: {  	s5 =	sshll.u32 s26, $0x1;
	_ =	strace $0x8000004C;
	[dreg:$0x1] =	wrdreg $0xFFFFFFFF  }
0xa7: {  	s28 =	simm.s32 $_size_execute0_lowered;
	s3 =	sadd.s32 s3, s5;
	[dreg:$0x0] =	wrdreg $0x0  }
0xa8: {  	s5 =	sshll.u32 s28, $0x1;
	[dreg:$0x2] =	wrdreg s3  }
0xa9: {  	[dreg:$0x3] =	wrdreg s5  }
0xaa: {  	[dreg:$0x4] =	wrdreg $0xC0  }
0xab: {  	_ =	task [dreg:s7], $0x5FFFF  }
0xac: {  	[dreg:$0x1] =	wrdreg $0xFFFFFFFF  }
0xad: {  	[dreg:$0x0] =	wrdreg $0x60  }
0xae: {  	[dreg:$0x2] =	wrdreg s24  }
0xaf: {  	[dreg:$0x3] =	wrdreg s2  }
0xb0: {  	[dreg:$0x4] =	wrdreg $0x130000  }
0xb1: {  	[dreg:$0x5] =	wrdreg $0xE0000  }
0xb2: {  	[dreg:$0x6] =	wrdreg $0x9  }
0xb3: {  	_ =	task.clear_ibuf [dreg:s7], $0x7FFFF;
	_ =	strace $0x9000004C  }
0xb4: {  	s29 =	simm.s32 $0x9;
	_ =	strace $0x8000004E  }
0xb5: {  	_ =	swait.ge [sflag:s29], $0x1  }
0xb6: {  	[sflag:s29] =	ssyncadd.s32 $0xFFFFFFFF  }
0xb7: {  	_ =	strace $0x9000004E  }
0xb8: {  	_ =	sfence  }
0xb9: {  	s30 =	sld [smem:$0x0];
	_ =	sdelay $0x2  }
0xba: {  	s31 =	sshll.u32 s1, $0xD;
	s1 =	sshrl.u32 s1, $0x2  }
0xbb: {  	s3 =	sand.u32 $0x4000, s31;
	s1 =	sadd.s32 s1, s30  }
0xbc: {  	s0 =	sor.u32 s3, s0;
	s1 =	sshll.u32 s1, $0x11  }
0xbd: {  	s0 =	sor.u32 s1, s0  }
0xbe: {  	s0 =	sadd.s32 $0x8F2B, s0  }
0xbf: {  	[sflag:s0] =	ssyncadd.remote.s32 $0x1  }
0xc0: {  	_ =	sfence.sel $0xFFFF  }
0xc1: {  	[dreg:$0x0] =	wrdreg $0xFFFFFFFF;
	(pc) =	sbr.abs _section_cstart, $3  }
0xc2: {  	[dreg:$0x1] =	wrdreg $0xFFFFFFFF  }
0xc3: {  	_ =	task.clear_ibuf [dreg:s7], $0x2FFFF;
	_ =	strace $0x9FFFFFFF  }
0xc4: {  	(tm) =	ssettm $0x7FFFFFFF  }
0xc5: {  	_ =	shalt  }
tec
execute0_lowered:
.L_overlay_start_1:
0x0: {  	(tag) =	ssettag $0x1  }
0x1: {  	s0 =	rddreg [dreg:$0x0]  }
0x2: {  	s2 =	rddreg [dreg:$0x1]  }
0x3: {  	s1 =	rddreg [dreg:$0x2]  }
0x4: {  	s3 =	rddreg [dreg:$0x3];
	s4 =	simm.s32 $0x0;
	s10 =	stileid.u32  }
0x5: {  	s5 =	srdreg.scid;
	s17 =	simm.s32 $0xA000;
	s19 =	simm.s32 $0x80  }
0x6: {  	s28 =	simm.s32 $0xD000;
	s30 =	simm.s32 $0x18000;
	s26 =	smul.u32 $0xA00, s10  }
0x7: {  	s29 =	simm.s32 $0xB;
	s31 =	simm.s32 $0x5;
	s7 =	smul.u32 $0x14000, s10  }
0x8: {  	[smem:$0x7FF] =	sst s4;
	s5 =	sand.u32 $0x1, s5;
	s10 =	smul.u32 $0x5000, s10  }
0x9: {  	s6 =	sadd.s32 $0x2400, s0;
	_ =	strace $0x8000004D;
	s12 =	smul.u32 $0xA000, s5  }
0xa: {  	s9 =	ssub.s32 $0x2, s5;
	s5 =	smul.u32 $0x50000, s5;
	s8 =	sadd.s32 s26, s0  }
0xb: {  	s0 =	sadd.s32 $0x34400, s0;
	s11 =	sshrl.u32 s9, $0x1;
	s7 =	sshrl.u32 s7, $0x2  }
0xc: {  	s2 =	sadd.s32 s2, s26;
	s13 =	sadd.s32 s10, s3;
	s16 =	sshrl.u32 s10, $0x3  }
0xd: {  	s10 =	sadd.s32 s10, s1;
	s9 =	ssub.s32 s9, s11;
	[dreg:$0x5] =	wrdreg s2  }
0xe: {  	s8 =	sadd.s32 $0x2A400, s8;
	s11 =	sadd.s32 s7, s1;
	[dreg:$0x8] =	wrdreg s13  }
0xf: {  	s14 =	sadd.s32 s6, s12;
	s15 =	sshrl.u32 s5, $0x3;
	s18 =	sadd.s32 s0, s12  }
0x10: {  	[dreg:$0x9] =	wrdreg s10;
	s5 =	simm.s32 $0x1B000;
	s10 =	simm.s32 $0x9  }
0x11: {  	s12 =	simm.s32 $0x10;
	s13 =	simm.s32 $0x0;
	[dreg:$0x6] =	wrdreg s8  }
0x12: {  	s4 =	sadd.s32 $0x14000, s15;
	s20 =	smax.u32 s9, $0x1;
	[dreg:$0x7] =	wrdreg s11  }
0x13: {  	s21 =	sadd.s32 $0x1000, s11;
	s22 =	sadd.s32 $0x2000, s11;
	[dreg:$0xa] =	wrdreg s20  }
0x14: {  	s23 =	sadd.s32 $0x3000, s11;
	s24 =	sadd.s32 $0x4000, s11;
	[dreg:$0xb] =	wrdreg s21  }
0x15: {  	s15 =	simm.s32 $0x11;
	s2 =	sadd.s32 s16, s14;
	[dreg:$0xc] =	wrdreg s22  }
0x16: {  	s25 =	sadd.s32 s16, s18;
	s8 =	simm.s32 $0x2;
	[dreg:$0xd] =	wrdreg s23  }
0x17: {  	s9 =	simm.s32 $0x3;
	s18 =	simm.s32 $0xC;
	[dreg:$0xe] =	wrdreg s24  }
0x18: {  	s11 =	simm.s32 $0xF;
	s6 =	sadd.s32 s6, s4;
	[dreg:$0xf] =	wrdreg s2  }
0x19: {  	s0 =	sadd.s32 s0, s4;
	s20 =	simm.s32 $0xB000;
	[dreg:$0x10] =	wrdreg s25  }
0x1a: {  	s25 =	simm.s32 $0xC000;
	s2 =	simm.s32 $0x1A000;
	s21 =	simm.s32 $0x4  }
0x1b: {  	s22 =	simm.s32 $0x7;
	s4 =	simm.s32 $0x8;
	s23 =	simm.s32 $0xD  }
0x1c: {  	s24 =	simm.s32 $0xE;
	s26 =	sadd.s32 s16, s6;
	s0 =	sadd.s32 s16, s0  }
0x1d: {  	s6 =	simm.s32 $0x1;
	s16 =	simm.s32 $0x6;
	[dreg:$0x11] =	wrdreg s26  }
0x1e: {  	v0 =	vimm.f32 $0.0e+00;
	[dreg:$0x12] =	wrdreg s0;
	s0 =	simm.s32 $0x19000;
	s26 =	simm.s32 $0xA  }
.LBB2_1:
0x1f: {  	[dreg:$0x13] =	wrdreg s13  }
0x20: {  	s7 =	simm.s32 $0x0;
	s14 =	rddreg [dreg:$0x5]  }
0x21: {  	[tilespmem:s7], [sflag:$0x11] =	stream.linear.gather [hbm4b:s14+s7], $0x5000, $0x38;
	[tilespmem:$0x1C000] =	vst v63  }
0x22: {  	_ =	swait.ge [sflag:s15], $0x5000  }
0x23: {  	[sflag:s15] =	ssyncset.done $0x0  }
0x24: {  	s14 =	simm.s32 $0x5000;
	s13 =	rddreg [dreg:$0x6];
	[sflag:s15] =	ssyncadd.s32 $0xFFFFB000  }
0x25: {  	[tilespmem:s14], [sflag:$0x11] =	stream.linear.gather [hbm4b:s13+s7], $0x5000, $0x38;
	[tilespmem:$0x1C000] =	vst v63  }
0x26: {  	_ =	swait.ge [sflag:s15], $0x5000  }
0x27: {  	[sflag:s15] =	ssyncset.done $0x0  }
0x28: {  	s7 =	simm.s32 $0x80;
	s14 =	simm.s32 $0x0;
	[sflag:s15] =	ssyncadd.s32 $0xFFFFB000  }
.LBB2_2:
0x29: {  	p0 =	sne.s32 s7, $0x3F80;
	[tilespmem:s14+$0xA000] =	vst v0;
	s13 =	smov.u32 s7;
	s7 =	sadd.s32 $0x80, s7  }
.Ltmp0:
0x2a: {  	[tilespmem:s14+$0xA010] =	vst v0;
	(pc) =	sbr.rel @p0 .LBB2_2-.Ltmp0, $2  }
0x2b: {  	_ =	sdelay $0x2  }
0x2c: {  	s14 =	sshra.s32 s13, $0x2  }
0x2d: {  	[tilespmem:s14+$0xA000] =	vst v0  }
0x2e: {  	[tilespmem:s14+$0xA010] =	vst v0;
	s7 =	rddreg [dreg:$0x7]  }
0x2f: {  	[spmem:s7] =	stream.linear.scatter [tilespmem:s17], [sflag:$0x11], $0x1000, $0x38;
	[tilespmem:$0x1C000] =	vst v63  }
0x30: {  	_ =	swait.ge [sflag:s15], $0x1000  }
0x31: {  	[sflag:s15] =	ssyncset.done $0x0  }
0x32: {  	s13 =	rddreg [dreg:$0xb];
	[sflag:s15] =	ssyncadd.s32 $0xFFFFF000  }
0x33: {  	[spmem:s13] =	stream.linear.scatter [tilespmem:s17], [sflag:$0x11], $0x1000, $0x38;
	[tilespmem:$0x1C000] =	vst v63  }
0x34: {  	_ =	swait.ge [sflag:s15], $0x1000  }
0x35: {  	[sflag:s15] =	ssyncset.done $0x0  }
0x36: {  	s14 =	rddreg [dreg:$0xc];
	[sflag:s15] =	ssyncadd.s32 $0xFFFFF000  }
0x37: {  	[spmem:s14] =	stream.linear.scatter [tilespmem:s17], [sflag:$0x11], $0x1000, $0x38;
	[tilespmem:$0x1C000] =	vst v63  }
0x38: {  	_ =	swait.ge [sflag:s15], $0x1000  }
0x39: {  	[sflag:s15] =	ssyncset.done $0x0  }
0x3a: {  	s13 =	rddreg [dreg:$0xd];
	[sflag:s15] =	ssyncadd.s32 $0xFFFFF000  }
0x3b: {  	[spmem:s13] =	stream.linear.scatter [tilespmem:s17], [sflag:$0x11], $0x1000, $0x38;
	[tilespmem:$0x1C000] =	vst v63  }
0x3c: {  	s13 =	stileid.u32;
	_ =	swait.ge [sflag:s15], $0x1000  }
0x3d: {  	s7 =	sshll.u32 s13, $0x6;
	[sflag:s15] =	ssyncset.done $0x0  }
0x3e: {  	s14 =	rddreg [dreg:$0xe];
	s13 =	sor.u32 $0x1C11, s7;
	[sflag:s15] =	ssyncadd.s32 $0xFFFFF000  }
0x3f: {  	[spmem:s14] =	stream.linear.scatter [tilespmem:s17], [sflag:$0x11], $0x1000, $0x38;
	[tilespmem:$0x1C000] =	vst v63  }
0x40: {  	_ =	swait.ge [sflag:s15], $0x1000;
	[dreg:$0x14] =	wrdreg s13  }
0x41: {  	s14 =	rddreg [dreg:$0x8]  }
0x42: {  	[sflag:s15] =	ssyncset.done $0x0;
	s7 =	rddreg [dreg:$0xf];
	s14 =	sshrl.u32 s14, $0x3  }
0x43: {  	[sflag:s15] =	ssyncadd.s32 $0xFFFFF000;
	[dreg:$0x15] =	wrdreg s14  }
0x44: {  	[spmem:s14], [sflag:s13] =	dma.local [hbm:s7], $0xA00  }
0x45: {  	_ =	swait.ge [sflag:s15], $0xA00  }
0x46: {  	[sflag:s15] =	ssyncset.done $0x0  }
0x47: {  	[sflag:s15] =	ssyncadd.s32 $0xFFFFF600  }
0x48: {  	s13 =	simm.s32 $0x0;
	[bflag:$0x0] =	sbarrier.arrive $0xFFFF  }
0x49: {  	[tilespmem:s17], [sflag:$0x1] =	stream.indirect.gather [spmem:s3], $0x20, s13, s19, $0xb8;
	[tilespmem:$0x1C000] =	vst v63  }
0x4a: {  	_ = 	snop  }
0x4b: {  	[tilespmem:s20], [sflag:$0x2] =	stream.indirect.gather [spmem:s3], $0x20, s19, s19, $0xb8;
	[tilespmem:$0x1C000] =	vst v63  }
0x4c: {  	s14 =	simm.s32 $0x100  }
0x4d: {  	[tilespmem:s25], [sflag:$0x3] =	stream.indirect.gather [spmem:s3], $0x20, s14, s19, $0xb8;
	[tilespmem:$0x1C000] =	vst v63  }
0x4e: {  	s13 =	simm.s32 $0x180  }
0x4f: {  	[tilespmem:s28], [sflag:$0x4] =	stream.indirect.gather [spmem:s3], $0x20, s13, s19, $0xb8;
	[tilespmem:$0x1C000] =	vst v63  }
0x50: {  	s14 =	simm.s32 $0x200  }
0x51: {  	[tilespmem:s30], [sflag:$0x9] =	stream.indirect.gather [spmem:s3], $0x20, s14, s19, $0xb8;
	[tilespmem:$0x1C000] =	vst v63  }
0x52: {  	s13 =	simm.s32 $0x280  }
0x53: {  	[tilespmem:s0], [sflag:$0xA] =	stream.indirect.gather [spmem:s3], $0x20, s13, s19, $0xb8;
	[tilespmem:$0x1C000] =	vst v63  }
0x54: {  	s14 =	simm.s32 $0x300  }
0x55: {  	[tilespmem:s2], [sflag:$0xB] =	stream.indirect.gather [spmem:s3], $0x20, s14, s19, $0xb8;
	[tilespmem:$0x1C000] =	vst v63  }
0x56: {  	s13 =	simm.s32 $0x380  }
0x57: {  	[tilespmem:s5], [sflag:$0xC] =	stream.indirect.gather [spmem:s3], $0x20, s13, s19, $0xb8;
	[tilespmem:$0x1C000] =	vst v63  }
0x58: {  	_ =	swait.ge [sflag:s6], $0x1000  }
0x59: {  	[sflag:s6] =	ssyncset.done $0x0  }
0x5a: {  	s14 =	simm.s32 $0x5000;
	[sflag:s6] =	ssyncadd.s32 $0xFFFFF000  }
0x5b: {  	[spmem:s1] =	stream.indirect.scatter.add.f32 [tilespmem:s17], [sflag:$0x5], $0x20, s14, s19, $0xb8;
	[tilespmem:$0x1C000] =	vst v63  }
0x5c: {  	_ =	swait.ge [sflag:s8], $0x1000  }
0x5d: {  	[sflag:s8] =	ssyncset.done $0x0  }
0x5e: {  	s13 =	simm.s32 $0x5080;
	[sflag:s8] =	ssyncadd.s32 $0xFFFFF000  }
0x5f: {  	[spmem:s1] =	stream.indirect.scatter.add.f32 [tilespmem:s20], [sflag:$0x6], $0x20, s13, s19, $0xb8;
	[tilespmem:$0x1C000] =	vst v63  }
0x60: {  	_ =	swait.ge [sflag:s9], $0x1000  }
0x61: {  	[sflag:s9] =	ssyncset.done $0x0  }
0x62: {  	s14 =	simm.s32 $0x5100;
	[sflag:s9] =	ssyncadd.s32 $0xFFFFF000  }
0x63: {  	[spmem:s1] =	stream.indirect.scatter.add.f32 [tilespmem:s25], [sflag:$0x7], $0x20, s14, s19, $0xb8;
	[tilespmem:$0x1C000] =	vst v63  }
0x64: {  	_ =	swait.ge [sflag:s21], $0x1000  }
0x65: {  	[sflag:s21] =	ssyncset.done $0x0  }
0x66: {  	s13 =	simm.s32 $0x5180;
	[sflag:s21] =	ssyncadd.s32 $0xFFFFF000  }
0x67: {  	[spmem:s1] =	stream.indirect.scatter.add.f32 [tilespmem:s28], [sflag:$0x8], $0x20, s13, s19, $0xb8;
	[tilespmem:$0x1C000] =	vst v63  }
0x68: {  	_ =	swait.ge [sflag:s10], $0x1000  }
0x69: {  	[sflag:s10] =	ssyncset.done $0x0  }
0x6a: {  	s14 =	simm.s32 $0x5200;
	[sflag:s10] =	ssyncadd.s32 $0xFFFFF000  }
0x6b: {  	[spmem:s1] =	stream.indirect.scatter.add.f32 [tilespmem:s30], [sflag:$0xD], $0x20, s14, s19, $0xb8;
	[tilespmem:$0x1C000] =	vst v63  }
0x6c: {  	_ =	swait.ge [sflag:s26], $0x1000  }
0x6d: {  	[sflag:s26] =	ssyncset.done $0x0  }
0x6e: {  	s13 =	simm.s32 $0x5280;
	[sflag:s26] =	ssyncadd.s32 $0xFFFFF000  }
0x6f: {  	[spmem:s1] =	stream.indirect.scatter.add.f32 [tilespmem:s0], [sflag:$0xE], $0x20, s13, s19, $0xb8;
	[tilespmem:$0x1C000] =	vst v63  }
0x70: {  	_ =	swait.ge [sflag:s29], $0x1000  }
0x71: {  	[sflag:s29] =	ssyncset.done $0x0  }
0x72: {  	s14 =	simm.s32 $0x5300;
	[sflag:s29] =	ssyncadd.s32 $0xFFFFF000  }
0x73: {  	[spmem:s1] =	stream.indirect.scatter.add.f32 [tilespmem:s2], [sflag:$0xF], $0x20, s14, s19, $0xb8;
	[tilespmem:$0x1C000] =	vst v63  }
0x74: {  	_ =	swait.ge [sflag:s18], $0x1000  }
0x75: {  	[sflag:s18] =	ssyncset.done $0x0  }
0x76: {  	s13 =	simm.s32 $0x5380;
	[sflag:s18] =	ssyncadd.s32 $0xFFFFF000  }
0x77: {  	[spmem:s1] =	stream.indirect.scatter.add.f32 [tilespmem:s5], [sflag:$0x10], $0x20, s13, s19, $0xb8;
	[tilespmem:$0x1C000] =	vst v63  }
0x78: {  	_ =	swait.ge [sflag:s31], $0x1000  }
0x79: {  	[sflag:s31] =	ssyncset.done $0x0  }
0x7a: {  	s14 =	simm.s32 $0x400;
	[sflag:s31] =	ssyncadd.s32 $0xFFFFF000  }
0x7b: {  	[tilespmem:s17], [sflag:$0x1] =	stream.indirect.gather [spmem:s3], $0x20, s14, s19, $0xb8;
	[tilespmem:$0x1C000] =	vst v63  }
0x7c: {  	_ =	swait.ge [sflag:s16], $0x1000  }
0x7d: {  	[sflag:s16] =	ssyncset.done $0x0  }
0x7e: {  	s13 =	simm.s32 $0x480;
	[sflag:s16] =	ssyncadd.s32 $0xFFFFF000  }
0x7f: {  	[tilespmem:s20], [sflag:$0x2] =	stream.indirect.gather [spmem:s3], $0x20, s13, s19, $0xb8;
	[tilespmem:$0x1C000] =	vst v63  }
0x80: {  	_ =	swait.ge [sflag:s22], $0x1000  }
0x81: {  	[sflag:s22] =	ssyncset.done $0x0  }
0x82: {  	s14 =	simm.s32 $0x500;
	[sflag:s22] =	ssyncadd.s32 $0xFFFFF000  }
0x83: {  	[tilespmem:s25], [sflag:$0x3] =	stream.indirect.gather [spmem:s3], $0x20, s14, s19, $0xb8;
	[tilespmem:$0x1C000] =	vst v63  }
0x84: {  	_ =	swait.ge [sflag:s4], $0x1000  }
0x85: {  	[sflag:s4] =	ssyncset.done $0x0  }
0x86: {  	s13 =	simm.s32 $0x580;
	[sflag:s4] =	ssyncadd.s32 $0xFFFFF000  }
0x87: {  	[tilespmem:s28], [sflag:$0x4] =	stream.indirect.gather [spmem:s3], $0x20, s13, s19, $0xb8;
	[tilespmem:$0x1C000] =	vst v63  }
0x88: {  	_ =	swait.ge [sflag:s23], $0x1000  }
0x89: {  	[sflag:s23] =	ssyncset.done $0x0  }
0x8a: {  	s14 =	simm.s32 $0x600;
	[sflag:s23] =	ssyncadd.s32 $0xFFFFF000  }
0x8b: {  	[tilespmem:s30], [sflag:$0x9] =	stream.indirect.gather [spmem:s3], $0x20, s14, s19, $0xb8;
	[tilespmem:$0x1C000] =	vst v63  }
0x8c: {  	_ =	swait.ge [sflag:s24], $0x1000  }
0x8d: {  	[sflag:s24] =	ssyncset.done $0x0  }
0x8e: {  	s13 =	simm.s32 $0x680;
	[sflag:s24] =	ssyncadd.s32 $0xFFFFF000  }
0x8f: {  	[tilespmem:s0], [sflag:$0xA] =	stream.indirect.gather [spmem:s3], $0x20, s13, s19, $0xb8;
	[tilespmem:$0x1C000] =	vst v63  }
0x90: {  	_ =	swait.ge [sflag:s11], $0x1000  }
0x91: {  	[sflag:s11] =	ssyncset.done $0x0  }
0x92: {  	s14 =	simm.s32 $0x700;
	[sflag:s11] =	ssyncadd.s32 $0xFFFFF000  }
0x93: {  	[tilespmem:s2], [sflag:$0xB] =	stream.indirect.gather [spmem:s3], $0x20, s14, s19, $0xb8;
	[tilespmem:$0x1C000] =	vst v63  }
0x94: {  	_ =	swait.ge [sflag:s12], $0x1000  }
0x95: {  	[sflag:s12] =	ssyncset.done $0x0  }
0x96: {  	s7 =	simm.s32 $0x780;
	s14 =	simm.s32 $0x1000;
	[sflag:s12] =	ssyncadd.s32 $0xFFFFF000  }
.LBB2_4:
0x97: {  	[tilespmem:s5], [sflag:$0xC] =	stream.indirect.gather [spmem:s3], $0x20, s7, s19, $0xb8;
	[tilespmem:$0x1C000] =	vst v63  }
0x98: {  	s7 =	smov.u32 s14  }
0x99: {  	p0 =	sne.s32 s14, $0x12000;
	s14 =	sadd.s32 $0x1000, s14;
	_ =	swait.ge [sflag:s6], $0x1000  }
0x9a: {  	s7 =	sshra.s32 s7, $0x2;
	[sflag:s6] =	ssyncset.done $0x0  }
0x9b: {  	s13 =	sadd.s32 $0x5000, s7;
	[sflag:s6] =	ssyncadd.s32 $0xFFFFF000  }
0x9c: {  	[spmem:s1] =	stream.indirect.scatter.add.f32 [tilespmem:s17], [sflag:$0x5], $0x20, s13, s19, $0xb8;
	[tilespmem:$0x1C000] =	vst v63  }
0x9d: {  	_ =	swait.ge [sflag:s8], $0x1000  }
0x9e: {  	[sflag:s8] =	ssyncset.done $0x0  }
0x9f: {  	s13 =	sadd.s32 $0x5080, s7;
	[sflag:s8] =	ssyncadd.s32 $0xFFFFF000  }
0xa0: {  	[spmem:s1] =	stream.indirect.scatter.add.f32 [tilespmem:s20], [sflag:$0x6], $0x20, s13, s19, $0xb8;
	[tilespmem:$0x1C000] =	vst v63  }
0xa1: {  	_ =	swait.ge [sflag:s9], $0x1000  }
0xa2: {  	[sflag:s9] =	ssyncset.done $0x0  }
0xa3: {  	s13 =	sadd.s32 $0x5100, s7;
	[sflag:s9] =	ssyncadd.s32 $0xFFFFF000  }
0xa4: {  	[spmem:s1] =	stream.indirect.scatter.add.f32 [tilespmem:s25], [sflag:$0x7], $0x20, s13, s19, $0xb8;
	[tilespmem:$0x1C000] =	vst v63  }
0xa5: {  	_ =	swait.ge [sflag:s21], $0x1000  }
0xa6: {  	[sflag:s21] =	ssyncset.done $0x0  }
0xa7: {  	s13 =	sadd.s32 $0x5180, s7;
	[sflag:s21] =	ssyncadd.s32 $0xFFFFF000  }
0xa8: {  	[spmem:s1] =	stream.indirect.scatter.add.f32 [tilespmem:s28], [sflag:$0x8], $0x20, s13, s19, $0xb8;
	[tilespmem:$0x1C000] =	vst v63  }
0xa9: {  	_ =	swait.ge [sflag:s10], $0x1000  }
0xaa: {  	[sflag:s10] =	ssyncset.done $0x0  }
0xab: {  	s13 =	sadd.s32 $0x5200, s7;
	[sflag:s10] =	ssyncadd.s32 $0xFFFFF000  }
0xac: {  	[spmem:s1] =	stream.indirect.scatter.add.f32 [tilespmem:s30], [sflag:$0xD], $0x20, s13, s19, $0xb8;
	[tilespmem:$0x1C000] =	vst v63  }
0xad: {  	_ =	swait.ge [sflag:s26], $0x1000  }
0xae: {  	[sflag:s26] =	ssyncset.done $0x0  }
0xaf: {  	s13 =	sadd.s32 $0x5280, s7;
	[sflag:s26] =	ssyncadd.s32 $0xFFFFF000  }
0xb0: {  	[spmem:s1] =	stream.indirect.scatter.add.f32 [tilespmem:s0], [sflag:$0xE], $0x20, s13, s19, $0xb8;
	[tilespmem:$0x1C000] =	vst v63  }
0xb1: {  	_ =	swait.ge [sflag:s29], $0x1000  }
0xb2: {  	[sflag:s29] =	ssyncset.done $0x0  }
0xb3: {  	s13 =	sadd.s32 $0x5300, s7;
	[sflag:s29] =	ssyncadd.s32 $0xFFFFF000  }
0xb4: {  	[spmem:s1] =	stream.indirect.scatter.add.f32 [tilespmem:s2], [sflag:$0xF], $0x20, s13, s19, $0xb8;
	[tilespmem:$0x1C000] =	vst v63  }
0xb5: {  	_ =	swait.ge [sflag:s18], $0x1000  }
0xb6: {  	[sflag:s18] =	ssyncset.done $0x0  }
0xb7: {  	s13 =	sadd.s32 $0x5380, s7;
	[sflag:s18] =	ssyncadd.s32 $0xFFFFF000  }
0xb8: {  	[spmem:s1] =	stream.indirect.scatter.add.f32 [tilespmem:s5], [sflag:$0x10], $0x20, s13, s19, $0xb8;
	[tilespmem:$0x1C000] =	vst v63  }
0xb9: {  	_ =	swait.ge [sflag:s31], $0x1000  }
0xba: {  	[sflag:s31] =	ssyncset.done $0x0  }
0xbb: {  	s13 =	sadd.s32 $0x400, s7;
	[sflag:s31] =	ssyncadd.s32 $0xFFFFF000  }
0xbc: {  	[tilespmem:s17], [sflag:$0x1] =	stream.indirect.gather [spmem:s3], $0x20, s13, s19, $0xb8;
	[tilespmem:$0x1C000] =	vst v63  }
0xbd: {  	_ =	swait.ge [sflag:s16], $0x1000  }
0xbe: {  	[sflag:s16] =	ssyncset.done $0x0  }
0xbf: {  	s13 =	sadd.s32 $0x480, s7;
	[sflag:s16] =	ssyncadd.s32 $0xFFFFF000  }
0xc0: {  	[tilespmem:s20], [sflag:$0x2] =	stream.indirect.gather [spmem:s3], $0x20, s13, s19, $0xb8;
	[tilespmem:$0x1C000] =	vst v63  }
0xc1: {  	_ =	swait.ge [sflag:s22], $0x1000  }
0xc2: {  	[sflag:s22] =	ssyncset.done $0x0  }
0xc3: {  	s13 =	sadd.s32 $0x500, s7;
	[sflag:s22] =	ssyncadd.s32 $0xFFFFF000  }
0xc4: {  	[tilespmem:s25], [sflag:$0x3] =	stream.indirect.gather [spmem:s3], $0x20, s13, s19, $0xb8;
	[tilespmem:$0x1C000] =	vst v63  }
0xc5: {  	_ =	swait.ge [sflag:s4], $0x1000  }
0xc6: {  	[sflag:s4] =	ssyncset.done $0x0  }
0xc7: {  	s13 =	sadd.s32 $0x580, s7;
	[sflag:s4] =	ssyncadd.s32 $0xFFFFF000  }
0xc8: {  	[tilespmem:s28], [sflag:$0x4] =	stream.indirect.gather [spmem:s3], $0x20, s13, s19, $0xb8;
	[tilespmem:$0x1C000] =	vst v63  }
0xc9: {  	_ =	swait.ge [sflag:s23], $0x1000  }
0xca: {  	[sflag:s23] =	ssyncset.done $0x0  }
0xcb: {  	s13 =	sadd.s32 $0x600, s7;
	[sflag:s23] =	ssyncadd.s32 $0xFFFFF000  }
0xcc: {  	[tilespmem:s30], [sflag:$0x9] =	stream.indirect.gather [spmem:s3], $0x20, s13, s19, $0xb8;
	[tilespmem:$0x1C000] =	vst v63  }
0xcd: {  	_ =	swait.ge [sflag:s24], $0x1000  }
0xce: {  	[sflag:s24] =	ssyncset.done $0x0  }
0xcf: {  	s13 =	sadd.s32 $0x680, s7;
	[sflag:s24] =	ssyncadd.s32 $0xFFFFF000  }
0xd0: {  	[tilespmem:s0], [sflag:$0xA] =	stream.indirect.gather [spmem:s3], $0x20, s13, s19, $0xb8;
	[tilespmem:$0x1C000] =	vst v63  }
0xd1: {  	_ =	swait.ge [sflag:s11], $0x1000  }
0xd2: {  	[sflag:s11] =	ssyncset.done $0x0  }
.Ltmp1:
0xd3: {  	s13 =	sadd.s32 $0x700, s7;
	[sflag:s11] =	ssyncadd.s32 $0xFFFFF000;
	(pc) =	sbr.rel @p0 .LBB2_4-.Ltmp1, $4  }
0xd4: {  	[tilespmem:s2], [sflag:$0xB] =	stream.indirect.gather [spmem:s3], $0x20, s13, s19, $0xb8;
	[tilespmem:$0x1C000] =	vst v63  }
0xd5: {  	_ =	swait.ge [sflag:s12], $0x1000  }
0xd6: {  	[sflag:s12] =	ssyncset.done $0x0  }
0xd7: {  	s7 =	sadd.s32 $0x780, s7;
	[sflag:s12] =	ssyncadd.s32 $0xFFFFF000  }
0xd8: {  	[tilespmem:s5], [sflag:$0xC] =	stream.indirect.gather [spmem:s3], $0x20, s7, s19, $0xb8;
	[tilespmem:$0x1C000] =	vst v63  }
0xd9: {  	_ =	swait.ge [sflag:s6], $0x1000  }
0xda: {  	[sflag:s6] =	ssyncset.done $0x0  }
0xdb: {  	s14 =	simm.s32 $0x9C00;
	[sflag:s6] =	ssyncadd.s32 $0xFFFFF000  }
0xdc: {  	[spmem:s1] =	stream.indirect.scatter.add.f32 [tilespmem:s17], [sflag:$0x5], $0x20, s14, s19, $0xb8;
	[tilespmem:$0x1C000] =	vst v63  }
0xdd: {  	_ =	swait.ge [sflag:s8], $0x1000  }
0xde: {  	[sflag:s8] =	ssyncset.done $0x0  }
0xdf: {  	s13 =	simm.s32 $0x9C80;
	[sflag:s8] =	ssyncadd.s32 $0xFFFFF000  }
0xe0: {  	[spmem:s1] =	stream.indirect.scatter.add.f32 [tilespmem:s20], [sflag:$0x6], $0x20, s13, s19, $0xb8;
	[tilespmem:$0x1C000] =	vst v63  }
0xe1: {  	_ =	swait.ge [sflag:s9], $0x1000  }
0xe2: {  	[sflag:s9] =	ssyncset.done $0x0  }
0xe3: {  	s14 =	simm.s32 $0x9D00;
	[sflag:s9] =	ssyncadd.s32 $0xFFFFF000  }
0xe4: {  	[spmem:s1] =	stream.indirect.scatter.add.f32 [tilespmem:s25], [sflag:$0x7], $0x20, s14, s19, $0xb8;
	[tilespmem:$0x1C000] =	vst v63  }
0xe5: {  	_ =	swait.ge [sflag:s21], $0x1000  }
0xe6: {  	[sflag:s21] =	ssyncset.done $0x0  }
0xe7: {  	s13 =	simm.s32 $0x9D80;
	[sflag:s21] =	ssyncadd.s32 $0xFFFFF000  }
0xe8: {  	[spmem:s1] =	stream.indirect.scatter.add.f32 [tilespmem:s28], [sflag:$0x8], $0x20, s13, s19, $0xb8;
	[tilespmem:$0x1C000] =	vst v63  }
0xe9: {  	_ =	swait.ge [sflag:s10], $0x1000  }
0xea: {  	[sflag:s10] =	ssyncset.done $0x0  }
0xeb: {  	s14 =	simm.s32 $0x9E00;
	[sflag:s10] =	ssyncadd.s32 $0xFFFFF000  }
0xec: {  	[spmem:s1] =	stream.indirect.scatter.add.f32 [tilespmem:s30], [sflag:$0xD], $0x20, s14, s19, $0xb8;
	[tilespmem:$0x1C000] =	vst v63  }
0xed: {  	_ =	swait.ge [sflag:s26], $0x1000  }
0xee: {  	[sflag:s26] =	ssyncset.done $0x0  }
0xef: {  	s13 =	simm.s32 $0x9E80;
	[sflag:s26] =	ssyncadd.s32 $0xFFFFF000  }
0xf0: {  	[spmem:s1] =	stream.indirect.scatter.add.f32 [tilespmem:s0], [sflag:$0xE], $0x20, s13, s19, $0xb8;
	[tilespmem:$0x1C000] =	vst v63  }
0xf1: {  	_ =	swait.ge [sflag:s29], $0x1000  }
0xf2: {  	[sflag:s29] =	ssyncset.done $0x0  }
0xf3: {  	s14 =	simm.s32 $0x9F00;
	[sflag:s29] =	ssyncadd.s32 $0xFFFFF000  }
0xf4: {  	[spmem:s1] =	stream.indirect.scatter.add.f32 [tilespmem:s2], [sflag:$0xF], $0x20, s14, s19, $0xb8;
	[tilespmem:$0x1C000] =	vst v63  }
0xf5: {  	_ =	swait.ge [sflag:s18], $0x1000  }
0xf6: {  	[sflag:s18] =	ssyncset.done $0x0  }
0xf7: {  	s13 =	simm.s32 $0x9F80;
	[sflag:s18] =	ssyncadd.s32 $0xFFFFF000  }
0xf8: {  	[spmem:s1] =	stream.indirect.scatter.add.f32 [tilespmem:s5], [sflag:$0x10], $0x20, s13, s19, $0xb8;
	[tilespmem:$0x1C000] =	vst v63  }
0xf9: {  	_ =	swait.ge [sflag:s31], $0x1000  }
0xfa: {  	[sflag:s31] =	ssyncset.done $0x0  }
0xfb: {  	[sflag:s31] =	ssyncadd.s32 $0xFFFFF000  }
0xfc: {  	_ =	swait.ge [sflag:s16], $0x1000  }
0xfd: {  	[sflag:s16] =	ssyncset.done $0x0  }
0xfe: {  	[sflag:s16] =	ssyncadd.s32 $0xFFFFF000  }
0xff: {  	_ =	swait.ge [sflag:s22], $0x1000  }
0x100: {  	[sflag:s22] =	ssyncset.done $0x0  }
0x101: {  	[sflag:s22] =	ssyncadd.s32 $0xFFFFF000  }
0x102: {  	_ =	swait.ge [sflag:s4], $0x1000  }
0x103: {  	[sflag:s4] =	ssyncset.done $0x0  }
0x104: {  	[sflag:s4] =	ssyncadd.s32 $0xFFFFF000  }
0x105: {  	_ =	swait.ge [sflag:s23], $0x1000  }
0x106: {  	[sflag:s23] =	ssyncset.done $0x0  }
0x107: {  	[sflag:s23] =	ssyncadd.s32 $0xFFFFF000  }
0x108: {  	_ =	swait.ge [sflag:s24], $0x1000  }
0x109: {  	[sflag:s24] =	ssyncset.done $0x0  }
0x10a: {  	[sflag:s24] =	ssyncadd.s32 $0xFFFFF000  }
0x10b: {  	_ =	swait.ge [sflag:s11], $0x1000  }
0x10c: {  	[sflag:s11] =	ssyncset.done $0x0  }
0x10d: {  	[sflag:s11] =	ssyncadd.s32 $0xFFFFF000  }
0x10e: {  	_ =	swait.ge [sflag:s12], $0x1000  }
0x10f: {  	[sflag:s12] =	ssyncset.done $0x0  }
0x110: {  	[sflag:s12] =	ssyncadd.s32 $0xFFFFF000  }
0x111: {  	[bflag:$0x0] =	sbarrier.arrive $0xFFFF  }
0x112: {  	s14 =	rddreg [dreg:$0x9]  }
0x113: {  	s7 =	rddreg [dreg:$0x10]  }
0x114: {  	s13 =	rddreg [dreg:$0x14];
	s14 =	sshrl.u32 s14, $0x3  }
0x115: {  	[dreg:$0x16] =	wrdreg s14  }
0x116: {  	[hbm:s7], [sflag:s13] =	dma.local [spmem:s14], $0xA00  }
0x117: {  	_ =	swait.ge [sflag:s15], $0xA00  }
0x118: {  	[sflag:s15] =	ssyncset.done $0x0  }
0x119: {  	s7 =	simm.s32 $0x80;
	s14 =	simm.s32 $0x0;
	[sflag:s15] =	ssyncadd.s32 $0xFFFFF600  }
.LBB2_6:
0x11a: {  	p0 =	sne.s32 s7, $0x3F80;
	[tilespmem:s14+$0xA000] =	vst v0;
	s13 =	smov.u32 s7;
	s7 =	sadd.s32 $0x80, s7  }
.Ltmp2:
0x11b: {  	[tilespmem:s14+$0xA010] =	vst v0;
	(pc) =	sbr.rel @p0 .LBB2_6-.Ltmp2, $2  }
0x11c: {  	_ =	sdelay $0x2  }
0x11d: {  	s14 =	sshra.s32 s13, $0x2  }
0x11e: {  	[tilespmem:s14+$0xA000] =	vst v0  }
0x11f: {  	[tilespmem:s14+$0xA010] =	vst v0;
	s7 =	rddreg [dreg:$0x7]  }
0x120: {  	[spmem:s7] =	stream.linear.scatter [tilespmem:s17], [sflag:$0x11], $0x1000, $0x38;
	[tilespmem:$0x1C000] =	vst v63  }
0x121: {  	_ =	swait.ge [sflag:s15], $0x1000  }
0x122: {  	[sflag:s15] =	ssyncset.done $0x0  }
0x123: {  	s13 =	rddreg [dreg:$0xb];
	[sflag:s15] =	ssyncadd.s32 $0xFFFFF000  }
0x124: {  	[spmem:s13] =	stream.linear.scatter [tilespmem:s17], [sflag:$0x11], $0x1000, $0x38;
	[tilespmem:$0x1C000] =	vst v63  }
0x125: {  	_ =	swait.ge [sflag:s15], $0x1000  }
0x126: {  	[sflag:s15] =	ssyncset.done $0x0  }
0x127: {  	s14 =	rddreg [dreg:$0xc];
	[sflag:s15] =	ssyncadd.s32 $0xFFFFF000  }
0x128: {  	[spmem:s14] =	stream.linear.scatter [tilespmem:s17], [sflag:$0x11], $0x1000, $0x38;
	[tilespmem:$0x1C000] =	vst v63  }
0x129: {  	_ =	swait.ge [sflag:s15], $0x1000  }
0x12a: {  	[sflag:s15] =	ssyncset.done $0x0  }
0x12b: {  	s13 =	rddreg [dreg:$0xd];
	[sflag:s15] =	ssyncadd.s32 $0xFFFFF000  }
0x12c: {  	[spmem:s13] =	stream.linear.scatter [tilespmem:s17], [sflag:$0x11], $0x1000, $0x38;
	[tilespmem:$0x1C000] =	vst v63  }
0x12d: {  	_ =	swait.ge [sflag:s15], $0x1000  }
0x12e: {  	[sflag:s15] =	ssyncset.done $0x0  }
0x12f: {  	s14 =	rddreg [dreg:$0xe];
	[sflag:s15] =	ssyncadd.s32 $0xFFFFF000  }
0x130: {  	[spmem:s14] =	stream.linear.scatter [tilespmem:s17], [sflag:$0x11], $0x1000, $0x38;
	[tilespmem:$0x1C000] =	vst v63  }
0x131: {  	_ =	swait.ge [sflag:s15], $0x1000  }
0x132: {  	s7 =	rddreg [dreg:$0x11]  }
0x133: {  	[sflag:s15] =	ssyncset.done $0x0;
	s13 =	rddreg [dreg:$0x14]  }
0x134: {  	s14 =	rddreg [dreg:$0x15];
	[sflag:s15] =	ssyncadd.s32 $0xFFFFF000  }
0x135: {  	[spmem:s14], [sflag:s13] =	dma.local [hbm:s7], $0xA00  }
0x136: {  	_ =	swait.ge [sflag:s15], $0xA00  }
0x137: {  	[sflag:s15] =	ssyncset.done $0x0  }
0x138: {  	[sflag:s15] =	ssyncadd.s32 $0xFFFFF600  }
0x139: {  	s13 =	simm.s32 $0x0;
	[bflag:$0x0] =	sbarrier.arrive $0xFFFF  }
0x13a: {  	[tilespmem:s17], [sflag:$0x1] =	stream.indirect.gather [spmem:s3], $0x20, s13, s19, $0xb8;
	[tilespmem:$0x1C000] =	vst v63  }
0x13b: {  	_ = 	snop  }
0x13c: {  	[tilespmem:s20], [sflag:$0x2] =	stream.indirect.gather [spmem:s3], $0x20, s19, s19, $0xb8;
	[tilespmem:$0x1C000] =	vst v63  }
0x13d: {  	s14 =	simm.s32 $0x100  }
0x13e: {  	[tilespmem:s25], [sflag:$0x3] =	stream.indirect.gather [spmem:s3], $0x20, s14, s19, $0xb8;
	[tilespmem:$0x1C000] =	vst v63  }
0x13f: {  	s13 =	simm.s32 $0x180  }
0x140: {  	[tilespmem:s28], [sflag:$0x4] =	stream.indirect.gather [spmem:s3], $0x20, s13, s19, $0xb8;
	[tilespmem:$0x1C000] =	vst v63  }
0x141: {  	s14 =	simm.s32 $0x200  }
0x142: {  	[tilespmem:s30], [sflag:$0x9] =	stream.indirect.gather [spmem:s3], $0x20, s14, s19, $0xb8;
	[tilespmem:$0x1C000] =	vst v63  }
0x143: {  	s13 =	simm.s32 $0x280  }
0x144: {  	[tilespmem:s0], [sflag:$0xA] =	stream.indirect.gather [spmem:s3], $0x20, s13, s19, $0xb8;
	[tilespmem:$0x1C000] =	vst v63  }
0x145: {  	s14 =	simm.s32 $0x300  }
0x146: {  	[tilespmem:s2], [sflag:$0xB] =	stream.indirect.gather [spmem:s3], $0x20, s14, s19, $0xb8;
	[tilespmem:$0x1C000] =	vst v63  }
0x147: {  	s13 =	simm.s32 $0x380  }
0x148: {  	[tilespmem:s5], [sflag:$0xC] =	stream.indirect.gather [spmem:s3], $0x20, s13, s19, $0xb8;
	[tilespmem:$0x1C000] =	vst v63  }
0x149: {  	_ =	swait.ge [sflag:s6], $0x1000  }
0x14a: {  	[sflag:s6] =	ssyncset.done $0x0  }
0x14b: {  	s14 =	simm.s32 $0x5000;
	[sflag:s6] =	ssyncadd.s32 $0xFFFFF000  }
0x14c: {  	[spmem:s1] =	stream.indirect.scatter.add.f32 [tilespmem:s17], [sflag:$0x5], $0x20, s14, s19, $0xb8;
	[tilespmem:$0x1C000] =	vst v63  }
0x14d: {  	_ =	swait.ge [sflag:s8], $0x1000  }
0x14e: {  	[sflag:s8] =	ssyncset.done $0x0  }
0x14f: {  	s13 =	simm.s32 $0x5080;
	[sflag:s8] =	ssyncadd.s32 $0xFFFFF000  }
0x150: {  	[spmem:s1] =	stream.indirect.scatter.add.f32 [tilespmem:s20], [sflag:$0x6], $0x20, s13, s19, $0xb8;
	[tilespmem:$0x1C000] =	vst v63  }
0x151: {  	_ =	swait.ge [sflag:s9], $0x1000  }
0x152: {  	[sflag:s9] =	ssyncset.done $0x0  }
0x153: {  	s14 =	simm.s32 $0x5100;
	[sflag:s9] =	ssyncadd.s32 $0xFFFFF000  }
0x154: {  	[spmem:s1] =	stream.indirect.scatter.add.f32 [tilespmem:s25], [sflag:$0x7], $0x20, s14, s19, $0xb8;
	[tilespmem:$0x1C000] =	vst v63  }
0x155: {  	_ =	swait.ge [sflag:s21], $0x1000  }
0x156: {  	[sflag:s21] =	ssyncset.done $0x0  }
0x157: {  	s13 =	simm.s32 $0x5180;
	[sflag:s21] =	ssyncadd.s32 $0xFFFFF000  }
0x158: {  	[spmem:s1] =	stream.indirect.scatter.add.f32 [tilespmem:s28], [sflag:$0x8], $0x20, s13, s19, $0xb8;
	[tilespmem:$0x1C000] =	vst v63  }
0x159: {  	_ =	swait.ge [sflag:s10], $0x1000  }
0x15a: {  	[sflag:s10] =	ssyncset.done $0x0  }
0x15b: {  	s14 =	simm.s32 $0x5200;
	[sflag:s10] =	ssyncadd.s32 $0xFFFFF000  }
0x15c: {  	[spmem:s1] =	stream.indirect.scatter.add.f32 [tilespmem:s30], [sflag:$0xD], $0x20, s14, s19, $0xb8;
	[tilespmem:$0x1C000] =	vst v63  }
0x15d: {  	_ =	swait.ge [sflag:s26], $0x1000  }
0x15e: {  	[sflag:s26] =	ssyncset.done $0x0  }
0x15f: {  	s13 =	simm.s32 $0x5280;
	[sflag:s26] =	ssyncadd.s32 $0xFFFFF000  }
0x160: {  	[spmem:s1] =	stream.indirect.scatter.add.f32 [tilespmem:s0], [sflag:$0xE], $0x20, s13, s19, $0xb8;
	[tilespmem:$0x1C000] =	vst v63  }
0x161: {  	_ =	swait.ge [sflag:s29], $0x1000  }
0x162: {  	[sflag:s29] =	ssyncset.done $0x0  }
0x163: {  	s14 =	simm.s32 $0x5300;
	[sflag:s29] =	ssyncadd.s32 $0xFFFFF000  }
0x164: {  	[spmem:s1] =	stream.indirect.scatter.add.f32 [tilespmem:s2], [sflag:$0xF], $0x20, s14, s19, $0xb8;
	[tilespmem:$0x1C000] =	vst v63  }
0x165: {  	_ =	swait.ge [sflag:s18], $0x1000  }
0x166: {  	[sflag:s18] =	ssyncset.done $0x0  }
0x167: {  	s13 =	simm.s32 $0x5380;
	[sflag:s18] =	ssyncadd.s32 $0xFFFFF000  }
0x168: {  	[spmem:s1] =	stream.indirect.scatter.add.f32 [tilespmem:s5], [sflag:$0x10], $0x20, s13, s19, $0xb8;
	[tilespmem:$0x1C000] =	vst v63  }
0x169: {  	_ =	swait.ge [sflag:s31], $0x1000  }
0x16a: {  	[sflag:s31] =	ssyncset.done $0x0  }
0x16b: {  	s14 =	simm.s32 $0x400;
	[sflag:s31] =	ssyncadd.s32 $0xFFFFF000  }
0x16c: {  	[tilespmem:s17], [sflag:$0x1] =	stream.indirect.gather [spmem:s3], $0x20, s14, s19, $0xb8;
	[tilespmem:$0x1C000] =	vst v63  }
0x16d: {  	_ =	swait.ge [sflag:s16], $0x1000  }
0x16e: {  	[sflag:s16] =	ssyncset.done $0x0  }
0x16f: {  	s13 =	simm.s32 $0x480;
	[sflag:s16] =	ssyncadd.s32 $0xFFFFF000  }
0x170: {  	[tilespmem:s20], [sflag:$0x2] =	stream.indirect.gather [spmem:s3], $0x20, s13, s19, $0xb8;
	[tilespmem:$0x1C000] =	vst v63  }
0x171: {  	_ =	swait.ge [sflag:s22], $0x1000  }
0x172: {  	[sflag:s22] =	ssyncset.done $0x0  }
0x173: {  	s14 =	simm.s32 $0x500;
	[sflag:s22] =	ssyncadd.s32 $0xFFFFF000  }
0x174: {  	[tilespmem:s25], [sflag:$0x3] =	stream.indirect.gather [spmem:s3], $0x20, s14, s19, $0xb8;
	[tilespmem:$0x1C000] =	vst v63  }
0x175: {  	_ =	swait.ge [sflag:s4], $0x1000  }
0x176: {  	[sflag:s4] =	ssyncset.done $0x0  }
0x177: {  	s13 =	simm.s32 $0x580;
	[sflag:s4] =	ssyncadd.s32 $0xFFFFF000  }
0x178: {  	[tilespmem:s28], [sflag:$0x4] =	stream.indirect.gather [spmem:s3], $0x20, s13, s19, $0xb8;
	[tilespmem:$0x1C000] =	vst v63  }
0x179: {  	_ =	swait.ge [sflag:s23], $0x1000  }
0x17a: {  	[sflag:s23] =	ssyncset.done $0x0  }
0x17b: {  	s14 =	simm.s32 $0x600;
	[sflag:s23] =	ssyncadd.s32 $0xFFFFF000  }
0x17c: {  	[tilespmem:s30], [sflag:$0x9] =	stream.indirect.gather [spmem:s3], $0x20, s14, s19, $0xb8;
	[tilespmem:$0x1C000] =	vst v63  }
0x17d: {  	_ =	swait.ge [sflag:s24], $0x1000  }
0x17e: {  	[sflag:s24] =	ssyncset.done $0x0  }
0x17f: {  	s13 =	simm.s32 $0x680;
	[sflag:s24] =	ssyncadd.s32 $0xFFFFF000  }
0x180: {  	[tilespmem:s0], [sflag:$0xA] =	stream.indirect.gather [spmem:s3], $0x20, s13, s19, $0xb8;
	[tilespmem:$0x1C000] =	vst v63  }
0x181: {  	_ =	swait.ge [sflag:s11], $0x1000  }
0x182: {  	[sflag:s11] =	ssyncset.done $0x0  }
0x183: {  	s14 =	simm.s32 $0x700;
	[sflag:s11] =	ssyncadd.s32 $0xFFFFF000  }
0x184: {  	[tilespmem:s2], [sflag:$0xB] =	stream.indirect.gather [spmem:s3], $0x20, s14, s19, $0xb8;
	[tilespmem:$0x1C000] =	vst v63  }
0x185: {  	_ =	swait.ge [sflag:s12], $0x1000  }
0x186: {  	[sflag:s12] =	ssyncset.done $0x0  }
0x187: {  	s7 =	simm.s32 $0x1000;
	s14 =	simm.s32 $0x780;
	[sflag:s12] =	ssyncadd.s32 $0xFFFFF000  }
.LBB2_8:
0x188: {  	[tilespmem:s5], [sflag:$0xC] =	stream.indirect.gather [spmem:s3], $0x20, s14, s19, $0xb8;
	[tilespmem:$0x1C000] =	vst v63  }
0x189: {  	s13 =	smov.u32 s7  }
0x18a: {  	p0 =	sne.s32 s7, $0x12000;
	s7 =	sadd.s32 $0x1000, s7;
	_ =	swait.ge [sflag:s6], $0x1000  }
0x18b: {  	s14 =	sshra.s32 s13, $0x2;
	[sflag:s6] =	ssyncset.done $0x0  }
0x18c: {  	s13 =	sadd.s32 $0x5000, s14;
	[sflag:s6] =	ssyncadd.s32 $0xFFFFF000  }
0x18d: {  	[spmem:s1] =	stream.indirect.scatter.add.f32 [tilespmem:s17], [sflag:$0x5], $0x20, s13, s19, $0xb8;
	[tilespmem:$0x1C000] =	vst v63  }
0x18e: {  	_ =	swait.ge [sflag:s8], $0x1000  }
0x18f: {  	[sflag:s8] =	ssyncset.done $0x0  }
0x190: {  	s13 =	sadd.s32 $0x5080, s14;
	[sflag:s8] =	ssyncadd.s32 $0xFFFFF000  }
0x191: {  	[spmem:s1] =	stream.indirect.scatter.add.f32 [tilespmem:s20], [sflag:$0x6], $0x20, s13, s19, $0xb8;
	[tilespmem:$0x1C000] =	vst v63  }
0x192: {  	_ =	swait.ge [sflag:s9], $0x1000  }
0x193: {  	[sflag:s9] =	ssyncset.done $0x0  }
0x194: {  	s13 =	sadd.s32 $0x5100, s14;
	[sflag:s9] =	ssyncadd.s32 $0xFFFFF000  }
0x195: {  	[spmem:s1] =	stream.indirect.scatter.add.f32 [tilespmem:s25], [sflag:$0x7], $0x20, s13, s19, $0xb8;
	[tilespmem:$0x1C000] =	vst v63  }
0x196: {  	_ =	swait.ge [sflag:s21], $0x1000  }
0x197: {  	[sflag:s21] =	ssyncset.done $0x0  }
0x198: {  	s13 =	sadd.s32 $0x5180, s14;
	[sflag:s21] =	ssyncadd.s32 $0xFFFFF000  }
0x199: {  	[spmem:s1] =	stream.indirect.scatter.add.f32 [tilespmem:s28], [sflag:$0x8], $0x20, s13, s19, $0xb8;
	[tilespmem:$0x1C000] =	vst v63  }
0x19a: {  	_ =	swait.ge [sflag:s10], $0x1000  }
0x19b: {  	[sflag:s10] =	ssyncset.done $0x0  }
0x19c: {  	s13 =	sadd.s32 $0x5200, s14;
	[sflag:s10] =	ssyncadd.s32 $0xFFFFF000  }
0x19d: {  	[spmem:s1] =	stream.indirect.scatter.add.f32 [tilespmem:s30], [sflag:$0xD], $0x20, s13, s19, $0xb8;
	[tilespmem:$0x1C000] =	vst v63  }
0x19e: {  	_ =	swait.ge [sflag:s26], $0x1000  }
0x19f: {  	[sflag:s26] =	ssyncset.done $0x0  }
0x1a0: {  	s13 =	sadd.s32 $0x5280, s14;
	[sflag:s26] =	ssyncadd.s32 $0xFFFFF000  }
0x1a1: {  	[spmem:s1] =	stream.indirect.scatter.add.f32 [tilespmem:s0], [sflag:$0xE], $0x20, s13, s19, $0xb8;
	[tilespmem:$0x1C000] =	vst v63  }
0x1a2: {  	_ =	swait.ge [sflag:s29], $0x1000  }
0x1a3: {  	[sflag:s29] =	ssyncset.done $0x0  }
0x1a4: {  	s13 =	sadd.s32 $0x5300, s14;
	[sflag:s29] =	ssyncadd.s32 $0xFFFFF000  }
0x1a5: {  	[spmem:s1] =	stream.indirect.scatter.add.f32 [tilespmem:s2], [sflag:$0xF], $0x20, s13, s19, $0xb8;
	[tilespmem:$0x1C000] =	vst v63  }
0x1a6: {  	_ =	swait.ge [sflag:s18], $0x1000  }
0x1a7: {  	[sflag:s18] =	ssyncset.done $0x0  }
0x1a8: {  	s13 =	sadd.s32 $0x5380, s14;
	[sflag:s18] =	ssyncadd.s32 $0xFFFFF000  }
0x1a9: {  	[spmem:s1] =	stream.indirect.scatter.add.f32 [tilespmem:s5], [sflag:$0x10], $0x20, s13, s19, $0xb8;
	[tilespmem:$0x1C000] =	vst v63  }
0x1aa: {  	_ =	swait.ge [sflag:s31], $0x1000  }
0x1ab: {  	[sflag:s31] =	ssyncset.done $0x0  }
0x1ac: {  	s13 =	sadd.s32 $0x400, s14;
	[sflag:s31] =	ssyncadd.s32 $0xFFFFF000  }
0x1ad: {  	[tilespmem:s17], [sflag:$0x1] =	stream.indirect.gather [spmem:s3], $0x20, s13, s19, $0xb8;
	[tilespmem:$0x1C000] =	vst v63  }
0x1ae: {  	_ =	swait.ge [sflag:s16], $0x1000  }
0x1af: {  	[sflag:s16] =	ssyncset.done $0x0  }
0x1b0: {  	s13 =	sadd.s32 $0x480, s14;
	[sflag:s16] =	ssyncadd.s32 $0xFFFFF000  }
0x1b1: {  	[tilespmem:s20], [sflag:$0x2] =	stream.indirect.gather [spmem:s3], $0x20, s13, s19, $0xb8;
	[tilespmem:$0x1C000] =	vst v63  }
0x1b2: {  	_ =	swait.ge [sflag:s22], $0x1000  }
0x1b3: {  	[sflag:s22] =	ssyncset.done $0x0  }
0x1b4: {  	s13 =	sadd.s32 $0x500, s14;
	[sflag:s22] =	ssyncadd.s32 $0xFFFFF000  }
0x1b5: {  	[tilespmem:s25], [sflag:$0x3] =	stream.indirect.gather [spmem:s3], $0x20, s13, s19, $0xb8;
	[tilespmem:$0x1C000] =	vst v63  }
0x1b6: {  	_ =	swait.ge [sflag:s4], $0x1000  }
0x1b7: {  	[sflag:s4] =	ssyncset.done $0x0  }
0x1b8: {  	s13 =	sadd.s32 $0x580, s14;
	[sflag:s4] =	ssyncadd.s32 $0xFFFFF000  }
0x1b9: {  	[tilespmem:s28], [sflag:$0x4] =	stream.indirect.gather [spmem:s3], $0x20, s13, s19, $0xb8;
	[tilespmem:$0x1C000] =	vst v63  }
0x1ba: {  	_ =	swait.ge [sflag:s23], $0x1000  }
0x1bb: {  	[sflag:s23] =	ssyncset.done $0x0  }
0x1bc: {  	s13 =	sadd.s32 $0x600, s14;
	[sflag:s23] =	ssyncadd.s32 $0xFFFFF000  }
0x1bd: {  	[tilespmem:s30], [sflag:$0x9] =	stream.indirect.gather [spmem:s3], $0x20, s13, s19, $0xb8;
	[tilespmem:$0x1C000] =	vst v63  }
0x1be: {  	_ =	swait.ge [sflag:s24], $0x1000  }
0x1bf: {  	[sflag:s24] =	ssyncset.done $0x0  }
0x1c0: {  	s13 =	sadd.s32 $0x680, s14;
	[sflag:s24] =	ssyncadd.s32 $0xFFFFF000  }
0x1c1: {  	[tilespmem:s0], [sflag:$0xA] =	stream.indirect.gather [spmem:s3], $0x20, s13, s19, $0xb8;
	[tilespmem:$0x1C000] =	vst v63  }
0x1c2: {  	_ =	swait.ge [sflag:s11], $0x1000  }
0x1c3: {  	[sflag:s11] =	ssyncset.done $0x0  }
.Ltmp3:
0x1c4: {  	s13 =	sadd.s32 $0x700, s14;
	[sflag:s11] =	ssyncadd.s32 $0xFFFFF000;
	(pc) =	sbr.rel @p0 .LBB2_8-.Ltmp3, $4  }
0x1c5: {  	[tilespmem:s2], [sflag:$0xB] =	stream.indirect.gather [spmem:s3], $0x20, s13, s19, $0xb8;
	[tilespmem:$0x1C000] =	vst v63  }
0x1c6: {  	_ =	swait.ge [sflag:s12], $0x1000  }
0x1c7: {  	[sflag:s12] =	ssyncset.done $0x0  }
0x1c8: {  	s14 =	sadd.s32 $0x780, s14;
	[sflag:s12] =	ssyncadd.s32 $0xFFFFF000  }
0x1c9: {  	[tilespmem:s5], [sflag:$0xC] =	stream.indirect.gather [spmem:s3], $0x20, s14, s19, $0xb8;
	[tilespmem:$0x1C000] =	vst v63  }
0x1ca: {  	_ =	swait.ge [sflag:s6], $0x1000  }
0x1cb: {  	[sflag:s6] =	ssyncset.done $0x0  }
0x1cc: {  	s7 =	simm.s32 $0x9C00;
	[sflag:s6] =	ssyncadd.s32 $0xFFFFF000  }
0x1cd: {  	[spmem:s1] =	stream.indirect.scatter.add.f32 [tilespmem:s17], [sflag:$0x5], $0x20, s7, s19, $0xb8;
	[tilespmem:$0x1C000] =	vst v63  }
0x1ce: {  	_ =	swait.ge [sflag:s8], $0x1000  }
0x1cf: {  	[sflag:s8] =	ssyncset.done $0x0  }
0x1d0: {  	s14 =	simm.s32 $0x9C80;
	[sflag:s8] =	ssyncadd.s32 $0xFFFFF000  }
0x1d1: {  	[spmem:s1] =	stream.indirect.scatter.add.f32 [tilespmem:s20], [sflag:$0x6], $0x20, s14, s19, $0xb8;
	[tilespmem:$0x1C000] =	vst v63  }
0x1d2: {  	_ =	swait.ge [sflag:s9], $0x1000  }
0x1d3: {  	[sflag:s9] =	ssyncset.done $0x0  }
0x1d4: {  	s13 =	simm.s32 $0x9D00;
	[sflag:s9] =	ssyncadd.s32 $0xFFFFF000  }
0x1d5: {  	[spmem:s1] =	stream.indirect.scatter.add.f32 [tilespmem:s25], [sflag:$0x7], $0x20, s13, s19, $0xb8;
	[tilespmem:$0x1C000] =	vst v63  }
0x1d6: {  	_ =	swait.ge [sflag:s21], $0x1000  }
0x1d7: {  	[sflag:s21] =	ssyncset.done $0x0  }
0x1d8: {  	s14 =	simm.s32 $0x9D80;
	[sflag:s21] =	ssyncadd.s32 $0xFFFFF000  }
0x1d9: {  	[spmem:s1] =	stream.indirect.scatter.add.f32 [tilespmem:s28], [sflag:$0x8], $0x20, s14, s19, $0xb8;
	[tilespmem:$0x1C000] =	vst v63  }
0x1da: {  	_ =	swait.ge [sflag:s10], $0x1000  }
0x1db: {  	[sflag:s10] =	ssyncset.done $0x0  }
0x1dc: {  	s13 =	simm.s32 $0x9E00;
	[sflag:s10] =	ssyncadd.s32 $0xFFFFF000  }
0x1dd: {  	[spmem:s1] =	stream.indirect.scatter.add.f32 [tilespmem:s30], [sflag:$0xD], $0x20, s13, s19, $0xb8;
	[tilespmem:$0x1C000] =	vst v63  }
0x1de: {  	_ =	swait.ge [sflag:s26], $0x1000  }
0x1df: {  	[sflag:s26] =	ssyncset.done $0x0  }
0x1e0: {  	s14 =	simm.s32 $0x9E80;
	[sflag:s26] =	ssyncadd.s32 $0xFFFFF000  }
0x1e1: {  	[spmem:s1] =	stream.indirect.scatter.add.f32 [tilespmem:s0], [sflag:$0xE], $0x20, s14, s19, $0xb8;
	[tilespmem:$0x1C000] =	vst v63  }
0x1e2: {  	_ =	swait.ge [sflag:s29], $0x1000  }
0x1e3: {  	[sflag:s29] =	ssyncset.done $0x0  }
0x1e4: {  	s13 =	simm.s32 $0x9F00;
	[sflag:s29] =	ssyncadd.s32 $0xFFFFF000  }
0x1e5: {  	[spmem:s1] =	stream.indirect.scatter.add.f32 [tilespmem:s2], [sflag:$0xF], $0x20, s13, s19, $0xb8;
	[tilespmem:$0x1C000] =	vst v63  }
0x1e6: {  	_ =	swait.ge [sflag:s18], $0x1000  }
0x1e7: {  	[sflag:s18] =	ssyncset.done $0x0  }
0x1e8: {  	s14 =	simm.s32 $0x9F80;
	[sflag:s18] =	ssyncadd.s32 $0xFFFFF000  }
0x1e9: {  	[spmem:s1] =	stream.indirect.scatter.add.f32 [tilespmem:s5], [sflag:$0x10], $0x20, s14, s19, $0xb8;
	[tilespmem:$0x1C000] =	vst v63  }
0x1ea: {  	_ =	swait.ge [sflag:s31], $0x1000  }
0x1eb: {  	[sflag:s31] =	ssyncset.done $0x0  }
0x1ec: {  	[sflag:s31] =	ssyncadd.s32 $0xFFFFF000  }
0x1ed: {  	_ =	swait.ge [sflag:s16], $0x1000  }
0x1ee: {  	[sflag:s16] =	ssyncset.done $0x0  }
0x1ef: {  	[sflag:s16] =	ssyncadd.s32 $0xFFFFF000  }
0x1f0: {  	_ =	swait.ge [sflag:s22], $0x1000  }
0x1f1: {  	[sflag:s22] =	ssyncset.done $0x0  }
0x1f2: {  	[sflag:s22] =	ssyncadd.s32 $0xFFFFF000  }
0x1f3: {  	_ =	swait.ge [sflag:s4], $0x1000  }
0x1f4: {  	[sflag:s4] =	ssyncset.done $0x0  }
0x1f5: {  	[sflag:s4] =	ssyncadd.s32 $0xFFFFF000  }
0x1f6: {  	_ =	swait.ge [sflag:s23], $0x1000  }
0x1f7: {  	[sflag:s23] =	ssyncset.done $0x0  }
0x1f8: {  	[sflag:s23] =	ssyncadd.s32 $0xFFFFF000  }
0x1f9: {  	_ =	swait.ge [sflag:s24], $0x1000  }
0x1fa: {  	[sflag:s24] =	ssyncset.done $0x0  }
0x1fb: {  	[sflag:s24] =	ssyncadd.s32 $0xFFFFF000  }
0x1fc: {  	_ =	swait.ge [sflag:s11], $0x1000  }
0x1fd: {  	[sflag:s11] =	ssyncset.done $0x0  }
0x1fe: {  	[sflag:s11] =	ssyncadd.s32 $0xFFFFF000  }
0x1ff: {  	_ =	swait.ge [sflag:s12], $0x1000  }
0x200: {  	[sflag:s12] =	ssyncset.done $0x0  }
0x201: {  	[sflag:s12] =	ssyncadd.s32 $0xFFFFF000  }
0x202: {  	[bflag:$0x0] =	sbarrier.arrive $0xFFFF  }
0x203: {  	s7 =	rddreg [dreg:$0x12]  }
0x204: {  	s13 =	rddreg [dreg:$0x14]  }
0x205: {  	s14 =	rddreg [dreg:$0x16]  }
0x206: {  	[hbm:s7], [sflag:s13] =	dma.local [spmem:s14], $0xA00  }
0x207: {  	_ =	swait.ge [sflag:s15], $0xA00  }
0x208: {  	s7 =	rddreg [dreg:$0x13]  }
0x209: {  	s14 =	rddreg [dreg:$0xa];
	s13 =	sadd.s32 $0x1, s7  }
0x20a: {  	p0 =	sne.s32 s13, s14  }
.Ltmp4:
0x20b: {  	_ = 	snop;
	(pc) =	sbr.rel @p0 .LBB2_1-.Ltmp4, $3  }
0x20c: {  	_ =	sdelay $0x1  }
0x20d: {  	[sflag:s15] =	ssyncset.done $0x0  }
0x20e: {  	[sflag:s15] =	ssyncadd.s32 $0xFFFFF600  }
0x20f: {  	_ =	sfence.sel $0x180000  }
0x210: {  	[bflag:$0x0] =	sbarrier.arrive $0xFFFF  }
0x211: {  	_ =	strace $0x9000004D  }
0x212: {  	s0 =	stileid.u32;
	[bflag:$0x2] =	sbarrier.arrive $0xFFFF  }
0x213: {  	p0 =	sne.s32 s0, $0x0;
	s0 =	rddreg [dreg:$0x4]  }
0x214: {  	s0 =	sadd.s32 @!p0 $0x100000, s0  }
0x215: {  	[sflag:s0] =	ssyncadd.tile.s32 @!p0 $0x1;
	_ =	shalt  }
.Lfunc_end2:
_tile_overlayer_lowered:
.L_overlay_start_2:
0x216: {  	(tag) =	ssettag $0x2  }
0x217: {  	s0 =	rddreg [dreg:$0x0];
	s2 =	stileid.u32  }
0x218: {  	s1 =	rddreg [dreg:$0x1];
	p0 =	sne.s32 s2, $0x0  }
0x219: {  	s3 =	rddreg [dreg:$0x2];
	[bflag:$0x3] =	sbarrier.arrive $0xFFFF;
	s2 =	simm.s32 @!p0 $0x1C11  }
0x21a: {  	[timem:s3], [sflag:s2] =	dma.local @!p0 [hbm:s0], s1  }
0x21b: {  	s0 =	simm.s32 @!p0 $0x11  }
0x21c: {  	_ =	swait.ge @!p0 [sflag:s0], s1  }
0x21d: {  	s1 =	ssub.s32 @!p0 $0x0, s1;
	[sflag:s0] =	ssyncset.done @!p0 $0x0  }
0x21e: {  	[sflag:s0] =	ssyncadd.s32 @!p0 s1  }
0x21f: {  	[bflag:$0x3] =	sbarrier.arrive $0xFFFF  }
0x220: {  	_ =	shalt  }

</sc_bundles>
